<compile_context>
chip_gen: v7x
topology: tpu7x:2x2x1
jax: 0.10.2.dev20260603
libtpu: 0.0.44.dev20260713+nightly
codegen_flags: <defaults>
</compile_context>

<pallas_src>
import functools

import jax
import jax.numpy as jnp
from jax import lax
from jax.experimental import pallas as pl
from jax.experimental.pallas import tpu as pltpu
from jax.experimental.pallas import tpu_sc as plsc

_N = 10000
_F = 128
_FH = 64
_NC = 2
_NS = 16
_NW = _NC * _NS
_CH = 128
_CPT = 80
_NCHUNK = 2560
_EPAD = _NCHUNK * _CH
_CPP = _NCHUNK // _NS
_C0 = 124
_C1 = _CPP - _C0
_ACC = 10240
_RPT = _ACC // _NS

_mesh = plsc.VectorSubcoreMesh(
    core_axis_name="c", subcore_axis_name="s", num_cores=_NC, num_subcores=_NS
)

_sc_params = pltpu.CompilerParams(use_tc_tiling_on_sc=False)



@functools.partial(
    pl.kernel,
    out_type=jax.ShapeDtypeStruct((_NC, _ACC, 16), jnp.float32),
    mesh=_mesh,
    scratch_types=[
        pltpu.VMEM((_CPT, _CH), jnp.int32),
        pltpu.VMEM((_CH, 16), jnp.float32),
        pltpu.VMEM_SHARED((_ACC, 16), jnp.float32),
    ],
    compiler_params=_sc_params,
)
def _deg_kernel(dst_hbm, ones_hbm, zeros_hbm, out_hbm, dst_idx, ones_v, acc):
    cid = lax.axis_index("c")
    sid = lax.axis_index("s")
    wid = sid * _NC + cid
    pltpu.sync_copy(dst_hbm.at[wid], dst_idx)
    pltpu.sync_copy(ones_hbm, ones_v)
    pltpu.sync_copy(zeros_hbm, acc.at[pl.ds(sid * _RPT, _RPT)])
    plsc.subcore_barrier()

    @pl.loop(0, _CPT)
    def _(j):
        pltpu.sync_copy(ones_v, acc.at[dst_idx.at[j]], add=True)

    plsc.subcore_barrier()
    pltpu.sync_copy(
        acc.at[pl.ds(sid * _RPT, _RPT)], out_hbm.at[cid, pl.ds(sid * _RPT, _RPT)]
    )


@functools.partial(
    pl.kernel,
    out_type=[
        jax.ShapeDtypeStruct((_NC, _ACC, _FH), jnp.float32),
        jax.ShapeDtypeStruct((_NC, _ACC, _FH), jnp.float32),
    ],
    mesh=_mesh,
    scratch_types=[
        pltpu.VMEM((_C0, _CH), jnp.int32),
        pltpu.VMEM((_C0, _CH), jnp.int32),
        pltpu.VMEM((_CH, _FH), jnp.float32),
        pltpu.VMEM((_CH, _FH), jnp.float32),
        pltpu.VMEM((_CH, _FH), jnp.float32),
        pltpu.VMEM((_CH, _FH), jnp.float32),
        pltpu.VMEM_SHARED((_ACC, _FH), jnp.float32),
        pltpu.SemaphoreType.DMA,
        pltpu.SemaphoreType.DMA,
        pltpu.SemaphoreType.DMA,
        pltpu.SemaphoreType.DMA,
        pltpu.SemaphoreType.DMA,
        pltpu.SemaphoreType.DMA,
        pltpu.SemaphoreType.DMA,
        pltpu.SemaphoreType.DMA,
    ],
    compiler_params=_sc_params,
)
def _agg_kernel(ha_hbm, hb_hbm, srcc_hbm, dstc_hbm, zeros_hbm,
                outa_hbm, outb_hbm,
                src_idx, dst_idx, r0, r1, r2, r3, acc,
                g0, g1, g2, g3, t0, t1, t2, t3):
    cid = lax.axis_index("c")
    sid = lax.axis_index("s")
    rs = (r0, r1, r2, r3)
    sg = (g0, g1, g2, g3)
    ss = (t0, t1, t2, t3)
    nb = len(rs)
    base = sid * _CPP + cid * (_CPP - _C0)
    pltpu.sync_copy(srcc_hbm.at[pl.ds(base, _C0)], src_idx)
    pltpu.sync_copy(dstc_hbm.at[pl.ds(base, _C0)], dst_idx)
    pltpu.sync_copy(zeros_hbm, acc.at[pl.ds(sid * _RPT, _RPT)])
    plsc.subcore_barrier()

    def _pipeline(h_hbm, start):
        for i in range(nb):
            pltpu.async_copy(h_hbm.at[src_idx.at[start + i]], rs[i], sg[i])

        @pl.loop(start, _C0, step=nb)
        def _(j):
            for i in range(nb):
                pltpu.make_async_copy(
                    h_hbm.at[src_idx.at[j + i]], rs[i], sg[i]).wait()
                pltpu.async_copy(rs[i], acc.at[dst_idx.at[j + i]], ss[i], add=True)

            @pl.when(j < _C0 - nb)
            def _():
                for i in range(nb):
                    pltpu.make_async_copy(
                        rs[i], acc.at[dst_idx.at[j + i]], ss[i]).wait()
                    pltpu.async_copy(h_hbm.at[src_idx.at[j + nb + i]], rs[i], sg[i])

        for i in range(nb):
            pltpu.make_async_copy(
                rs[i], acc.at[dst_idx.at[_C0 - nb + i]], ss[i]).wait()

    def _run(h_hbm):
        @pl.when(cid == 0)
        def _():
            _pipeline(h_hbm, 0)

        @pl.when(cid == 1)
        def _():
            _pipeline(h_hbm, _C0 - _C1)

    _run(ha_hbm)
    plsc.subcore_barrier()
    pltpu.sync_copy(
        acc.at[pl.ds(sid * _RPT, _RPT)], outa_hbm.at[cid, pl.ds(sid * _RPT, _RPT)]
    )
    pltpu.sync_copy(zeros_hbm, acc.at[pl.ds(sid * _RPT, _RPT)])
    plsc.subcore_barrier()
    _run(hb_hbm)
    plsc.subcore_barrier()
    pltpu.sync_copy(
        acc.at[pl.ds(sid * _RPT, _RPT)], outb_hbm.at[cid, pl.ds(sid * _RPT, _RPT)]
    )



_BM = 1000


def _deg_dinv(hist_blk):
    deg = 1.0 + hist_blk[0, :, 0:1] + hist_blk[1, :, 0:1]
    return lax.rsqrt(deg)


def _mm_body(x_ref, w_ref, hist_ref, h_ref, oa_ref, ob_ref):
    h = jnp.dot(x_ref[...], w_ref[...], preferred_element_type=jnp.float32)
    h_ref[...] = h
    hs = h * _deg_dinv(hist_ref[...])
    oa_ref[...] = hs[:, :_FH]
    ob_ref[...] = hs[:, _FH:]


def _mm_scale(x, w, hist):
    n, k = x.shape
    m = w.shape[1]
    return pl.pallas_call(
        _mm_body,
        grid=(n // _BM,),
        in_specs=[
            pl.BlockSpec((_BM, k), lambda i: (i, 0)),
            pl.BlockSpec((k, m), lambda i: (0, 0)),
            pl.BlockSpec((_NC, _BM, 16), lambda i: (0, i, 0)),
        ],
        out_specs=[
            pl.BlockSpec((_BM, m), lambda i: (i, 0)),
            pl.BlockSpec((_BM, _FH), lambda i: (i, 0)),
            pl.BlockSpec((_BM, _FH), lambda i: (i, 0)),
        ],
        out_shape=[
            jax.ShapeDtypeStruct((n, m), jnp.float32),
            jax.ShapeDtypeStruct((n, _FH), jnp.float32),
            jax.ShapeDtypeStruct((n, _FH), jnp.float32),
        ],
    )(x, w, hist)


def _mid_body(pa_ref, pb_ref, h1_ref, hist_ref, w_ref, b_ref,
              h2_ref, ha_ref, hb_ref):
    dinv = _deg_dinv(hist_ref[...])
    pa = pa_ref[...]
    pb = pb_ref[...]
    agg = jnp.concatenate([pa[0] + pa[1], pb[0] + pb[1]], axis=1)
    out1 = dinv * agg + (dinv * dinv) * h1_ref[...] + b_ref[...]
    h = jnp.maximum(out1, 0.0)
    h2 = jnp.dot(h, w_ref[...], preferred_element_type=jnp.float32)
    h2_ref[...] = h2
    h2s = h2 * dinv
    ha_ref[...] = h2s[:, :_FH]
    hb_ref[...] = h2s[:, _FH:]


def _mid(pa, pb, h1, hist, w23, b1row):
    return pl.pallas_call(
        _mid_body,
        grid=(_N // _BM,),
        in_specs=[
            pl.BlockSpec((_NC, _BM, _FH), lambda i: (0, i, 0)),
            pl.BlockSpec((_NC, _BM, _FH), lambda i: (0, i, 0)),
            pl.BlockSpec((_BM, _F), lambda i: (i, 0)),
            pl.BlockSpec((_NC, _BM, 16), lambda i: (0, i, 0)),
            pl.BlockSpec((_F, _F), lambda i: (0, 0)),
            pl.BlockSpec((1, _F), lambda i: (0, 0)),
        ],
        out_specs=[
            pl.BlockSpec((_BM, _F), lambda i: (i, 0)),
            pl.BlockSpec((_BM, _FH), lambda i: (i, 0)),
            pl.BlockSpec((_BM, _FH), lambda i: (i, 0)),
        ],
        out_shape=[
            jax.ShapeDtypeStruct((_N, _F), jnp.float32),
            jax.ShapeDtypeStruct((_N, _FH), jnp.float32),
            jax.ShapeDtypeStruct((_N, _FH), jnp.float32),
        ],
    )(pa, pb, h1, hist, w23, b1row)


def _final_body(qa_ref, qb_ref, h2_ref, hist_ref, b_ref, x1_ref, y1_ref):
    dinv = _deg_dinv(hist_ref[...])
    qa = qa_ref[...]
    qb = qb_ref[...]
    agg = jnp.concatenate([qa[0] + qa[1], qb[0] + qb[1]], axis=1)
    o = dinv * agg + (dinv * dinv) * h2_ref[...] + b_ref[...]
    x1_ref[...] = o[:, :_FH]
    y1_ref[...] = o[:, _FH:]


def _final(qa, qb, h2, hist, b23row):
    return pl.pallas_call(
        _final_body,
        grid=(_N // _BM,),
        in_specs=[
            pl.BlockSpec((_NC, _BM, _FH), lambda i: (0, i, 0)),
            pl.BlockSpec((_NC, _BM, _FH), lambda i: (0, i, 0)),
            pl.BlockSpec((_BM, _F), lambda i: (i, 0)),
            pl.BlockSpec((_NC, _BM, 16), lambda i: (0, i, 0)),
            pl.BlockSpec((1, _F), lambda i: (0, 0)),
        ],
        out_specs=[
            pl.BlockSpec((_BM, _FH), lambda i: (i, 0)),
            pl.BlockSpec((_BM, _FH), lambda i: (i, 0)),
        ],
        out_shape=[
            jax.ShapeDtypeStruct((_N, _FH), jnp.float32),
            jax.ShapeDtypeStruct((_N, _FH), jnp.float32),
        ],
    )(qa, qb, h2, hist, b23row)



def kernel(x, adj, W1, b1, W2, b2, W3, b3):
    src = adj[0].astype(jnp.int32)
    dst = adj[1].astype(jnp.int32)
    npad = _EPAD - src.shape[0]
    src_f = jnp.concatenate([src, jnp.zeros((npad,), jnp.int32)])
    dst_f = jnp.concatenate([dst, jnp.full((npad,), _N, jnp.int32)])
    src_p = src_f.reshape(_NW, _CPT, _CH)
    dst_p = dst_f.reshape(_NW, _CPT, _CH)
    src_c = src_f.reshape(_NCHUNK, _CH)
    dst_c = dst_f.reshape(_NCHUNK, _CH)

    zeros_f = jnp.zeros((_RPT, _FH), jnp.float32)
    zeros_h = jnp.zeros((_RPT, 16), jnp.float32)
    ones_h = jnp.ones((_CH, 16), jnp.float32)

    hist = _deg_kernel(dst_p, ones_h, zeros_h)
    h1, h1a, h1b = _mm_scale(x, W1, hist)

    pa, pb = _agg_kernel(h1a, h1b, src_c, dst_c, zeros_f)

    w23 = jnp.concatenate([W2, W3], axis=1)
    b23 = jnp.concatenate([b2, b3]).reshape(1, _F)
    h2, h2a, h2b = _mid(pa, pb, h1, hist, w23, b1.reshape(1, _F))

    qa, qb = _agg_kernel(h2a, h2b, src_c, dst_c, zeros_f)

    x1, y1 = _final(qa, qb, h2, hist, b23)
    return (x1, x1, y1)

# --- scband reference (transcript-rebuilt; emitter-appended) ---
"""Pipeline reference for scband-gcn-22995254903270 (READ-ONLY COPY).

The authoritative reference and input builder live on the scoring server;
editing this copy changes nothing except your own understanding.
"""

import jax, jax.numpy as jnp
import numpy as np

N = 10000
E = 320000
NFEAT = 128
NHID = 128
NCLASS = 64


def gcn_conv(x, src, dst, W, b, num_nodes):
    # torch_geometric GCNConv: x' = D^{-1/2} (A + I) D^{-1/2} (X W) + b
    h = x @ W
    loop = jnp.arange(num_nodes, dtype=src.dtype)
    s = jnp.concatenate([src, loop])
    d = jnp.concatenate([dst, loop])
    deg = jax.ops.segment_sum(jnp.ones(s.shape[0], jnp.float32), d, num_segments=num_nodes)
    dinv = jnp.where(deg > 0, jax.lax.rsqrt(deg), 0.0)
    norm = dinv[s] * dinv[d]
    msg = h[s] * norm[:, None]
    out = jax.ops.segment_sum(msg, d, num_segments=num_nodes)
    return out + b


def setup_inputs(seed: int = 0) -> dict:
    key = jax.random.key(seed)
    ks = jax.random.split(key, 9)
    x = jax.random.normal(ks[0], (N, NFEAT), jnp.float32)
    adj = jax.random.randint(ks[1], (2, E), 0, N, dtype=jnp.int32)
    W1 = jax.random.normal(ks[2], (NFEAT, NHID), jnp.float32) * (NFEAT ** -0.5)
    b1 = jnp.zeros((NHID,), jnp.float32)
    W2 = jax.random.normal(ks[3], (NHID, NCLASS), jnp.float32) * (NHID ** -0.5)
    b2 = jnp.zeros((NCLASS,), jnp.float32)
    W3 = jax.random.normal(ks[4], (NHID, NCLASS), jnp.float32) * (NHID ** -0.5)
    b3 = jnp.zeros((NCLASS,), jnp.float32)
    return {"x": x, "adj": adj, "W1": W1, "b1": b1, "W2": W2, "b2": b2, "W3": W3, "b3": b3}


def reference(x, adj, W1, b1, W2, b2, W3, b3):
    src, dst = adj[0], adj[1]
    h = gcn_conv(x, src, dst, W1, b1, N)
    h = jax.nn.relu(h)
    # dropout is identity in eval mode
    x1 = gcn_conv(h, src, dst, W2, b2, N)
    y1 = gcn_conv(h, src, dst, W3, b3, N)
    # reparameterize in eval mode returns mu = x1
    z = x1
    return (z, x1, y1)

if __name__ == "__main__":
    import jax
    _d = setup_inputs()
    print(jax.jit(kernel)(*tuple(_d.values())))

</pallas_src>

<mosaic_0001>
#map = affine_map<(d0, d1) -> (0, 0)>
#map1 = affine_map<(d0, d1) -> (0, 0, 0)>
module attributes {stable_mosaic.version = 14 : i64} {
  func.func @_agg_kernel(%arg0: i32, %arg1: i32, %arg2: memref<10000x64xf32, #tpu.memory_space<hbm>>, %arg3: memref<10000x64xf32, #tpu.memory_space<hbm>>, %arg4: memref<2560x128xi32, #tpu.memory_space<hbm>>, %arg5: memref<2560x128xi32, #tpu.memory_space<hbm>>, %arg6: memref<640x64xf32, #tpu.memory_space<hbm>>, %arg7: memref<2x10240x64xf32, #tpu.memory_space<hbm>>, %arg8: memref<2x10240x64xf32, #tpu.memory_space<hbm>>, %arg9: memref<124x128xi32, #tpu.memory_space<vmem>>, %arg10: memref<124x128xi32, #tpu.memory_space<vmem>>, %arg11: memref<128x64xf32, #tpu.memory_space<vmem>>, %arg12: memref<128x64xf32, #tpu.memory_space<vmem>>, %arg13: memref<128x64xf32, #tpu.memory_space<vmem>>, %arg14: memref<128x64xf32, #tpu.memory_space<vmem>>, %arg15: memref<10240x64xf32, #tpu.memory_space<vmem_shared>>, %arg16: memref<!tpu.dma_semaphore, #tpu.memory_space<semaphore_mem>>, %arg17: memref<!tpu.dma_semaphore, #tpu.memory_space<semaphore_mem>>, %arg18: memref<!tpu.dma_semaphore, #tpu.memory_space<semaphore_mem>>, %arg19: memref<!tpu.dma_semaphore, #tpu.memory_space<semaphore_mem>>, %arg20: memref<!tpu.dma_semaphore, #tpu.memory_space<semaphore_mem>>, %arg21: memref<!tpu.dma_semaphore, #tpu.memory_space<semaphore_mem>>, %arg22: memref<!tpu.dma_semaphore, #tpu.memory_space<semaphore_mem>>, %arg23: memref<!tpu.dma_semaphore, #tpu.memory_space<semaphore_mem>>) attributes {dimension_semantics = [#tpu.dimension_semantics<core_parallel>, #tpu.dimension_semantics<subcore_parallel>], iteration_bounds = array<i64: 2, 16>, scalar_prefetch = 0 : i64, scratch_operands = 15 : i64, tpu.core_type = #tpu.core_type<sc_vector_subcore>, window_params = [{transform_indices = #map}, {transform_indices = #map}, {transform_indices = #map}, {transform_indices = #map}, {transform_indices = #map}, {transform_indices = #map1}, {transform_indices = #map1}]} {
    %mul3A = arith.constant 160 : i32
    %mul3A_0 = arith.muli %arg1, %mul3A : i32
    %mul3A_1 = arith.constant 36 : i32
    %mul3A_2 = arith.muli %arg0, %mul3A_1 : i32
    %add3A = arith.addi %mul3A_0, %mul3A_2 : i32
    "tpu.region"() ({
      %run_scoped3A = tpu.sem_alloc : memref<!tpu.dma_semaphore, #tpu.memory_space<semaphore_mem>>
      %dma_start3A = arith.constant 0 : i32
      %dma_start3A_35 = tpu.memref_slice %arg4[%add3A, %dma_start3A] : memref<2560x128xi32, #tpu.memory_space<hbm>> -> memref<124x128xi32, #tpu.memory_space<hbm>>
      %dma_start3A_36 = arith.constant 0 : i32
      %dma_start3A_37 = tpu.memref_slice %arg4[%add3A, %dma_start3A_36] : memref<2560x128xi32, #tpu.memory_space<hbm>> -> memref<124x128xi32, #tpu.memory_space<hbm>>
      tpu.enqueue_dma source(%dma_start3A_37 : memref<124x128xi32, #tpu.memory_space<hbm>>) target(%arg9 : memref<124x128xi32, #tpu.memory_space<vmem>>) target_semaphore(%run_scoped3A : memref<!tpu.dma_semaphore, #tpu.memory_space<semaphore_mem>>)
      %dma_wait3A = arith.constant 0 : i32
      %dma_wait3A_38 = tpu.memref_slice %arg4[%add3A, %dma_wait3A] : memref<2560x128xi32, #tpu.memory_space<hbm>> -> memref<124x128xi32, #tpu.memory_space<hbm>>
      %dma_wait3A_39 = arith.constant 0 : i32
      %dma_wait3A_40 = tpu.memref_slice %arg4[%add3A, %dma_wait3A_39] : memref<2560x128xi32, #tpu.memory_space<hbm>> -> memref<124x128xi32, #tpu.memory_space<hbm>>
      tpu.wait_dma2 semaphore(%run_scoped3A : memref<!tpu.dma_semaphore, #tpu.memory_space<semaphore_mem>>) src(%dma_wait3A_40 : memref<124x128xi32, #tpu.memory_space<hbm>>) dst(%arg9 : memref<124x128xi32, #tpu.memory_space<vmem>>)
      tpu.yield
    }) : () -> ()
    "tpu.region"() ({
      %run_scoped3A = tpu.sem_alloc : memref<!tpu.dma_semaphore, #tpu.memory_space<semaphore_mem>>
      %dma_start3A = arith.constant 0 : i32
      %dma_start3A_35 = tpu.memref_slice %arg5[%add3A, %dma_start3A] : memref<2560x128xi32, #tpu.memory_space<hbm>> -> memref<124x128xi32, #tpu.memory_space<hbm>>
      %dma_start3A_36 = arith.constant 0 : i32
      %dma_start3A_37 = tpu.memref_slice %arg5[%add3A, %dma_start3A_36] : memref<2560x128xi32, #tpu.memory_space<hbm>> -> memref<124x128xi32, #tpu.memory_space<hbm>>
      tpu.enqueue_dma source(%dma_start3A_37 : memref<124x128xi32, #tpu.memory_space<hbm>>) target(%arg10 : memref<124x128xi32, #tpu.memory_space<vmem>>) target_semaphore(%run_scoped3A : memref<!tpu.dma_semaphore, #tpu.memory_space<semaphore_mem>>)
      %dma_wait3A = arith.constant 0 : i32
      %dma_wait3A_38 = tpu.memref_slice %arg5[%add3A, %dma_wait3A] : memref<2560x128xi32, #tpu.memory_space<hbm>> -> memref<124x128xi32, #tpu.memory_space<hbm>>
      %dma_wait3A_39 = arith.constant 0 : i32
      %dma_wait3A_40 = tpu.memref_slice %arg5[%add3A, %dma_wait3A_39] : memref<2560x128xi32, #tpu.memory_space<hbm>> -> memref<124x128xi32, #tpu.memory_space<hbm>>
      tpu.wait_dma2 semaphore(%run_scoped3A : memref<!tpu.dma_semaphore, #tpu.memory_space<semaphore_mem>>) src(%dma_wait3A_40 : memref<124x128xi32, #tpu.memory_space<hbm>>) dst(%arg10 : memref<124x128xi32, #tpu.memory_space<vmem>>)
      tpu.yield
    }) : () -> ()
    %mul3A_3 = arith.constant 640 : i32
    %mul3A_4 = arith.muli %arg1, %mul3A_3 : i32
    "tpu.region"() ({
      %run_scoped3A = tpu.sem_alloc : memref<!tpu.dma_semaphore, #tpu.memory_space<semaphore_mem>>
      %dma_start3A = arith.constant 0 : i32
      %dma_start3A_35 = tpu.memref_slice %arg15[%mul3A_4, %dma_start3A] : memref<10240x64xf32, #tpu.memory_space<vmem_shared>> -> memref<640x64xf32, #tpu.memory_space<vmem_shared>>
      tpu.enqueue_dma source(%arg6 : memref<640x64xf32, #tpu.memory_space<hbm>>) target(%dma_start3A_35 : memref<640x64xf32, #tpu.memory_space<vmem_shared>>) target_semaphore(%run_scoped3A : memref<!tpu.dma_semaphore, #tpu.memory_space<semaphore_mem>>)
      %dma_wait3A = arith.constant 0 : i32
      %dma_wait3A_36 = tpu.memref_slice %arg15[%mul3A_4, %dma_wait3A] : memref<10240x64xf32, #tpu.memory_space<vmem_shared>> -> memref<640x64xf32, #tpu.memory_space<vmem_shared>>
      tpu.wait_dma2 semaphore(%run_scoped3A : memref<!tpu.dma_semaphore, #tpu.memory_space<semaphore_mem>>) src(%arg6 : memref<640x64xf32, #tpu.memory_space<hbm>>) dst(%dma_wait3A_36 : memref<640x64xf32, #tpu.memory_space<vmem_shared>>)
      tpu.yield
    }) : () -> ()
    %barrier3A = arith.constant 0 : index
    tpu.barrier barrier_id(%barrier3A)
    %eq3A = arith.constant 0 : i32
    %eq3A_5 = arith.cmpi eq, %arg0, %eq3A : i32
    %convert_element_type3A = arith.extui %eq3A_5 : i1 to i32
    %cond3A = arith.constant 0 : i32
    %cond3A_6 = arith.cmpi ne, %convert_element_type3A, %cond3A : i32
    scf.if %cond3A_6 {
      %dma_start3A = arith.constant 0 : i32
      %dma_start3A_35 = arith.constant 0 : i32
      %dma_start3A_36 = tpu.memref_slice %arg9[%dma_start3A, %dma_start3A_35] : memref<124x128xi32, #tpu.memory_space<vmem>> -> memref<1x128xi32, #tpu.memory_space<vmem>>
      %dma_start3A_37 = tpu.memref_squeeze %dma_start3A_36 : memref<1x128xi32, #tpu.memory_space<vmem>> -> memref<128xi32, #tpu.memory_space<vmem>>
      %dma_start3A_38 = arith.constant 0 : i32
      %dma_start3A_39 = arith.constant 0 : i32
      %dma_start3A_40 = tpu.memref_slice %arg2[%dma_start3A_38, %dma_start3A_39] : memref<10000x64xf32, #tpu.memory_space<hbm>> -> memref<10000x64xf32, #tpu.memory_space<hbm>>
      tpu.enqueue_indirect_dma source(%dma_start3A_40 : memref<10000x64xf32, #tpu.memory_space<hbm>>) target(%arg11 : memref<128x64xf32, #tpu.memory_space<vmem>>) offsets(%dma_start3A_37 : memref<128xi32, #tpu.memory_space<vmem>>) semaphore(%arg16 : memref<!tpu.dma_semaphore, #tpu.memory_space<semaphore_mem>>)
      %dma_start3A_41 = arith.constant 1 : i32
      %dma_start3A_42 = arith.constant 0 : i32
      %dma_start3A_43 = tpu.memref_slice %arg9[%dma_start3A_41, %dma_start3A_42] : memref<124x128xi32, #tpu.memory_space<vmem>> -> memref<1x128xi32, #tpu.memory_space<vmem>>
      %dma_start3A_44 = tpu.memref_squeeze %dma_start3A_43 : memref<1x128xi32, #tpu.memory_space<vmem>> -> memref<128xi32, #tpu.memory_space<vmem>>
      %dma_start3A_45 = arith.constant 0 : i32
      %dma_start3A_46 = arith.constant 0 : i32
      %dma_start3A_47 = tpu.memref_slice %arg2[%dma_start3A_45, %dma_start3A_46] : memref<10000x64xf32, #tpu.memory_space<hbm>> -> memref<10000x64xf32, #tpu.memory_space<hbm>>
      tpu.enqueue_indirect_dma source(%dma_start3A_47 : memref<10000x64xf32, #tpu.memory_space<hbm>>) target(%arg12 : memref<128x64xf32, #tpu.memory_space<vmem>>) offsets(%dma_start3A_44 : memref<128xi32, #tpu.memory_space<vmem>>) semaphore(%arg17 : memref<!tpu.dma_semaphore, #tpu.memory_space<semaphore_mem>>)
      %dma_start3A_48 = arith.constant 2 : i32
      %dma_start3A_49 = arith.constant 0 : i32
      %dma_start3A_50 = tpu.memref_slice %arg9[%dma_start3A_48, %dma_start3A_49] : memref<124x128xi32, #tpu.memory_space<vmem>> -> memref<1x128xi32, #tpu.memory_space<vmem>>
      %dma_start3A_51 = tpu.memref_squeeze %dma_start3A_50 : memref<1x128xi32, #tpu.memory_space<vmem>> -> memref<128xi32, #tpu.memory_space<vmem>>
      %dma_start3A_52 = arith.constant 0 : i32
      %dma_start3A_53 = arith.constant 0 : i32
      %dma_start3A_54 = tpu.memref_slice %arg2[%dma_start3A_52, %dma_start3A_53] : memref<10000x64xf32, #tpu.memory_space<hbm>> -> memref<10000x64xf32, #tpu.memory_space<hbm>>
      tpu.enqueue_indirect_dma source(%dma_start3A_54 : memref<10000x64xf32, #tpu.memory_space<hbm>>) target(%arg13 : memref<128x64xf32, #tpu.memory_space<vmem>>) offsets(%dma_start3A_51 : memref<128xi32, #tpu.memory_space<vmem>>) semaphore(%arg18 : memref<!tpu.dma_semaphore, #tpu.memory_space<semaphore_mem>>)
      %dma_start3A_55 = arith.constant 3 : i32
      %dma_start3A_56 = arith.constant 0 : i32
      %dma_start3A_57 = tpu.memref_slice %arg9[%dma_start3A_55, %dma_start3A_56] : memref<124x128xi32, #tpu.memory_space<vmem>> -> memref<1x128xi32, #tpu.memory_space<vmem>>
      %dma_start3A_58 = tpu.memref_squeeze %dma_start3A_57 : memref<1x128xi32, #tpu.memory_space<vmem>> -> memref<128xi32, #tpu.memory_space<vmem>>
      %dma_start3A_59 = arith.constant 0 : i32
      %dma_start3A_60 = arith.constant 0 : i32
      %dma_start3A_61 = tpu.memref_slice %arg2[%dma_start3A_59, %dma_start3A_60] : memref<10000x64xf32, #tpu.memory_space<hbm>> -> memref<10000x64xf32, #tpu.memory_space<hbm>>
      tpu.enqueue_indirect_dma source(%dma_start3A_61 : memref<10000x64xf32, #tpu.memory_space<hbm>>) target(%arg14 : memref<128x64xf32, #tpu.memory_space<vmem>>) offsets(%dma_start3A_58 : memref<128xi32, #tpu.memory_space<vmem>>) semaphore(%arg19 : memref<!tpu.dma_semaphore, #tpu.memory_space<semaphore_mem>>)
      %scan3A = arith.constant 0 : i32
      %scan3A_62 = arith.constant 31 : i32
      %scan3A_63 = arith.addi %scan3A, %scan3A_62 : i32
      %scan3A_64 = arith.constant 1 : i32
      scf.for %scan3A_93 = %scan3A to %scan3A_63 step %scan3A_64  : i32 {
        %mul3A_94 = arith.constant 4 : i32
        %mul3A_95 = arith.muli %scan3A_93, %mul3A_94 : i32
        %add3A_96 = arith.constant 0 : i32
        %add3A_97 = arith.addi %add3A_96, %mul3A_95 : i32
        %add3A_98 = arith.constant 0 : i32
        %add3A_99 = arith.addi %add3A_97, %add3A_98 : i32
        %dma_wait3A_100 = arith.constant 0 : i32
        %dma_wait3A_101 = tpu.memref_slice %arg9[%add3A_99, %dma_wait3A_100] : memref<124x128xi32, #tpu.memory_space<vmem>> -> memref<1x128xi32, #tpu.memory_space<vmem>>
        %dma_wait3A_102 = tpu.memref_squeeze %dma_wait3A_101 : memref<1x128xi32, #tpu.memory_space<vmem>> -> memref<128xi32, #tpu.memory_space<vmem>>
        %dma_wait3A_103 = arith.constant 0 : i32
        %dma_wait3A_104 = arith.constant 0 : i32
        %dma_wait3A_105 = tpu.memref_slice %arg2[%dma_wait3A_103, %dma_wait3A_104] : memref<10000x64xf32, #tpu.memory_space<hbm>> -> memref<10000x64xf32, #tpu.memory_space<hbm>>
        tpu.wait_indirect_dma semaphore(%arg16 : memref<!tpu.dma_semaphore, #tpu.memory_space<semaphore_mem>>) src(%dma_wait3A_105 : memref<10000x64xf32, #tpu.memory_space<hbm>>) dst(%arg11 : memref<128x64xf32, #tpu.memory_space<vmem>>)
        %add3A_106 = arith.constant 0 : i32
        %add3A_107 = arith.addi %add3A_97, %add3A_106 : i32
        %dma_start3A_108 = arith.constant 0 : i32
        %dma_start3A_109 = tpu.memref_slice %arg10[%add3A_107, %dma_start3A_108] : memref<124x128xi32, #tpu.memory_space<vmem>> -> memref<1x128xi32, #tpu.memory_space<vmem>>
        %dma_start3A_110 = tpu.memref_squeeze %dma_start3A_109 : memref<1x128xi32, #tpu.memory_space<vmem>> -> memref<128xi32, #tpu.memory_space<vmem>>
        %dma_start3A_111 = arith.constant 0 : i32
        %dma_start3A_112 = arith.constant 0 : i32
        %dma_start3A_113 = tpu.memref_slice %arg15[%dma_start3A_111, %dma_start3A_112] : memref<10240x64xf32, #tpu.memory_space<vmem_shared>> -> memref<10240x64xf32, #tpu.memory_space<vmem_shared>>
        tpu.enqueue_indirect_dma source(%arg11 : memref<128x64xf32, #tpu.memory_space<vmem>>) target(%dma_start3A_113 : memref<10240x64xf32, #tpu.memory_space<vmem_shared>>) offsets(%dma_start3A_110 : memref<128xi32, #tpu.memory_space<vmem>>) semaphore(%arg20 : memref<!tpu.dma_semaphore, #tpu.memory_space<semaphore_mem>>) {add = true}
        %add3A_114 = arith.constant 1 : i32
        %add3A_115 = arith.addi %add3A_97, %add3A_114 : i32
        %dma_wait3A_116 = arith.constant 0 : i32
        %dma_wait3A_117 = tpu.memref_slice %arg9[%add3A_115, %dma_wait3A_116] : memref<124x128xi32, #tpu.memory_space<vmem>> -> memref<1x128xi32, #tpu.memory_space<vmem>>
        %dma_wait3A_118 = tpu.memref_squeeze %dma_wait3A_117 : memref<1x128xi32, #tpu.memory_space<vmem>> -> memref<128xi32, #tpu.memory_space<vmem>>
        %dma_wait3A_119 = arith.constant 0 : i32
        %dma_wait3A_120 = arith.constant 0 : i32
        %dma_wait3A_121 = tpu.memref_slice %arg2[%dma_wait3A_119, %dma_wait3A_120] : memref<10000x64xf32, #tpu.memory_space<hbm>> -> memref<10000x64xf32, #tpu.memory_space<hbm>>
        tpu.wait_indirect_dma semaphore(%arg17 : memref<!tpu.dma_semaphore, #tpu.memory_space<semaphore_mem>>) src(%dma_wait3A_121 : memref<10000x64xf32, #tpu.memory_space<hbm>>) dst(%arg12 : memref<128x64xf32, #tpu.memory_space<vmem>>)
        %add3A_122 = arith.constant 1 : i32
        %add3A_123 = arith.addi %add3A_97, %add3A_122 : i32
        %dma_start3A_124 = arith.constant 0 : i32
        %dma_start3A_125 = tpu.memref_slice %arg10[%add3A_123, %dma_start3A_124] : memref<124x128xi32, #tpu.memory_space<vmem>> -> memref<1x128xi32, #tpu.memory_space<vmem>>
        %dma_start3A_126 = tpu.memref_squeeze %dma_start3A_125 : memref<1x128xi32, #tpu.memory_space<vmem>> -> memref<128xi32, #tpu.memory_space<vmem>>
        %dma_start3A_127 = arith.constant 0 : i32
        %dma_start3A_128 = arith.constant 0 : i32
        %dma_start3A_129 = tpu.memref_slice %arg15[%dma_start3A_127, %dma_start3A_128] : memref<10240x64xf32, #tpu.memory_space<vmem_shared>> -> memref<10240x64xf32, #tpu.memory_space<vmem_shared>>
        tpu.enqueue_indirect_dma source(%arg12 : memref<128x64xf32, #tpu.memory_space<vmem>>) target(%dma_start3A_129 : memref<10240x64xf32, #tpu.memory_space<vmem_shared>>) offsets(%dma_start3A_126 : memref<128xi32, #tpu.memory_space<vmem>>) semaphore(%arg21 : memref<!tpu.dma_semaphore, #tpu.memory_space<semaphore_mem>>) {add = true}
        %add3A_130 = arith.constant 2 : i32
        %add3A_131 = arith.addi %add3A_97, %add3A_130 : i32
        %dma_wait3A_132 = arith.constant 0 : i32
        %dma_wait3A_133 = tpu.memref_slice %arg9[%add3A_131, %dma_wait3A_132] : memref<124x128xi32, #tpu.memory_space<vmem>> -> memref<1x128xi32, #tpu.memory_space<vmem>>
        %dma_wait3A_134 = tpu.memref_squeeze %dma_wait3A_133 : memref<1x128xi32, #tpu.memory_space<vmem>> -> memref<128xi32, #tpu.memory_space<vmem>>
        %dma_wait3A_135 = arith.constant 0 : i32
        %dma_wait3A_136 = arith.constant 0 : i32
        %dma_wait3A_137 = tpu.memref_slice %arg2[%dma_wait3A_135, %dma_wait3A_136] : memref<10000x64xf32, #tpu.memory_space<hbm>> -> memref<10000x64xf32, #tpu.memory_space<hbm>>
        tpu.wait_indirect_dma semaphore(%arg18 : memref<!tpu.dma_semaphore, #tpu.memory_space<semaphore_mem>>) src(%dma_wait3A_137 : memref<10000x64xf32, #tpu.memory_space<hbm>>) dst(%arg13 : memref<128x64xf32, #tpu.memory_space<vmem>>)
        %add3A_138 = arith.constant 2 : i32
        %add3A_139 = arith.addi %add3A_97, %add3A_138 : i32
        %dma_start3A_140 = arith.constant 0 : i32
        %dma_start3A_141 = tpu.memref_slice %arg10[%add3A_139, %dma_start3A_140] : memref<124x128xi32, #tpu.memory_space<vmem>> -> memref<1x128xi32, #tpu.memory_space<vmem>>
        %dma_start3A_142 = tpu.memref_squeeze %dma_start3A_141 : memref<1x128xi32, #tpu.memory_space<vmem>> -> memref<128xi32, #tpu.memory_space<vmem>>
        %dma_start3A_143 = arith.constant 0 : i32
        %dma_start3A_144 = arith.constant 0 : i32
        %dma_start3A_145 = tpu.memref_slice %arg15[%dma_start3A_143, %dma_start3A_144] : memref<10240x64xf32, #tpu.memory_space<vmem_shared>> -> memref<10240x64xf32, #tpu.memory_space<vmem_shared>>
        tpu.enqueue_indirect_dma source(%arg13 : memref<128x64xf32, #tpu.memory_space<vmem>>) target(%dma_start3A_145 : memref<10240x64xf32, #tpu.memory_space<vmem_shared>>) offsets(%dma_start3A_142 : memref<128xi32, #tpu.memory_space<vmem>>) semaphore(%arg22 : memref<!tpu.dma_semaphore, #tpu.memory_space<semaphore_mem>>) {add = true}
        %add3A_146 = arith.constant 3 : i32
        %add3A_147 = arith.addi %add3A_97, %add3A_146 : i32
        %dma_wait3A_148 = arith.constant 0 : i32
        %dma_wait3A_149 = tpu.memref_slice %arg9[%add3A_147, %dma_wait3A_148] : memref<124x128xi32, #tpu.memory_space<vmem>> -> memref<1x128xi32, #tpu.memory_space<vmem>>
        %dma_wait3A_150 = tpu.memref_squeeze %dma_wait3A_149 : memref<1x128xi32, #tpu.memory_space<vmem>> -> memref<128xi32, #tpu.memory_space<vmem>>
        %dma_wait3A_151 = arith.constant 0 : i32
        %dma_wait3A_152 = arith.constant 0 : i32
        %dma_wait3A_153 = tpu.memref_slice %arg2[%dma_wait3A_151, %dma_wait3A_152] : memref<10000x64xf32, #tpu.memory_space<hbm>> -> memref<10000x64xf32, #tpu.memory_space<hbm>>
        tpu.wait_indirect_dma semaphore(%arg19 : memref<!tpu.dma_semaphore, #tpu.memory_space<semaphore_mem>>) src(%dma_wait3A_153 : memref<10000x64xf32, #tpu.memory_space<hbm>>) dst(%arg14 : memref<128x64xf32, #tpu.memory_space<vmem>>)
        %add3A_154 = arith.constant 3 : i32
        %add3A_155 = arith.addi %add3A_97, %add3A_154 : i32
        %dma_start3A_156 = arith.constant 0 : i32
        %dma_start3A_157 = tpu.memref_slice %arg10[%add3A_155, %dma_start3A_156] : memref<124x128xi32, #tpu.memory_space<vmem>> -> memref<1x128xi32, #tpu.memory_space<vmem>>
        %dma_start3A_158 = tpu.memref_squeeze %dma_start3A_157 : memref<1x128xi32, #tpu.memory_space<vmem>> -> memref<128xi32, #tpu.memory_space<vmem>>
        %dma_start3A_159 = arith.constant 0 : i32
        %dma_start3A_160 = arith.constant 0 : i32
        %dma_start3A_161 = tpu.memref_slice %arg15[%dma_start3A_159, %dma_start3A_160] : memref<10240x64xf32, #tpu.memory_space<vmem_shared>> -> memref<10240x64xf32, #tpu.memory_space<vmem_shared>>
        tpu.enqueue_indirect_dma source(%arg14 : memref<128x64xf32, #tpu.memory_space<vmem>>) target(%dma_start3A_161 : memref<10240x64xf32, #tpu.memory_space<vmem_shared>>) offsets(%dma_start3A_158 : memref<128xi32, #tpu.memory_space<vmem>>) semaphore(%arg23 : memref<!tpu.dma_semaphore, #tpu.memory_space<semaphore_mem>>) {add = true}
        %lt3A = arith.constant 120 : i32
        %lt3A_162 = arith.cmpi slt, %add3A_97, %lt3A : i32
        %convert_element_type3A_163 = arith.extui %lt3A_162 : i1 to i32
        %cond3A_164 = arith.constant 0 : i32
        %cond3A_165 = arith.cmpi ne, %convert_element_type3A_163, %cond3A_164 : i32
        scf.if %cond3A_165 {
          %add3A_166 = arith.constant 0 : i32
          %add3A_167 = arith.addi %add3A_97, %add3A_166 : i32
          %dma_wait3A_168 = arith.constant 0 : i32
          %dma_wait3A_169 = tpu.memref_slice %arg10[%add3A_167, %dma_wait3A_168] : memref<124x128xi32, #tpu.memory_space<vmem>> -> memref<1x128xi32, #tpu.memory_space<vmem>>
          %dma_wait3A_170 = tpu.memref_squeeze %dma_wait3A_169 : memref<1x128xi32, #tpu.memory_space<vmem>> -> memref<128xi32, #tpu.memory_space<vmem>>
          %dma_wait3A_171 = arith.constant 0 : i32
          %dma_wait3A_172 = arith.constant 0 : i32
          %dma_wait3A_173 = tpu.memref_slice %arg15[%dma_wait3A_171, %dma_wait3A_172] : memref<10240x64xf32, #tpu.memory_space<vmem_shared>> -> memref<10240x64xf32, #tpu.memory_space<vmem_shared>>
          tpu.wait_indirect_dma semaphore(%arg20 : memref<!tpu.dma_semaphore, #tpu.memory_space<semaphore_mem>>) src(%arg11 : memref<128x64xf32, #tpu.memory_space<vmem>>) dst(%dma_wait3A_173 : memref<10240x64xf32, #tpu.memory_space<vmem_shared>>)
          %add3A_174 = arith.constant 4 : i32
          %add3A_175 = arith.addi %add3A_97, %add3A_174 : i32
          %add3A_176 = arith.constant 0 : i32
          %add3A_177 = arith.addi %add3A_175, %add3A_176 : i32
          %dma_start3A_178 = arith.constant 0 : i32
          %dma_start3A_179 = tpu.memref_slice %arg9[%add3A_177, %dma_start3A_178] : memref<124x128xi32, #tpu.memory_space<vmem>> -> memref<1x128xi32, #tpu.memory_space<vmem>>
          %dma_start3A_180 = tpu.memref_squeeze %dma_start3A_179 : memref<1x128xi32, #tpu.memory_space<vmem>> -> memref<128xi32, #tpu.memory_space<vmem>>
          %dma_start3A_181 = arith.constant 0 : i32
          %dma_start3A_182 = arith.constant 0 : i32
          %dma_start3A_183 = tpu.memref_slice %arg2[%dma_start3A_181, %dma_start3A_182] : memref<10000x64xf32, #tpu.memory_space<hbm>> -> memref<10000x64xf32, #tpu.memory_space<hbm>>
          tpu.enqueue_indirect_dma source(%dma_start3A_183 : memref<10000x64xf32, #tpu.memory_space<hbm>>) target(%arg11 : memref<128x64xf32, #tpu.memory_space<vmem>>) offsets(%dma_start3A_180 : memref<128xi32, #tpu.memory_space<vmem>>) semaphore(%arg16 : memref<!tpu.dma_semaphore, #tpu.memory_space<semaphore_mem>>)
          %add3A_184 = arith.constant 1 : i32
          %add3A_185 = arith.addi %add3A_97, %add3A_184 : i32
          %dma_wait3A_186 = arith.constant 0 : i32
          %dma_wait3A_187 = tpu.memref_slice %arg10[%add3A_185, %dma_wait3A_186] : memref<124x128xi32, #tpu.memory_space<vmem>> -> memref<1x128xi32, #tpu.memory_space<vmem>>
          %dma_wait3A_188 = tpu.memref_squeeze %dma_wait3A_187 : memref<1x128xi32, #tpu.memory_space<vmem>> -> memref<128xi32, #tpu.memory_space<vmem>>
          %dma_wait3A_189 = arith.constant 0 : i32
          %dma_wait3A_190 = arith.constant 0 : i32
          %dma_wait3A_191 = tpu.memref_slice %arg15[%dma_wait3A_189, %dma_wait3A_190] : memref<10240x64xf32, #tpu.memory_space<vmem_shared>> -> memref<10240x64xf32, #tpu.memory_space<vmem_shared>>
          tpu.wait_indirect_dma semaphore(%arg21 : memref<!tpu.dma_semaphore, #tpu.memory_space<semaphore_mem>>) src(%arg12 : memref<128x64xf32, #tpu.memory_space<vmem>>) dst(%dma_wait3A_191 : memref<10240x64xf32, #tpu.memory_space<vmem_shared>>)
          %add3A_192 = arith.constant 4 : i32
          %add3A_193 = arith.addi %add3A_97, %add3A_192 : i32
          %add3A_194 = arith.constant 1 : i32
          %add3A_195 = arith.addi %add3A_193, %add3A_194 : i32
          %dma_start3A_196 = arith.constant 0 : i32
          %dma_start3A_197 = tpu.memref_slice %arg9[%add3A_195, %dma_start3A_196] : memref<124x128xi32, #tpu.memory_space<vmem>> -> memref<1x128xi32, #tpu.memory_space<vmem>>
          %dma_start3A_198 = tpu.memref_squeeze %dma_start3A_197 : memref<1x128xi32, #tpu.memory_space<vmem>> -> memref<128xi32, #tpu.memory_space<vmem>>
          %dma_start3A_199 = arith.constant 0 : i32
          %dma_start3A_200 = arith.constant 0 : i32
          %dma_start3A_201 = tpu.memref_slice %arg2[%dma_start3A_199, %dma_start3A_200] : memref<10000x64xf32, #tpu.memory_space<hbm>> -> memref<10000x64xf32, #tpu.memory_space<hbm>>
          tpu.enqueue_indirect_dma source(%dma_start3A_201 : memref<10000x64xf32, #tpu.memory_space<hbm>>) target(%arg12 : memref<128x64xf32, #tpu.memory_space<vmem>>) offsets(%dma_start3A_198 : memref<128xi32, #tpu.memory_space<vmem>>) semaphore(%arg17 : memref<!tpu.dma_semaphore, #tpu.memory_space<semaphore_mem>>)
          %add3A_202 = arith.constant 2 : i32
          %add3A_203 = arith.addi %add3A_97, %add3A_202 : i32
          %dma_wait3A_204 = arith.constant 0 : i32
          %dma_wait3A_205 = tpu.memref_slice %arg10[%add3A_203, %dma_wait3A_204] : memref<124x128xi32, #tpu.memory_space<vmem>> -> memref<1x128xi32, #tpu.memory_space<vmem>>
          %dma_wait3A_206 = tpu.memref_squeeze %dma_wait3A_205 : memref<1x128xi32, #tpu.memory_space<vmem>> -> memref<128xi32, #tpu.memory_space<vmem>>
          %dma_wait3A_207 = arith.constant 0 : i32
          %dma_wait3A_208 = arith.constant 0 : i32
          %dma_wait3A_209 = tpu.memref_slice %arg15[%dma_wait3A_207, %dma_wait3A_208] : memref<10240x64xf32, #tpu.memory_space<vmem_shared>> -> memref<10240x64xf32, #tpu.memory_space<vmem_shared>>
          tpu.wait_indirect_dma semaphore(%arg22 : memref<!tpu.dma_semaphore, #tpu.memory_space<semaphore_mem>>) src(%arg13 : memref<128x64xf32, #tpu.memory_space<vmem>>) dst(%dma_wait3A_209 : memref<10240x64xf32, #tpu.memory_space<vmem_shared>>)
          %add3A_210 = arith.constant 4 : i32
          %add3A_211 = arith.addi %add3A_97, %add3A_210 : i32
          %add3A_212 = arith.constant 2 : i32
          %add3A_213 = arith.addi %add3A_211, %add3A_212 : i32
          %dma_start3A_214 = arith.constant 0 : i32
          %dma_start3A_215 = tpu.memref_slice %arg9[%add3A_213, %dma_start3A_214] : memref<124x128xi32, #tpu.memory_space<vmem>> -> memref<1x128xi32, #tpu.memory_space<vmem>>
          %dma_start3A_216 = tpu.memref_squeeze %dma_start3A_215 : memref<1x128xi32, #tpu.memory_space<vmem>> -> memref<128xi32, #tpu.memory_space<vmem>>
          %dma_start3A_217 = arith.constant 0 : i32
          %dma_start3A_218 = arith.constant 0 : i32
          %dma_start3A_219 = tpu.memref_slice %arg2[%dma_start3A_217, %dma_start3A_218] : memref<10000x64xf32, #tpu.memory_space<hbm>> -> memref<10000x64xf32, #tpu.memory_space<hbm>>
          tpu.enqueue_indirect_dma source(%dma_start3A_219 : memref<10000x64xf32, #tpu.memory_space<hbm>>) target(%arg13 : memref<128x64xf32, #tpu.memory_space<vmem>>) offsets(%dma_start3A_216 : memref<128xi32, #tpu.memory_space<vmem>>) semaphore(%arg18 : memref<!tpu.dma_semaphore, #tpu.memory_space<semaphore_mem>>)
          %add3A_220 = arith.constant 3 : i32
          %add3A_221 = arith.addi %add3A_97, %add3A_220 : i32
          %dma_wait3A_222 = arith.constant 0 : i32
          %dma_wait3A_223 = tpu.memref_slice %arg10[%add3A_221, %dma_wait3A_222] : memref<124x128xi32, #tpu.memory_space<vmem>> -> memref<1x128xi32, #tpu.memory_space<vmem>>
          %dma_wait3A_224 = tpu.memref_squeeze %dma_wait3A_223 : memref<1x128xi32, #tpu.memory_space<vmem>> -> memref<128xi32, #tpu.memory_space<vmem>>
          %dma_wait3A_225 = arith.constant 0 : i32
          %dma_wait3A_226 = arith.constant 0 : i32
          %dma_wait3A_227 = tpu.memref_slice %arg15[%dma_wait3A_225, %dma_wait3A_226] : memref<10240x64xf32, #tpu.memory_space<vmem_shared>> -> memref<10240x64xf32, #tpu.memory_space<vmem_shared>>
          tpu.wait_indirect_dma semaphore(%arg23 : memref<!tpu.dma_semaphore, #tpu.memory_space<semaphore_mem>>) src(%arg14 : memref<128x64xf32, #tpu.memory_space<vmem>>) dst(%dma_wait3A_227 : memref<10240x64xf32, #tpu.memory_space<vmem_shared>>)
          %add3A_228 = arith.constant 4 : i32
          %add3A_229 = arith.addi %add3A_97, %add3A_228 : i32
          %add3A_230 = arith.constant 3 : i32
          %add3A_231 = arith.addi %add3A_229, %add3A_230 : i32
          %dma_start3A_232 = arith.constant 0 : i32
          %dma_start3A_233 = tpu.memref_slice %arg9[%add3A_231, %dma_start3A_232] : memref<124x128xi32, #tpu.memory_space<vmem>> -> memref<1x128xi32, #tpu.memory_space<vmem>>
          %dma_start3A_234 = tpu.memref_squeeze %dma_start3A_233 : memref<1x128xi32, #tpu.memory_space<vmem>> -> memref<128xi32, #tpu.memory_space<vmem>>
          %dma_start3A_235 = arith.constant 0 : i32
          %dma_start3A_236 = arith.constant 0 : i32
          %dma_start3A_237 = tpu.memref_slice %arg2[%dma_start3A_235, %dma_start3A_236] : memref<10000x64xf32, #tpu.memory_space<hbm>> -> memref<10000x64xf32, #tpu.memory_space<hbm>>
          tpu.enqueue_indirect_dma source(%dma_start3A_237 : memref<10000x64xf32, #tpu.memory_space<hbm>>) target(%arg14 : memref<128x64xf32, #tpu.memory_space<vmem>>) offsets(%dma_start3A_234 : memref<128xi32, #tpu.memory_space<vmem>>) semaphore(%arg19 : memref<!tpu.dma_semaphore, #tpu.memory_space<semaphore_mem>>)
        } else {
        }
      }
      %scan3A_65 = arith.constant 31 : i32
      %dma_wait3A = arith.constant 120 : i32
      %dma_wait3A_66 = arith.constant 0 : i32
      %dma_wait3A_67 = tpu.memref_slice %arg10[%dma_wait3A, %dma_wait3A_66] : memref<124x128xi32, #tpu.memory_space<vmem>> -> memref<1x128xi32, #tpu.memory_space<vmem>>
      %dma_wait3A_68 = tpu.memref_squeeze %dma_wait3A_67 : memref<1x128xi32, #tpu.memory_space<vmem>> -> memref<128xi32, #tpu.memory_space<vmem>>
      %dma_wait3A_69 = arith.constant 0 : i32
      %dma_wait3A_70 = arith.constant 0 : i32
      %dma_wait3A_71 = tpu.memref_slice %arg15[%dma_wait3A_69, %dma_wait3A_70] : memref<10240x64xf32, #tpu.memory_space<vmem_shared>> -> memref<10240x64xf32, #tpu.memory_space<vmem_shared>>
      tpu.wait_indirect_dma semaphore(%arg20 : memref<!tpu.dma_semaphore, #tpu.memory_space<semaphore_mem>>) src(%arg11 : memref<128x64xf32, #tpu.memory_space<vmem>>) dst(%dma_wait3A_71 : memref<10240x64xf32, #tpu.memory_space<vmem_shared>>)
      %dma_wait3A_72 = arith.constant 121 : i32
      %dma_wait3A_73 = arith.constant 0 : i32
      %dma_wait3A_74 = tpu.memref_slice %arg10[%dma_wait3A_72, %dma_wait3A_73] : memref<124x128xi32, #tpu.memory_space<vmem>> -> memref<1x128xi32, #tpu.memory_space<vmem>>
      %dma_wait3A_75 = tpu.memref_squeeze %dma_wait3A_74 : memref<1x128xi32, #tpu.memory_space<vmem>> -> memref<128xi32, #tpu.memory_space<vmem>>
      %dma_wait3A_76 = arith.constant 0 : i32
      %dma_wait3A_77 = arith.constant 0 : i32
      %dma_wait3A_78 = tpu.memref_slice %arg15[%dma_wait3A_76, %dma_wait3A_77] : memref<10240x64xf32, #tpu.memory_space<vmem_shared>> -> memref<10240x64xf32, #tpu.memory_space<vmem_shared>>
      tpu.wait_indirect_dma semaphore(%arg21 : memref<!tpu.dma_semaphore, #tpu.memory_space<semaphore_mem>>) src(%arg12 : memref<128x64xf32, #tpu.memory_space<vmem>>) dst(%dma_wait3A_78 : memref<10240x64xf32, #tpu.memory_space<vmem_shared>>)
      %dma_wait3A_79 = arith.constant 122 : i32
      %dma_wait3A_80 = arith.constant 0 : i32
      %dma_wait3A_81 = tpu.memref_slice %arg10[%dma_wait3A_79, %dma_wait3A_80] : memref<124x128xi32, #tpu.memory_space<vmem>> -> memref<1x128xi32, #tpu.memory_space<vmem>>
      %dma_wait3A_82 = tpu.memref_squeeze %dma_wait3A_81 : memref<1x128xi32, #tpu.memory_space<vmem>> -> memref<128xi32, #tpu.memory_space<vmem>>
      %dma_wait3A_83 = arith.constant 0 : i32
      %dma_wait3A_84 = arith.constant 0 : i32
      %dma_wait3A_85 = tpu.memref_slice %arg15[%dma_wait3A_83, %dma_wait3A_84] : memref<10240x64xf32, #tpu.memory_space<vmem_shared>> -> memref<10240x64xf32, #tpu.memory_space<vmem_shared>>
      tpu.wait_indirect_dma semaphore(%arg22 : memref<!tpu.dma_semaphore, #tpu.memory_space<semaphore_mem>>) src(%arg13 : memref<128x64xf32, #tpu.memory_space<vmem>>) dst(%dma_wait3A_85 : memref<10240x64xf32, #tpu.memory_space<vmem_shared>>)
      %dma_wait3A_86 = arith.constant 123 : i32
      %dma_wait3A_87 = arith.constant 0 : i32
      %dma_wait3A_88 = tpu.memref_slice %arg10[%dma_wait3A_86, %dma_wait3A_87] : memref<124x128xi32, #tpu.memory_space<vmem>> -> memref<1x128xi32, #tpu.memory_space<vmem>>
      %dma_wait3A_89 = tpu.memref_squeeze %dma_wait3A_88 : memref<1x128xi32, #tpu.memory_space<vmem>> -> memref<128xi32, #tpu.memory_space<vmem>>
      %dma_wait3A_90 = arith.constant 0 : i32
      %dma_wait3A_91 = arith.constant 0 : i32
      %dma_wait3A_92 = tpu.memref_slice %arg15[%dma_wait3A_90, %dma_wait3A_91] : memref<10240x64xf32, #tpu.memory_space<vmem_shared>> -> memref<10240x64xf32, #tpu.memory_space<vmem_shared>>
      tpu.wait_indirect_dma semaphore(%arg23 : memref<!tpu.dma_semaphore, #tpu.memory_space<semaphore_mem>>) src(%arg14 : memref<128x64xf32, #tpu.memory_space<vmem>>) dst(%dma_wait3A_92 : memref<10240x64xf32, #tpu.memory_space<vmem_shared>>)
    } else {
    }
    %eq3A_7 = arith.constant 1 : i32
    %eq3A_8 = arith.cmpi eq, %arg0, %eq3A_7 : i32
    %convert_element_type3A_9 = arith.extui %eq3A_8 : i1 to i32
    %cond3A_10 = arith.constant 0 : i32
    %cond3A_11 = arith.cmpi ne, %convert_element_type3A_9, %cond3A_10 : i32
    scf.if %cond3A_11 {
      %dma_start3A = arith.constant 88 : i32
      %dma_start3A_35 = arith.constant 0 : i32
      %dma_start3A_36 = tpu.memref_slice %arg9[%dma_start3A, %dma_start3A_35] : memref<124x128xi32, #tpu.memory_space<vmem>> -> memref<1x128xi32, #tpu.memory_space<vmem>>
      %dma_start3A_37 = tpu.memref_squeeze %dma_start3A_36 : memref<1x128xi32, #tpu.memory_space<vmem>> -> memref<128xi32, #tpu.memory_space<vmem>>
      %dma_start3A_38 = arith.constant 0 : i32
      %dma_start3A_39 = arith.constant 0 : i32
      %dma_start3A_40 = tpu.memref_slice %arg2[%dma_start3A_38, %dma_start3A_39] : memref<10000x64xf32, #tpu.memory_space<hbm>> -> memref<10000x64xf32, #tpu.memory_space<hbm>>
      tpu.enqueue_indirect_dma source(%dma_start3A_40 : memref<10000x64xf32, #tpu.memory_space<hbm>>) target(%arg11 : memref<128x64xf32, #tpu.memory_space<vmem>>) offsets(%dma_start3A_37 : memref<128xi32, #tpu.memory_space<vmem>>) semaphore(%arg16 : memref<!tpu.dma_semaphore, #tpu.memory_space<semaphore_mem>>)
      %dma_start3A_41 = arith.constant 89 : i32
      %dma_start3A_42 = arith.constant 0 : i32
      %dma_start3A_43 = tpu.memref_slice %arg9[%dma_start3A_41, %dma_start3A_42] : memref<124x128xi32, #tpu.memory_space<vmem>> -> memref<1x128xi32, #tpu.memory_space<vmem>>
      %dma_start3A_44 = tpu.memref_squeeze %dma_start3A_43 : memref<1x128xi32, #tpu.memory_space<vmem>> -> memref<128xi32, #tpu.memory_space<vmem>>
      %dma_start3A_45 = arith.constant 0 : i32
      %dma_start3A_46 = arith.constant 0 : i32
      %dma_start3A_47 = tpu.memref_slice %arg2[%dma_start3A_45, %dma_start3A_46] : memref<10000x64xf32, #tpu.memory_space<hbm>> -> memref<10000x64xf32, #tpu.memory_space<hbm>>
      tpu.enqueue_indirect_dma source(%dma_start3A_47 : memref<10000x64xf32, #tpu.memory_space<hbm>>) target(%arg12 : memref<128x64xf32, #tpu.memory_space<vmem>>) offsets(%dma_start3A_44 : memref<128xi32, #tpu.memory_space<vmem>>) semaphore(%arg17 : memref<!tpu.dma_semaphore, #tpu.memory_space<semaphore_mem>>)
      %dma_start3A_48 = arith.constant 90 : i32
      %dma_start3A_49 = arith.constant 0 : i32
      %dma_start3A_50 = tpu.memref_slice %arg9[%dma_start3A_48, %dma_start3A_49] : memref<124x128xi32, #tpu.memory_space<vmem>> -> memref<1x128xi32, #tpu.memory_space<vmem>>
      %dma_start3A_51 = tpu.memref_squeeze %dma_start3A_50 : memref<1x128xi32, #tpu.memory_space<vmem>> -> memref<128xi32, #tpu.memory_space<vmem>>
      %dma_start3A_52 = arith.constant 0 : i32
      %dma_start3A_53 = arith.constant 0 : i32
      %dma_start3A_54 = tpu.memref_slice %arg2[%dma_start3A_52, %dma_start3A_53] : memref<10000x64xf32, #tpu.memory_space<hbm>> -> memref<10000x64xf32, #tpu.memory_space<hbm>>
      tpu.enqueue_indirect_dma source(%dma_start3A_54 : memref<10000x64xf32, #tpu.memory_space<hbm>>) target(%arg13 : memref<128x64xf32, #tpu.memory_space<vmem>>) offsets(%dma_start3A_51 : memref<128xi32, #tpu.memory_space<vmem>>) semaphore(%arg18 : memref<!tpu.dma_semaphore, #tpu.memory_space<semaphore_mem>>)
      %dma_start3A_55 = arith.constant 91 : i32
      %dma_start3A_56 = arith.constant 0 : i32
      %dma_start3A_57 = tpu.memref_slice %arg9[%dma_start3A_55, %dma_start3A_56] : memref<124x128xi32, #tpu.memory_space<vmem>> -> memref<1x128xi32, #tpu.memory_space<vmem>>
      %dma_start3A_58 = tpu.memref_squeeze %dma_start3A_57 : memref<1x128xi32, #tpu.memory_space<vmem>> -> memref<128xi32, #tpu.memory_space<vmem>>
      %dma_start3A_59 = arith.constant 0 : i32
      %dma_start3A_60 = arith.constant 0 : i32
      %dma_start3A_61 = tpu.memref_slice %arg2[%dma_start3A_59, %dma_start3A_60] : memref<10000x64xf32, #tpu.memory_space<hbm>> -> memref<10000x64xf32, #tpu.memory_space<hbm>>
      tpu.enqueue_indirect_dma source(%dma_start3A_61 : memref<10000x64xf32, #tpu.memory_space<hbm>>) target(%arg14 : memref<128x64xf32, #tpu.memory_space<vmem>>) offsets(%dma_start3A_58 : memref<128xi32, #tpu.memory_space<vmem>>) semaphore(%arg19 : memref<!tpu.dma_semaphore, #tpu.memory_space<semaphore_mem>>)
      %scan3A = arith.constant 0 : i32
      %scan3A_62 = arith.constant 9 : i32
      %scan3A_63 = arith.addi %scan3A, %scan3A_62 : i32
      %scan3A_64 = arith.constant 1 : i32
      scf.for %scan3A_93 = %scan3A to %scan3A_63 step %scan3A_64  : i32 {
        %mul3A_94 = arith.constant 4 : i32
        %mul3A_95 = arith.muli %scan3A_93, %mul3A_94 : i32
        %add3A_96 = arith.constant 88 : i32
        %add3A_97 = arith.addi %add3A_96, %mul3A_95 : i32
        %add3A_98 = arith.constant 0 : i32
        %add3A_99 = arith.addi %add3A_97, %add3A_98 : i32
        %dma_wait3A_100 = arith.constant 0 : i32
        %dma_wait3A_101 = tpu.memref_slice %arg9[%add3A_99, %dma_wait3A_100] : memref<124x128xi32, #tpu.memory_space<vmem>> -> memref<1x128xi32, #tpu.memory_space<vmem>>
        %dma_wait3A_102 = tpu.memref_squeeze %dma_wait3A_101 : memref<1x128xi32, #tpu.memory_space<vmem>> -> memref<128xi32, #tpu.memory_space<vmem>>
        %dma_wait3A_103 = arith.constant 0 : i32
        %dma_wait3A_104 = arith.constant 0 : i32
        %dma_wait3A_105 = tpu.memref_slice %arg2[%dma_wait3A_103, %dma_wait3A_104] : memref<10000x64xf32, #tpu.memory_space<hbm>> -> memref<10000x64xf32, #tpu.memory_space<hbm>>
        tpu.wait_indirect_dma semaphore(%arg16 : memref<!tpu.dma_semaphore, #tpu.memory_space<semaphore_mem>>) src(%dma_wait3A_105 : memref<10000x64xf32, #tpu.memory_space<hbm>>) dst(%arg11 : memref<128x64xf32, #tpu.memory_space<vmem>>)
        %add3A_106 = arith.constant 0 : i32
        %add3A_107 = arith.addi %add3A_97, %add3A_106 : i32
        %dma_start3A_108 = arith.constant 0 : i32
        %dma_start3A_109 = tpu.memref_slice %arg10[%add3A_107, %dma_start3A_108] : memref<124x128xi32, #tpu.memory_space<vmem>> -> memref<1x128xi32, #tpu.memory_space<vmem>>
        %dma_start3A_110 = tpu.memref_squeeze %dma_start3A_109 : memref<1x128xi32, #tpu.memory_space<vmem>> -> memref<128xi32, #tpu.memory_space<vmem>>
        %dma_start3A_111 = arith.constant 0 : i32
        %dma_start3A_112 = arith.constant 0 : i32
        %dma_start3A_113 = tpu.memref_slice %arg15[%dma_start3A_111, %dma_start3A_112] : memref<10240x64xf32, #tpu.memory_space<vmem_shared>> -> memref<10240x64xf32, #tpu.memory_space<vmem_shared>>
        tpu.enqueue_indirect_dma source(%arg11 : memref<128x64xf32, #tpu.memory_space<vmem>>) target(%dma_start3A_113 : memref<10240x64xf32, #tpu.memory_space<vmem_shared>>) offsets(%dma_start3A_110 : memref<128xi32, #tpu.memory_space<vmem>>) semaphore(%arg20 : memref<!tpu.dma_semaphore, #tpu.memory_space<semaphore_mem>>) {add = true}
        %add3A_114 = arith.constant 1 : i32
        %add3A_115 = arith.addi %add3A_97, %add3A_114 : i32
        %dma_wait3A_116 = arith.constant 0 : i32
        %dma_wait3A_117 = tpu.memref_slice %arg9[%add3A_115, %dma_wait3A_116] : memref<124x128xi32, #tpu.memory_space<vmem>> -> memref<1x128xi32, #tpu.memory_space<vmem>>
        %dma_wait3A_118 = tpu.memref_squeeze %dma_wait3A_117 : memref<1x128xi32, #tpu.memory_space<vmem>> -> memref<128xi32, #tpu.memory_space<vmem>>
        %dma_wait3A_119 = arith.constant 0 : i32
        %dma_wait3A_120 = arith.constant 0 : i32
        %dma_wait3A_121 = tpu.memref_slice %arg2[%dma_wait3A_119, %dma_wait3A_120] : memref<10000x64xf32, #tpu.memory_space<hbm>> -> memref<10000x64xf32, #tpu.memory_space<hbm>>
        tpu.wait_indirect_dma semaphore(%arg17 : memref<!tpu.dma_semaphore, #tpu.memory_space<semaphore_mem>>) src(%dma_wait3A_121 : memref<10000x64xf32, #tpu.memory_space<hbm>>) dst(%arg12 : memref<128x64xf32, #tpu.memory_space<vmem>>)
        %add3A_122 = arith.constant 1 : i32
        %add3A_123 = arith.addi %add3A_97, %add3A_122 : i32
        %dma_start3A_124 = arith.constant 0 : i32
        %dma_start3A_125 = tpu.memref_slice %arg10[%add3A_123, %dma_start3A_124] : memref<124x128xi32, #tpu.memory_space<vmem>> -> memref<1x128xi32, #tpu.memory_space<vmem>>
        %dma_start3A_126 = tpu.memref_squeeze %dma_start3A_125 : memref<1x128xi32, #tpu.memory_space<vmem>> -> memref<128xi32, #tpu.memory_space<vmem>>
        %dma_start3A_127 = arith.constant 0 : i32
        %dma_start3A_128 = arith.constant 0 : i32
        %dma_start3A_129 = tpu.memref_slice %arg15[%dma_start3A_127, %dma_start3A_128] : memref<10240x64xf32, #tpu.memory_space<vmem_shared>> -> memref<10240x64xf32, #tpu.memory_space<vmem_shared>>
        tpu.enqueue_indirect_dma source(%arg12 : memref<128x64xf32, #tpu.memory_space<vmem>>) target(%dma_start3A_129 : memref<10240x64xf32, #tpu.memory_space<vmem_shared>>) offsets(%dma_start3A_126 : memref<128xi32, #tpu.memory_space<vmem>>) semaphore(%arg21 : memref<!tpu.dma_semaphore, #tpu.memory_space<semaphore_mem>>) {add = true}
        %add3A_130 = arith.constant 2 : i32
        %add3A_131 = arith.addi %add3A_97, %add3A_130 : i32
        %dma_wait3A_132 = arith.constant 0 : i32
        %dma_wait3A_133 = tpu.memref_slice %arg9[%add3A_131, %dma_wait3A_132] : memref<124x128xi32, #tpu.memory_space<vmem>> -> memref<1x128xi32, #tpu.memory_space<vmem>>
        %dma_wait3A_134 = tpu.memref_squeeze %dma_wait3A_133 : memref<1x128xi32, #tpu.memory_space<vmem>> -> memref<128xi32, #tpu.memory_space<vmem>>
        %dma_wait3A_135 = arith.constant 0 : i32
        %dma_wait3A_136 = arith.constant 0 : i32
        %dma_wait3A_137 = tpu.memref_slice %arg2[%dma_wait3A_135, %dma_wait3A_136] : memref<10000x64xf32, #tpu.memory_space<hbm>> -> memref<10000x64xf32, #tpu.memory_space<hbm>>
        tpu.wait_indirect_dma semaphore(%arg18 : memref<!tpu.dma_semaphore, #tpu.memory_space<semaphore_mem>>) src(%dma_wait3A_137 : memref<10000x64xf32, #tpu.memory_space<hbm>>) dst(%arg13 : memref<128x64xf32, #tpu.memory_space<vmem>>)
        %add3A_138 = arith.constant 2 : i32
        %add3A_139 = arith.addi %add3A_97, %add3A_138 : i32
        %dma_start3A_140 = arith.constant 0 : i32
        %dma_start3A_141 = tpu.memref_slice %arg10[%add3A_139, %dma_start3A_140] : memref<124x128xi32, #tpu.memory_space<vmem>> -> memref<1x128xi32, #tpu.memory_space<vmem>>
        %dma_start3A_142 = tpu.memref_squeeze %dma_start3A_141 : memref<1x128xi32, #tpu.memory_space<vmem>> -> memref<128xi32, #tpu.memory_space<vmem>>
        %dma_start3A_143 = arith.constant 0 : i32
        %dma_start3A_144 = arith.constant 0 : i32
        %dma_start3A_145 = tpu.memref_slice %arg15[%dma_start3A_143, %dma_start3A_144] : memref<10240x64xf32, #tpu.memory_space<vmem_shared>> -> memref<10240x64xf32, #tpu.memory_space<vmem_shared>>
        tpu.enqueue_indirect_dma source(%arg13 : memref<128x64xf32, #tpu.memory_space<vmem>>) target(%dma_start3A_145 : memref<10240x64xf32, #tpu.memory_space<vmem_shared>>) offsets(%dma_start3A_142 : memref<128xi32, #tpu.memory_space<vmem>>) semaphore(%arg22 : memref<!tpu.dma_semaphore, #tpu.memory_space<semaphore_mem>>) {add = true}
        %add3A_146 = arith.constant 3 : i32
        %add3A_147 = arith.addi %add3A_97, %add3A_146 : i32
        %dma_wait3A_148 = arith.constant 0 : i32
        %dma_wait3A_149 = tpu.memref_slice %arg9[%add3A_147, %dma_wait3A_148] : memref<124x128xi32, #tpu.memory_space<vmem>> -> memref<1x128xi32, #tpu.memory_space<vmem>>
        %dma_wait3A_150 = tpu.memref_squeeze %dma_wait3A_149 : memref<1x128xi32, #tpu.memory_space<vmem>> -> memref<128xi32, #tpu.memory_space<vmem>>
        %dma_wait3A_151 = arith.constant 0 : i32
        %dma_wait3A_152 = arith.constant 0 : i32
        %dma_wait3A_153 = tpu.memref_slice %arg2[%dma_wait3A_151, %dma_wait3A_152] : memref<10000x64xf32, #tpu.memory_space<hbm>> -> memref<10000x64xf32, #tpu.memory_space<hbm>>
        tpu.wait_indirect_dma semaphore(%arg19 : memref<!tpu.dma_semaphore, #tpu.memory_space<semaphore_mem>>) src(%dma_wait3A_153 : memref<10000x64xf32, #tpu.memory_space<hbm>>) dst(%arg14 : memref<128x64xf32, #tpu.memory_space<vmem>>)
        %add3A_154 = arith.constant 3 : i32
        %add3A_155 = arith.addi %add3A_97, %add3A_154 : i32
        %dma_start3A_156 = arith.constant 0 : i32
        %dma_start3A_157 = tpu.memref_slice %arg10[%add3A_155, %dma_start3A_156] : memref<124x128xi32, #tpu.memory_space<vmem>> -> memref<1x128xi32, #tpu.memory_space<vmem>>
        %dma_start3A_158 = tpu.memref_squeeze %dma_start3A_157 : memref<1x128xi32, #tpu.memory_space<vmem>> -> memref<128xi32, #tpu.memory_space<vmem>>
        %dma_start3A_159 = arith.constant 0 : i32
        %dma_start3A_160 = arith.constant 0 : i32
        %dma_start3A_161 = tpu.memref_slice %arg15[%dma_start3A_159, %dma_start3A_160] : memref<10240x64xf32, #tpu.memory_space<vmem_shared>> -> memref<10240x64xf32, #tpu.memory_space<vmem_shared>>
        tpu.enqueue_indirect_dma source(%arg14 : memref<128x64xf32, #tpu.memory_space<vmem>>) target(%dma_start3A_161 : memref<10240x64xf32, #tpu.memory_space<vmem_shared>>) offsets(%dma_start3A_158 : memref<128xi32, #tpu.memory_space<vmem>>) semaphore(%arg23 : memref<!tpu.dma_semaphore, #tpu.memory_space<semaphore_mem>>) {add = true}
        %lt3A = arith.constant 120 : i32
        %lt3A_162 = arith.cmpi slt, %add3A_97, %lt3A : i32
        %convert_element_type3A_163 = arith.extui %lt3A_162 : i1 to i32
        %cond3A_164 = arith.constant 0 : i32
        %cond3A_165 = arith.cmpi ne, %convert_element_type3A_163, %cond3A_164 : i32
        scf.if %cond3A_165 {
          %add3A_166 = arith.constant 0 : i32
          %add3A_167 = arith.addi %add3A_97, %add3A_166 : i32
          %dma_wait3A_168 = arith.constant 0 : i32
          %dma_wait3A_169 = tpu.memref_slice %arg10[%add3A_167, %dma_wait3A_168] : memref<124x128xi32, #tpu.memory_space<vmem>> -> memref<1x128xi32, #tpu.memory_space<vmem>>
          %dma_wait3A_170 = tpu.memref_squeeze %dma_wait3A_169 : memref<1x128xi32, #tpu.memory_space<vmem>> -> memref<128xi32, #tpu.memory_space<vmem>>
          %dma_wait3A_171 = arith.constant 0 : i32
          %dma_wait3A_172 = arith.constant 0 : i32
          %dma_wait3A_173 = tpu.memref_slice %arg15[%dma_wait3A_171, %dma_wait3A_172] : memref<10240x64xf32, #tpu.memory_space<vmem_shared>> -> memref<10240x64xf32, #tpu.memory_space<vmem_shared>>
          tpu.wait_indirect_dma semaphore(%arg20 : memref<!tpu.dma_semaphore, #tpu.memory_space<semaphore_mem>>) src(%arg11 : memref<128x64xf32, #tpu.memory_space<vmem>>) dst(%dma_wait3A_173 : memref<10240x64xf32, #tpu.memory_space<vmem_shared>>)
          %add3A_174 = arith.constant 4 : i32
          %add3A_175 = arith.addi %add3A_97, %add3A_174 : i32
          %add3A_176 = arith.constant 0 : i32
          %add3A_177 = arith.addi %add3A_175, %add3A_176 : i32
          %dma_start3A_178 = arith.constant 0 : i32
          %dma_start3A_179 = tpu.memref_slice %arg9[%add3A_177, %dma_start3A_178] : memref<124x128xi32, #tpu.memory_space<vmem>> -> memref<1x128xi32, #tpu.memory_space<vmem>>
          %dma_start3A_180 = tpu.memref_squeeze %dma_start3A_179 : memref<1x128xi32, #tpu.memory_space<vmem>> -> memref<128xi32, #tpu.memory_space<vmem>>
          %dma_start3A_181 = arith.constant 0 : i32
          %dma_start3A_182 = arith.constant 0 : i32
          %dma_start3A_183 = tpu.memref_slice %arg2[%dma_start3A_181, %dma_start3A_182] : memref<10000x64xf32, #tpu.memory_space<hbm>> -> memref<10000x64xf32, #tpu.memory_space<hbm>>
          tpu.enqueue_indirect_dma source(%dma_start3A_183 : memref<10000x64xf32, #tpu.memory_space<hbm>>) target(%arg11 : memref<128x64xf32, #tpu.memory_space<vmem>>) offsets(%dma_start3A_180 : memref<128xi32, #tpu.memory_space<vmem>>) semaphore(%arg16 : memref<!tpu.dma_semaphore, #tpu.memory_space<semaphore_mem>>)
          %add3A_184 = arith.constant 1 : i32
          %add3A_185 = arith.addi %add3A_97, %add3A_184 : i32
          %dma_wait3A_186 = arith.constant 0 : i32
          %dma_wait3A_187 = tpu.memref_slice %arg10[%add3A_185, %dma_wait3A_186] : memref<124x128xi32, #tpu.memory_space<vmem>> -> memref<1x128xi32, #tpu.memory_space<vmem>>
          %dma_wait3A_188 = tpu.memref_squeeze %dma_wait3A_187 : memref<1x128xi32, #tpu.memory_space<vmem>> -> memref<128xi32, #tpu.memory_space<vmem>>
          %dma_wait3A_189 = arith.constant 0 : i32
          %dma_wait3A_190 = arith.constant 0 : i32
          %dma_wait3A_191 = tpu.memref_slice %arg15[%dma_wait3A_189, %dma_wait3A_190] : memref<10240x64xf32, #tpu.memory_space<vmem_shared>> -> memref<10240x64xf32, #tpu.memory_space<vmem_shared>>
          tpu.wait_indirect_dma semaphore(%arg21 : memref<!tpu.dma_semaphore, #tpu.memory_space<semaphore_mem>>) src(%arg12 : memref<128x64xf32, #tpu.memory_space<vmem>>) dst(%dma_wait3A_191 : memref<10240x64xf32, #tpu.memory_space<vmem_shared>>)
          %add3A_192 = arith.constant 4 : i32
          %add3A_193 = arith.addi %add3A_97, %add3A_192 : i32
          %add3A_194 = arith.constant 1 : i32
          %add3A_195 = arith.addi %add3A_193, %add3A_194 : i32
          %dma_start3A_196 = arith.constant 0 : i32
          %dma_start3A_197 = tpu.memref_slice %arg9[%add3A_195, %dma_start3A_196] : memref<124x128xi32, #tpu.memory_space<vmem>> -> memref<1x128xi32, #tpu.memory_space<vmem>>
          %dma_start3A_198 = tpu.memref_squeeze %dma_start3A_197 : memref<1x128xi32, #tpu.memory_space<vmem>> -> memref<128xi32, #tpu.memory_space<vmem>>
          %dma_start3A_199 = arith.constant 0 : i32
          %dma_start3A_200 = arith.constant 0 : i32
          %dma_start3A_201 = tpu.memref_slice %arg2[%dma_start3A_199, %dma_start3A_200] : memref<10000x64xf32, #tpu.memory_space<hbm>> -> memref<10000x64xf32, #tpu.memory_space<hbm>>
          tpu.enqueue_indirect_dma source(%dma_start3A_201 : memref<10000x64xf32, #tpu.memory_space<hbm>>) target(%arg12 : memref<128x64xf32, #tpu.memory_space<vmem>>) offsets(%dma_start3A_198 : memref<128xi32, #tpu.memory_space<vmem>>) semaphore(%arg17 : memref<!tpu.dma_semaphore, #tpu.memory_space<semaphore_mem>>)
          %add3A_202 = arith.constant 2 : i32
          %add3A_203 = arith.addi %add3A_97, %add3A_202 : i32
          %dma_wait3A_204 = arith.constant 0 : i32
          %dma_wait3A_205 = tpu.memref_slice %arg10[%add3A_203, %dma_wait3A_204] : memref<124x128xi32, #tpu.memory_space<vmem>> -> memref<1x128xi32, #tpu.memory_space<vmem>>
          %dma_wait3A_206 = tpu.memref_squeeze %dma_wait3A_205 : memref<1x128xi32, #tpu.memory_space<vmem>> -> memref<128xi32, #tpu.memory_space<vmem>>
          %dma_wait3A_207 = arith.constant 0 : i32
          %dma_wait3A_208 = arith.constant 0 : i32
          %dma_wait3A_209 = tpu.memref_slice %arg15[%dma_wait3A_207, %dma_wait3A_208] : memref<10240x64xf32, #tpu.memory_space<vmem_shared>> -> memref<10240x64xf32, #tpu.memory_space<vmem_shared>>
          tpu.wait_indirect_dma semaphore(%arg22 : memref<!tpu.dma_semaphore, #tpu.memory_space<semaphore_mem>>) src(%arg13 : memref<128x64xf32, #tpu.memory_space<vmem>>) dst(%dma_wait3A_209 : memref<10240x64xf32, #tpu.memory_space<vmem_shared>>)
          %add3A_210 = arith.constant 4 : i32
          %add3A_211 = arith.addi %add3A_97, %add3A_210 : i32
          %add3A_212 = arith.constant 2 : i32
          %add3A_213 = arith.addi %add3A_211, %add3A_212 : i32
          %dma_start3A_214 = arith.constant 0 : i32
          %dma_start3A_215 = tpu.memref_slice %arg9[%add3A_213, %dma_start3A_214] : memref<124x128xi32, #tpu.memory_space<vmem>> -> memref<1x128xi32, #tpu.memory_space<vmem>>
          %dma_start3A_216 = tpu.memref_squeeze %dma_start3A_215 : memref<1x128xi32, #tpu.memory_space<vmem>> -> memref<128xi32, #tpu.memory_space<vmem>>
          %dma_start3A_217 = arith.constant 0 : i32
          %dma_start3A_218 = arith.constant 0 : i32
          %dma_start3A_219 = tpu.memref_slice %arg2[%dma_start3A_217, %dma_start3A_218] : memref<10000x64xf32, #tpu.memory_space<hbm>> -> memref<10000x64xf32, #tpu.memory_space<hbm>>
          tpu.enqueue_indirect_dma source(%dma_start3A_219 : memref<10000x64xf32, #tpu.memory_space<hbm>>) target(%arg13 : memref<128x64xf32, #tpu.memory_space<vmem>>) offsets(%dma_start3A_216 : memref<128xi32, #tpu.memory_space<vmem>>) semaphore(%arg18 : memref<!tpu.dma_semaphore, #tpu.memory_space<semaphore_mem>>)
          %add3A_220 = arith.constant 3 : i32
          %add3A_221 = arith.addi %add3A_97, %add3A_220 : i32
          %dma_wait3A_222 = arith.constant 0 : i32
          %dma_wait3A_223 = tpu.memref_slice %arg10[%add3A_221, %dma_wait3A_222] : memref<124x128xi32, #tpu.memory_space<vmem>> -> memref<1x128xi32, #tpu.memory_space<vmem>>
          %dma_wait3A_224 = tpu.memref_squeeze %dma_wait3A_223 : memref<1x128xi32, #tpu.memory_space<vmem>> -> memref<128xi32, #tpu.memory_space<vmem>>
          %dma_wait3A_225 = arith.constant 0 : i32
          %dma_wait3A_226 = arith.constant 0 : i32
          %dma_wait3A_227 = tpu.memref_slice %arg15[%dma_wait3A_225, %dma_wait3A_226] : memref<10240x64xf32, #tpu.memory_space<vmem_shared>> -> memref<10240x64xf32, #tpu.memory_space<vmem_shared>>
          tpu.wait_indirect_dma semaphore(%arg23 : memref<!tpu.dma_semaphore, #tpu.memory_space<semaphore_mem>>) src(%arg14 : memref<128x64xf32, #tpu.memory_space<vmem>>) dst(%dma_wait3A_227 : memref<10240x64xf32, #tpu.memory_space<vmem_shared>>)
          %add3A_228 = arith.constant 4 : i32
          %add3A_229 = arith.addi %add3A_97, %add3A_228 : i32
          %add3A_230 = arith.constant 3 : i32
          %add3A_231 = arith.addi %add3A_229, %add3A_230 : i32
          %dma_start3A_232 = arith.constant 0 : i32
          %dma_start3A_233 = tpu.memref_slice %arg9[%add3A_231, %dma_start3A_232] : memref<124x128xi32, #tpu.memory_space<vmem>> -> memref<1x128xi32, #tpu.memory_space<vmem>>
          %dma_start3A_234 = tpu.memref_squeeze %dma_start3A_233 : memref<1x128xi32, #tpu.memory_space<vmem>> -> memref<128xi32, #tpu.memory_space<vmem>>
          %dma_start3A_235 = arith.constant 0 : i32
          %dma_start3A_236 = arith.constant 0 : i32
          %dma_start3A_237 = tpu.memref_slice %arg2[%dma_start3A_235, %dma_start3A_236] : memref<10000x64xf32, #tpu.memory_space<hbm>> -> memref<10000x64xf32, #tpu.memory_space<hbm>>
          tpu.enqueue_indirect_dma source(%dma_start3A_237 : memref<10000x64xf32, #tpu.memory_space<hbm>>) target(%arg14 : memref<128x64xf32, #tpu.memory_space<vmem>>) offsets(%dma_start3A_234 : memref<128xi32, #tpu.memory_space<vmem>>) semaphore(%arg19 : memref<!tpu.dma_semaphore, #tpu.memory_space<semaphore_mem>>)
        } else {
        }
      }
      %scan3A_65 = arith.constant 9 : i32
      %dma_wait3A = arith.constant 120 : i32
      %dma_wait3A_66 = arith.constant 0 : i32
      %dma_wait3A_67 = tpu.memref_slice %arg10[%dma_wait3A, %dma_wait3A_66] : memref<124x128xi32, #tpu.memory_space<vmem>> -> memref<1x128xi32, #tpu.memory_space<vmem>>
      %dma_wait3A_68 = tpu.memref_squeeze %dma_wait3A_67 : memref<1x128xi32, #tpu.memory_space<vmem>> -> memref<128xi32, #tpu.memory_space<vmem>>
      %dma_wait3A_69 = arith.constant 0 : i32
      %dma_wait3A_70 = arith.constant 0 : i32
      %dma_wait3A_71 = tpu.memref_slice %arg15[%dma_wait3A_69, %dma_wait3A_70] : memref<10240x64xf32, #tpu.memory_space<vmem_shared>> -> memref<10240x64xf32, #tpu.memory_space<vmem_shared>>
      tpu.wait_indirect_dma semaphore(%arg20 : memref<!tpu.dma_semaphore, #tpu.memory_space<semaphore_mem>>) src(%arg11 : memref<128x64xf32, #tpu.memory_space<vmem>>) dst(%dma_wait3A_71 : memref<10240x64xf32, #tpu.memory_space<vmem_shared>>)
      %dma_wait3A_72 = arith.constant 121 : i32
      %dma_wait3A_73 = arith.constant 0 : i32
      %dma_wait3A_74 = tpu.memref_slice %arg10[%dma_wait3A_72, %dma_wait3A_73] : memref<124x128xi32, #tpu.memory_space<vmem>> -> memref<1x128xi32, #tpu.memory_space<vmem>>
      %dma_wait3A_75 = tpu.memref_squeeze %dma_wait3A_74 : memref<1x128xi32, #tpu.memory_space<vmem>> -> memref<128xi32, #tpu.memory_space<vmem>>
      %dma_wait3A_76 = arith.constant 0 : i32
      %dma_wait3A_77 = arith.constant 0 : i32
      %dma_wait3A_78 = tpu.memref_slice %arg15[%dma_wait3A_76, %dma_wait3A_77] : memref<10240x64xf32, #tpu.memory_space<vmem_shared>> -> memref<10240x64xf32, #tpu.memory_space<vmem_shared>>
      tpu.wait_indirect_dma semaphore(%arg21 : memref<!tpu.dma_semaphore, #tpu.memory_space<semaphore_mem>>) src(%arg12 : memref<128x64xf32, #tpu.memory_space<vmem>>) dst(%dma_wait3A_78 : memref<10240x64xf32, #tpu.memory_space<vmem_shared>>)
      %dma_wait3A_79 = arith.constant 122 : i32
      %dma_wait3A_80 = arith.constant 0 : i32
      %dma_wait3A_81 = tpu.memref_slice %arg10[%dma_wait3A_79, %dma_wait3A_80] : memref<124x128xi32, #tpu.memory_space<vmem>> -> memref<1x128xi32, #tpu.memory_space<vmem>>
      %dma_wait3A_82 = tpu.memref_squeeze %dma_wait3A_81 : memref<1x128xi32, #tpu.memory_space<vmem>> -> memref<128xi32, #tpu.memory_space<vmem>>
      %dma_wait3A_83 = arith.constant 0 : i32
      %dma_wait3A_84 = arith.constant 0 : i32
      %dma_wait3A_85 = tpu.memref_slice %arg15[%dma_wait3A_83, %dma_wait3A_84] : memref<10240x64xf32, #tpu.memory_space<vmem_shared>> -> memref<10240x64xf32, #tpu.memory_space<vmem_shared>>
      tpu.wait_indirect_dma semaphore(%arg22 : memref<!tpu.dma_semaphore, #tpu.memory_space<semaphore_mem>>) src(%arg13 : memref<128x64xf32, #tpu.memory_space<vmem>>) dst(%dma_wait3A_85 : memref<10240x64xf32, #tpu.memory_space<vmem_shared>>)
      %dma_wait3A_86 = arith.constant 123 : i32
      %dma_wait3A_87 = arith.constant 0 : i32
      %dma_wait3A_88 = tpu.memref_slice %arg10[%dma_wait3A_86, %dma_wait3A_87] : memref<124x128xi32, #tpu.memory_space<vmem>> -> memref<1x128xi32, #tpu.memory_space<vmem>>
      %dma_wait3A_89 = tpu.memref_squeeze %dma_wait3A_88 : memref<1x128xi32, #tpu.memory_space<vmem>> -> memref<128xi32, #tpu.memory_space<vmem>>
      %dma_wait3A_90 = arith.constant 0 : i32
      %dma_wait3A_91 = arith.constant 0 : i32
      %dma_wait3A_92 = tpu.memref_slice %arg15[%dma_wait3A_90, %dma_wait3A_91] : memref<10240x64xf32, #tpu.memory_space<vmem_shared>> -> memref<10240x64xf32, #tpu.memory_space<vmem_shared>>
      tpu.wait_indirect_dma semaphore(%arg23 : memref<!tpu.dma_semaphore, #tpu.memory_space<semaphore_mem>>) src(%arg14 : memref<128x64xf32, #tpu.memory_space<vmem>>) dst(%dma_wait3A_92 : memref<10240x64xf32, #tpu.memory_space<vmem_shared>>)
    } else {
    }
    %barrier3A_12 = arith.constant 0 : index
    tpu.barrier barrier_id(%barrier3A_12)
    %mul3A_13 = arith.constant 640 : i32
    %mul3A_14 = arith.muli %arg1, %mul3A_13 : i32
    %mul3A_15 = arith.constant 640 : i32
    %mul3A_16 = arith.muli %arg1, %mul3A_15 : i32
    "tpu.region"() ({
      %run_scoped3A = tpu.sem_alloc : memref<!tpu.dma_semaphore, #tpu.memory_space<semaphore_mem>>
      %dma_start3A = arith.constant 0 : i32
      %dma_start3A_35 = tpu.memref_slice %arg7[%arg0, %mul3A_16, %dma_start3A] : memref<2x10240x64xf32, #tpu.memory_space<hbm>> -> memref<1x640x64xf32, #tpu.memory_space<hbm>>
      %dma_start3A_36 = tpu.memref_squeeze %dma_start3A_35 : memref<1x640x64xf32, #tpu.memory_space<hbm>> -> memref<640x64xf32, #tpu.memory_space<hbm>>
      %dma_start3A_37 = arith.constant 0 : i32
      %dma_start3A_38 = tpu.memref_slice %arg15[%mul3A_14, %dma_start3A_37] : memref<10240x64xf32, #tpu.memory_space<vmem_shared>> -> memref<640x64xf32, #tpu.memory_space<vmem_shared>>
      tpu.enqueue_dma source(%dma_start3A_38 : memref<640x64xf32, #tpu.memory_space<vmem_shared>>) target(%dma_start3A_36 : memref<640x64xf32, #tpu.memory_space<hbm>>) target_semaphore(%run_scoped3A : memref<!tpu.dma_semaphore, #tpu.memory_space<semaphore_mem>>)
      %dma_wait3A = arith.constant 0 : i32
      %dma_wait3A_39 = tpu.memref_slice %arg7[%arg0, %mul3A_16, %dma_wait3A] : memref<2x10240x64xf32, #tpu.memory_space<hbm>> -> memref<1x640x64xf32, #tpu.memory_space<hbm>>
      %dma_wait3A_40 = tpu.memref_squeeze %dma_wait3A_39 : memref<1x640x64xf32, #tpu.memory_space<hbm>> -> memref<640x64xf32, #tpu.memory_space<hbm>>
      %dma_wait3A_41 = arith.constant 0 : i32
      %dma_wait3A_42 = tpu.memref_slice %arg15[%mul3A_14, %dma_wait3A_41] : memref<10240x64xf32, #tpu.memory_space<vmem_shared>> -> memref<640x64xf32, #tpu.memory_space<vmem_shared>>
      tpu.wait_dma2 semaphore(%run_scoped3A : memref<!tpu.dma_semaphore, #tpu.memory_space<semaphore_mem>>) src(%dma_wait3A_42 : memref<640x64xf32, #tpu.memory_space<vmem_shared>>) dst(%dma_wait3A_40 : memref<640x64xf32, #tpu.memory_space<hbm>>)
      tpu.yield
    }) : () -> ()
    %mul3A_17 = arith.constant 640 : i32
    %mul3A_18 = arith.muli %arg1, %mul3A_17 : i32
    "tpu.region"() ({
      %run_scoped3A = tpu.sem_alloc : memref<!tpu.dma_semaphore, #tpu.memory_space<semaphore_mem>>
      %dma_start3A = arith.constant 0 : i32
      %dma_start3A_35 = tpu.memref_slice %arg15[%mul3A_18, %dma_start3A] : memref<10240x64xf32, #tpu.memory_space<vmem_shared>> -> memref<640x64xf32, #tpu.memory_space<vmem_shared>>
      tpu.enqueue_dma source(%arg6 : memref<640x64xf32, #tpu.memory_space<hbm>>) target(%dma_start3A_35 : memref<640x64xf32, #tpu.memory_space<vmem_shared>>) target_semaphore(%run_scoped3A : memref<!tpu.dma_semaphore, #tpu.memory_space<semaphore_mem>>)
      %dma_wait3A = arith.constant 0 : i32
      %dma_wait3A_36 = tpu.memref_slice %arg15[%mul3A_18, %dma_wait3A] : memref<10240x64xf32, #tpu.memory_space<vmem_shared>> -> memref<640x64xf32, #tpu.memory_space<vmem_shared>>
      tpu.wait_dma2 semaphore(%run_scoped3A : memref<!tpu.dma_semaphore, #tpu.memory_space<semaphore_mem>>) src(%arg6 : memref<640x64xf32, #tpu.memory_space<hbm>>) dst(%dma_wait3A_36 : memref<640x64xf32, #tpu.memory_space<vmem_shared>>)
      tpu.yield
    }) : () -> ()
    %barrier3A_19 = arith.constant 0 : index
    tpu.barrier barrier_id(%barrier3A_19)
    %eq3A_20 = arith.constant 0 : i32
    %eq3A_21 = arith.cmpi eq, %arg0, %eq3A_20 : i32
    %convert_element_type3A_22 = arith.extui %eq3A_21 : i1 to i32
    %cond3A_23 = arith.constant 0 : i32
    %cond3A_24 = arith.cmpi ne, %convert_element_type3A_22, %cond3A_23 : i32
    scf.if %cond3A_24 {
      %dma_start3A = arith.constant 0 : i32
      %dma_start3A_35 = arith.constant 0 : i32
      %dma_start3A_36 = tpu.memref_slice %arg9[%dma_start3A, %dma_start3A_35] : memref<124x128xi32, #tpu.memory_space<vmem>> -> memref<1x128xi32, #tpu.memory_space<vmem>>
      %dma_start3A_37 = tpu.memref_squeeze %dma_start3A_36 : memref<1x128xi32, #tpu.memory_space<vmem>> -> memref<128xi32, #tpu.memory_space<vmem>>
      %dma_start3A_38 = arith.constant 0 : i32
      %dma_start3A_39 = arith.constant 0 : i32
      %dma_start3A_40 = tpu.memref_slice %arg3[%dma_start3A_38, %dma_start3A_39] : memref<10000x64xf32, #tpu.memory_space<hbm>> -> memref<10000x64xf32, #tpu.memory_space<hbm>>
      tpu.enqueue_indirect_dma source(%dma_start3A_40 : memref<10000x64xf32, #tpu.memory_space<hbm>>) target(%arg11 : memref<128x64xf32, #tpu.memory_space<vmem>>) offsets(%dma_start3A_37 : memref<128xi32, #tpu.memory_space<vmem>>) semaphore(%arg16 : memref<!tpu.dma_semaphore, #tpu.memory_space<semaphore_mem>>)
      %dma_start3A_41 = arith.constant 1 : i32
      %dma_start3A_42 = arith.constant 0 : i32
      %dma_start3A_43 = tpu.memref_slice %arg9[%dma_start3A_41, %dma_start3A_42] : memref<124x128xi32, #tpu.memory_space<vmem>> -> memref<1x128xi32, #tpu.memory_space<vmem>>
      %dma_start3A_44 = tpu.memref_squeeze %dma_start3A_43 : memref<1x128xi32, #tpu.memory_space<vmem>> -> memref<128xi32, #tpu.memory_space<vmem>>
      %dma_start3A_45 = arith.constant 0 : i32
      %dma_start3A_46 = arith.constant 0 : i32
      %dma_start3A_47 = tpu.memref_slice %arg3[%dma_start3A_45, %dma_start3A_46] : memref<10000x64xf32, #tpu.memory_space<hbm>> -> memref<10000x64xf32, #tpu.memory_space<hbm>>
      tpu.enqueue_indirect_dma source(%dma_start3A_47 : memref<10000x64xf32, #tpu.memory_space<hbm>>) target(%arg12 : memref<128x64xf32, #tpu.memory_space<vmem>>) offsets(%dma_start3A_44 : memref<128xi32, #tpu.memory_space<vmem>>) semaphore(%arg17 : memref<!tpu.dma_semaphore, #tpu.memory_space<semaphore_mem>>)
      %dma_start3A_48 = arith.constant 2 : i32
      %dma_start3A_49 = arith.constant 0 : i32
      %dma_start3A_50 = tpu.memref_slice %arg9[%dma_start3A_48, %dma_start3A_49] : memref<124x128xi32, #tpu.memory_space<vmem>> -> memref<1x128xi32, #tpu.memory_space<vmem>>
      %dma_start3A_51 = tpu.memref_squeeze %dma_start3A_50 : memref<1x128xi32, #tpu.memory_space<vmem>> -> memref<128xi32, #tpu.memory_space<vmem>>
      %dma_start3A_52 = arith.constant 0 : i32
      %dma_start3A_53 = arith.constant 0 : i32
      %dma_start3A_54 = tpu.memref_slice %arg3[%dma_start3A_52, %dma_start3A_53] : memref<10000x64xf32, #tpu.memory_space<hbm>> -> memref<10000x64xf32, #tpu.memory_space<hbm>>
      tpu.enqueue_indirect_dma source(%dma_start3A_54 : memref<10000x64xf32, #tpu.memory_space<hbm>>) target(%arg13 : memref<128x64xf32, #tpu.memory_space<vmem>>) offsets(%dma_start3A_51 : memref<128xi32, #tpu.memory_space<vmem>>) semaphore(%arg18 : memref<!tpu.dma_semaphore, #tpu.memory_space<semaphore_mem>>)
      %dma_start3A_55 = arith.constant 3 : i32
      %dma_start3A_56 = arith.constant 0 : i32
      %dma_start3A_57 = tpu.memref_slice %arg9[%dma_start3A_55, %dma_start3A_56] : memref<124x128xi32, #tpu.memory_space<vmem>> -> memref<1x128xi32, #tpu.memory_space<vmem>>
      %dma_start3A_58 = tpu.memref_squeeze %dma_start3A_57 : memref<1x128xi32, #tpu.memory_space<vmem>> -> memref<128xi32, #tpu.memory_space<vmem>>
      %dma_start3A_59 = arith.constant 0 : i32
      %dma_start3A_60 = arith.constant 0 : i32
      %dma_start3A_61 = tpu.memref_slice %arg3[%dma_start3A_59, %dma_start3A_60] : memref<10000x64xf32, #tpu.memory_space<hbm>> -> memref<10000x64xf32, #tpu.memory_space<hbm>>
      tpu.enqueue_indirect_dma source(%dma_start3A_61 : memref<10000x64xf32, #tpu.memory_space<hbm>>) target(%arg14 : memref<128x64xf32, #tpu.memory_space<vmem>>) offsets(%dma_start3A_58 : memref<128xi32, #tpu.memory_space<vmem>>) semaphore(%arg19 : memref<!tpu.dma_semaphore, #tpu.memory_space<semaphore_mem>>)
      %scan3A = arith.constant 0 : i32
      %scan3A_62 = arith.constant 31 : i32
      %scan3A_63 = arith.addi %scan3A, %scan3A_62 : i32
      %scan3A_64 = arith.constant 1 : i32
      scf.for %scan3A_93 = %scan3A to %scan3A_63 step %scan3A_64  : i32 {
        %mul3A_94 = arith.constant 4 : i32
        %mul3A_95 = arith.muli %scan3A_93, %mul3A_94 : i32
        %add3A_96 = arith.constant 0 : i32
        %add3A_97 = arith.addi %add3A_96, %mul3A_95 : i32
        %add3A_98 = arith.constant 0 : i32
        %add3A_99 = arith.addi %add3A_97, %add3A_98 : i32
        %dma_wait3A_100 = arith.constant 0 : i32
        %dma_wait3A_101 = tpu.memref_slice %arg9[%add3A_99, %dma_wait3A_100] : memref<124x128xi32, #tpu.memory_space<vmem>> -> memref<1x128xi32, #tpu.memory_space<vmem>>
        %dma_wait3A_102 = tpu.memref_squeeze %dma_wait3A_101 : memref<1x128xi32, #tpu.memory_space<vmem>> -> memref<128xi32, #tpu.memory_space<vmem>>
        %dma_wait3A_103 = arith.constant 0 : i32
        %dma_wait3A_104 = arith.constant 0 : i32
        %dma_wait3A_105 = tpu.memref_slice %arg3[%dma_wait3A_103, %dma_wait3A_104] : memref<10000x64xf32, #tpu.memory_space<hbm>> -> memref<10000x64xf32, #tpu.memory_space<hbm>>
        tpu.wait_indirect_dma semaphore(%arg16 : memref<!tpu.dma_semaphore, #tpu.memory_space<semaphore_mem>>) src(%dma_wait3A_105 : memref<10000x64xf32, #tpu.memory_space<hbm>>) dst(%arg11 : memref<128x64xf32, #tpu.memory_space<vmem>>)
        %add3A_106 = arith.constant 0 : i32
        %add3A_107 = arith.addi %add3A_97, %add3A_106 : i32
        %dma_start3A_108 = arith.constant 0 : i32
        %dma_start3A_109 = tpu.memref_slice %arg10[%add3A_107, %dma_start3A_108] : memref<124x128xi32, #tpu.memory_space<vmem>> -> memref<1x128xi32, #tpu.memory_space<vmem>>
        %dma_start3A_110 = tpu.memref_squeeze %dma_start3A_109 : memref<1x128xi32, #tpu.memory_space<vmem>> -> memref<128xi32, #tpu.memory_space<vmem>>
        %dma_start3A_111 = arith.constant 0 : i32
        %dma_start3A_112 = arith.constant 0 : i32
        %dma_start3A_113 = tpu.memref_slice %arg15[%dma_start3A_111, %dma_start3A_112] : memref<10240x64xf32, #tpu.memory_space<vmem_shared>> -> memref<10240x64xf32, #tpu.memory_space<vmem_shared>>
        tpu.enqueue_indirect_dma source(%arg11 : memref<128x64xf32, #tpu.memory_space<vmem>>) target(%dma_start3A_113 : memref<10240x64xf32, #tpu.memory_space<vmem_shared>>) offsets(%dma_start3A_110 : memref<128xi32, #tpu.memory_space<vmem>>) semaphore(%arg20 : memref<!tpu.dma_semaphore, #tpu.memory_space<semaphore_mem>>) {add = true}
        %add3A_114 = arith.constant 1 : i32
        %add3A_115 = arith.addi %add3A_97, %add3A_114 : i32
        %dma_wait3A_116 = arith.constant 0 : i32
        %dma_wait3A_117 = tpu.memref_slice %arg9[%add3A_115, %dma_wait3A_116] : memref<124x128xi32, #tpu.memory_space<vmem>> -> memref<1x128xi32, #tpu.memory_space<vmem>>
        %dma_wait3A_118 = tpu.memref_squeeze %dma_wait3A_117 : memref<1x128xi32, #tpu.memory_space<vmem>> -> memref<128xi32, #tpu.memory_space<vmem>>
        %dma_wait3A_119 = arith.constant 0 : i32
        %dma_wait3A_120 = arith.constant 0 : i32
        %dma_wait3A_121 = tpu.memref_slice %arg3[%dma_wait3A_119, %dma_wait3A_120] : memref<10000x64xf32, #tpu.memory_space<hbm>> -> memref<10000x64xf32, #tpu.memory_space<hbm>>
        tpu.wait_indirect_dma semaphore(%arg17 : memref<!tpu.dma_semaphore, #tpu.memory_space<semaphore_mem>>) src(%dma_wait3A_121 : memref<10000x64xf32, #tpu.memory_space<hbm>>) dst(%arg12 : memref<128x64xf32, #tpu.memory_space<vmem>>)
        %add3A_122 = arith.constant 1 : i32
        %add3A_123 = arith.addi %add3A_97, %add3A_122 : i32
        %dma_start3A_124 = arith.constant 0 : i32
        %dma_start3A_125 = tpu.memref_slice %arg10[%add3A_123, %dma_start3A_124] : memref<124x128xi32, #tpu.memory_space<vmem>> -> memref<1x128xi32, #tpu.memory_space<vmem>>
        %dma_start3A_126 = tpu.memref_squeeze %dma_start3A_125 : memref<1x128xi32, #tpu.memory_space<vmem>> -> memref<128xi32, #tpu.memory_space<vmem>>
        %dma_start3A_127 = arith.constant 0 : i32
        %dma_start3A_128 = arith.constant 0 : i32
        %dma_start3A_129 = tpu.memref_slice %arg15[%dma_start3A_127, %dma_start3A_128] : memref<10240x64xf32, #tpu.memory_space<vmem_shared>> -> memref<10240x64xf32, #tpu.memory_space<vmem_shared>>
        tpu.enqueue_indirect_dma source(%arg12 : memref<128x64xf32, #tpu.memory_space<vmem>>) target(%dma_start3A_129 : memref<10240x64xf32, #tpu.memory_space<vmem_shared>>) offsets(%dma_start3A_126 : memref<128xi32, #tpu.memory_space<vmem>>) semaphore(%arg21 : memref<!tpu.dma_semaphore, #tpu.memory_space<semaphore_mem>>) {add = true}
        %add3A_130 = arith.constant 2 : i32
        %add3A_131 = arith.addi %add3A_97, %add3A_130 : i32
        %dma_wait3A_132 = arith.constant 0 : i32
        %dma_wait3A_133 = tpu.memref_slice %arg9[%add3A_131, %dma_wait3A_132] : memref<124x128xi32, #tpu.memory_space<vmem>> -> memref<1x128xi32, #tpu.memory_space<vmem>>
        %dma_wait3A_134 = tpu.memref_squeeze %dma_wait3A_133 : memref<1x128xi32, #tpu.memory_space<vmem>> -> memref<128xi32, #tpu.memory_space<vmem>>
        %dma_wait3A_135 = arith.constant 0 : i32
        %dma_wait3A_136 = arith.constant 0 : i32
        %dma_wait3A_137 = tpu.memref_slice %arg3[%dma_wait3A_135, %dma_wait3A_136] : memref<10000x64xf32, #tpu.memory_space<hbm>> -> memref<10000x64xf32, #tpu.memory_space<hbm>>
        tpu.wait_indirect_dma semaphore(%arg18 : memref<!tpu.dma_semaphore, #tpu.memory_space<semaphore_mem>>) src(%dma_wait3A_137 : memref<10000x64xf32, #tpu.memory_space<hbm>>) dst(%arg13 : memref<128x64xf32, #tpu.memory_space<vmem>>)
        %add3A_138 = arith.constant 2 : i32
        %add3A_139 = arith.addi %add3A_97, %add3A_138 : i32
        %dma_start3A_140 = arith.constant 0 : i32
        %dma_start3A_141 = tpu.memref_slice %arg10[%add3A_139, %dma_start3A_140] : memref<124x128xi32, #tpu.memory_space<vmem>> -> memref<1x128xi32, #tpu.memory_space<vmem>>
        %dma_start3A_142 = tpu.memref_squeeze %dma_start3A_141 : memref<1x128xi32, #tpu.memory_space<vmem>> -> memref<128xi32, #tpu.memory_space<vmem>>
        %dma_start3A_143 = arith.constant 0 : i32
        %dma_start3A_144 = arith.constant 0 : i32
        %dma_start3A_145 = tpu.memref_slice %arg15[%dma_start3A_143, %dma_start3A_144] : memref<10240x64xf32, #tpu.memory_space<vmem_shared>> -> memref<10240x64xf32, #tpu.memory_space<vmem_shared>>
        tpu.enqueue_indirect_dma source(%arg13 : memref<128x64xf32, #tpu.memory_space<vmem>>) target(%dma_start3A_145 : memref<10240x64xf32, #tpu.memory_space<vmem_shared>>) offsets(%dma_start3A_142 : memref<128xi32, #tpu.memory_space<vmem>>) semaphore(%arg22 : memref<!tpu.dma_semaphore, #tpu.memory_space<semaphore_mem>>) {add = true}
        %add3A_146 = arith.constant 3 : i32
        %add3A_147 = arith.addi %add3A_97, %add3A_146 : i32
        %dma_wait3A_148 = arith.constant 0 : i32
        %dma_wait3A_149 = tpu.memref_slice %arg9[%add3A_147, %dma_wait3A_148] : memref<124x128xi32, #tpu.memory_space<vmem>> -> memref<1x128xi32, #tpu.memory_space<vmem>>
        %dma_wait3A_150 = tpu.memref_squeeze %dma_wait3A_149 : memref<1x128xi32, #tpu.memory_space<vmem>> -> memref<128xi32, #tpu.memory_space<vmem>>
        %dma_wait3A_151 = arith.constant 0 : i32
        %dma_wait3A_152 = arith.constant 0 : i32
        %dma_wait3A_153 = tpu.memref_slice %arg3[%dma_wait3A_151, %dma_wait3A_152] : memref<10000x64xf32, #tpu.memory_space<hbm>> -> memref<10000x64xf32, #tpu.memory_space<hbm>>
        tpu.wait_indirect_dma semaphore(%arg19 : memref<!tpu.dma_semaphore, #tpu.memory_space<semaphore_mem>>) src(%dma_wait3A_153 : memref<10000x64xf32, #tpu.memory_space<hbm>>) dst(%arg14 : memref<128x64xf32, #tpu.memory_space<vmem>>)
        %add3A_154 = arith.constant 3 : i32
        %add3A_155 = arith.addi %add3A_97, %add3A_154 : i32
        %dma_start3A_156 = arith.constant 0 : i32
        %dma_start3A_157 = tpu.memref_slice %arg10[%add3A_155, %dma_start3A_156] : memref<124x128xi32, #tpu.memory_space<vmem>> -> memref<1x128xi32, #tpu.memory_space<vmem>>
        %dma_start3A_158 = tpu.memref_squeeze %dma_start3A_157 : memref<1x128xi32, #tpu.memory_space<vmem>> -> memref<128xi32, #tpu.memory_space<vmem>>
        %dma_start3A_159 = arith.constant 0 : i32
        %dma_start3A_160 = arith.constant 0 : i32
        %dma_start3A_161 = tpu.memref_slice %arg15[%dma_start3A_159, %dma_start3A_160] : memref<10240x64xf32, #tpu.memory_space<vmem_shared>> -> memref<10240x64xf32, #tpu.memory_space<vmem_shared>>
        tpu.enqueue_indirect_dma source(%arg14 : memref<128x64xf32, #tpu.memory_space<vmem>>) target(%dma_start3A_161 : memref<10240x64xf32, #tpu.memory_space<vmem_shared>>) offsets(%dma_start3A_158 : memref<128xi32, #tpu.memory_space<vmem>>) semaphore(%arg23 : memref<!tpu.dma_semaphore, #tpu.memory_space<semaphore_mem>>) {add = true}
        %lt3A = arith.constant 120 : i32
        %lt3A_162 = arith.cmpi slt, %add3A_97, %lt3A : i32
        %convert_element_type3A_163 = arith.extui %lt3A_162 : i1 to i32
        %cond3A_164 = arith.constant 0 : i32
        %cond3A_165 = arith.cmpi ne, %convert_element_type3A_163, %cond3A_164 : i32
        scf.if %cond3A_165 {
          %add3A_166 = arith.constant 0 : i32
          %add3A_167 = arith.addi %add3A_97, %add3A_166 : i32
          %dma_wait3A_168 = arith.constant 0 : i32
          %dma_wait3A_169 = tpu.memref_slice %arg10[%add3A_167, %dma_wait3A_168] : memref<124x128xi32, #tpu.memory_space<vmem>> -> memref<1x128xi32, #tpu.memory_space<vmem>>
          %dma_wait3A_170 = tpu.memref_squeeze %dma_wait3A_169 : memref<1x128xi32, #tpu.memory_space<vmem>> -> memref<128xi32, #tpu.memory_space<vmem>>
          %dma_wait3A_171 = arith.constant 0 : i32
          %dma_wait3A_172 = arith.constant 0 : i32
          %dma_wait3A_173 = tpu.memref_slice %arg15[%dma_wait3A_171, %dma_wait3A_172] : memref<10240x64xf32, #tpu.memory_space<vmem_shared>> -> memref<10240x64xf32, #tpu.memory_space<vmem_shared>>
          tpu.wait_indirect_dma semaphore(%arg20 : memref<!tpu.dma_semaphore, #tpu.memory_space<semaphore_mem>>) src(%arg11 : memref<128x64xf32, #tpu.memory_space<vmem>>) dst(%dma_wait3A_173 : memref<10240x64xf32, #tpu.memory_space<vmem_shared>>)
          %add3A_174 = arith.constant 4 : i32
          %add3A_175 = arith.addi %add3A_97, %add3A_174 : i32
          %add3A_176 = arith.constant 0 : i32
          %add3A_177 = arith.addi %add3A_175, %add3A_176 : i32
          %dma_start3A_178 = arith.constant 0 : i32
          %dma_start3A_179 = tpu.memref_slice %arg9[%add3A_177, %dma_start3A_178] : memref<124x128xi32, #tpu.memory_space<vmem>> -> memref<1x128xi32, #tpu.memory_space<vmem>>
          %dma_start3A_180 = tpu.memref_squeeze %dma_start3A_179 : memref<1x128xi32, #tpu.memory_space<vmem>> -> memref<128xi32, #tpu.memory_space<vmem>>
          %dma_start3A_181 = arith.constant 0 : i32
          %dma_start3A_182 = arith.constant 0 : i32
          %dma_start3A_183 = tpu.memref_slice %arg3[%dma_start3A_181, %dma_start3A_182] : memref<10000x64xf32, #tpu.memory_space<hbm>> -> memref<10000x64xf32, #tpu.memory_space<hbm>>
          tpu.enqueue_indirect_dma source(%dma_start3A_183 : memref<10000x64xf32, #tpu.memory_space<hbm>>) target(%arg11 : memref<128x64xf32, #tpu.memory_space<vmem>>) offsets(%dma_start3A_180 : memref<128xi32, #tpu.memory_space<vmem>>) semaphore(%arg16 : memref<!tpu.dma_semaphore, #tpu.memory_space<semaphore_mem>>)
          %add3A_184 = arith.constant 1 : i32
          %add3A_185 = arith.addi %add3A_97, %add3A_184 : i32
          %dma_wait3A_186 = arith.constant 0 : i32
          %dma_wait3A_187 = tpu.memref_slice %arg10[%add3A_185, %dma_wait3A_186] : memref<124x128xi32, #tpu.memory_space<vmem>> -> memref<1x128xi32, #tpu.memory_space<vmem>>
          %dma_wait3A_188 = tpu.memref_squeeze %dma_wait3A_187 : memref<1x128xi32, #tpu.memory_space<vmem>> -> memref<128xi32, #tpu.memory_space<vmem>>
          %dma_wait3A_189 = arith.constant 0 : i32
          %dma_wait3A_190 = arith.constant 0 : i32
          %dma_wait3A_191 = tpu.memref_slice %arg15[%dma_wait3A_189, %dma_wait3A_190] : memref<10240x64xf32, #tpu.memory_space<vmem_shared>> -> memref<10240x64xf32, #tpu.memory_space<vmem_shared>>
          tpu.wait_indirect_dma semaphore(%arg21 : memref<!tpu.dma_semaphore, #tpu.memory_space<semaphore_mem>>) src(%arg12 : memref<128x64xf32, #tpu.memory_space<vmem>>) dst(%dma_wait3A_191 : memref<10240x64xf32, #tpu.memory_space<vmem_shared>>)
          %add3A_192 = arith.constant 4 : i32
          %add3A_193 = arith.addi %add3A_97, %add3A_192 : i32
          %add3A_194 = arith.constant 1 : i32
          %add3A_195 = arith.addi %add3A_193, %add3A_194 : i32
          %dma_start3A_196 = arith.constant 0 : i32
          %dma_start3A_197 = tpu.memref_slice %arg9[%add3A_195, %dma_start3A_196] : memref<124x128xi32, #tpu.memory_space<vmem>> -> memref<1x128xi32, #tpu.memory_space<vmem>>
          %dma_start3A_198 = tpu.memref_squeeze %dma_start3A_197 : memref<1x128xi32, #tpu.memory_space<vmem>> -> memref<128xi32, #tpu.memory_space<vmem>>
          %dma_start3A_199 = arith.constant 0 : i32
          %dma_start3A_200 = arith.constant 0 : i32
          %dma_start3A_201 = tpu.memref_slice %arg3[%dma_start3A_199, %dma_start3A_200] : memref<10000x64xf32, #tpu.memory_space<hbm>> -> memref<10000x64xf32, #tpu.memory_space<hbm>>
          tpu.enqueue_indirect_dma source(%dma_start3A_201 : memref<10000x64xf32, #tpu.memory_space<hbm>>) target(%arg12 : memref<128x64xf32, #tpu.memory_space<vmem>>) offsets(%dma_start3A_198 : memref<128xi32, #tpu.memory_space<vmem>>) semaphore(%arg17 : memref<!tpu.dma_semaphore, #tpu.memory_space<semaphore_mem>>)
          %add3A_202 = arith.constant 2 : i32
          %add3A_203 = arith.addi %add3A_97, %add3A_202 : i32
          %dma_wait3A_204 = arith.constant 0 : i32
          %dma_wait3A_205 = tpu.memref_slice %arg10[%add3A_203, %dma_wait3A_204] : memref<124x128xi32, #tpu.memory_space<vmem>> -> memref<1x128xi32, #tpu.memory_space<vmem>>
          %dma_wait3A_206 = tpu.memref_squeeze %dma_wait3A_205 : memref<1x128xi32, #tpu.memory_space<vmem>> -> memref<128xi32, #tpu.memory_space<vmem>>
          %dma_wait3A_207 = arith.constant 0 : i32
          %dma_wait3A_208 = arith.constant 0 : i32
          %dma_wait3A_209 = tpu.memref_slice %arg15[%dma_wait3A_207, %dma_wait3A_208] : memref<10240x64xf32, #tpu.memory_space<vmem_shared>> -> memref<10240x64xf32, #tpu.memory_space<vmem_shared>>
          tpu.wait_indirect_dma semaphore(%arg22 : memref<!tpu.dma_semaphore, #tpu.memory_space<semaphore_mem>>) src(%arg13 : memref<128x64xf32, #tpu.memory_space<vmem>>) dst(%dma_wait3A_209 : memref<10240x64xf32, #tpu.memory_space<vmem_shared>>)
          %add3A_210 = arith.constant 4 : i32
          %add3A_211 = arith.addi %add3A_97, %add3A_210 : i32
          %add3A_212 = arith.constant 2 : i32
          %add3A_213 = arith.addi %add3A_211, %add3A_212 : i32
          %dma_start3A_214 = arith.constant 0 : i32
          %dma_start3A_215 = tpu.memref_slice %arg9[%add3A_213, %dma_start3A_214] : memref<124x128xi32, #tpu.memory_space<vmem>> -> memref<1x128xi32, #tpu.memory_space<vmem>>
          %dma_start3A_216 = tpu.memref_squeeze %dma_start3A_215 : memref<1x128xi32, #tpu.memory_space<vmem>> -> memref<128xi32, #tpu.memory_space<vmem>>
          %dma_start3A_217 = arith.constant 0 : i32
          %dma_start3A_218 = arith.constant 0 : i32
          %dma_start3A_219 = tpu.memref_slice %arg3[%dma_start3A_217, %dma_start3A_218] : memref<10000x64xf32, #tpu.memory_space<hbm>> -> memref<10000x64xf32, #tpu.memory_space<hbm>>
          tpu.enqueue_indirect_dma source(%dma_start3A_219 : memref<10000x64xf32, #tpu.memory_space<hbm>>) target(%arg13 : memref<128x64xf32, #tpu.memory_space<vmem>>) offsets(%dma_start3A_216 : memref<128xi32, #tpu.memory_space<vmem>>) semaphore(%arg18 : memref<!tpu.dma_semaphore, #tpu.memory_space<semaphore_mem>>)
          %add3A_220 = arith.constant 3 : i32
          %add3A_221 = arith.addi %add3A_97, %add3A_220 : i32
          %dma_wait3A_222 = arith.constant 0 : i32
          %dma_wait3A_223 = tpu.memref_slice %arg10[%add3A_221, %dma_wait3A_222] : memref<124x128xi32, #tpu.memory_space<vmem>> -> memref<1x128xi32, #tpu.memory_space<vmem>>
          %dma_wait3A_224 = tpu.memref_squeeze %dma_wait3A_223 : memref<1x128xi32, #tpu.memory_space<vmem>> -> memref<128xi32, #tpu.memory_space<vmem>>
          %dma_wait3A_225 = arith.constant 0 : i32
          %dma_wait3A_226 = arith.constant 0 : i32
          %dma_wait3A_227 = tpu.memref_slice %arg15[%dma_wait3A_225, %dma_wait3A_226] : memref<10240x64xf32, #tpu.memory_space<vmem_shared>> -> memref<10240x64xf32, #tpu.memory_space<vmem_shared>>
          tpu.wait_indirect_dma semaphore(%arg23 : memref<!tpu.dma_semaphore, #tpu.memory_space<semaphore_mem>>) src(%arg14 : memref<128x64xf32, #tpu.memory_space<vmem>>) dst(%dma_wait3A_227 : memref<10240x64xf32, #tpu.memory_space<vmem_shared>>)
          %add3A_228 = arith.constant 4 : i32
          %add3A_229 = arith.addi %add3A_97, %add3A_228 : i32
          %add3A_230 = arith.constant 3 : i32
          %add3A_231 = arith.addi %add3A_229, %add3A_230 : i32
          %dma_start3A_232 = arith.constant 0 : i32
          %dma_start3A_233 = tpu.memref_slice %arg9[%add3A_231, %dma_start3A_232] : memref<124x128xi32, #tpu.memory_space<vmem>> -> memref<1x128xi32, #tpu.memory_space<vmem>>
          %dma_start3A_234 = tpu.memref_squeeze %dma_start3A_233 : memref<1x128xi32, #tpu.memory_space<vmem>> -> memref<128xi32, #tpu.memory_space<vmem>>
          %dma_start3A_235 = arith.constant 0 : i32
          %dma_start3A_236 = arith.constant 0 : i32
          %dma_start3A_237 = tpu.memref_slice %arg3[%dma_start3A_235, %dma_start3A_236] : memref<10000x64xf32, #tpu.memory_space<hbm>> -> memref<10000x64xf32, #tpu.memory_space<hbm>>
          tpu.enqueue_indirect_dma source(%dma_start3A_237 : memref<10000x64xf32, #tpu.memory_space<hbm>>) target(%arg14 : memref<128x64xf32, #tpu.memory_space<vmem>>) offsets(%dma_start3A_234 : memref<128xi32, #tpu.memory_space<vmem>>) semaphore(%arg19 : memref<!tpu.dma_semaphore, #tpu.memory_space<semaphore_mem>>)
        } else {
        }
      }
      %scan3A_65 = arith.constant 31 : i32
      %dma_wait3A = arith.constant 120 : i32
      %dma_wait3A_66 = arith.constant 0 : i32
      %dma_wait3A_67 = tpu.memref_slice %arg10[%dma_wait3A, %dma_wait3A_66] : memref<124x128xi32, #tpu.memory_space<vmem>> -> memref<1x128xi32, #tpu.memory_space<vmem>>
      %dma_wait3A_68 = tpu.memref_squeeze %dma_wait3A_67 : memref<1x128xi32, #tpu.memory_space<vmem>> -> memref<128xi32, #tpu.memory_space<vmem>>
      %dma_wait3A_69 = arith.constant 0 : i32
      %dma_wait3A_70 = arith.constant 0 : i32
      %dma_wait3A_71 = tpu.memref_slice %arg15[%dma_wait3A_69, %dma_wait3A_70] : memref<10240x64xf32, #tpu.memory_space<vmem_shared>> -> memref<10240x64xf32, #tpu.memory_space<vmem_shared>>
      tpu.wait_indirect_dma semaphore(%arg20 : memref<!tpu.dma_semaphore, #tpu.memory_space<semaphore_mem>>) src(%arg11 : memref<128x64xf32, #tpu.memory_space<vmem>>) dst(%dma_wait3A_71 : memref<10240x64xf32, #tpu.memory_space<vmem_shared>>)
      %dma_wait3A_72 = arith.constant 121 : i32
      %dma_wait3A_73 = arith.constant 0 : i32
      %dma_wait3A_74 = tpu.memref_slice %arg10[%dma_wait3A_72, %dma_wait3A_73] : memref<124x128xi32, #tpu.memory_space<vmem>> -> memref<1x128xi32, #tpu.memory_space<vmem>>
      %dma_wait3A_75 = tpu.memref_squeeze %dma_wait3A_74 : memref<1x128xi32, #tpu.memory_space<vmem>> -> memref<128xi32, #tpu.memory_space<vmem>>
      %dma_wait3A_76 = arith.constant 0 : i32
      %dma_wait3A_77 = arith.constant 0 : i32
      %dma_wait3A_78 = tpu.memref_slice %arg15[%dma_wait3A_76, %dma_wait3A_77] : memref<10240x64xf32, #tpu.memory_space<vmem_shared>> -> memref<10240x64xf32, #tpu.memory_space<vmem_shared>>
      tpu.wait_indirect_dma semaphore(%arg21 : memref<!tpu.dma_semaphore, #tpu.memory_space<semaphore_mem>>) src(%arg12 : memref<128x64xf32, #tpu.memory_space<vmem>>) dst(%dma_wait3A_78 : memref<10240x64xf32, #tpu.memory_space<vmem_shared>>)
      %dma_wait3A_79 = arith.constant 122 : i32
      %dma_wait3A_80 = arith.constant 0 : i32
      %dma_wait3A_81 = tpu.memref_slice %arg10[%dma_wait3A_79, %dma_wait3A_80] : memref<124x128xi32, #tpu.memory_space<vmem>> -> memref<1x128xi32, #tpu.memory_space<vmem>>
      %dma_wait3A_82 = tpu.memref_squeeze %dma_wait3A_81 : memref<1x128xi32, #tpu.memory_space<vmem>> -> memref<128xi32, #tpu.memory_space<vmem>>
      %dma_wait3A_83 = arith.constant 0 : i32
      %dma_wait3A_84 = arith.constant 0 : i32
      %dma_wait3A_85 = tpu.memref_slice %arg15[%dma_wait3A_83, %dma_wait3A_84] : memref<10240x64xf32, #tpu.memory_space<vmem_shared>> -> memref<10240x64xf32, #tpu.memory_space<vmem_shared>>
      tpu.wait_indirect_dma semaphore(%arg22 : memref<!tpu.dma_semaphore, #tpu.memory_space<semaphore_mem>>) src(%arg13 : memref<128x64xf32, #tpu.memory_space<vmem>>) dst(%dma_wait3A_85 : memref<10240x64xf32, #tpu.memory_space<vmem_shared>>)
      %dma_wait3A_86 = arith.constant 123 : i32
      %dma_wait3A_87 = arith.constant 0 : i32
      %dma_wait3A_88 = tpu.memref_slice %arg10[%dma_wait3A_86, %dma_wait3A_87] : memref<124x128xi32, #tpu.memory_space<vmem>> -> memref<1x128xi32, #tpu.memory_space<vmem>>
      %dma_wait3A_89 = tpu.memref_squeeze %dma_wait3A_88 : memref<1x128xi32, #tpu.memory_space<vmem>> -> memref<128xi32, #tpu.memory_space<vmem>>
      %dma_wait3A_90 = arith.constant 0 : i32
      %dma_wait3A_91 = arith.constant 0 : i32
      %dma_wait3A_92 = tpu.memref_slice %arg15[%dma_wait3A_90, %dma_wait3A_91] : memref<10240x64xf32, #tpu.memory_space<vmem_shared>> -> memref<10240x64xf32, #tpu.memory_space<vmem_shared>>
      tpu.wait_indirect_dma semaphore(%arg23 : memref<!tpu.dma_semaphore, #tpu.memory_space<semaphore_mem>>) src(%arg14 : memref<128x64xf32, #tpu.memory_space<vmem>>) dst(%dma_wait3A_92 : memref<10240x64xf32, #tpu.memory_space<vmem_shared>>)
    } else {
    }
    %eq3A_25 = arith.constant 1 : i32
    %eq3A_26 = arith.cmpi eq, %arg0, %eq3A_25 : i32
    %convert_element_type3A_27 = arith.extui %eq3A_26 : i1 to i32
    %cond3A_28 = arith.constant 0 : i32
    %cond3A_29 = arith.cmpi ne, %convert_element_type3A_27, %cond3A_28 : i32
    scf.if %cond3A_29 {
      %dma_start3A = arith.constant 88 : i32
      %dma_start3A_35 = arith.constant 0 : i32
      %dma_start3A_36 = tpu.memref_slice %arg9[%dma_start3A, %dma_start3A_35] : memref<124x128xi32, #tpu.memory_space<vmem>> -> memref<1x128xi32, #tpu.memory_space<vmem>>
      %dma_start3A_37 = tpu.memref_squeeze %dma_start3A_36 : memref<1x128xi32, #tpu.memory_space<vmem>> -> memref<128xi32, #tpu.memory_space<vmem>>
      %dma_start3A_38 = arith.constant 0 : i32
      %dma_start3A_39 = arith.constant 0 : i32
      %dma_start3A_40 = tpu.memref_slice %arg3[%dma_start3A_38, %dma_start3A_39] : memref<10000x64xf32, #tpu.memory_space<hbm>> -> memref<10000x64xf32, #tpu.memory_space<hbm>>
      tpu.enqueue_indirect_dma source(%dma_start3A_40 : memref<10000x64xf32, #tpu.memory_space<hbm>>) target(%arg11 : memref<128x64xf32, #tpu.memory_space<vmem>>) offsets(%dma_start3A_37 : memref<128xi32, #tpu.memory_space<vmem>>) semaphore(%arg16 : memref<!tpu.dma_semaphore, #tpu.memory_space<semaphore_mem>>)
      %dma_start3A_41 = arith.constant 89 : i32
      %dma_start3A_42 = arith.constant 0 : i32
      %dma_start3A_43 = tpu.memref_slice %arg9[%dma_start3A_41, %dma_start3A_42] : memref<124x128xi32, #tpu.memory_space<vmem>> -> memref<1x128xi32, #tpu.memory_space<vmem>>
      %dma_start3A_44 = tpu.memref_squeeze %dma_start3A_43 : memref<1x128xi32, #tpu.memory_space<vmem>> -> memref<128xi32, #tpu.memory_space<vmem>>
      %dma_start3A_45 = arith.constant 0 : i32
      %dma_start3A_46 = arith.constant 0 : i32
      %dma_start3A_47 = tpu.memref_slice %arg3[%dma_start3A_45, %dma_start3A_46] : memref<10000x64xf32, #tpu.memory_space<hbm>> -> memref<10000x64xf32, #tpu.memory_space<hbm>>
      tpu.enqueue_indirect_dma source(%dma_start3A_47 : memref<10000x64xf32, #tpu.memory_space<hbm>>) target(%arg12 : memref<128x64xf32, #tpu.memory_space<vmem>>) offsets(%dma_start3A_44 : memref<128xi32, #tpu.memory_space<vmem>>) semaphore(%arg17 : memref<!tpu.dma_semaphore, #tpu.memory_space<semaphore_mem>>)
      %dma_start3A_48 = arith.constant 90 : i32
      %dma_start3A_49 = arith.constant 0 : i32
      %dma_start3A_50 = tpu.memref_slice %arg9[%dma_start3A_48, %dma_start3A_49] : memref<124x128xi32, #tpu.memory_space<vmem>> -> memref<1x128xi32, #tpu.memory_space<vmem>>
      %dma_start3A_51 = tpu.memref_squeeze %dma_start3A_50 : memref<1x128xi32, #tpu.memory_space<vmem>> -> memref<128xi32, #tpu.memory_space<vmem>>
      %dma_start3A_52 = arith.constant 0 : i32
      %dma_start3A_53 = arith.constant 0 : i32
      %dma_start3A_54 = tpu.memref_slice %arg3[%dma_start3A_52, %dma_start3A_53] : memref<10000x64xf32, #tpu.memory_space<hbm>> -> memref<10000x64xf32, #tpu.memory_space<hbm>>
      tpu.enqueue_indirect_dma source(%dma_start3A_54 : memref<10000x64xf32, #tpu.memory_space<hbm>>) target(%arg13 : memref<128x64xf32, #tpu.memory_space<vmem>>) offsets(%dma_start3A_51 : memref<128xi32, #tpu.memory_space<vmem>>) semaphore(%arg18 : memref<!tpu.dma_semaphore, #tpu.memory_space<semaphore_mem>>)
      %dma_start3A_55 = arith.constant 91 : i32
      %dma_start3A_56 = arith.constant 0 : i32
      %dma_start3A_57 = tpu.memref_slice %arg9[%dma_start3A_55, %dma_start3A_56] : memref<124x128xi32, #tpu.memory_space<vmem>> -> memref<1x128xi32, #tpu.memory_space<vmem>>
      %dma_start3A_58 = tpu.memref_squeeze %dma_start3A_57 : memref<1x128xi32, #tpu.memory_space<vmem>> -> memref<128xi32, #tpu.memory_space<vmem>>
      %dma_start3A_59 = arith.constant 0 : i32
      %dma_start3A_60 = arith.constant 0 : i32
      %dma_start3A_61 = tpu.memref_slice %arg3[%dma_start3A_59, %dma_start3A_60] : memref<10000x64xf32, #tpu.memory_space<hbm>> -> memref<10000x64xf32, #tpu.memory_space<hbm>>
      tpu.enqueue_indirect_dma source(%dma_start3A_61 : memref<10000x64xf32, #tpu.memory_space<hbm>>) target(%arg14 : memref<128x64xf32, #tpu.memory_space<vmem>>) offsets(%dma_start3A_58 : memref<128xi32, #tpu.memory_space<vmem>>) semaphore(%arg19 : memref<!tpu.dma_semaphore, #tpu.memory_space<semaphore_mem>>)
      %scan3A = arith.constant 0 : i32
      %scan3A_62 = arith.constant 9 : i32
      %scan3A_63 = arith.addi %scan3A, %scan3A_62 : i32
      %scan3A_64 = arith.constant 1 : i32
      scf.for %scan3A_93 = %scan3A to %scan3A_63 step %scan3A_64  : i32 {
        %mul3A_94 = arith.constant 4 : i32
        %mul3A_95 = arith.muli %scan3A_93, %mul3A_94 : i32
        %add3A_96 = arith.constant 88 : i32
        %add3A_97 = arith.addi %add3A_96, %mul3A_95 : i32
        %add3A_98 = arith.constant 0 : i32
        %add3A_99 = arith.addi %add3A_97, %add3A_98 : i32
        %dma_wait3A_100 = arith.constant 0 : i32
        %dma_wait3A_101 = tpu.memref_slice %arg9[%add3A_99, %dma_wait3A_100] : memref<124x128xi32, #tpu.memory_space<vmem>> -> memref<1x128xi32, #tpu.memory_space<vmem>>
        %dma_wait3A_102 = tpu.memref_squeeze %dma_wait3A_101 : memref<1x128xi32, #tpu.memory_space<vmem>> -> memref<128xi32, #tpu.memory_space<vmem>>
        %dma_wait3A_103 = arith.constant 0 : i32
        %dma_wait3A_104 = arith.constant 0 : i32
        %dma_wait3A_105 = tpu.memref_slice %arg3[%dma_wait3A_103, %dma_wait3A_104] : memref<10000x64xf32, #tpu.memory_space<hbm>> -> memref<10000x64xf32, #tpu.memory_space<hbm>>
        tpu.wait_indirect_dma semaphore(%arg16 : memref<!tpu.dma_semaphore, #tpu.memory_space<semaphore_mem>>) src(%dma_wait3A_105 : memref<10000x64xf32, #tpu.memory_space<hbm>>) dst(%arg11 : memref<128x64xf32, #tpu.memory_space<vmem>>)
        %add3A_106 = arith.constant 0 : i32
        %add3A_107 = arith.addi %add3A_97, %add3A_106 : i32
        %dma_start3A_108 = arith.constant 0 : i32
        %dma_start3A_109 = tpu.memref_slice %arg10[%add3A_107, %dma_start3A_108] : memref<124x128xi32, #tpu.memory_space<vmem>> -> memref<1x128xi32, #tpu.memory_space<vmem>>
        %dma_start3A_110 = tpu.memref_squeeze %dma_start3A_109 : memref<1x128xi32, #tpu.memory_space<vmem>> -> memref<128xi32, #tpu.memory_space<vmem>>
        %dma_start3A_111 = arith.constant 0 : i32
        %dma_start3A_112 = arith.constant 0 : i32
        %dma_start3A_113 = tpu.memref_slice %arg15[%dma_start3A_111, %dma_start3A_112] : memref<10240x64xf32, #tpu.memory_space<vmem_shared>> -> memref<10240x64xf32, #tpu.memory_space<vmem_shared>>
        tpu.enqueue_indirect_dma source(%arg11 : memref<128x64xf32, #tpu.memory_space<vmem>>) target(%dma_start3A_113 : memref<10240x64xf32, #tpu.memory_space<vmem_shared>>) offsets(%dma_start3A_110 : memref<128xi32, #tpu.memory_space<vmem>>) semaphore(%arg20 : memref<!tpu.dma_semaphore, #tpu.memory_space<semaphore_mem>>) {add = true}
        %add3A_114 = arith.constant 1 : i32
        %add3A_115 = arith.addi %add3A_97, %add3A_114 : i32
        %dma_wait3A_116 = arith.constant 0 : i32
        %dma_wait3A_117 = tpu.memref_slice %arg9[%add3A_115, %dma_wait3A_116] : memref<124x128xi32, #tpu.memory_space<vmem>> -> memref<1x128xi32, #tpu.memory_space<vmem>>
        %dma_wait3A_118 = tpu.memref_squeeze %dma_wait3A_117 : memref<1x128xi32, #tpu.memory_space<vmem>> -> memref<128xi32, #tpu.memory_space<vmem>>
        %dma_wait3A_119 = arith.constant 0 : i32
        %dma_wait3A_120 = arith.constant 0 : i32
        %dma_wait3A_121 = tpu.memref_slice %arg3[%dma_wait3A_119, %dma_wait3A_120] : memref<10000x64xf32, #tpu.memory_space<hbm>> -> memref<10000x64xf32, #tpu.memory_space<hbm>>
        tpu.wait_indirect_dma semaphore(%arg17 : memref<!tpu.dma_semaphore, #tpu.memory_space<semaphore_mem>>) src(%dma_wait3A_121 : memref<10000x64xf32, #tpu.memory_space<hbm>>) dst(%arg12 : memref<128x64xf32, #tpu.memory_space<vmem>>)
        %add3A_122 = arith.constant 1 : i32
        %add3A_123 = arith.addi %add3A_97, %add3A_122 : i32
        %dma_start3A_124 = arith.constant 0 : i32
        %dma_start3A_125 = tpu.memref_slice %arg10[%add3A_123, %dma_start3A_124] : memref<124x128xi32, #tpu.memory_space<vmem>> -> memref<1x128xi32, #tpu.memory_space<vmem>>
        %dma_start3A_126 = tpu.memref_squeeze %dma_start3A_125 : memref<1x128xi32, #tpu.memory_space<vmem>> -> memref<128xi32, #tpu.memory_space<vmem>>
        %dma_start3A_127 = arith.constant 0 : i32
        %dma_start3A_128 = arith.constant 0 : i32
        %dma_start3A_129 = tpu.memref_slice %arg15[%dma_start3A_127, %dma_start3A_128] : memref<10240x64xf32, #tpu.memory_space<vmem_shared>> -> memref<10240x64xf32, #tpu.memory_space<vmem_shared>>
        tpu.enqueue_indirect_dma source(%arg12 : memref<128x64xf32, #tpu.memory_space<vmem>>) target(%dma_start3A_129 : memref<10240x64xf32, #tpu.memory_space<vmem_shared>>) offsets(%dma_start3A_126 : memref<128xi32, #tpu.memory_space<vmem>>) semaphore(%arg21 : memref<!tpu.dma_semaphore, #tpu.memory_space<semaphore_mem>>) {add = true}
        %add3A_130 = arith.constant 2 : i32
        %add3A_131 = arith.addi %add3A_97, %add3A_130 : i32
        %dma_wait3A_132 = arith.constant 0 : i32
        %dma_wait3A_133 = tpu.memref_slice %arg9[%add3A_131, %dma_wait3A_132] : memref<124x128xi32, #tpu.memory_space<vmem>> -> memref<1x128xi32, #tpu.memory_space<vmem>>
        %dma_wait3A_134 = tpu.memref_squeeze %dma_wait3A_133 : memref<1x128xi32, #tpu.memory_space<vmem>> -> memref<128xi32, #tpu.memory_space<vmem>>
        %dma_wait3A_135 = arith.constant 0 : i32
        %dma_wait3A_136 = arith.constant 0 : i32
        %dma_wait3A_137 = tpu.memref_slice %arg3[%dma_wait3A_135, %dma_wait3A_136] : memref<10000x64xf32, #tpu.memory_space<hbm>> -> memref<10000x64xf32, #tpu.memory_space<hbm>>
        tpu.wait_indirect_dma semaphore(%arg18 : memref<!tpu.dma_semaphore, #tpu.memory_space<semaphore_mem>>) src(%dma_wait3A_137 : memref<10000x64xf32, #tpu.memory_space<hbm>>) dst(%arg13 : memref<128x64xf32, #tpu.memory_space<vmem>>)
        %add3A_138 = arith.constant 2 : i32
        %add3A_139 = arith.addi %add3A_97, %add3A_138 : i32
        %dma_start3A_140 = arith.constant 0 : i32
        %dma_start3A_141 = tpu.memref_slice %arg10[%add3A_139, %dma_start3A_140] : memref<124x128xi32, #tpu.memory_space<vmem>> -> memref<1x128xi32, #tpu.memory_space<vmem>>
        %dma_start3A_142 = tpu.memref_squeeze %dma_start3A_141 : memref<1x128xi32, #tpu.memory_space<vmem>> -> memref<128xi32, #tpu.memory_space<vmem>>
        %dma_start3A_143 = arith.constant 0 : i32
        %dma_start3A_144 = arith.constant 0 : i32
        %dma_start3A_145 = tpu.memref_slice %arg15[%dma_start3A_143, %dma_start3A_144] : memref<10240x64xf32, #tpu.memory_space<vmem_shared>> -> memref<10240x64xf32, #tpu.memory_space<vmem_shared>>
        tpu.enqueue_indirect_dma source(%arg13 : memref<128x64xf32, #tpu.memory_space<vmem>>) target(%dma_start3A_145 : memref<10240x64xf32, #tpu.memory_space<vmem_shared>>) offsets(%dma_start3A_142 : memref<128xi32, #tpu.memory_space<vmem>>) semaphore(%arg22 : memref<!tpu.dma_semaphore, #tpu.memory_space<semaphore_mem>>) {add = true}
        %add3A_146 = arith.constant 3 : i32
        %add3A_147 = arith.addi %add3A_97, %add3A_146 : i32
        %dma_wait3A_148 = arith.constant 0 : i32
        %dma_wait3A_149 = tpu.memref_slice %arg9[%add3A_147, %dma_wait3A_148] : memref<124x128xi32, #tpu.memory_space<vmem>> -> memref<1x128xi32, #tpu.memory_space<vmem>>
        %dma_wait3A_150 = tpu.memref_squeeze %dma_wait3A_149 : memref<1x128xi32, #tpu.memory_space<vmem>> -> memref<128xi32, #tpu.memory_space<vmem>>
        %dma_wait3A_151 = arith.constant 0 : i32
        %dma_wait3A_152 = arith.constant 0 : i32
        %dma_wait3A_153 = tpu.memref_slice %arg3[%dma_wait3A_151, %dma_wait3A_152] : memref<10000x64xf32, #tpu.memory_space<hbm>> -> memref<10000x64xf32, #tpu.memory_space<hbm>>
        tpu.wait_indirect_dma semaphore(%arg19 : memref<!tpu.dma_semaphore, #tpu.memory_space<semaphore_mem>>) src(%dma_wait3A_153 : memref<10000x64xf32, #tpu.memory_space<hbm>>) dst(%arg14 : memref<128x64xf32, #tpu.memory_space<vmem>>)
        %add3A_154 = arith.constant 3 : i32
        %add3A_155 = arith.addi %add3A_97, %add3A_154 : i32
        %dma_start3A_156 = arith.constant 0 : i32
        %dma_start3A_157 = tpu.memref_slice %arg10[%add3A_155, %dma_start3A_156] : memref<124x128xi32, #tpu.memory_space<vmem>> -> memref<1x128xi32, #tpu.memory_space<vmem>>
        %dma_start3A_158 = tpu.memref_squeeze %dma_start3A_157 : memref<1x128xi32, #tpu.memory_space<vmem>> -> memref<128xi32, #tpu.memory_space<vmem>>
        %dma_start3A_159 = arith.constant 0 : i32
        %dma_start3A_160 = arith.constant 0 : i32
        %dma_start3A_161 = tpu.memref_slice %arg15[%dma_start3A_159, %dma_start3A_160] : memref<10240x64xf32, #tpu.memory_space<vmem_shared>> -> memref<10240x64xf32, #tpu.memory_space<vmem_shared>>
        tpu.enqueue_indirect_dma source(%arg14 : memref<128x64xf32, #tpu.memory_space<vmem>>) target(%dma_start3A_161 : memref<10240x64xf32, #tpu.memory_space<vmem_shared>>) offsets(%dma_start3A_158 : memref<128xi32, #tpu.memory_space<vmem>>) semaphore(%arg23 : memref<!tpu.dma_semaphore, #tpu.memory_space<semaphore_mem>>) {add = true}
        %lt3A = arith.constant 120 : i32
        %lt3A_162 = arith.cmpi slt, %add3A_97, %lt3A : i32
        %convert_element_type3A_163 = arith.extui %lt3A_162 : i1 to i32
        %cond3A_164 = arith.constant 0 : i32
        %cond3A_165 = arith.cmpi ne, %convert_element_type3A_163, %cond3A_164 : i32
        scf.if %cond3A_165 {
          %add3A_166 = arith.constant 0 : i32
          %add3A_167 = arith.addi %add3A_97, %add3A_166 : i32
          %dma_wait3A_168 = arith.constant 0 : i32
          %dma_wait3A_169 = tpu.memref_slice %arg10[%add3A_167, %dma_wait3A_168] : memref<124x128xi32, #tpu.memory_space<vmem>> -> memref<1x128xi32, #tpu.memory_space<vmem>>
          %dma_wait3A_170 = tpu.memref_squeeze %dma_wait3A_169 : memref<1x128xi32, #tpu.memory_space<vmem>> -> memref<128xi32, #tpu.memory_space<vmem>>
          %dma_wait3A_171 = arith.constant 0 : i32
          %dma_wait3A_172 = arith.constant 0 : i32
          %dma_wait3A_173 = tpu.memref_slice %arg15[%dma_wait3A_171, %dma_wait3A_172] : memref<10240x64xf32, #tpu.memory_space<vmem_shared>> -> memref<10240x64xf32, #tpu.memory_space<vmem_shared>>
          tpu.wait_indirect_dma semaphore(%arg20 : memref<!tpu.dma_semaphore, #tpu.memory_space<semaphore_mem>>) src(%arg11 : memref<128x64xf32, #tpu.memory_space<vmem>>) dst(%dma_wait3A_173 : memref<10240x64xf32, #tpu.memory_space<vmem_shared>>)
          %add3A_174 = arith.constant 4 : i32
          %add3A_175 = arith.addi %add3A_97, %add3A_174 : i32
          %add3A_176 = arith.constant 0 : i32
          %add3A_177 = arith.addi %add3A_175, %add3A_176 : i32
          %dma_start3A_178 = arith.constant 0 : i32
          %dma_start3A_179 = tpu.memref_slice %arg9[%add3A_177, %dma_start3A_178] : memref<124x128xi32, #tpu.memory_space<vmem>> -> memref<1x128xi32, #tpu.memory_space<vmem>>
          %dma_start3A_180 = tpu.memref_squeeze %dma_start3A_179 : memref<1x128xi32, #tpu.memory_space<vmem>> -> memref<128xi32, #tpu.memory_space<vmem>>
          %dma_start3A_181 = arith.constant 0 : i32
          %dma_start3A_182 = arith.constant 0 : i32
          %dma_start3A_183 = tpu.memref_slice %arg3[%dma_start3A_181, %dma_start3A_182] : memref<10000x64xf32, #tpu.memory_space<hbm>> -> memref<10000x64xf32, #tpu.memory_space<hbm>>
          tpu.enqueue_indirect_dma source(%dma_start3A_183 : memref<10000x64xf32, #tpu.memory_space<hbm>>) target(%arg11 : memref<128x64xf32, #tpu.memory_space<vmem>>) offsets(%dma_start3A_180 : memref<128xi32, #tpu.memory_space<vmem>>) semaphore(%arg16 : memref<!tpu.dma_semaphore, #tpu.memory_space<semaphore_mem>>)
          %add3A_184 = arith.constant 1 : i32
          %add3A_185 = arith.addi %add3A_97, %add3A_184 : i32
          %dma_wait3A_186 = arith.constant 0 : i32
          %dma_wait3A_187 = tpu.memref_slice %arg10[%add3A_185, %dma_wait3A_186] : memref<124x128xi32, #tpu.memory_space<vmem>> -> memref<1x128xi32, #tpu.memory_space<vmem>>
          %dma_wait3A_188 = tpu.memref_squeeze %dma_wait3A_187 : memref<1x128xi32, #tpu.memory_space<vmem>> -> memref<128xi32, #tpu.memory_space<vmem>>
          %dma_wait3A_189 = arith.constant 0 : i32
          %dma_wait3A_190 = arith.constant 0 : i32
          %dma_wait3A_191 = tpu.memref_slice %arg15[%dma_wait3A_189, %dma_wait3A_190] : memref<10240x64xf32, #tpu.memory_space<vmem_shared>> -> memref<10240x64xf32, #tpu.memory_space<vmem_shared>>
          tpu.wait_indirect_dma semaphore(%arg21 : memref<!tpu.dma_semaphore, #tpu.memory_space<semaphore_mem>>) src(%arg12 : memref<128x64xf32, #tpu.memory_space<vmem>>) dst(%dma_wait3A_191 : memref<10240x64xf32, #tpu.memory_space<vmem_shared>>)
          %add3A_192 = arith.constant 4 : i32
          %add3A_193 = arith.addi %add3A_97, %add3A_192 : i32
          %add3A_194 = arith.constant 1 : i32
          %add3A_195 = arith.addi %add3A_193, %add3A_194 : i32
          %dma_start3A_196 = arith.constant 0 : i32
          %dma_start3A_197 = tpu.memref_slice %arg9[%add3A_195, %dma_start3A_196] : memref<124x128xi32, #tpu.memory_space<vmem>> -> memref<1x128xi32, #tpu.memory_space<vmem>>
          %dma_start3A_198 = tpu.memref_squeeze %dma_start3A_197 : memref<1x128xi32, #tpu.memory_space<vmem>> -> memref<128xi32, #tpu.memory_space<vmem>>
          %dma_start3A_199 = arith.constant 0 : i32
          %dma_start3A_200 = arith.constant 0 : i32
          %dma_start3A_201 = tpu.memref_slice %arg3[%dma_start3A_199, %dma_start3A_200] : memref<10000x64xf32, #tpu.memory_space<hbm>> -> memref<10000x64xf32, #tpu.memory_space<hbm>>
          tpu.enqueue_indirect_dma source(%dma_start3A_201 : memref<10000x64xf32, #tpu.memory_space<hbm>>) target(%arg12 : memref<128x64xf32, #tpu.memory_space<vmem>>) offsets(%dma_start3A_198 : memref<128xi32, #tpu.memory_space<vmem>>) semaphore(%arg17 : memref<!tpu.dma_semaphore, #tpu.memory_space<semaphore_mem>>)
          %add3A_202 = arith.constant 2 : i32
          %add3A_203 = arith.addi %add3A_97, %add3A_202 : i32
          %dma_wait3A_204 = arith.constant 0 : i32
          %dma_wait3A_205 = tpu.memref_slice %arg10[%add3A_203, %dma_wait3A_204] : memref<124x128xi32, #tpu.memory_space<vmem>> -> memref<1x128xi32, #tpu.memory_space<vmem>>
          %dma_wait3A_206 = tpu.memref_squeeze %dma_wait3A_205 : memref<1x128xi32, #tpu.memory_space<vmem>> -> memref<128xi32, #tpu.memory_space<vmem>>
          %dma_wait3A_207 = arith.constant 0 : i32
          %dma_wait3A_208 = arith.constant 0 : i32
          %dma_wait3A_209 = tpu.memref_slice %arg15[%dma_wait3A_207, %dma_wait3A_208] : memref<10240x64xf32, #tpu.memory_space<vmem_shared>> -> memref<10240x64xf32, #tpu.memory_space<vmem_shared>>
          tpu.wait_indirect_dma semaphore(%arg22 : memref<!tpu.dma_semaphore, #tpu.memory_space<semaphore_mem>>) src(%arg13 : memref<128x64xf32, #tpu.memory_space<vmem>>) dst(%dma_wait3A_209 : memref<10240x64xf32, #tpu.memory_space<vmem_shared>>)
          %add3A_210 = arith.constant 4 : i32
          %add3A_211 = arith.addi %add3A_97, %add3A_210 : i32
          %add3A_212 = arith.constant 2 : i32
          %add3A_213 = arith.addi %add3A_211, %add3A_212 : i32
          %dma_start3A_214 = arith.constant 0 : i32
          %dma_start3A_215 = tpu.memref_slice %arg9[%add3A_213, %dma_start3A_214] : memref<124x128xi32, #tpu.memory_space<vmem>> -> memref<1x128xi32, #tpu.memory_space<vmem>>
          %dma_start3A_216 = tpu.memref_squeeze %dma_start3A_215 : memref<1x128xi32, #tpu.memory_space<vmem>> -> memref<128xi32, #tpu.memory_space<vmem>>
          %dma_start3A_217 = arith.constant 0 : i32
          %dma_start3A_218 = arith.constant 0 : i32
          %dma_start3A_219 = tpu.memref_slice %arg3[%dma_start3A_217, %dma_start3A_218] : memref<10000x64xf32, #tpu.memory_space<hbm>> -> memref<10000x64xf32, #tpu.memory_space<hbm>>
          tpu.enqueue_indirect_dma source(%dma_start3A_219 : memref<10000x64xf32, #tpu.memory_space<hbm>>) target(%arg13 : memref<128x64xf32, #tpu.memory_space<vmem>>) offsets(%dma_start3A_216 : memref<128xi32, #tpu.memory_space<vmem>>) semaphore(%arg18 : memref<!tpu.dma_semaphore, #tpu.memory_space<semaphore_mem>>)
          %add3A_220 = arith.constant 3 : i32
          %add3A_221 = arith.addi %add3A_97, %add3A_220 : i32
          %dma_wait3A_222 = arith.constant 0 : i32
          %dma_wait3A_223 = tpu.memref_slice %arg10[%add3A_221, %dma_wait3A_222] : memref<124x128xi32, #tpu.memory_space<vmem>> -> memref<1x128xi32, #tpu.memory_space<vmem>>
          %dma_wait3A_224 = tpu.memref_squeeze %dma_wait3A_223 : memref<1x128xi32, #tpu.memory_space<vmem>> -> memref<128xi32, #tpu.memory_space<vmem>>
          %dma_wait3A_225 = arith.constant 0 : i32
          %dma_wait3A_226 = arith.constant 0 : i32
          %dma_wait3A_227 = tpu.memref_slice %arg15[%dma_wait3A_225, %dma_wait3A_226] : memref<10240x64xf32, #tpu.memory_space<vmem_shared>> -> memref<10240x64xf32, #tpu.memory_space<vmem_shared>>
          tpu.wait_indirect_dma semaphore(%arg23 : memref<!tpu.dma_semaphore, #tpu.memory_space<semaphore_mem>>) src(%arg14 : memref<128x64xf32, #tpu.memory_space<vmem>>) dst(%dma_wait3A_227 : memref<10240x64xf32, #tpu.memory_space<vmem_shared>>)
          %add3A_228 = arith.constant 4 : i32
          %add3A_229 = arith.addi %add3A_97, %add3A_228 : i32
          %add3A_230 = arith.constant 3 : i32
          %add3A_231 = arith.addi %add3A_229, %add3A_230 : i32
          %dma_start3A_232 = arith.constant 0 : i32
          %dma_start3A_233 = tpu.memref_slice %arg9[%add3A_231, %dma_start3A_232] : memref<124x128xi32, #tpu.memory_space<vmem>> -> memref<1x128xi32, #tpu.memory_space<vmem>>
          %dma_start3A_234 = tpu.memref_squeeze %dma_start3A_233 : memref<1x128xi32, #tpu.memory_space<vmem>> -> memref<128xi32, #tpu.memory_space<vmem>>
          %dma_start3A_235 = arith.constant 0 : i32
          %dma_start3A_236 = arith.constant 0 : i32
          %dma_start3A_237 = tpu.memref_slice %arg3[%dma_start3A_235, %dma_start3A_236] : memref<10000x64xf32, #tpu.memory_space<hbm>> -> memref<10000x64xf32, #tpu.memory_space<hbm>>
          tpu.enqueue_indirect_dma source(%dma_start3A_237 : memref<10000x64xf32, #tpu.memory_space<hbm>>) target(%arg14 : memref<128x64xf32, #tpu.memory_space<vmem>>) offsets(%dma_start3A_234 : memref<128xi32, #tpu.memory_space<vmem>>) semaphore(%arg19 : memref<!tpu.dma_semaphore, #tpu.memory_space<semaphore_mem>>)
        } else {
        }
      }
      %scan3A_65 = arith.constant 9 : i32
      %dma_wait3A = arith.constant 120 : i32
      %dma_wait3A_66 = arith.constant 0 : i32
      %dma_wait3A_67 = tpu.memref_slice %arg10[%dma_wait3A, %dma_wait3A_66] : memref<124x128xi32, #tpu.memory_space<vmem>> -> memref<1x128xi32, #tpu.memory_space<vmem>>
      %dma_wait3A_68 = tpu.memref_squeeze %dma_wait3A_67 : memref<1x128xi32, #tpu.memory_space<vmem>> -> memref<128xi32, #tpu.memory_space<vmem>>
      %dma_wait3A_69 = arith.constant 0 : i32
      %dma_wait3A_70 = arith.constant 0 : i32
      %dma_wait3A_71 = tpu.memref_slice %arg15[%dma_wait3A_69, %dma_wait3A_70] : memref<10240x64xf32, #tpu.memory_space<vmem_shared>> -> memref<10240x64xf32, #tpu.memory_space<vmem_shared>>
      tpu.wait_indirect_dma semaphore(%arg20 : memref<!tpu.dma_semaphore, #tpu.memory_space<semaphore_mem>>) src(%arg11 : memref<128x64xf32, #tpu.memory_space<vmem>>) dst(%dma_wait3A_71 : memref<10240x64xf32, #tpu.memory_space<vmem_shared>>)
      %dma_wait3A_72 = arith.constant 121 : i32
      %dma_wait3A_73 = arith.constant 0 : i32
      %dma_wait3A_74 = tpu.memref_slice %arg10[%dma_wait3A_72, %dma_wait3A_73] : memref<124x128xi32, #tpu.memory_space<vmem>> -> memref<1x128xi32, #tpu.memory_space<vmem>>
      %dma_wait3A_75 = tpu.memref_squeeze %dma_wait3A_74 : memref<1x128xi32, #tpu.memory_space<vmem>> -> memref<128xi32, #tpu.memory_space<vmem>>
      %dma_wait3A_76 = arith.constant 0 : i32
      %dma_wait3A_77 = arith.constant 0 : i32
      %dma_wait3A_78 = tpu.memref_slice %arg15[%dma_wait3A_76, %dma_wait3A_77] : memref<10240x64xf32, #tpu.memory_space<vmem_shared>> -> memref<10240x64xf32, #tpu.memory_space<vmem_shared>>
      tpu.wait_indirect_dma semaphore(%arg21 : memref<!tpu.dma_semaphore, #tpu.memory_space<semaphore_mem>>) src(%arg12 : memref<128x64xf32, #tpu.memory_space<vmem>>) dst(%dma_wait3A_78 : memref<10240x64xf32, #tpu.memory_space<vmem_shared>>)
      %dma_wait3A_79 = arith.constant 122 : i32
      %dma_wait3A_80 = arith.constant 0 : i32
      %dma_wait3A_81 = tpu.memref_slice %arg10[%dma_wait3A_79, %dma_wait3A_80] : memref<124x128xi32, #tpu.memory_space<vmem>> -> memref<1x128xi32, #tpu.memory_space<vmem>>
      %dma_wait3A_82 = tpu.memref_squeeze %dma_wait3A_81 : memref<1x128xi32, #tpu.memory_space<vmem>> -> memref<128xi32, #tpu.memory_space<vmem>>
      %dma_wait3A_83 = arith.constant 0 : i32
      %dma_wait3A_84 = arith.constant 0 : i32
      %dma_wait3A_85 = tpu.memref_slice %arg15[%dma_wait3A_83, %dma_wait3A_84] : memref<10240x64xf32, #tpu.memory_space<vmem_shared>> -> memref<10240x64xf32, #tpu.memory_space<vmem_shared>>
      tpu.wait_indirect_dma semaphore(%arg22 : memref<!tpu.dma_semaphore, #tpu.memory_space<semaphore_mem>>) src(%arg13 : memref<128x64xf32, #tpu.memory_space<vmem>>) dst(%dma_wait3A_85 : memref<10240x64xf32, #tpu.memory_space<vmem_shared>>)
      %dma_wait3A_86 = arith.constant 123 : i32
      %dma_wait3A_87 = arith.constant 0 : i32
      %dma_wait3A_88 = tpu.memref_slice %arg10[%dma_wait3A_86, %dma_wait3A_87] : memref<124x128xi32, #tpu.memory_space<vmem>> -> memref<1x128xi32, #tpu.memory_space<vmem>>
      %dma_wait3A_89 = tpu.memref_squeeze %dma_wait3A_88 : memref<1x128xi32, #tpu.memory_space<vmem>> -> memref<128xi32, #tpu.memory_space<vmem>>
      %dma_wait3A_90 = arith.constant 0 : i32
      %dma_wait3A_91 = arith.constant 0 : i32
      %dma_wait3A_92 = tpu.memref_slice %arg15[%dma_wait3A_90, %dma_wait3A_91] : memref<10240x64xf32, #tpu.memory_space<vmem_shared>> -> memref<10240x64xf32, #tpu.memory_space<vmem_shared>>
      tpu.wait_indirect_dma semaphore(%arg23 : memref<!tpu.dma_semaphore, #tpu.memory_space<semaphore_mem>>) src(%arg14 : memref<128x64xf32, #tpu.memory_space<vmem>>) dst(%dma_wait3A_92 : memref<10240x64xf32, #tpu.memory_space<vmem_shared>>)
    } else {
    }
    %barrier3A_30 = arith.constant 0 : index
    tpu.barrier barrier_id(%barrier3A_30)
    %mul3A_31 = arith.constant 640 : i32
    %mul3A_32 = arith.muli %arg1, %mul3A_31 : i32
    %mul3A_33 = arith.constant 640 : i32
    %mul3A_34 = arith.muli %arg1, %mul3A_33 : i32
    "tpu.region"() ({
      %run_scoped3A = tpu.sem_alloc : memref<!tpu.dma_semaphore, #tpu.memory_space<semaphore_mem>>
      %dma_start3A = arith.constant 0 : i32
      %dma_start3A_35 = tpu.memref_slice %arg8[%arg0, %mul3A_34, %dma_start3A] : memref<2x10240x64xf32, #tpu.memory_space<hbm>> -> memref<1x640x64xf32, #tpu.memory_space<hbm>>
      %dma_start3A_36 = tpu.memref_squeeze %dma_start3A_35 : memref<1x640x64xf32, #tpu.memory_space<hbm>> -> memref<640x64xf32, #tpu.memory_space<hbm>>
      %dma_start3A_37 = arith.constant 0 : i32
      %dma_start3A_38 = tpu.memref_slice %arg15[%mul3A_32, %dma_start3A_37] : memref<10240x64xf32, #tpu.memory_space<vmem_shared>> -> memref<640x64xf32, #tpu.memory_space<vmem_shared>>
      tpu.enqueue_dma source(%dma_start3A_38 : memref<640x64xf32, #tpu.memory_space<vmem_shared>>) target(%dma_start3A_36 : memref<640x64xf32, #tpu.memory_space<hbm>>) target_semaphore(%run_scoped3A : memref<!tpu.dma_semaphore, #tpu.memory_space<semaphore_mem>>)
      %dma_wait3A = arith.constant 0 : i32
      %dma_wait3A_39 = tpu.memref_slice %arg8[%arg0, %mul3A_34, %dma_wait3A] : memref<2x10240x64xf32, #tpu.memory_space<hbm>> -> memref<1x640x64xf32, #tpu.memory_space<hbm>>
      %dma_wait3A_40 = tpu.memref_squeeze %dma_wait3A_39 : memref<1x640x64xf32, #tpu.memory_space<hbm>> -> memref<640x64xf32, #tpu.memory_space<hbm>>
      %dma_wait3A_41 = arith.constant 0 : i32
      %dma_wait3A_42 = tpu.memref_slice %arg15[%mul3A_32, %dma_wait3A_41] : memref<10240x64xf32, #tpu.memory_space<vmem_shared>> -> memref<640x64xf32, #tpu.memory_space<vmem_shared>>
      tpu.wait_dma2 semaphore(%run_scoped3A : memref<!tpu.dma_semaphore, #tpu.memory_space<semaphore_mem>>) src(%dma_wait3A_42 : memref<640x64xf32, #tpu.memory_space<vmem_shared>>) dst(%dma_wait3A_40 : memref<640x64xf32, #tpu.memory_space<hbm>>)
      tpu.yield
    }) : () -> ()
    return
  }
}

#map = affine_map<(d0, d1) -> (0, 0, 0)>
#map1 = affine_map<(d0, d1) -> (0, 0)>
module attributes {stable_mosaic.version = 14 : i64} {
  func.func @_deg_kernel(%arg0: i32, %arg1: i32, %arg2: memref<32x80x128xi32, #tpu.memory_space<hbm>>, %arg3: memref<128x16xf32, #tpu.memory_space<hbm>>, %arg4: memref<640x16xf32, #tpu.memory_space<hbm>>, %arg5: memref<2x10240x16xf32, #tpu.memory_space<hbm>>, %arg6: memref<80x128xi32, #tpu.memory_space<vmem>>, %arg7: memref<128x16xf32, #tpu.memory_space<vmem>>, %arg8: memref<10240x16xf32, #tpu.memory_space<vmem_shared>>) attributes {dimension_semantics = [#tpu.dimension_semantics<core_parallel>, #tpu.dimension_semantics<subcore_parallel>], iteration_bounds = array<i64: 2, 16>, scalar_prefetch = 0 : i64, scratch_operands = 3 : i64, tpu.core_type = #tpu.core_type<sc_vector_subcore>, window_params = [{transform_indices = #map}, {transform_indices = #map1}, {transform_indices = #map1}, {transform_indices = #map}]} {
    %mul3A = arith.constant 2 : i32
    %mul3A_0 = arith.muli %arg1, %mul3A : i32
    %add3A = arith.addi %mul3A_0, %arg0 : i32
    "tpu.region"() ({
      %run_scoped3A = tpu.sem_alloc : memref<!tpu.dma_semaphore, #tpu.memory_space<semaphore_mem>>
      %dma_start3A = arith.constant 0 : i32
      %dma_start3A_12 = arith.constant 0 : i32
      %dma_start3A_13 = tpu.memref_slice %arg2[%add3A, %dma_start3A, %dma_start3A_12] : memref<32x80x128xi32, #tpu.memory_space<hbm>> -> memref<1x80x128xi32, #tpu.memory_space<hbm>>
      %dma_start3A_14 = tpu.memref_squeeze %dma_start3A_13 : memref<1x80x128xi32, #tpu.memory_space<hbm>> -> memref<80x128xi32, #tpu.memory_space<hbm>>
      %dma_start3A_15 = arith.constant 0 : i32
      %dma_start3A_16 = arith.constant 0 : i32
      %dma_start3A_17 = tpu.memref_slice %arg2[%add3A, %dma_start3A_15, %dma_start3A_16] : memref<32x80x128xi32, #tpu.memory_space<hbm>> -> memref<1x80x128xi32, #tpu.memory_space<hbm>>
      %dma_start3A_18 = tpu.memref_squeeze %dma_start3A_17 : memref<1x80x128xi32, #tpu.memory_space<hbm>> -> memref<80x128xi32, #tpu.memory_space<hbm>>
      tpu.enqueue_dma source(%dma_start3A_18 : memref<80x128xi32, #tpu.memory_space<hbm>>) target(%arg6 : memref<80x128xi32, #tpu.memory_space<vmem>>) target_semaphore(%run_scoped3A : memref<!tpu.dma_semaphore, #tpu.memory_space<semaphore_mem>>)
      %dma_wait3A = arith.constant 0 : i32
      %dma_wait3A_19 = arith.constant 0 : i32
      %dma_wait3A_20 = tpu.memref_slice %arg2[%add3A, %dma_wait3A, %dma_wait3A_19] : memref<32x80x128xi32, #tpu.memory_space<hbm>> -> memref<1x80x128xi32, #tpu.memory_space<hbm>>
      %dma_wait3A_21 = tpu.memref_squeeze %dma_wait3A_20 : memref<1x80x128xi32, #tpu.memory_space<hbm>> -> memref<80x128xi32, #tpu.memory_space<hbm>>
      %dma_wait3A_22 = arith.constant 0 : i32
      %dma_wait3A_23 = arith.constant 0 : i32
      %dma_wait3A_24 = tpu.memref_slice %arg2[%add3A, %dma_wait3A_22, %dma_wait3A_23] : memref<32x80x128xi32, #tpu.memory_space<hbm>> -> memref<1x80x128xi32, #tpu.memory_space<hbm>>
      %dma_wait3A_25 = tpu.memref_squeeze %dma_wait3A_24 : memref<1x80x128xi32, #tpu.memory_space<hbm>> -> memref<80x128xi32, #tpu.memory_space<hbm>>
      tpu.wait_dma2 semaphore(%run_scoped3A : memref<!tpu.dma_semaphore, #tpu.memory_space<semaphore_mem>>) src(%dma_wait3A_25 : memref<80x128xi32, #tpu.memory_space<hbm>>) dst(%arg6 : memref<80x128xi32, #tpu.memory_space<vmem>>)
      tpu.yield
    }) : () -> ()
    "tpu.region"() ({
      %run_scoped3A = tpu.sem_alloc : memref<!tpu.dma_semaphore, #tpu.memory_space<semaphore_mem>>
      tpu.enqueue_dma source(%arg3 : memref<128x16xf32, #tpu.memory_space<hbm>>) target(%arg7 : memref<128x16xf32, #tpu.memory_space<vmem>>) target_semaphore(%run_scoped3A : memref<!tpu.dma_semaphore, #tpu.memory_space<semaphore_mem>>)
      tpu.wait_dma2 semaphore(%run_scoped3A : memref<!tpu.dma_semaphore, #tpu.memory_space<semaphore_mem>>) src(%arg3 : memref<128x16xf32, #tpu.memory_space<hbm>>) dst(%arg7 : memref<128x16xf32, #tpu.memory_space<vmem>>)
      tpu.yield
    }) : () -> ()
    %mul3A_1 = arith.constant 640 : i32
    %mul3A_2 = arith.muli %arg1, %mul3A_1 : i32
    "tpu.region"() ({
      %run_scoped3A = tpu.sem_alloc : memref<!tpu.dma_semaphore, #tpu.memory_space<semaphore_mem>>
      %dma_start3A = arith.constant 0 : i32
      %dma_start3A_12 = tpu.memref_slice %arg8[%mul3A_2, %dma_start3A] : memref<10240x16xf32, #tpu.memory_space<vmem_shared>> -> memref<640x16xf32, #tpu.memory_space<vmem_shared>>
      tpu.enqueue_dma source(%arg4 : memref<640x16xf32, #tpu.memory_space<hbm>>) target(%dma_start3A_12 : memref<640x16xf32, #tpu.memory_space<vmem_shared>>) target_semaphore(%run_scoped3A : memref<!tpu.dma_semaphore, #tpu.memory_space<semaphore_mem>>)
      %dma_wait3A = arith.constant 0 : i32
      %dma_wait3A_13 = tpu.memref_slice %arg8[%mul3A_2, %dma_wait3A] : memref<10240x16xf32, #tpu.memory_space<vmem_shared>> -> memref<640x16xf32, #tpu.memory_space<vmem_shared>>
      tpu.wait_dma2 semaphore(%run_scoped3A : memref<!tpu.dma_semaphore, #tpu.memory_space<semaphore_mem>>) src(%arg4 : memref<640x16xf32, #tpu.memory_space<hbm>>) dst(%dma_wait3A_13 : memref<640x16xf32, #tpu.memory_space<vmem_shared>>)
      tpu.yield
    }) : () -> ()
    %barrier3A = arith.constant 0 : index
    tpu.barrier barrier_id(%barrier3A)
    %scan3A = arith.constant 0 : i32
    %scan3A_3 = arith.constant 80 : i32
    %scan3A_4 = arith.addi %scan3A, %scan3A_3 : i32
    %scan3A_5 = arith.constant 1 : i32
    scf.for %scan3A_12 = %scan3A to %scan3A_4 step %scan3A_5  : i32 {
      %mul3A_13 = arith.constant 1 : i32
      %mul3A_14 = arith.muli %scan3A_12, %mul3A_13 : i32
      %add3A_15 = arith.constant 0 : i32
      %add3A_16 = arith.addi %add3A_15, %mul3A_14 : i32
      "tpu.region"() ({
        %run_scoped3A = tpu.sem_alloc : memref<!tpu.dma_semaphore, #tpu.memory_space<semaphore_mem>>
        %dma_start3A = arith.constant 0 : i32
        %dma_start3A_17 = tpu.memref_slice %arg6[%add3A_16, %dma_start3A] : memref<80x128xi32, #tpu.memory_space<vmem>> -> memref<1x128xi32, #tpu.memory_space<vmem>>
        %dma_start3A_18 = tpu.memref_squeeze %dma_start3A_17 : memref<1x128xi32, #tpu.memory_space<vmem>> -> memref<128xi32, #tpu.memory_space<vmem>>
        %dma_start3A_19 = arith.constant 0 : i32
        %dma_start3A_20 = arith.constant 0 : i32
        %dma_start3A_21 = tpu.memref_slice %arg8[%dma_start3A_19, %dma_start3A_20] : memref<10240x16xf32, #tpu.memory_space<vmem_shared>> -> memref<10240x16xf32, #tpu.memory_space<vmem_shared>>
        tpu.enqueue_indirect_dma source(%arg7 : memref<128x16xf32, #tpu.memory_space<vmem>>) target(%dma_start3A_21 : memref<10240x16xf32, #tpu.memory_space<vmem_shared>>) offsets(%dma_start3A_18 : memref<128xi32, #tpu.memory_space<vmem>>) semaphore(%run_scoped3A : memref<!tpu.dma_semaphore, #tpu.memory_space<semaphore_mem>>) {add = true}
        %dma_wait3A = arith.constant 0 : i32
        %dma_wait3A_22 = tpu.memref_slice %arg6[%add3A_16, %dma_wait3A] : memref<80x128xi32, #tpu.memory_space<vmem>> -> memref<1x128xi32, #tpu.memory_space<vmem>>
        %dma_wait3A_23 = tpu.memref_squeeze %dma_wait3A_22 : memref<1x128xi32, #tpu.memory_space<vmem>> -> memref<128xi32, #tpu.memory_space<vmem>>
        %dma_wait3A_24 = arith.constant 0 : i32
        %dma_wait3A_25 = arith.constant 0 : i32
        %dma_wait3A_26 = tpu.memref_slice %arg8[%dma_wait3A_24, %dma_wait3A_25] : memref<10240x16xf32, #tpu.memory_space<vmem_shared>> -> memref<10240x16xf32, #tpu.memory_space<vmem_shared>>
        tpu.wait_indirect_dma semaphore(%run_scoped3A : memref<!tpu.dma_semaphore, #tpu.memory_space<semaphore_mem>>) src(%arg7 : memref<128x16xf32, #tpu.memory_space<vmem>>) dst(%dma_wait3A_26 : memref<10240x16xf32, #tpu.memory_space<vmem_shared>>)
        tpu.yield
      }) : () -> ()
    }
    %scan3A_6 = arith.constant 80 : i32
    %barrier3A_7 = arith.constant 0 : index
    tpu.barrier barrier_id(%barrier3A_7)
    %mul3A_8 = arith.constant 640 : i32
    %mul3A_9 = arith.muli %arg1, %mul3A_8 : i32
    %mul3A_10 = arith.constant 640 : i32
    %mul3A_11 = arith.muli %arg1, %mul3A_10 : i32
    "tpu.region"() ({
      %run_scoped3A = tpu.sem_alloc : memref<!tpu.dma_semaphore, #tpu.memory_space<semaphore_mem>>
      %dma_start3A = arith.constant 0 : i32
      %dma_start3A_12 = tpu.memref_slice %arg5[%arg0, %mul3A_11, %dma_start3A] : memref<2x10240x16xf32, #tpu.memory_space<hbm>> -> memref<1x640x16xf32, #tpu.memory_space<hbm>>
      %dma_start3A_13 = tpu.memref_squeeze %dma_start3A_12 : memref<1x640x16xf32, #tpu.memory_space<hbm>> -> memref<640x16xf32, #tpu.memory_space<hbm>>
      %dma_start3A_14 = arith.constant 0 : i32
      %dma_start3A_15 = tpu.memref_slice %arg8[%mul3A_9, %dma_start3A_14] : memref<10240x16xf32, #tpu.memory_space<vmem_shared>> -> memref<640x16xf32, #tpu.memory_space<vmem_shared>>
      tpu.enqueue_dma source(%dma_start3A_15 : memref<640x16xf32, #tpu.memory_space<vmem_shared>>) target(%dma_start3A_13 : memref<640x16xf32, #tpu.memory_space<hbm>>) target_semaphore(%run_scoped3A : memref<!tpu.dma_semaphore, #tpu.memory_space<semaphore_mem>>)
      %dma_wait3A = arith.constant 0 : i32
      %dma_wait3A_16 = tpu.memref_slice %arg5[%arg0, %mul3A_11, %dma_wait3A] : memref<2x10240x16xf32, #tpu.memory_space<hbm>> -> memref<1x640x16xf32, #tpu.memory_space<hbm>>
      %dma_wait3A_17 = tpu.memref_squeeze %dma_wait3A_16 : memref<1x640x16xf32, #tpu.memory_space<hbm>> -> memref<640x16xf32, #tpu.memory_space<hbm>>
      %dma_wait3A_18 = arith.constant 0 : i32
      %dma_wait3A_19 = tpu.memref_slice %arg8[%mul3A_9, %dma_wait3A_18] : memref<10240x16xf32, #tpu.memory_space<vmem_shared>> -> memref<640x16xf32, #tpu.memory_space<vmem_shared>>
      tpu.wait_dma2 semaphore(%run_scoped3A : memref<!tpu.dma_semaphore, #tpu.memory_space<semaphore_mem>>) src(%dma_wait3A_19 : memref<640x16xf32, #tpu.memory_space<vmem_shared>>) dst(%dma_wait3A_17 : memref<640x16xf32, #tpu.memory_space<hbm>>)
      tpu.yield
    }) : () -> ()
    return
  }
}

#map = affine_map<(d0, d1) -> (0, 0)>
#map1 = affine_map<(d0, d1) -> (0, 0, 0)>
module attributes {stable_mosaic.version = 14 : i64} {
  func.func @_agg_kernel(%arg0: i32, %arg1: i32, %arg2: memref<10000x64xf32, #tpu.memory_space<hbm>>, %arg3: memref<10000x64xf32, #tpu.memory_space<hbm>>, %arg4: memref<2560x128xi32, #tpu.memory_space<hbm>>, %arg5: memref<2560x128xi32, #tpu.memory_space<hbm>>, %arg6: memref<640x64xf32, #tpu.memory_space<hbm>>, %arg7: memref<2x10240x64xf32, #tpu.memory_space<hbm>>, %arg8: memref<2x10240x64xf32, #tpu.memory_space<hbm>>, %arg9: memref<124x128xi32, #tpu.memory_space<vmem>>, %arg10: memref<124x128xi32, #tpu.memory_space<vmem>>, %arg11: memref<128x64xf32, #tpu.memory_space<vmem>>, %arg12: memref<128x64xf32, #tpu.memory_space<vmem>>, %arg13: memref<128x64xf32, #tpu.memory_space<vmem>>, %arg14: memref<128x64xf32, #tpu.memory_space<vmem>>, %arg15: memref<10240x64xf32, #tpu.memory_space<vmem_shared>>, %arg16: memref<!tpu.dma_semaphore, #tpu.memory_space<semaphore_mem>>, %arg17: memref<!tpu.dma_semaphore, #tpu.memory_space<semaphore_mem>>, %arg18: memref<!tpu.dma_semaphore, #tpu.memory_space<semaphore_mem>>, %arg19: memref<!tpu.dma_semaphore, #tpu.memory_space<semaphore_mem>>, %arg20: memref<!tpu.dma_semaphore, #tpu.memory_space<semaphore_mem>>, %arg21: memref<!tpu.dma_semaphore, #tpu.memory_space<semaphore_mem>>, %arg22: memref<!tpu.dma_semaphore, #tpu.memory_space<semaphore_mem>>, %arg23: memref<!tpu.dma_semaphore, #tpu.memory_space<semaphore_mem>>) attributes {dimension_semantics = [#tpu.dimension_semantics<core_parallel>, #tpu.dimension_semantics<subcore_parallel>], iteration_bounds = array<i64: 2, 16>, scalar_prefetch = 0 : i64, scratch_operands = 15 : i64, tpu.core_type = #tpu.core_type<sc_vector_subcore>, window_params = [{transform_indices = #map}, {transform_indices = #map}, {transform_indices = #map}, {transform_indices = #map}, {transform_indices = #map}, {transform_indices = #map1}, {transform_indices = #map1}]} {
    %mul3A = arith.constant 160 : i32
    %mul3A_0 = arith.muli %arg1, %mul3A : i32
    %mul3A_1 = arith.constant 36 : i32
    %mul3A_2 = arith.muli %arg0, %mul3A_1 : i32
    %add3A = arith.addi %mul3A_0, %mul3A_2 : i32
    "tpu.region"() ({
      %run_scoped3A = tpu.sem_alloc : memref<!tpu.dma_semaphore, #tpu.memory_space<semaphore_mem>>
      %dma_start3A = arith.constant 0 : i32
      %dma_start3A_35 = tpu.memref_slice %arg4[%add3A, %dma_start3A] : memref<2560x128xi32, #tpu.memory_space<hbm>> -> memref<124x128xi32, #tpu.memory_space<hbm>>
      %dma_start3A_36 = arith.constant 0 : i32
      %dma_start3A_37 = tpu.memref_slice %arg4[%add3A, %dma_start3A_36] : memref<2560x128xi32, #tpu.memory_space<hbm>> -> memref<124x128xi32, #tpu.memory_space<hbm>>
      tpu.enqueue_dma source(%dma_start3A_37 : memref<124x128xi32, #tpu.memory_space<hbm>>) target(%arg9 : memref<124x128xi32, #tpu.memory_space<vmem>>) target_semaphore(%run_scoped3A : memref<!tpu.dma_semaphore, #tpu.memory_space<semaphore_mem>>)
      %dma_wait3A = arith.constant 0 : i32
      %dma_wait3A_38 = tpu.memref_slice %arg4[%add3A, %dma_wait3A] : memref<2560x128xi32, #tpu.memory_space<hbm>> -> memref<124x128xi32, #tpu.memory_space<hbm>>
      %dma_wait3A_39 = arith.constant 0 : i32
      %dma_wait3A_40 = tpu.memref_slice %arg4[%add3A, %dma_wait3A_39] : memref<2560x128xi32, #tpu.memory_space<hbm>> -> memref<124x128xi32, #tpu.memory_space<hbm>>
      tpu.wait_dma2 semaphore(%run_scoped3A : memref<!tpu.dma_semaphore, #tpu.memory_space<semaphore_mem>>) src(%dma_wait3A_40 : memref<124x128xi32, #tpu.memory_space<hbm>>) dst(%arg9 : memref<124x128xi32, #tpu.memory_space<vmem>>)
      tpu.yield
    }) : () -> ()
    "tpu.region"() ({
      %run_scoped3A = tpu.sem_alloc : memref<!tpu.dma_semaphore, #tpu.memory_space<semaphore_mem>>
      %dma_start3A = arith.constant 0 : i32
      %dma_start3A_35 = tpu.memref_slice %arg5[%add3A, %dma_start3A] : memref<2560x128xi32, #tpu.memory_space<hbm>> -> memref<124x128xi32, #tpu.memory_space<hbm>>
      %dma_start3A_36 = arith.constant 0 : i32
      %dma_start3A_37 = tpu.memref_slice %arg5[%add3A, %dma_start3A_36] : memref<2560x128xi32, #tpu.memory_space<hbm>> -> memref<124x128xi32, #tpu.memory_space<hbm>>
      tpu.enqueue_dma source(%dma_start3A_37 : memref<124x128xi32, #tpu.memory_space<hbm>>) target(%arg10 : memref<124x128xi32, #tpu.memory_space<vmem>>) target_semaphore(%run_scoped3A : memref<!tpu.dma_semaphore, #tpu.memory_space<semaphore_mem>>)
      %dma_wait3A = arith.constant 0 : i32
      %dma_wait3A_38 = tpu.memref_slice %arg5[%add3A, %dma_wait3A] : memref<2560x128xi32, #tpu.memory_space<hbm>> -> memref<124x128xi32, #tpu.memory_space<hbm>>
      %dma_wait3A_39 = arith.constant 0 : i32
      %dma_wait3A_40 = tpu.memref_slice %arg5[%add3A, %dma_wait3A_39] : memref<2560x128xi32, #tpu.memory_space<hbm>> -> memref<124x128xi32, #tpu.memory_space<hbm>>
      tpu.wait_dma2 semaphore(%run_scoped3A : memref<!tpu.dma_semaphore, #tpu.memory_space<semaphore_mem>>) src(%dma_wait3A_40 : memref<124x128xi32, #tpu.memory_space<hbm>>) dst(%arg10 : memref<124x128xi32, #tpu.memory_space<vmem>>)
      tpu.yield
    }) : () -> ()
    %mul3A_3 = arith.constant 640 : i32
    %mul3A_4 = arith.muli %arg1, %mul3A_3 : i32
    "tpu.region"() ({
      %run_scoped3A = tpu.sem_alloc : memref<!tpu.dma_semaphore, #tpu.memory_space<semaphore_mem>>
      %dma_start3A = arith.constant 0 : i32
      %dma_start3A_35 = tpu.memref_slice %arg15[%mul3A_4, %dma_start3A] : memref<10240x64xf32, #tpu.memory_space<vmem_shared>> -> memref<640x64xf32, #tpu.memory_space<vmem_shared>>
      tpu.enqueue_dma source(%arg6 : memref<640x64xf32, #tpu.memory_space<hbm>>) target(%dma_start3A_35 : memref<640x64xf32, #tpu.memory_space<vmem_shared>>) target_semaphore(%run_scoped3A : memref<!tpu.dma_semaphore, #tpu.memory_space<semaphore_mem>>)
      %dma_wait3A = arith.constant 0 : i32
      %dma_wait3A_36 = tpu.memref_slice %arg15[%mul3A_4, %dma_wait3A] : memref<10240x64xf32, #tpu.memory_space<vmem_shared>> -> memref<640x64xf32, #tpu.memory_space<vmem_shared>>
      tpu.wait_dma2 semaphore(%run_scoped3A : memref<!tpu.dma_semaphore, #tpu.memory_space<semaphore_mem>>) src(%arg6 : memref<640x64xf32, #tpu.memory_space<hbm>>) dst(%dma_wait3A_36 : memref<640x64xf32, #tpu.memory_space<vmem_shared>>)
      tpu.yield
    }) : () -> ()
    %barrier3A = arith.constant 0 : index
    tpu.barrier barrier_id(%barrier3A)
    %eq3A = arith.constant 0 : i32
    %eq3A_5 = arith.cmpi eq, %arg0, %eq3A : i32
    %convert_element_type3A = arith.extui %eq3A_5 : i1 to i32
    %cond3A = arith.constant 0 : i32
    %cond3A_6 = arith.cmpi ne, %convert_element_type3A, %cond3A : i32
    scf.if %cond3A_6 {
      %dma_start3A = arith.constant 0 : i32
      %dma_start3A_35 = arith.constant 0 : i32
      %dma_start3A_36 = tpu.memref_slice %arg9[%dma_start3A, %dma_start3A_35] : memref<124x128xi32, #tpu.memory_space<vmem>> -> memref<1x128xi32, #tpu.memory_space<vmem>>
      %dma_start3A_37 = tpu.memref_squeeze %dma_start3A_36 : memref<1x128xi32, #tpu.memory_space<vmem>> -> memref<128xi32, #tpu.memory_space<vmem>>
      %dma_start3A_38 = arith.constant 0 : i32
      %dma_start3A_39 = arith.constant 0 : i32
      %dma_start3A_40 = tpu.memref_slice %arg2[%dma_start3A_38, %dma_start3A_39] : memref<10000x64xf32, #tpu.memory_space<hbm>> -> memref<10000x64xf32, #tpu.memory_space<hbm>>
      tpu.enqueue_indirect_dma source(%dma_start3A_40 : memref<10000x64xf32, #tpu.memory_space<hbm>>) target(%arg11 : memref<128x64xf32, #tpu.memory_space<vmem>>) offsets(%dma_start3A_37 : memref<128xi32, #tpu.memory_space<vmem>>) semaphore(%arg16 : memref<!tpu.dma_semaphore, #tpu.memory_space<semaphore_mem>>)
      %dma_start3A_41 = arith.constant 1 : i32
      %dma_start3A_42 = arith.constant 0 : i32
      %dma_start3A_43 = tpu.memref_slice %arg9[%dma_start3A_41, %dma_start3A_42] : memref<124x128xi32, #tpu.memory_space<vmem>> -> memref<1x128xi32, #tpu.memory_space<vmem>>
      %dma_start3A_44 = tpu.memref_squeeze %dma_start3A_43 : memref<1x128xi32, #tpu.memory_space<vmem>> -> memref<128xi32, #tpu.memory_space<vmem>>
      %dma_start3A_45 = arith.constant 0 : i32
      %dma_start3A_46 = arith.constant 0 : i32
      %dma_start3A_47 = tpu.memref_slice %arg2[%dma_start3A_45, %dma_start3A_46] : memref<10000x64xf32, #tpu.memory_space<hbm>> -> memref<10000x64xf32, #tpu.memory_space<hbm>>
      tpu.enqueue_indirect_dma source(%dma_start3A_47 : memref<10000x64xf32, #tpu.memory_space<hbm>>) target(%arg12 : memref<128x64xf32, #tpu.memory_space<vmem>>) offsets(%dma_start3A_44 : memref<128xi32, #tpu.memory_space<vmem>>) semaphore(%arg17 : memref<!tpu.dma_semaphore, #tpu.memory_space<semaphore_mem>>)
      %dma_start3A_48 = arith.constant 2 : i32
      %dma_start3A_49 = arith.constant 0 : i32
      %dma_start3A_50 = tpu.memref_slice %arg9[%dma_start3A_48, %dma_start3A_49] : memref<124x128xi32, #tpu.memory_space<vmem>> -> memref<1x128xi32, #tpu.memory_space<vmem>>
      %dma_start3A_51 = tpu.memref_squeeze %dma_start3A_50 : memref<1x128xi32, #tpu.memory_space<vmem>> -> memref<128xi32, #tpu.memory_space<vmem>>
      %dma_start3A_52 = arith.constant 0 : i32
      %dma_start3A_53 = arith.constant 0 : i32
      %dma_start3A_54 = tpu.memref_slice %arg2[%dma_start3A_52, %dma_start3A_53] : memref<10000x64xf32, #tpu.memory_space<hbm>> -> memref<10000x64xf32, #tpu.memory_space<hbm>>
      tpu.enqueue_indirect_dma source(%dma_start3A_54 : memref<10000x64xf32, #tpu.memory_space<hbm>>) target(%arg13 : memref<128x64xf32, #tpu.memory_space<vmem>>) offsets(%dma_start3A_51 : memref<128xi32, #tpu.memory_space<vmem>>) semaphore(%arg18 : memref<!tpu.dma_semaphore, #tpu.memory_space<semaphore_mem>>)
      %dma_start3A_55 = arith.constant 3 : i32
      %dma_start3A_56 = arith.constant 0 : i32
      %dma_start3A_57 = tpu.memref_slice %arg9[%dma_start3A_55, %dma_start3A_56] : memref<124x128xi32, #tpu.memory_space<vmem>> -> memref<1x128xi32, #tpu.memory_space<vmem>>
      %dma_start3A_58 = tpu.memref_squeeze %dma_start3A_57 : memref<1x128xi32, #tpu.memory_space<vmem>> -> memref<128xi32, #tpu.memory_space<vmem>>
      %dma_start3A_59 = arith.constant 0 : i32
      %dma_start3A_60 = arith.constant 0 : i32
      %dma_start3A_61 = tpu.memref_slice %arg2[%dma_start3A_59, %dma_start3A_60] : memref<10000x64xf32, #tpu.memory_space<hbm>> -> memref<10000x64xf32, #tpu.memory_space<hbm>>
      tpu.enqueue_indirect_dma source(%dma_start3A_61 : memref<10000x64xf32, #tpu.memory_space<hbm>>) target(%arg14 : memref<128x64xf32, #tpu.memory_space<vmem>>) offsets(%dma_start3A_58 : memref<128xi32, #tpu.memory_space<vmem>>) semaphore(%arg19 : memref<!tpu.dma_semaphore, #tpu.memory_space<semaphore_mem>>)
      %scan3A = arith.constant 0 : i32
      %scan3A_62 = arith.constant 31 : i32
      %scan3A_63 = arith.addi %scan3A, %scan3A_62 : i32
      %scan3A_64 = arith.constant 1 : i32
      scf.for %scan3A_93 = %scan3A to %scan3A_63 step %scan3A_64  : i32 {
        %mul3A_94 = arith.constant 4 : i32
        %mul3A_95 = arith.muli %scan3A_93, %mul3A_94 : i32
        %add3A_96 = arith.constant 0 : i32
        %add3A_97 = arith.addi %add3A_96, %mul3A_95 : i32
        %add3A_98 = arith.constant 0 : i32
        %add3A_99 = arith.addi %add3A_97, %add3A_98 : i32
        %dma_wait3A_100 = arith.constant 0 : i32
        %dma_wait3A_101 = tpu.memref_slice %arg9[%add3A_99, %dma_wait3A_100] : memref<124x128xi32, #tpu.memory_space<vmem>> -> memref<1x128xi32, #tpu.memory_space<vmem>>
        %dma_wait3A_102 = tpu.memref_squeeze %dma_wait3A_101 : memref<1x128xi32, #tpu.memory_space<vmem>> -> memref<128xi32, #tpu.memory_space<vmem>>
        %dma_wait3A_103 = arith.constant 0 : i32
        %dma_wait3A_104 = arith.constant 0 : i32
        %dma_wait3A_105 = tpu.memref_slice %arg2[%dma_wait3A_103, %dma_wait3A_104] : memref<10000x64xf32, #tpu.memory_space<hbm>> -> memref<10000x64xf32, #tpu.memory_space<hbm>>
        tpu.wait_indirect_dma semaphore(%arg16 : memref<!tpu.dma_semaphore, #tpu.memory_space<semaphore_mem>>) src(%dma_wait3A_105 : memref<10000x64xf32, #tpu.memory_space<hbm>>) dst(%arg11 : memref<128x64xf32, #tpu.memory_space<vmem>>)
        %add3A_106 = arith.constant 0 : i32
        %add3A_107 = arith.addi %add3A_97, %add3A_106 : i32
        %dma_start3A_108 = arith.constant 0 : i32
        %dma_start3A_109 = tpu.memref_slice %arg10[%add3A_107, %dma_start3A_108] : memref<124x128xi32, #tpu.memory_space<vmem>> -> memref<1x128xi32, #tpu.memory_space<vmem>>
        %dma_start3A_110 = tpu.memref_squeeze %dma_start3A_109 : memref<1x128xi32, #tpu.memory_space<vmem>> -> memref<128xi32, #tpu.memory_space<vmem>>
        %dma_start3A_111 = arith.constant 0 : i32
        %dma_start3A_112 = arith.constant 0 : i32
        %dma_start3A_113 = tpu.memref_slice %arg15[%dma_start3A_111, %dma_start3A_112] : memref<10240x64xf32, #tpu.memory_space<vmem_shared>> -> memref<10240x64xf32, #tpu.memory_space<vmem_shared>>
        tpu.enqueue_indirect_dma source(%arg11 : memref<128x64xf32, #tpu.memory_space<vmem>>) target(%dma_start3A_113 : memref<10240x64xf32, #tpu.memory_space<vmem_shared>>) offsets(%dma_start3A_110 : memref<128xi32, #tpu.memory_space<vmem>>) semaphore(%arg20 : memref<!tpu.dma_semaphore, #tpu.memory_space<semaphore_mem>>) {add = true}
        %add3A_114 = arith.constant 1 : i32
        %add3A_115 = arith.addi %add3A_97, %add3A_114 : i32
        %dma_wait3A_116 = arith.constant 0 : i32
        %dma_wait3A_117 = tpu.memref_slice %arg9[%add3A_115, %dma_wait3A_116] : memref<124x128xi32, #tpu.memory_space<vmem>> -> memref<1x128xi32, #tpu.memory_space<vmem>>
        %dma_wait3A_118 = tpu.memref_squeeze %dma_wait3A_117 : memref<1x128xi32, #tpu.memory_space<vmem>> -> memref<128xi32, #tpu.memory_space<vmem>>
        %dma_wait3A_119 = arith.constant 0 : i32
        %dma_wait3A_120 = arith.constant 0 : i32
        %dma_wait3A_121 = tpu.memref_slice %arg2[%dma_wait3A_119, %dma_wait3A_120] : memref<10000x64xf32, #tpu.memory_space<hbm>> -> memref<10000x64xf32, #tpu.memory_space<hbm>>
        tpu.wait_indirect_dma semaphore(%arg17 : memref<!tpu.dma_semaphore, #tpu.memory_space<semaphore_mem>>) src(%dma_wait3A_121 : memref<10000x64xf32, #tpu.memory_space<hbm>>) dst(%arg12 : memref<128x64xf32, #tpu.memory_space<vmem>>)
        %add3A_122 = arith.constant 1 : i32
        %add3A_123 = arith.addi %add3A_97, %add3A_122 : i32
        %dma_start3A_124 = arith.constant 0 : i32
        %dma_start3A_125 = tpu.memref_slice %arg10[%add3A_123, %dma_start3A_124] : memref<124x128xi32, #tpu.memory_space<vmem>> -> memref<1x128xi32, #tpu.memory_space<vmem>>
        %dma_start3A_126 = tpu.memref_squeeze %dma_start3A_125 : memref<1x128xi32, #tpu.memory_space<vmem>> -> memref<128xi32, #tpu.memory_space<vmem>>
        %dma_start3A_127 = arith.constant 0 : i32
        %dma_start3A_128 = arith.constant 0 : i32
        %dma_start3A_129 = tpu.memref_slice %arg15[%dma_start3A_127, %dma_start3A_128] : memref<10240x64xf32, #tpu.memory_space<vmem_shared>> -> memref<10240x64xf32, #tpu.memory_space<vmem_shared>>
        tpu.enqueue_indirect_dma source(%arg12 : memref<128x64xf32, #tpu.memory_space<vmem>>) target(%dma_start3A_129 : memref<10240x64xf32, #tpu.memory_space<vmem_shared>>) offsets(%dma_start3A_126 : memref<128xi32, #tpu.memory_space<vmem>>) semaphore(%arg21 : memref<!tpu.dma_semaphore, #tpu.memory_space<semaphore_mem>>) {add = true}
        %add3A_130 = arith.constant 2 : i32
        %add3A_131 = arith.addi %add3A_97, %add3A_130 : i32
        %dma_wait3A_132 = arith.constant 0 : i32
        %dma_wait3A_133 = tpu.memref_slice %arg9[%add3A_131, %dma_wait3A_132] : memref<124x128xi32, #tpu.memory_space<vmem>> -> memref<1x128xi32, #tpu.memory_space<vmem>>
        %dma_wait3A_134 = tpu.memref_squeeze %dma_wait3A_133 : memref<1x128xi32, #tpu.memory_space<vmem>> -> memref<128xi32, #tpu.memory_space<vmem>>
        %dma_wait3A_135 = arith.constant 0 : i32
        %dma_wait3A_136 = arith.constant 0 : i32
        %dma_wait3A_137 = tpu.memref_slice %arg2[%dma_wait3A_135, %dma_wait3A_136] : memref<10000x64xf32, #tpu.memory_space<hbm>> -> memref<10000x64xf32, #tpu.memory_space<hbm>>
        tpu.wait_indirect_dma semaphore(%arg18 : memref<!tpu.dma_semaphore, #tpu.memory_space<semaphore_mem>>) src(%dma_wait3A_137 : memref<10000x64xf32, #tpu.memory_space<hbm>>) dst(%arg13 : memref<128x64xf32, #tpu.memory_space<vmem>>)
        %add3A_138 = arith.constant 2 : i32
        %add3A_139 = arith.addi %add3A_97, %add3A_138 : i32
        %dma_start3A_140 = arith.constant 0 : i32
        %dma_start3A_141 = tpu.memref_slice %arg10[%add3A_139, %dma_start3A_140] : memref<124x128xi32, #tpu.memory_space<vmem>> -> memref<1x128xi32, #tpu.memory_space<vmem>>
        %dma_start3A_142 = tpu.memref_squeeze %dma_start3A_141 : memref<1x128xi32, #tpu.memory_space<vmem>> -> memref<128xi32, #tpu.memory_space<vmem>>
        %dma_start3A_143 = arith.constant 0 : i32
        %dma_start3A_144 = arith.constant 0 : i32
        %dma_start3A_145 = tpu.memref_slice %arg15[%dma_start3A_143, %dma_start3A_144] : memref<10240x64xf32, #tpu.memory_space<vmem_shared>> -> memref<10240x64xf32, #tpu.memory_space<vmem_shared>>
        tpu.enqueue_indirect_dma source(%arg13 : memref<128x64xf32, #tpu.memory_space<vmem>>) target(%dma_start3A_145 : memref<10240x64xf32, #tpu.memory_space<vmem_shared>>) offsets(%dma_start3A_142 : memref<128xi32, #tpu.memory_space<vmem>>) semaphore(%arg22 : memref<!tpu.dma_semaphore, #tpu.memory_space<semaphore_mem>>) {add = true}
        %add3A_146 = arith.constant 3 : i32
        %add3A_147 = arith.addi %add3A_97, %add3A_146 : i32
        %dma_wait3A_148 = arith.constant 0 : i32
        %dma_wait3A_149 = tpu.memref_slice %arg9[%add3A_147, %dma_wait3A_148] : memref<124x128xi32, #tpu.memory_space<vmem>> -> memref<1x128xi32, #tpu.memory_space<vmem>>
        %dma_wait3A_150 = tpu.memref_squeeze %dma_wait3A_149 : memref<1x128xi32, #tpu.memory_space<vmem>> -> memref<128xi32, #tpu.memory_space<vmem>>
        %dma_wait3A_151 = arith.constant 0 : i32
        %dma_wait3A_152 = arith.constant 0 : i32
        %dma_wait3A_153 = tpu.memref_slice %arg2[%dma_wait3A_151, %dma_wait3A_152] : memref<10000x64xf32, #tpu.memory_space<hbm>> -> memref<10000x64xf32, #tpu.memory_space<hbm>>
        tpu.wait_indirect_dma semaphore(%arg19 : memref<!tpu.dma_semaphore, #tpu.memory_space<semaphore_mem>>) src(%dma_wait3A_153 : memref<10000x64xf32, #tpu.memory_space<hbm>>) dst(%arg14 : memref<128x64xf32, #tpu.memory_space<vmem>>)
        %add3A_154 = arith.constant 3 : i32
        %add3A_155 = arith.addi %add3A_97, %add3A_154 : i32
        %dma_start3A_156 = arith.constant 0 : i32
        %dma_start3A_157 = tpu.memref_slice %arg10[%add3A_155, %dma_start3A_156] : memref<124x128xi32, #tpu.memory_space<vmem>> -> memref<1x128xi32, #tpu.memory_space<vmem>>
        %dma_start3A_158 = tpu.memref_squeeze %dma_start3A_157 : memref<1x128xi32, #tpu.memory_space<vmem>> -> memref<128xi32, #tpu.memory_space<vmem>>
        %dma_start3A_159 = arith.constant 0 : i32
        %dma_start3A_160 = arith.constant 0 : i32
        %dma_start3A_161 = tpu.memref_slice %arg15[%dma_start3A_159, %dma_start3A_160] : memref<10240x64xf32, #tpu.memory_space<vmem_shared>> -> memref<10240x64xf32, #tpu.memory_space<vmem_shared>>
        tpu.enqueue_indirect_dma source(%arg14 : memref<128x64xf32, #tpu.memory_space<vmem>>) target(%dma_start3A_161 : memref<10240x64xf32, #tpu.memory_space<vmem_shared>>) offsets(%dma_start3A_158 : memref<128xi32, #tpu.memory_space<vmem>>) semaphore(%arg23 : memref<!tpu.dma_semaphore, #tpu.memory_space<semaphore_mem>>) {add = true}
        %lt3A = arith.constant 120 : i32
        %lt3A_162 = arith.cmpi slt, %add3A_97, %lt3A : i32
        %convert_element_type3A_163 = arith.extui %lt3A_162 : i1 to i32
        %cond3A_164 = arith.constant 0 : i32
        %cond3A_165 = arith.cmpi ne, %convert_element_type3A_163, %cond3A_164 : i32
        scf.if %cond3A_165 {
          %add3A_166 = arith.constant 0 : i32
          %add3A_167 = arith.addi %add3A_97, %add3A_166 : i32
          %dma_wait3A_168 = arith.constant 0 : i32
          %dma_wait3A_169 = tpu.memref_slice %arg10[%add3A_167, %dma_wait3A_168] : memref<124x128xi32, #tpu.memory_space<vmem>> -> memref<1x128xi32, #tpu.memory_space<vmem>>
          %dma_wait3A_170 = tpu.memref_squeeze %dma_wait3A_169 : memref<1x128xi32, #tpu.memory_space<vmem>> -> memref<128xi32, #tpu.memory_space<vmem>>
          %dma_wait3A_171 = arith.constant 0 : i32
          %dma_wait3A_172 = arith.constant 0 : i32
          %dma_wait3A_173 = tpu.memref_slice %arg15[%dma_wait3A_171, %dma_wait3A_172] : memref<10240x64xf32, #tpu.memory_space<vmem_shared>> -> memref<10240x64xf32, #tpu.memory_space<vmem_shared>>
          tpu.wait_indirect_dma semaphore(%arg20 : memref<!tpu.dma_semaphore, #tpu.memory_space<semaphore_mem>>) src(%arg11 : memref<128x64xf32, #tpu.memory_space<vmem>>) dst(%dma_wait3A_173 : memref<10240x64xf32, #tpu.memory_space<vmem_shared>>)
          %add3A_174 = arith.constant 4 : i32
          %add3A_175 = arith.addi %add3A_97, %add3A_174 : i32
          %add3A_176 = arith.constant 0 : i32
          %add3A_177 = arith.addi %add3A_175, %add3A_176 : i32
          %dma_start3A_178 = arith.constant 0 : i32
          %dma_start3A_179 = tpu.memref_slice %arg9[%add3A_177, %dma_start3A_178] : memref<124x128xi32, #tpu.memory_space<vmem>> -> memref<1x128xi32, #tpu.memory_space<vmem>>
          %dma_start3A_180 = tpu.memref_squeeze %dma_start3A_179 : memref<1x128xi32, #tpu.memory_space<vmem>> -> memref<128xi32, #tpu.memory_space<vmem>>
          %dma_start3A_181 = arith.constant 0 : i32
          %dma_start3A_182 = arith.constant 0 : i32
          %dma_start3A_183 = tpu.memref_slice %arg2[%dma_start3A_181, %dma_start3A_182] : memref<10000x64xf32, #tpu.memory_space<hbm>> -> memref<10000x64xf32, #tpu.memory_space<hbm>>
          tpu.enqueue_indirect_dma source(%dma_start3A_183 : memref<10000x64xf32, #tpu.memory_space<hbm>>) target(%arg11 : memref<128x64xf32, #tpu.memory_space<vmem>>) offsets(%dma_start3A_180 : memref<128xi32, #tpu.memory_space<vmem>>) semaphore(%arg16 : memref<!tpu.dma_semaphore, #tpu.memory_space<semaphore_mem>>)
          %add3A_184 = arith.constant 1 : i32
          %add3A_185 = arith.addi %add3A_97, %add3A_184 : i32
          %dma_wait3A_186 = arith.constant 0 : i32
          %dma_wait3A_187 = tpu.memref_slice %arg10[%add3A_185, %dma_wait3A_186] : memref<124x128xi32, #tpu.memory_space<vmem>> -> memref<1x128xi32, #tpu.memory_space<vmem>>
          %dma_wait3A_188 = tpu.memref_squeeze %dma_wait3A_187 : memref<1x128xi32, #tpu.memory_space<vmem>> -> memref<128xi32, #tpu.memory_space<vmem>>
          %dma_wait3A_189 = arith.constant 0 : i32
          %dma_wait3A_190 = arith.constant 0 : i32
          %dma_wait3A_191 = tpu.memref_slice %arg15[%dma_wait3A_189, %dma_wait3A_190] : memref<10240x64xf32, #tpu.memory_space<vmem_shared>> -> memref<10240x64xf32, #tpu.memory_space<vmem_shared>>
          tpu.wait_indirect_dma semaphore(%arg21 : memref<!tpu.dma_semaphore, #tpu.memory_space<semaphore_mem>>) src(%arg12 : memref<128x64xf32, #tpu.memory_space<vmem>>) dst(%dma_wait3A_191 : memref<10240x64xf32, #tpu.memory_space<vmem_shared>>)
          %add3A_192 = arith.constant 4 : i32
          %add3A_193 = arith.addi %add3A_97, %add3A_192 : i32
          %add3A_194 = arith.constant 1 : i32
          %add3A_195 = arith.addi %add3A_193, %add3A_194 : i32
          %dma_start3A_196 = arith.constant 0 : i32
          %dma_start3A_197 = tpu.memref_slice %arg9[%add3A_195, %dma_start3A_196] : memref<124x128xi32, #tpu.memory_space<vmem>> -> memref<1x128xi32, #tpu.memory_space<vmem>>
          %dma_start3A_198 = tpu.memref_squeeze %dma_start3A_197 : memref<1x128xi32, #tpu.memory_space<vmem>> -> memref<128xi32, #tpu.memory_space<vmem>>
          %dma_start3A_199 = arith.constant 0 : i32
          %dma_start3A_200 = arith.constant 0 : i32
          %dma_start3A_201 = tpu.memref_slice %arg2[%dma_start3A_199, %dma_start3A_200] : memref<10000x64xf32, #tpu.memory_space<hbm>> -> memref<10000x64xf32, #tpu.memory_space<hbm>>
          tpu.enqueue_indirect_dma source(%dma_start3A_201 : memref<10000x64xf32, #tpu.memory_space<hbm>>) target(%arg12 : memref<128x64xf32, #tpu.memory_space<vmem>>) offsets(%dma_start3A_198 : memref<128xi32, #tpu.memory_space<vmem>>) semaphore(%arg17 : memref<!tpu.dma_semaphore, #tpu.memory_space<semaphore_mem>>)
          %add3A_202 = arith.constant 2 : i32
          %add3A_203 = arith.addi %add3A_97, %add3A_202 : i32
          %dma_wait3A_204 = arith.constant 0 : i32
          %dma_wait3A_205 = tpu.memref_slice %arg10[%add3A_203, %dma_wait3A_204] : memref<124x128xi32, #tpu.memory_space<vmem>> -> memref<1x128xi32, #tpu.memory_space<vmem>>
          %dma_wait3A_206 = tpu.memref_squeeze %dma_wait3A_205 : memref<1x128xi32, #tpu.memory_space<vmem>> -> memref<128xi32, #tpu.memory_space<vmem>>
          %dma_wait3A_207 = arith.constant 0 : i32
          %dma_wait3A_208 = arith.constant 0 : i32
          %dma_wait3A_209 = tpu.memref_slice %arg15[%dma_wait3A_207, %dma_wait3A_208] : memref<10240x64xf32, #tpu.memory_space<vmem_shared>> -> memref<10240x64xf32, #tpu.memory_space<vmem_shared>>
          tpu.wait_indirect_dma semaphore(%arg22 : memref<!tpu.dma_semaphore, #tpu.memory_space<semaphore_mem>>) src(%arg13 : memref<128x64xf32, #tpu.memory_space<vmem>>) dst(%dma_wait3A_209 : memref<10240x64xf32, #tpu.memory_space<vmem_shared>>)
          %add3A_210 = arith.constant 4 : i32
          %add3A_211 = arith.addi %add3A_97, %add3A_210 : i32
          %add3A_212 = arith.constant 2 : i32
          %add3A_213 = arith.addi %add3A_211, %add3A_212 : i32
          %dma_start3A_214 = arith.constant 0 : i32
          %dma_start3A_215 = tpu.memref_slice %arg9[%add3A_213, %dma_start3A_214] : memref<124x128xi32, #tpu.memory_space<vmem>> -> memref<1x128xi32, #tpu.memory_space<vmem>>
          %dma_start3A_216 = tpu.memref_squeeze %dma_start3A_215 : memref<1x128xi32, #tpu.memory_space<vmem>> -> memref<128xi32, #tpu.memory_space<vmem>>
          %dma_start3A_217 = arith.constant 0 : i32
          %dma_start3A_218 = arith.constant 0 : i32
          %dma_start3A_219 = tpu.memref_slice %arg2[%dma_start3A_217, %dma_start3A_218] : memref<10000x64xf32, #tpu.memory_space<hbm>> -> memref<10000x64xf32, #tpu.memory_space<hbm>>
          tpu.enqueue_indirect_dma source(%dma_start3A_219 : memref<10000x64xf32, #tpu.memory_space<hbm>>) target(%arg13 : memref<128x64xf32, #tpu.memory_space<vmem>>) offsets(%dma_start3A_216 : memref<128xi32, #tpu.memory_space<vmem>>) semaphore(%arg18 : memref<!tpu.dma_semaphore, #tpu.memory_space<semaphore_mem>>)
          %add3A_220 = arith.constant 3 : i32
          %add3A_221 = arith.addi %add3A_97, %add3A_220 : i32
          %dma_wait3A_222 = arith.constant 0 : i32
          %dma_wait3A_223 = tpu.memref_slice %arg10[%add3A_221, %dma_wait3A_222] : memref<124x128xi32, #tpu.memory_space<vmem>> -> memref<1x128xi32, #tpu.memory_space<vmem>>
          %dma_wait3A_224 = tpu.memref_squeeze %dma_wait3A_223 : memref<1x128xi32, #tpu.memory_space<vmem>> -> memref<128xi32, #tpu.memory_space<vmem>>
          %dma_wait3A_225 = arith.constant 0 : i32
          %dma_wait3A_226 = arith.constant 0 : i32
          %dma_wait3A_227 = tpu.memref_slice %arg15[%dma_wait3A_225, %dma_wait3A_226] : memref<10240x64xf32, #tpu.memory_space<vmem_shared>> -> memref<10240x64xf32, #tpu.memory_space<vmem_shared>>
          tpu.wait_indirect_dma semaphore(%arg23 : memref<!tpu.dma_semaphore, #tpu.memory_space<semaphore_mem>>) src(%arg14 : memref<128x64xf32, #tpu.memory_space<vmem>>) dst(%dma_wait3A_227 : memref<10240x64xf32, #tpu.memory_space<vmem_shared>>)
          %add3A_228 = arith.constant 4 : i32
          %add3A_229 = arith.addi %add3A_97, %add3A_228 : i32
          %add3A_230 = arith.constant 3 : i32
          %add3A_231 = arith.addi %add3A_229, %add3A_230 : i32
          %dma_start3A_232 = arith.constant 0 : i32
          %dma_start3A_233 = tpu.memref_slice %arg9[%add3A_231, %dma_start3A_232] : memref<124x128xi32, #tpu.memory_space<vmem>> -> memref<1x128xi32, #tpu.memory_space<vmem>>
          %dma_start3A_234 = tpu.memref_squeeze %dma_start3A_233 : memref<1x128xi32, #tpu.memory_space<vmem>> -> memref<128xi32, #tpu.memory_space<vmem>>
          %dma_start3A_235 = arith.constant 0 : i32
          %dma_start3A_236 = arith.constant 0 : i32
          %dma_start3A_237 = tpu.memref_slice %arg2[%dma_start3A_235, %dma_start3A_236] : memref<10000x64xf32, #tpu.memory_space<hbm>> -> memref<10000x64xf32, #tpu.memory_space<hbm>>
          tpu.enqueue_indirect_dma source(%dma_start3A_237 : memref<10000x64xf32, #tpu.memory_space<hbm>>) target(%arg14 : memref<128x64xf32, #tpu.memory_space<vmem>>) offsets(%dma_start3A_234 : memref<128xi32, #tpu.memory_space<vmem>>) semaphore(%arg19 : memref<!tpu.dma_semaphore, #tpu.memory_space<semaphore_mem>>)
        } else {
        }
      }
      %scan3A_65 = arith.constant 31 : i32
      %dma_wait3A = arith.constant 120 : i32
      %dma_wait3A_66 = arith.constant 0 : i32
      %dma_wait3A_67 = tpu.memref_slice %arg10[%dma_wait3A, %dma_wait3A_66] : memref<124x128xi32, #tpu.memory_space<vmem>> -> memref<1x128xi32, #tpu.memory_space<vmem>>
      %dma_wait3A_68 = tpu.memref_squeeze %dma_wait3A_67 : memref<1x128xi32, #tpu.memory_space<vmem>> -> memref<128xi32, #tpu.memory_space<vmem>>
      %dma_wait3A_69 = arith.constant 0 : i32
      %dma_wait3A_70 = arith.constant 0 : i32
      %dma_wait3A_71 = tpu.memref_slice %arg15[%dma_wait3A_69, %dma_wait3A_70] : memref<10240x64xf32, #tpu.memory_space<vmem_shared>> -> memref<10240x64xf32, #tpu.memory_space<vmem_shared>>
      tpu.wait_indirect_dma semaphore(%arg20 : memref<!tpu.dma_semaphore, #tpu.memory_space<semaphore_mem>>) src(%arg11 : memref<128x64xf32, #tpu.memory_space<vmem>>) dst(%dma_wait3A_71 : memref<10240x64xf32, #tpu.memory_space<vmem_shared>>)
      %dma_wait3A_72 = arith.constant 121 : i32
      %dma_wait3A_73 = arith.constant 0 : i32
      %dma_wait3A_74 = tpu.memref_slice %arg10[%dma_wait3A_72, %dma_wait3A_73] : memref<124x128xi32, #tpu.memory_space<vmem>> -> memref<1x128xi32, #tpu.memory_space<vmem>>
      %dma_wait3A_75 = tpu.memref_squeeze %dma_wait3A_74 : memref<1x128xi32, #tpu.memory_space<vmem>> -> memref<128xi32, #tpu.memory_space<vmem>>
      %dma_wait3A_76 = arith.constant 0 : i32
      %dma_wait3A_77 = arith.constant 0 : i32
      %dma_wait3A_78 = tpu.memref_slice %arg15[%dma_wait3A_76, %dma_wait3A_77] : memref<10240x64xf32, #tpu.memory_space<vmem_shared>> -> memref<10240x64xf32, #tpu.memory_space<vmem_shared>>
      tpu.wait_indirect_dma semaphore(%arg21 : memref<!tpu.dma_semaphore, #tpu.memory_space<semaphore_mem>>) src(%arg12 : memref<128x64xf32, #tpu.memory_space<vmem>>) dst(%dma_wait3A_78 : memref<10240x64xf32, #tpu.memory_space<vmem_shared>>)
      %dma_wait3A_79 = arith.constant 122 : i32
      %dma_wait3A_80 = arith.constant 0 : i32
      %dma_wait3A_81 = tpu.memref_slice %arg10[%dma_wait3A_79, %dma_wait3A_80] : memref<124x128xi32, #tpu.memory_space<vmem>> -> memref<1x128xi32, #tpu.memory_space<vmem>>
      %dma_wait3A_82 = tpu.memref_squeeze %dma_wait3A_81 : memref<1x128xi32, #tpu.memory_space<vmem>> -> memref<128xi32, #tpu.memory_space<vmem>>
      %dma_wait3A_83 = arith.constant 0 : i32
      %dma_wait3A_84 = arith.constant 0 : i32
      %dma_wait3A_85 = tpu.memref_slice %arg15[%dma_wait3A_83, %dma_wait3A_84] : memref<10240x64xf32, #tpu.memory_space<vmem_shared>> -> memref<10240x64xf32, #tpu.memory_space<vmem_shared>>
      tpu.wait_indirect_dma semaphore(%arg22 : memref<!tpu.dma_semaphore, #tpu.memory_space<semaphore_mem>>) src(%arg13 : memref<128x64xf32, #tpu.memory_space<vmem>>) dst(%dma_wait3A_85 : memref<10240x64xf32, #tpu.memory_space<vmem_shared>>)
      %dma_wait3A_86 = arith.constant 123 : i32
      %dma_wait3A_87 = arith.constant 0 : i32
      %dma_wait3A_88 = tpu.memref_slice %arg10[%dma_wait3A_86, %dma_wait3A_87] : memref<124x128xi32, #tpu.memory_space<vmem>> -> memref<1x128xi32, #tpu.memory_space<vmem>>
      %dma_wait3A_89 = tpu.memref_squeeze %dma_wait3A_88 : memref<1x128xi32, #tpu.memory_space<vmem>> -> memref<128xi32, #tpu.memory_space<vmem>>
      %dma_wait3A_90 = arith.constant 0 : i32
      %dma_wait3A_91 = arith.constant 0 : i32
      %dma_wait3A_92 = tpu.memref_slice %arg15[%dma_wait3A_90, %dma_wait3A_91] : memref<10240x64xf32, #tpu.memory_space<vmem_shared>> -> memref<10240x64xf32, #tpu.memory_space<vmem_shared>>
      tpu.wait_indirect_dma semaphore(%arg23 : memref<!tpu.dma_semaphore, #tpu.memory_space<semaphore_mem>>) src(%arg14 : memref<128x64xf32, #tpu.memory_space<vmem>>) dst(%dma_wait3A_92 : memref<10240x64xf32, #tpu.memory_space<vmem_shared>>)
    } else {
    }
    %eq3A_7 = arith.constant 1 : i32
    %eq3A_8 = arith.cmpi eq, %arg0, %eq3A_7 : i32
    %convert_element_type3A_9 = arith.extui %eq3A_8 : i1 to i32
    %cond3A_10 = arith.constant 0 : i32
    %cond3A_11 = arith.cmpi ne, %convert_element_type3A_9, %cond3A_10 : i32
    scf.if %cond3A_11 {
      %dma_start3A = arith.constant 88 : i32
      %dma_start3A_35 = arith.constant 0 : i32
      %dma_start3A_36 = tpu.memref_slice %arg9[%dma_start3A, %dma_start3A_35] : memref<124x128xi32, #tpu.memory_space<vmem>> -> memref<1x128xi32, #tpu.memory_space<vmem>>
      %dma_start3A_37 = tpu.memref_squeeze %dma_start3A_36 : memref<1x128xi32, #tpu.memory_space<vmem>> -> memref<128xi32, #tpu.memory_space<vmem>>
      %dma_start3A_38 = arith.constant 0 : i32
      %dma_start3A_39 = arith.constant 0 : i32
      %dma_start3A_40 = tpu.memref_slice %arg2[%dma_start3A_38, %dma_start3A_39] : memref<10000x64xf32, #tpu.memory_space<hbm>> -> memref<10000x64xf32, #tpu.memory_space<hbm>>
      tpu.enqueue_indirect_dma source(%dma_start3A_40 : memref<10000x64xf32, #tpu.memory_space<hbm>>) target(%arg11 : memref<128x64xf32, #tpu.memory_space<vmem>>) offsets(%dma_start3A_37 : memref<128xi32, #tpu.memory_space<vmem>>) semaphore(%arg16 : memref<!tpu.dma_semaphore, #tpu.memory_space<semaphore_mem>>)
      %dma_start3A_41 = arith.constant 89 : i32
      %dma_start3A_42 = arith.constant 0 : i32
      %dma_start3A_43 = tpu.memref_slice %arg9[%dma_start3A_41, %dma_start3A_42] : memref<124x128xi32, #tpu.memory_space<vmem>> -> memref<1x128xi32, #tpu.memory_space<vmem>>
      %dma_start3A_44 = tpu.memref_squeeze %dma_start3A_43 : memref<1x128xi32, #tpu.memory_space<vmem>> -> memref<128xi32, #tpu.memory_space<vmem>>
      %dma_start3A_45 = arith.constant 0 : i32
      %dma_start3A_46 = arith.constant 0 : i32
      %dma_start3A_47 = tpu.memref_slice %arg2[%dma_start3A_45, %dma_start3A_46] : memref<10000x64xf32, #tpu.memory_space<hbm>> -> memref<10000x64xf32, #tpu.memory_space<hbm>>
      tpu.enqueue_indirect_dma source(%dma_start3A_47 : memref<10000x64xf32, #tpu.memory_space<hbm>>) target(%arg12 : memref<128x64xf32, #tpu.memory_space<vmem>>) offsets(%dma_start3A_44 : memref<128xi32, #tpu.memory_space<vmem>>) semaphore(%arg17 : memref<!tpu.dma_semaphore, #tpu.memory_space<semaphore_mem>>)
      %dma_start3A_48 = arith.constant 90 : i32
      %dma_start3A_49 = arith.constant 0 : i32
      %dma_start3A_50 = tpu.memref_slice %arg9[%dma_start3A_48, %dma_start3A_49] : memref<124x128xi32, #tpu.memory_space<vmem>> -> memref<1x128xi32, #tpu.memory_space<vmem>>
      %dma_start3A_51 = tpu.memref_squeeze %dma_start3A_50 : memref<1x128xi32, #tpu.memory_space<vmem>> -> memref<128xi32, #tpu.memory_space<vmem>>
      %dma_start3A_52 = arith.constant 0 : i32
      %dma_start3A_53 = arith.constant 0 : i32
      %dma_start3A_54 = tpu.memref_slice %arg2[%dma_start3A_52, %dma_start3A_53] : memref<10000x64xf32, #tpu.memory_space<hbm>> -> memref<10000x64xf32, #tpu.memory_space<hbm>>
      tpu.enqueue_indirect_dma source(%dma_start3A_54 : memref<10000x64xf32, #tpu.memory_space<hbm>>) target(%arg13 : memref<128x64xf32, #tpu.memory_space<vmem>>) offsets(%dma_start3A_51 : memref<128xi32, #tpu.memory_space<vmem>>) semaphore(%arg18 : memref<!tpu.dma_semaphore, #tpu.memory_space<semaphore_mem>>)
      %dma_start3A_55 = arith.constant 91 : i32
      %dma_start3A_56 = arith.constant 0 : i32
      %dma_start3A_57 = tpu.memref_slice %arg9[%dma_start3A_55, %dma_start3A_56] : memref<124x128xi32, #tpu.memory_space<vmem>> -> memref<1x128xi32, #tpu.memory_space<vmem>>
      %dma_start3A_58 = tpu.memref_squeeze %dma_start3A_57 : memref<1x128xi32, #tpu.memory_space<vmem>> -> memref<128xi32, #tpu.memory_space<vmem>>
      %dma_start3A_59 = arith.constant 0 : i32
      %dma_start3A_60 = arith.constant 0 : i32
      %dma_start3A_61 = tpu.memref_slice %arg2[%dma_start3A_59, %dma_start3A_60] : memref<10000x64xf32, #tpu.memory_space<hbm>> -> memref<10000x64xf32, #tpu.memory_space<hbm>>
      tpu.enqueue_indirect_dma source(%dma_start3A_61 : memref<10000x64xf32, #tpu.memory_space<hbm>>) target(%arg14 : memref<128x64xf32, #tpu.memory_space<vmem>>) offsets(%dma_start3A_58 : memref<128xi32, #tpu.memory_space<vmem>>) semaphore(%arg19 : memref<!tpu.dma_semaphore, #tpu.memory_space<semaphore_mem>>)
      %scan3A = arith.constant 0 : i32
      %scan3A_62 = arith.constant 9 : i32
      %scan3A_63 = arith.addi %scan3A, %scan3A_62 : i32
      %scan3A_64 = arith.constant 1 : i32
      scf.for %scan3A_93 = %scan3A to %scan3A_63 step %scan3A_64  : i32 {
        %mul3A_94 = arith.constant 4 : i32
        %mul3A_95 = arith.muli %scan3A_93, %mul3A_94 : i32
        %add3A_96 = arith.constant 88 : i32
        %add3A_97 = arith.addi %add3A_96, %mul3A_95 : i32
        %add3A_98 = arith.constant 0 : i32
        %add3A_99 = arith.addi %add3A_97, %add3A_98 : i32
        %dma_wait3A_100 = arith.constant 0 : i32
        %dma_wait3A_101 = tpu.memref_slice %arg9[%add3A_99, %dma_wait3A_100] : memref<124x128xi32, #tpu.memory_space<vmem>> -> memref<1x128xi32, #tpu.memory_space<vmem>>
        %dma_wait3A_102 = tpu.memref_squeeze %dma_wait3A_101 : memref<1x128xi32, #tpu.memory_space<vmem>> -> memref<128xi32, #tpu.memory_space<vmem>>
        %dma_wait3A_103 = arith.constant 0 : i32
        %dma_wait3A_104 = arith.constant 0 : i32
        %dma_wait3A_105 = tpu.memref_slice %arg2[%dma_wait3A_103, %dma_wait3A_104] : memref<10000x64xf32, #tpu.memory_space<hbm>> -> memref<10000x64xf32, #tpu.memory_space<hbm>>
        tpu.wait_indirect_dma semaphore(%arg16 : memref<!tpu.dma_semaphore, #tpu.memory_space<semaphore_mem>>) src(%dma_wait3A_105 : memref<10000x64xf32, #tpu.memory_space<hbm>>) dst(%arg11 : memref<128x64xf32, #tpu.memory_space<vmem>>)
        %add3A_106 = arith.constant 0 : i32
        %add3A_107 = arith.addi %add3A_97, %add3A_106 : i32
        %dma_start3A_108 = arith.constant 0 : i32
        %dma_start3A_109 = tpu.memref_slice %arg10[%add3A_107, %dma_start3A_108] : memref<124x128xi32, #tpu.memory_space<vmem>> -> memref<1x128xi32, #tpu.memory_space<vmem>>
        %dma_start3A_110 = tpu.memref_squeeze %dma_start3A_109 : memref<1x128xi32, #tpu.memory_space<vmem>> -> memref<128xi32, #tpu.memory_space<vmem>>
        %dma_start3A_111 = arith.constant 0 : i32
        %dma_start3A_112 = arith.constant 0 : i32
        %dma_start3A_113 = tpu.memref_slice %arg15[%dma_start3A_111, %dma_start3A_112] : memref<10240x64xf32, #tpu.memory_space<vmem_shared>> -> memref<10240x64xf32, #tpu.memory_space<vmem_shared>>
        tpu.enqueue_indirect_dma source(%arg11 : memref<128x64xf32, #tpu.memory_space<vmem>>) target(%dma_start3A_113 : memref<10240x64xf32, #tpu.memory_space<vmem_shared>>) offsets(%dma_start3A_110 : memref<128xi32, #tpu.memory_space<vmem>>) semaphore(%arg20 : memref<!tpu.dma_semaphore, #tpu.memory_space<semaphore_mem>>) {add = true}
        %add3A_114 = arith.constant 1 : i32
        %add3A_115 = arith.addi %add3A_97, %add3A_114 : i32
        %dma_wait3A_116 = arith.constant 0 : i32
        %dma_wait3A_117 = tpu.memref_slice %arg9[%add3A_115, %dma_wait3A_116] : memref<124x128xi32, #tpu.memory_space<vmem>> -> memref<1x128xi32, #tpu.memory_space<vmem>>
        %dma_wait3A_118 = tpu.memref_squeeze %dma_wait3A_117 : memref<1x128xi32, #tpu.memory_space<vmem>> -> memref<128xi32, #tpu.memory_space<vmem>>
        %dma_wait3A_119 = arith.constant 0 : i32
        %dma_wait3A_120 = arith.constant 0 : i32
        %dma_wait3A_121 = tpu.memref_slice %arg2[%dma_wait3A_119, %dma_wait3A_120] : memref<10000x64xf32, #tpu.memory_space<hbm>> -> memref<10000x64xf32, #tpu.memory_space<hbm>>
        tpu.wait_indirect_dma semaphore(%arg17 : memref<!tpu.dma_semaphore, #tpu.memory_space<semaphore_mem>>) src(%dma_wait3A_121 : memref<10000x64xf32, #tpu.memory_space<hbm>>) dst(%arg12 : memref<128x64xf32, #tpu.memory_space<vmem>>)
        %add3A_122 = arith.constant 1 : i32
        %add3A_123 = arith.addi %add3A_97, %add3A_122 : i32
        %dma_start3A_124 = arith.constant 0 : i32
        %dma_start3A_125 = tpu.memref_slice %arg10[%add3A_123, %dma_start3A_124] : memref<124x128xi32, #tpu.memory_space<vmem>> -> memref<1x128xi32, #tpu.memory_space<vmem>>
        %dma_start3A_126 = tpu.memref_squeeze %dma_start3A_125 : memref<1x128xi32, #tpu.memory_space<vmem>> -> memref<128xi32, #tpu.memory_space<vmem>>
        %dma_start3A_127 = arith.constant 0 : i32
        %dma_start3A_128 = arith.constant 0 : i32
        %dma_start3A_129 = tpu.memref_slice %arg15[%dma_start3A_127, %dma_start3A_128] : memref<10240x64xf32, #tpu.memory_space<vmem_shared>> -> memref<10240x64xf32, #tpu.memory_space<vmem_shared>>
        tpu.enqueue_indirect_dma source(%arg12 : memref<128x64xf32, #tpu.memory_space<vmem>>) target(%dma_start3A_129 : memref<10240x64xf32, #tpu.memory_space<vmem_shared>>) offsets(%dma_start3A_126 : memref<128xi32, #tpu.memory_space<vmem>>) semaphore(%arg21 : memref<!tpu.dma_semaphore, #tpu.memory_space<semaphore_mem>>) {add = true}
        %add3A_130 = arith.constant 2 : i32
        %add3A_131 = arith.addi %add3A_97, %add3A_130 : i32
        %dma_wait3A_132 = arith.constant 0 : i32
        %dma_wait3A_133 = tpu.memref_slice %arg9[%add3A_131, %dma_wait3A_132] : memref<124x128xi32, #tpu.memory_space<vmem>> -> memref<1x128xi32, #tpu.memory_space<vmem>>
        %dma_wait3A_134 = tpu.memref_squeeze %dma_wait3A_133 : memref<1x128xi32, #tpu.memory_space<vmem>> -> memref<128xi32, #tpu.memory_space<vmem>>
        %dma_wait3A_135 = arith.constant 0 : i32
        %dma_wait3A_136 = arith.constant 0 : i32
        %dma_wait3A_137 = tpu.memref_slice %arg2[%dma_wait3A_135, %dma_wait3A_136] : memref<10000x64xf32, #tpu.memory_space<hbm>> -> memref<10000x64xf32, #tpu.memory_space<hbm>>
        tpu.wait_indirect_dma semaphore(%arg18 : memref<!tpu.dma_semaphore, #tpu.memory_space<semaphore_mem>>) src(%dma_wait3A_137 : memref<10000x64xf32, #tpu.memory_space<hbm>>) dst(%arg13 : memref<128x64xf32, #tpu.memory_space<vmem>>)
        %add3A_138 = arith.constant 2 : i32
        %add3A_139 = arith.addi %add3A_97, %add3A_138 : i32
        %dma_start3A_140 = arith.constant 0 : i32
        %dma_start3A_141 = tpu.memref_slice %arg10[%add3A_139, %dma_start3A_140] : memref<124x128xi32, #tpu.memory_space<vmem>> -> memref<1x128xi32, #tpu.memory_space<vmem>>
        %dma_start3A_142 = tpu.memref_squeeze %dma_start3A_141 : memref<1x128xi32, #tpu.memory_space<vmem>> -> memref<128xi32, #tpu.memory_space<vmem>>
        %dma_start3A_143 = arith.constant 0 : i32
        %dma_start3A_144 = arith.constant 0 : i32
        %dma_start3A_145 = tpu.memref_slice %arg15[%dma_start3A_143, %dma_start3A_144] : memref<10240x64xf32, #tpu.memory_space<vmem_shared>> -> memref<10240x64xf32, #tpu.memory_space<vmem_shared>>
        tpu.enqueue_indirect_dma source(%arg13 : memref<128x64xf32, #tpu.memory_space<vmem>>) target(%dma_start3A_145 : memref<10240x64xf32, #tpu.memory_space<vmem_shared>>) offsets(%dma_start3A_142 : memref<128xi32, #tpu.memory_space<vmem>>) semaphore(%arg22 : memref<!tpu.dma_semaphore, #tpu.memory_space<semaphore_mem>>) {add = true}
        %add3A_146 = arith.constant 3 : i32
        %add3A_147 = arith.addi %add3A_97, %add3A_146 : i32
        %dma_wait3A_148 = arith.constant 0 : i32
        %dma_wait3A_149 = tpu.memref_slice %arg9[%add3A_147, %dma_wait3A_148] : memref<124x128xi32, #tpu.memory_space<vmem>> -> memref<1x128xi32, #tpu.memory_space<vmem>>
        %dma_wait3A_150 = tpu.memref_squeeze %dma_wait3A_149 : memref<1x128xi32, #tpu.memory_space<vmem>> -> memref<128xi32, #tpu.memory_space<vmem>>
        %dma_wait3A_151 = arith.constant 0 : i32
        %dma_wait3A_152 = arith.constant 0 : i32
        %dma_wait3A_153 = tpu.memref_slice %arg2[%dma_wait3A_151, %dma_wait3A_152] : memref<10000x64xf32, #tpu.memory_space<hbm>> -> memref<10000x64xf32, #tpu.memory_space<hbm>>
        tpu.wait_indirect_dma semaphore(%arg19 : memref<!tpu.dma_semaphore, #tpu.memory_space<semaphore_mem>>) src(%dma_wait3A_153 : memref<10000x64xf32, #tpu.memory_space<hbm>>) dst(%arg14 : memref<128x64xf32, #tpu.memory_space<vmem>>)
        %add3A_154 = arith.constant 3 : i32
        %add3A_155 = arith.addi %add3A_97, %add3A_154 : i32
        %dma_start3A_156 = arith.constant 0 : i32
        %dma_start3A_157 = tpu.memref_slice %arg10[%add3A_155, %dma_start3A_156] : memref<124x128xi32, #tpu.memory_space<vmem>> -> memref<1x128xi32, #tpu.memory_space<vmem>>
        %dma_start3A_158 = tpu.memref_squeeze %dma_start3A_157 : memref<1x128xi32, #tpu.memory_space<vmem>> -> memref<128xi32, #tpu.memory_space<vmem>>
        %dma_start3A_159 = arith.constant 0 : i32
        %dma_start3A_160 = arith.constant 0 : i32
        %dma_start3A_161 = tpu.memref_slice %arg15[%dma_start3A_159, %dma_start3A_160] : memref<10240x64xf32, #tpu.memory_space<vmem_shared>> -> memref<10240x64xf32, #tpu.memory_space<vmem_shared>>
        tpu.enqueue_indirect_dma source(%arg14 : memref<128x64xf32, #tpu.memory_space<vmem>>) target(%dma_start3A_161 : memref<10240x64xf32, #tpu.memory_space<vmem_shared>>) offsets(%dma_start3A_158 : memref<128xi32, #tpu.memory_space<vmem>>) semaphore(%arg23 : memref<!tpu.dma_semaphore, #tpu.memory_space<semaphore_mem>>) {add = true}
        %lt3A = arith.constant 120 : i32
        %lt3A_162 = arith.cmpi slt, %add3A_97, %lt3A : i32
        %convert_element_type3A_163 = arith.extui %lt3A_162 : i1 to i32
        %cond3A_164 = arith.constant 0 : i32
        %cond3A_165 = arith.cmpi ne, %convert_element_type3A_163, %cond3A_164 : i32
        scf.if %cond3A_165 {
          %add3A_166 = arith.constant 0 : i32
          %add3A_167 = arith.addi %add3A_97, %add3A_166 : i32
          %dma_wait3A_168 = arith.constant 0 : i32
          %dma_wait3A_169 = tpu.memref_slice %arg10[%add3A_167, %dma_wait3A_168] : memref<124x128xi32, #tpu.memory_space<vmem>> -> memref<1x128xi32, #tpu.memory_space<vmem>>
          %dma_wait3A_170 = tpu.memref_squeeze %dma_wait3A_169 : memref<1x128xi32, #tpu.memory_space<vmem>> -> memref<128xi32, #tpu.memory_space<vmem>>
          %dma_wait3A_171 = arith.constant 0 : i32
          %dma_wait3A_172 = arith.constant 0 : i32
          %dma_wait3A_173 = tpu.memref_slice %arg15[%dma_wait3A_171, %dma_wait3A_172] : memref<10240x64xf32, #tpu.memory_space<vmem_shared>> -> memref<10240x64xf32, #tpu.memory_space<vmem_shared>>
          tpu.wait_indirect_dma semaphore(%arg20 : memref<!tpu.dma_semaphore, #tpu.memory_space<semaphore_mem>>) src(%arg11 : memref<128x64xf32, #tpu.memory_space<vmem>>) dst(%dma_wait3A_173 : memref<10240x64xf32, #tpu.memory_space<vmem_shared>>)
          %add3A_174 = arith.constant 4 : i32
          %add3A_175 = arith.addi %add3A_97, %add3A_174 : i32
          %add3A_176 = arith.constant 0 : i32
          %add3A_177 = arith.addi %add3A_175, %add3A_176 : i32
          %dma_start3A_178 = arith.constant 0 : i32
          %dma_start3A_179 = tpu.memref_slice %arg9[%add3A_177, %dma_start3A_178] : memref<124x128xi32, #tpu.memory_space<vmem>> -> memref<1x128xi32, #tpu.memory_space<vmem>>
          %dma_start3A_180 = tpu.memref_squeeze %dma_start3A_179 : memref<1x128xi32, #tpu.memory_space<vmem>> -> memref<128xi32, #tpu.memory_space<vmem>>
          %dma_start3A_181 = arith.constant 0 : i32
          %dma_start3A_182 = arith.constant 0 : i32
          %dma_start3A_183 = tpu.memref_slice %arg2[%dma_start3A_181, %dma_start3A_182] : memref<10000x64xf32, #tpu.memory_space<hbm>> -> memref<10000x64xf32, #tpu.memory_space<hbm>>
          tpu.enqueue_indirect_dma source(%dma_start3A_183 : memref<10000x64xf32, #tpu.memory_space<hbm>>) target(%arg11 : memref<128x64xf32, #tpu.memory_space<vmem>>) offsets(%dma_start3A_180 : memref<128xi32, #tpu.memory_space<vmem>>) semaphore(%arg16 : memref<!tpu.dma_semaphore, #tpu.memory_space<semaphore_mem>>)
          %add3A_184 = arith.constant 1 : i32
          %add3A_185 = arith.addi %add3A_97, %add3A_184 : i32
          %dma_wait3A_186 = arith.constant 0 : i32
          %dma_wait3A_187 = tpu.memref_slice %arg10[%add3A_185, %dma_wait3A_186] : memref<124x128xi32, #tpu.memory_space<vmem>> -> memref<1x128xi32, #tpu.memory_space<vmem>>
          %dma_wait3A_188 = tpu.memref_squeeze %dma_wait3A_187 : memref<1x128xi32, #tpu.memory_space<vmem>> -> memref<128xi32, #tpu.memory_space<vmem>>
          %dma_wait3A_189 = arith.constant 0 : i32
          %dma_wait3A_190 = arith.constant 0 : i32
          %dma_wait3A_191 = tpu.memref_slice %arg15[%dma_wait3A_189, %dma_wait3A_190] : memref<10240x64xf32, #tpu.memory_space<vmem_shared>> -> memref<10240x64xf32, #tpu.memory_space<vmem_shared>>
          tpu.wait_indirect_dma semaphore(%arg21 : memref<!tpu.dma_semaphore, #tpu.memory_space<semaphore_mem>>) src(%arg12 : memref<128x64xf32, #tpu.memory_space<vmem>>) dst(%dma_wait3A_191 : memref<10240x64xf32, #tpu.memory_space<vmem_shared>>)
          %add3A_192 = arith.constant 4 : i32
          %add3A_193 = arith.addi %add3A_97, %add3A_192 : i32
          %add3A_194 = arith.constant 1 : i32
          %add3A_195 = arith.addi %add3A_193, %add3A_194 : i32
          %dma_start3A_196 = arith.constant 0 : i32
          %dma_start3A_197 = tpu.memref_slice %arg9[%add3A_195, %dma_start3A_196] : memref<124x128xi32, #tpu.memory_space<vmem>> -> memref<1x128xi32, #tpu.memory_space<vmem>>
          %dma_start3A_198 = tpu.memref_squeeze %dma_start3A_197 : memref<1x128xi32, #tpu.memory_space<vmem>> -> memref<128xi32, #tpu.memory_space<vmem>>
          %dma_start3A_199 = arith.constant 0 : i32
          %dma_start3A_200 = arith.constant 0 : i32
          %dma_start3A_201 = tpu.memref_slice %arg2[%dma_start3A_199, %dma_start3A_200] : memref<10000x64xf32, #tpu.memory_space<hbm>> -> memref<10000x64xf32, #tpu.memory_space<hbm>>
          tpu.enqueue_indirect_dma source(%dma_start3A_201 : memref<10000x64xf32, #tpu.memory_space<hbm>>) target(%arg12 : memref<128x64xf32, #tpu.memory_space<vmem>>) offsets(%dma_start3A_198 : memref<128xi32, #tpu.memory_space<vmem>>) semaphore(%arg17 : memref<!tpu.dma_semaphore, #tpu.memory_space<semaphore_mem>>)
          %add3A_202 = arith.constant 2 : i32
          %add3A_203 = arith.addi %add3A_97, %add3A_202 : i32
          %dma_wait3A_204 = arith.constant 0 : i32
          %dma_wait3A_205 = tpu.memref_slice %arg10[%add3A_203, %dma_wait3A_204] : memref<124x128xi32, #tpu.memory_space<vmem>> -> memref<1x128xi32, #tpu.memory_space<vmem>>
          %dma_wait3A_206 = tpu.memref_squeeze %dma_wait3A_205 : memref<1x128xi32, #tpu.memory_space<vmem>> -> memref<128xi32, #tpu.memory_space<vmem>>
          %dma_wait3A_207 = arith.constant 0 : i32
          %dma_wait3A_208 = arith.constant 0 : i32
          %dma_wait3A_209 = tpu.memref_slice %arg15[%dma_wait3A_207, %dma_wait3A_208] : memref<10240x64xf32, #tpu.memory_space<vmem_shared>> -> memref<10240x64xf32, #tpu.memory_space<vmem_shared>>
          tpu.wait_indirect_dma semaphore(%arg22 : memref<!tpu.dma_semaphore, #tpu.memory_space<semaphore_mem>>) src(%arg13 : memref<128x64xf32, #tpu.memory_space<vmem>>) dst(%dma_wait3A_209 : memref<10240x64xf32, #tpu.memory_space<vmem_shared>>)
          %add3A_210 = arith.constant 4 : i32
          %add3A_211 = arith.addi %add3A_97, %add3A_210 : i32
          %add3A_212 = arith.constant 2 : i32
          %add3A_213 = arith.addi %add3A_211, %add3A_212 : i32
          %dma_start3A_214 = arith.constant 0 : i32
          %dma_start3A_215 = tpu.memref_slice %arg9[%add3A_213, %dma_start3A_214] : memref<124x128xi32, #tpu.memory_space<vmem>> -> memref<1x128xi32, #tpu.memory_space<vmem>>
          %dma_start3A_216 = tpu.memref_squeeze %dma_start3A_215 : memref<1x128xi32, #tpu.memory_space<vmem>> -> memref<128xi32, #tpu.memory_space<vmem>>
          %dma_start3A_217 = arith.constant 0 : i32
          %dma_start3A_218 = arith.constant 0 : i32
          %dma_start3A_219 = tpu.memref_slice %arg2[%dma_start3A_217, %dma_start3A_218] : memref<10000x64xf32, #tpu.memory_space<hbm>> -> memref<10000x64xf32, #tpu.memory_space<hbm>>
          tpu.enqueue_indirect_dma source(%dma_start3A_219 : memref<10000x64xf32, #tpu.memory_space<hbm>>) target(%arg13 : memref<128x64xf32, #tpu.memory_space<vmem>>) offsets(%dma_start3A_216 : memref<128xi32, #tpu.memory_space<vmem>>) semaphore(%arg18 : memref<!tpu.dma_semaphore, #tpu.memory_space<semaphore_mem>>)
          %add3A_220 = arith.constant 3 : i32
          %add3A_221 = arith.addi %add3A_97, %add3A_220 : i32
          %dma_wait3A_222 = arith.constant 0 : i32
          %dma_wait3A_223 = tpu.memref_slice %arg10[%add3A_221, %dma_wait3A_222] : memref<124x128xi32, #tpu.memory_space<vmem>> -> memref<1x128xi32, #tpu.memory_space<vmem>>
          %dma_wait3A_224 = tpu.memref_squeeze %dma_wait3A_223 : memref<1x128xi32, #tpu.memory_space<vmem>> -> memref<128xi32, #tpu.memory_space<vmem>>
          %dma_wait3A_225 = arith.constant 0 : i32
          %dma_wait3A_226 = arith.constant 0 : i32
          %dma_wait3A_227 = tpu.memref_slice %arg15[%dma_wait3A_225, %dma_wait3A_226] : memref<10240x64xf32, #tpu.memory_space<vmem_shared>> -> memref<10240x64xf32, #tpu.memory_space<vmem_shared>>
          tpu.wait_indirect_dma semaphore(%arg23 : memref<!tpu.dma_semaphore, #tpu.memory_space<semaphore_mem>>) src(%arg14 : memref<128x64xf32, #tpu.memory_space<vmem>>) dst(%dma_wait3A_227 : memref<10240x64xf32, #tpu.memory_space<vmem_shared>>)
          %add3A_228 = arith.constant 4 : i32
          %add3A_229 = arith.addi %add3A_97, %add3A_228 : i32
          %add3A_230 = arith.constant 3 : i32
          %add3A_231 = arith.addi %add3A_229, %add3A_230 : i32
          %dma_start3A_232 = arith.constant 0 : i32
          %dma_start3A_233 = tpu.memref_slice %arg9[%add3A_231, %dma_start3A_232] : memref<124x128xi32, #tpu.memory_space<vmem>> -> memref<1x128xi32, #tpu.memory_space<vmem>>
          %dma_start3A_234 = tpu.memref_squeeze %dma_start3A_233 : memref<1x128xi32, #tpu.memory_space<vmem>> -> memref<128xi32, #tpu.memory_space<vmem>>
          %dma_start3A_235 = arith.constant 0 : i32
          %dma_start3A_236 = arith.constant 0 : i32
          %dma_start3A_237 = tpu.memref_slice %arg2[%dma_start3A_235, %dma_start3A_236] : memref<10000x64xf32, #tpu.memory_space<hbm>> -> memref<10000x64xf32, #tpu.memory_space<hbm>>
          tpu.enqueue_indirect_dma source(%dma_start3A_237 : memref<10000x64xf32, #tpu.memory_space<hbm>>) target(%arg14 : memref<128x64xf32, #tpu.memory_space<vmem>>) offsets(%dma_start3A_234 : memref<128xi32, #tpu.memory_space<vmem>>) semaphore(%arg19 : memref<!tpu.dma_semaphore, #tpu.memory_space<semaphore_mem>>)
        } else {
        }
      }
      %scan3A_65 = arith.constant 9 : i32
      %dma_wait3A = arith.constant 120 : i32
      %dma_wait3A_66 = arith.constant 0 : i32
      %dma_wait3A_67 = tpu.memref_slice %arg10[%dma_wait3A, %dma_wait3A_66] : memref<124x128xi32, #tpu.memory_space<vmem>> -> memref<1x128xi32, #tpu.memory_space<vmem>>
      %dma_wait3A_68 = tpu.memref_squeeze %dma_wait3A_67 : memref<1x128xi32, #tpu.memory_space<vmem>> -> memref<128xi32, #tpu.memory_space<vmem>>
      %dma_wait3A_69 = arith.constant 0 : i32
      %dma_wait3A_70 = arith.constant 0 : i32
      %dma_wait3A_71 = tpu.memref_slice %arg15[%dma_wait3A_69, %dma_wait3A_70] : memref<10240x64xf32, #tpu.memory_space<vmem_shared>> -> memref<10240x64xf32, #tpu.memory_space<vmem_shared>>
      tpu.wait_indirect_dma semaphore(%arg20 : memref<!tpu.dma_semaphore, #tpu.memory_space<semaphore_mem>>) src(%arg11 : memref<128x64xf32, #tpu.memory_space<vmem>>) dst(%dma_wait3A_71 : memref<10240x64xf32, #tpu.memory_space<vmem_shared>>)
      %dma_wait3A_72 = arith.constant 121 : i32
      %dma_wait3A_73 = arith.constant 0 : i32
      %dma_wait3A_74 = tpu.memref_slice %arg10[%dma_wait3A_72, %dma_wait3A_73] : memref<124x128xi32, #tpu.memory_space<vmem>> -> memref<1x128xi32, #tpu.memory_space<vmem>>
      %dma_wait3A_75 = tpu.memref_squeeze %dma_wait3A_74 : memref<1x128xi32, #tpu.memory_space<vmem>> -> memref<128xi32, #tpu.memory_space<vmem>>
      %dma_wait3A_76 = arith.constant 0 : i32
      %dma_wait3A_77 = arith.constant 0 : i32
      %dma_wait3A_78 = tpu.memref_slice %arg15[%dma_wait3A_76, %dma_wait3A_77] : memref<10240x64xf32, #tpu.memory_space<vmem_shared>> -> memref<10240x64xf32, #tpu.memory_space<vmem_shared>>
      tpu.wait_indirect_dma semaphore(%arg21 : memref<!tpu.dma_semaphore, #tpu.memory_space<semaphore_mem>>) src(%arg12 : memref<128x64xf32, #tpu.memory_space<vmem>>) dst(%dma_wait3A_78 : memref<10240x64xf32, #tpu.memory_space<vmem_shared>>)
      %dma_wait3A_79 = arith.constant 122 : i32
      %dma_wait3A_80 = arith.constant 0 : i32
      %dma_wait3A_81 = tpu.memref_slice %arg10[%dma_wait3A_79, %dma_wait3A_80] : memref<124x128xi32, #tpu.memory_space<vmem>> -> memref<1x128xi32, #tpu.memory_space<vmem>>
      %dma_wait3A_82 = tpu.memref_squeeze %dma_wait3A_81 : memref<1x128xi32, #tpu.memory_space<vmem>> -> memref<128xi32, #tpu.memory_space<vmem>>
      %dma_wait3A_83 = arith.constant 0 : i32
      %dma_wait3A_84 = arith.constant 0 : i32
      %dma_wait3A_85 = tpu.memref_slice %arg15[%dma_wait3A_83, %dma_wait3A_84] : memref<10240x64xf32, #tpu.memory_space<vmem_shared>> -> memref<10240x64xf32, #tpu.memory_space<vmem_shared>>
      tpu.wait_indirect_dma semaphore(%arg22 : memref<!tpu.dma_semaphore, #tpu.memory_space<semaphore_mem>>) src(%arg13 : memref<128x64xf32, #tpu.memory_space<vmem>>) dst(%dma_wait3A_85 : memref<10240x64xf32, #tpu.memory_space<vmem_shared>>)
      %dma_wait3A_86 = arith.constant 123 : i32
      %dma_wait3A_87 = arith.constant 0 : i32
      %dma_wait3A_88 = tpu.memref_slice %arg10[%dma_wait3A_86, %dma_wait3A_87] : memref<124x128xi32, #tpu.memory_space<vmem>> -> memref<1x128xi32, #tpu.memory_space<vmem>>
      %dma_wait3A_89 = tpu.memref_squeeze %dma_wait3A_88 : memref<1x128xi32, #tpu.memory_space<vmem>> -> memref<128xi32, #tpu.memory_space<vmem>>
      %dma_wait3A_90 = arith.constant 0 : i32
      %dma_wait3A_91 = arith.constant 0 : i32
      %dma_wait3A_92 = tpu.memref_slice %arg15[%dma_wait3A_90, %dma_wait3A_91] : memref<10240x64xf32, #tpu.memory_space<vmem_shared>> -> memref<10240x64xf32, #tpu.memory_space<vmem_shared>>
      tpu.wait_indirect_dma semaphore(%arg23 : memref<!tpu.dma_semaphore, #tpu.memory_space<semaphore_mem>>) src(%arg14 : memref<128x64xf32, #tpu.memory_space<vmem>>) dst(%dma_wait3A_92 : memref<10240x64xf32, #tpu.memory_space<vmem_shared>>)
    } else {
    }
    %barrier3A_12 = arith.constant 0 : index
    tpu.barrier barrier_id(%barrier3A_12)
    %mul3A_13 = arith.constant 640 : i32
    %mul3A_14 = arith.muli %arg1, %mul3A_13 : i32
    %mul3A_15 = arith.constant 640 : i32
    %mul3A_16 = arith.muli %arg1, %mul3A_15 : i32
    "tpu.region"() ({
      %run_scoped3A = tpu.sem_alloc : memref<!tpu.dma_semaphore, #tpu.memory_space<semaphore_mem>>
      %dma_start3A = arith.constant 0 : i32
      %dma_start3A_35 = tpu.memref_slice %arg7[%arg0, %mul3A_16, %dma_start3A] : memref<2x10240x64xf32, #tpu.memory_space<hbm>> -> memref<1x640x64xf32, #tpu.memory_space<hbm>>
      %dma_start3A_36 = tpu.memref_squeeze %dma_start3A_35 : memref<1x640x64xf32, #tpu.memory_space<hbm>> -> memref<640x64xf32, #tpu.memory_space<hbm>>
      %dma_start3A_37 = arith.constant 0 : i32
      %dma_start3A_38 = tpu.memref_slice %arg15[%mul3A_14, %dma_start3A_37] : memref<10240x64xf32, #tpu.memory_space<vmem_shared>> -> memref<640x64xf32, #tpu.memory_space<vmem_shared>>
      tpu.enqueue_dma source(%dma_start3A_38 : memref<640x64xf32, #tpu.memory_space<vmem_shared>>) target(%dma_start3A_36 : memref<640x64xf32, #tpu.memory_space<hbm>>) target_semaphore(%run_scoped3A : memref<!tpu.dma_semaphore, #tpu.memory_space<semaphore_mem>>)
      %dma_wait3A = arith.constant 0 : i32
      %dma_wait3A_39 = tpu.memref_slice %arg7[%arg0, %mul3A_16, %dma_wait3A] : memref<2x10240x64xf32, #tpu.memory_space<hbm>> -> memref<1x640x64xf32, #tpu.memory_space<hbm>>
      %dma_wait3A_40 = tpu.memref_squeeze %dma_wait3A_39 : memref<1x640x64xf32, #tpu.memory_space<hbm>> -> memref<640x64xf32, #tpu.memory_space<hbm>>
      %dma_wait3A_41 = arith.constant 0 : i32
      %dma_wait3A_42 = tpu.memref_slice %arg15[%mul3A_14, %dma_wait3A_41] : memref<10240x64xf32, #tpu.memory_space<vmem_shared>> -> memref<640x64xf32, #tpu.memory_space<vmem_shared>>
      tpu.wait_dma2 semaphore(%run_scoped3A : memref<!tpu.dma_semaphore, #tpu.memory_space<semaphore_mem>>) src(%dma_wait3A_42 : memref<640x64xf32, #tpu.memory_space<vmem_shared>>) dst(%dma_wait3A_40 : memref<640x64xf32, #tpu.memory_space<hbm>>)
      tpu.yield
    }) : () -> ()
    %mul3A_17 = arith.constant 640 : i32
    %mul3A_18 = arith.muli %arg1, %mul3A_17 : i32
    "tpu.region"() ({
      %run_scoped3A = tpu.sem_alloc : memref<!tpu.dma_semaphore, #tpu.memory_space<semaphore_mem>>
      %dma_start3A = arith.constant 0 : i32
      %dma_start3A_35 = tpu.memref_slice %arg15[%mul3A_18, %dma_start3A] : memref<10240x64xf32, #tpu.memory_space<vmem_shared>> -> memref<640x64xf32, #tpu.memory_space<vmem_shared>>
      tpu.enqueue_dma source(%arg6 : memref<640x64xf32, #tpu.memory_space<hbm>>) target(%dma_start3A_35 : memref<640x64xf32, #tpu.memory_space<vmem_shared>>) target_semaphore(%run_scoped3A : memref<!tpu.dma_semaphore, #tpu.memory_space<semaphore_mem>>)
      %dma_wait3A = arith.constant 0 : i32
      %dma_wait3A_36 = tpu.memref_slice %arg15[%mul3A_18, %dma_wait3A] : memref<10240x64xf32, #tpu.memory_space<vmem_shared>> -> memref<640x64xf32, #tpu.memory_space<vmem_shared>>
      tpu.wait_dma2 semaphore(%run_scoped3A : memref<!tpu.dma_semaphore, #tpu.memory_space<semaphore_mem>>) src(%arg6 : memref<640x64xf32, #tpu.memory_space<hbm>>) dst(%dma_wait3A_36 : memref<640x64xf32, #tpu.memory_space<vmem_shared>>)
      tpu.yield
    }) : () -> ()
    %barrier3A_19 = arith.constant 0 : index
    tpu.barrier barrier_id(%barrier3A_19)
    %eq3A_20 = arith.constant 0 : i32
    %eq3A_21 = arith.cmpi eq, %arg0, %eq3A_20 : i32
    %convert_element_type3A_22 = arith.extui %eq3A_21 : i1 to i32
    %cond3A_23 = arith.constant 0 : i32
    %cond3A_24 = arith.cmpi ne, %convert_element_type3A_22, %cond3A_23 : i32
    scf.if %cond3A_24 {
      %dma_start3A = arith.constant 0 : i32
      %dma_start3A_35 = arith.constant 0 : i32
      %dma_start3A_36 = tpu.memref_slice %arg9[%dma_start3A, %dma_start3A_35] : memref<124x128xi32, #tpu.memory_space<vmem>> -> memref<1x128xi32, #tpu.memory_space<vmem>>
      %dma_start3A_37 = tpu.memref_squeeze %dma_start3A_36 : memref<1x128xi32, #tpu.memory_space<vmem>> -> memref<128xi32, #tpu.memory_space<vmem>>
      %dma_start3A_38 = arith.constant 0 : i32
      %dma_start3A_39 = arith.constant 0 : i32
      %dma_start3A_40 = tpu.memref_slice %arg3[%dma_start3A_38, %dma_start3A_39] : memref<10000x64xf32, #tpu.memory_space<hbm>> -> memref<10000x64xf32, #tpu.memory_space<hbm>>
      tpu.enqueue_indirect_dma source(%dma_start3A_40 : memref<10000x64xf32, #tpu.memory_space<hbm>>) target(%arg11 : memref<128x64xf32, #tpu.memory_space<vmem>>) offsets(%dma_start3A_37 : memref<128xi32, #tpu.memory_space<vmem>>) semaphore(%arg16 : memref<!tpu.dma_semaphore, #tpu.memory_space<semaphore_mem>>)
      %dma_start3A_41 = arith.constant 1 : i32
      %dma_start3A_42 = arith.constant 0 : i32
      %dma_start3A_43 = tpu.memref_slice %arg9[%dma_start3A_41, %dma_start3A_42] : memref<124x128xi32, #tpu.memory_space<vmem>> -> memref<1x128xi32, #tpu.memory_space<vmem>>
      %dma_start3A_44 = tpu.memref_squeeze %dma_start3A_43 : memref<1x128xi32, #tpu.memory_space<vmem>> -> memref<128xi32, #tpu.memory_space<vmem>>
      %dma_start3A_45 = arith.constant 0 : i32
      %dma_start3A_46 = arith.constant 0 : i32
      %dma_start3A_47 = tpu.memref_slice %arg3[%dma_start3A_45, %dma_start3A_46] : memref<10000x64xf32, #tpu.memory_space<hbm>> -> memref<10000x64xf32, #tpu.memory_space<hbm>>
      tpu.enqueue_indirect_dma source(%dma_start3A_47 : memref<10000x64xf32, #tpu.memory_space<hbm>>) target(%arg12 : memref<128x64xf32, #tpu.memory_space<vmem>>) offsets(%dma_start3A_44 : memref<128xi32, #tpu.memory_space<vmem>>) semaphore(%arg17 : memref<!tpu.dma_semaphore, #tpu.memory_space<semaphore_mem>>)
      %dma_start3A_48 = arith.constant 2 : i32
      %dma_start3A_49 = arith.constant 0 : i32
      %dma_start3A_50 = tpu.memref_slice %arg9[%dma_start3A_48, %dma_start3A_49] : memref<124x128xi32, #tpu.memory_space<vmem>> -> memref<1x128xi32, #tpu.memory_space<vmem>>
      %dma_start3A_51 = tpu.memref_squeeze %dma_start3A_50 : memref<1x128xi32, #tpu.memory_space<vmem>> -> memref<128xi32, #tpu.memory_space<vmem>>
      %dma_start3A_52 = arith.constant 0 : i32
      %dma_start3A_53 = arith.constant 0 : i32
      %dma_start3A_54 = tpu.memref_slice %arg3[%dma_start3A_52, %dma_start3A_53] : memref<10000x64xf32, #tpu.memory_space<hbm>> -> memref<10000x64xf32, #tpu.memory_space<hbm>>
      tpu.enqueue_indirect_dma source(%dma_start3A_54 : memref<10000x64xf32, #tpu.memory_space<hbm>>) target(%arg13 : memref<128x64xf32, #tpu.memory_space<vmem>>) offsets(%dma_start3A_51 : memref<128xi32, #tpu.memory_space<vmem>>) semaphore(%arg18 : memref<!tpu.dma_semaphore, #tpu.memory_space<semaphore_mem>>)
      %dma_start3A_55 = arith.constant 3 : i32
      %dma_start3A_56 = arith.constant 0 : i32
      %dma_start3A_57 = tpu.memref_slice %arg9[%dma_start3A_55, %dma_start3A_56] : memref<124x128xi32, #tpu.memory_space<vmem>> -> memref<1x128xi32, #tpu.memory_space<vmem>>
      %dma_start3A_58 = tpu.memref_squeeze %dma_start3A_57 : memref<1x128xi32, #tpu.memory_space<vmem>> -> memref<128xi32, #tpu.memory_space<vmem>>
      %dma_start3A_59 = arith.constant 0 : i32
      %dma_start3A_60 = arith.constant 0 : i32
      %dma_start3A_61 = tpu.memref_slice %arg3[%dma_start3A_59, %dma_start3A_60] : memref<10000x64xf32, #tpu.memory_space<hbm>> -> memref<10000x64xf32, #tpu.memory_space<hbm>>
      tpu.enqueue_indirect_dma source(%dma_start3A_61 : memref<10000x64xf32, #tpu.memory_space<hbm>>) target(%arg14 : memref<128x64xf32, #tpu.memory_space<vmem>>) offsets(%dma_start3A_58 : memref<128xi32, #tpu.memory_space<vmem>>) semaphore(%arg19 : memref<!tpu.dma_semaphore, #tpu.memory_space<semaphore_mem>>)
      %scan3A = arith.constant 0 : i32
      %scan3A_62 = arith.constant 31 : i32
      %scan3A_63 = arith.addi %scan3A, %scan3A_62 : i32
      %scan3A_64 = arith.constant 1 : i32
      scf.for %scan3A_93 = %scan3A to %scan3A_63 step %scan3A_64  : i32 {
        %mul3A_94 = arith.constant 4 : i32
        %mul3A_95 = arith.muli %scan3A_93, %mul3A_94 : i32
        %add3A_96 = arith.constant 0 : i32
        %add3A_97 = arith.addi %add3A_96, %mul3A_95 : i32
        %add3A_98 = arith.constant 0 : i32
        %add3A_99 = arith.addi %add3A_97, %add3A_98 : i32
        %dma_wait3A_100 = arith.constant 0 : i32
        %dma_wait3A_101 = tpu.memref_slice %arg9[%add3A_99, %dma_wait3A_100] : memref<124x128xi32, #tpu.memory_space<vmem>> -> memref<1x128xi32, #tpu.memory_space<vmem>>
        %dma_wait3A_102 = tpu.memref_squeeze %dma_wait3A_101 : memref<1x128xi32, #tpu.memory_space<vmem>> -> memref<128xi32, #tpu.memory_space<vmem>>
        %dma_wait3A_103 = arith.constant 0 : i32
        %dma_wait3A_104 = arith.constant 0 : i32
        %dma_wait3A_105 = tpu.memref_slice %arg3[%dma_wait3A_103, %dma_wait3A_104] : memref<10000x64xf32, #tpu.memory_space<hbm>> -> memref<10000x64xf32, #tpu.memory_space<hbm>>
        tpu.wait_indirect_dma semaphore(%arg16 : memref<!tpu.dma_semaphore, #tpu.memory_space<semaphore_mem>>) src(%dma_wait3A_105 : memref<10000x64xf32, #tpu.memory_space<hbm>>) dst(%arg11 : memref<128x64xf32, #tpu.memory_space<vmem>>)
        %add3A_106 = arith.constant 0 : i32
        %add3A_107 = arith.addi %add3A_97, %add3A_106 : i32
        %dma_start3A_108 = arith.constant 0 : i32
        %dma_start3A_109 = tpu.memref_slice %arg10[%add3A_107, %dma_start3A_108] : memref<124x128xi32, #tpu.memory_space<vmem>> -> memref<1x128xi32, #tpu.memory_space<vmem>>
        %dma_start3A_110 = tpu.memref_squeeze %dma_start3A_109 : memref<1x128xi32, #tpu.memory_space<vmem>> -> memref<128xi32, #tpu.memory_space<vmem>>
        %dma_start3A_111 = arith.constant 0 : i32
        %dma_start3A_112 = arith.constant 0 : i32
        %dma_start3A_113 = tpu.memref_slice %arg15[%dma_start3A_111, %dma_start3A_112] : memref<10240x64xf32, #tpu.memory_space<vmem_shared>> -> memref<10240x64xf32, #tpu.memory_space<vmem_shared>>
        tpu.enqueue_indirect_dma source(%arg11 : memref<128x64xf32, #tpu.memory_space<vmem>>) target(%dma_start3A_113 : memref<10240x64xf32, #tpu.memory_space<vmem_shared>>) offsets(%dma_start3A_110 : memref<128xi32, #tpu.memory_space<vmem>>) semaphore(%arg20 : memref<!tpu.dma_semaphore, #tpu.memory_space<semaphore_mem>>) {add = true}
        %add3A_114 = arith.constant 1 : i32
        %add3A_115 = arith.addi %add3A_97, %add3A_114 : i32
        %dma_wait3A_116 = arith.constant 0 : i32
        %dma_wait3A_117 = tpu.memref_slice %arg9[%add3A_115, %dma_wait3A_116] : memref<124x128xi32, #tpu.memory_space<vmem>> -> memref<1x128xi32, #tpu.memory_space<vmem>>
        %dma_wait3A_118 = tpu.memref_squeeze %dma_wait3A_117 : memref<1x128xi32, #tpu.memory_space<vmem>> -> memref<128xi32, #tpu.memory_space<vmem>>
        %dma_wait3A_119 = arith.constant 0 : i32
        %dma_wait3A_120 = arith.constant 0 : i32
        %dma_wait3A_121 = tpu.memref_slice %arg3[%dma_wait3A_119, %dma_wait3A_120] : memref<10000x64xf32, #tpu.memory_space<hbm>> -> memref<10000x64xf32, #tpu.memory_space<hbm>>
        tpu.wait_indirect_dma semaphore(%arg17 : memref<!tpu.dma_semaphore, #tpu.memory_space<semaphore_mem>>) src(%dma_wait3A_121 : memref<10000x64xf32, #tpu.memory_space<hbm>>) dst(%arg12 : memref<128x64xf32, #tpu.memory_space<vmem>>)
        %add3A_122 = arith.constant 1 : i32
        %add3A_123 = arith.addi %add3A_97, %add3A_122 : i32
        %dma_start3A_124 = arith.constant 0 : i32
        %dma_start3A_125 = tpu.memref_slice %arg10[%add3A_123, %dma_start3A_124] : memref<124x128xi32, #tpu.memory_space<vmem>> -> memref<1x128xi32, #tpu.memory_space<vmem>>
        %dma_start3A_126 = tpu.memref_squeeze %dma_start3A_125 : memref<1x128xi32, #tpu.memory_space<vmem>> -> memref<128xi32, #tpu.memory_space<vmem>>
        %dma_start3A_127 = arith.constant 0 : i32
        %dma_start3A_128 = arith.constant 0 : i32
        %dma_start3A_129 = tpu.memref_slice %arg15[%dma_start3A_127, %dma_start3A_128] : memref<10240x64xf32, #tpu.memory_space<vmem_shared>> -> memref<10240x64xf32, #tpu.memory_space<vmem_shared>>
        tpu.enqueue_indirect_dma source(%arg12 : memref<128x64xf32, #tpu.memory_space<vmem>>) target(%dma_start3A_129 : memref<10240x64xf32, #tpu.memory_space<vmem_shared>>) offsets(%dma_start3A_126 : memref<128xi32, #tpu.memory_space<vmem>>) semaphore(%arg21 : memref<!tpu.dma_semaphore, #tpu.memory_space<semaphore_mem>>) {add = true}
        %add3A_130 = arith.constant 2 : i32
        %add3A_131 = arith.addi %add3A_97, %add3A_130 : i32
        %dma_wait3A_132 = arith.constant 0 : i32
        %dma_wait3A_133 = tpu.memref_slice %arg9[%add3A_131, %dma_wait3A_132] : memref<124x128xi32, #tpu.memory_space<vmem>> -> memref<1x128xi32, #tpu.memory_space<vmem>>
        %dma_wait3A_134 = tpu.memref_squeeze %dma_wait3A_133 : memref<1x128xi32, #tpu.memory_space<vmem>> -> memref<128xi32, #tpu.memory_space<vmem>>
        %dma_wait3A_135 = arith.constant 0 : i32
        %dma_wait3A_136 = arith.constant 0 : i32
        %dma_wait3A_137 = tpu.memref_slice %arg3[%dma_wait3A_135, %dma_wait3A_136] : memref<10000x64xf32, #tpu.memory_space<hbm>> -> memref<10000x64xf32, #tpu.memory_space<hbm>>
        tpu.wait_indirect_dma semaphore(%arg18 : memref<!tpu.dma_semaphore, #tpu.memory_space<semaphore_mem>>) src(%dma_wait3A_137 : memref<10000x64xf32, #tpu.memory_space<hbm>>) dst(%arg13 : memref<128x64xf32, #tpu.memory_space<vmem>>)
        %add3A_138 = arith.constant 2 : i32
        %add3A_139 = arith.addi %add3A_97, %add3A_138 : i32
        %dma_start3A_140 = arith.constant 0 : i32
        %dma_start3A_141 = tpu.memref_slice %arg10[%add3A_139, %dma_start3A_140] : memref<124x128xi32, #tpu.memory_space<vmem>> -> memref<1x128xi32, #tpu.memory_space<vmem>>
        %dma_start3A_142 = tpu.memref_squeeze %dma_start3A_141 : memref<1x128xi32, #tpu.memory_space<vmem>> -> memref<128xi32, #tpu.memory_space<vmem>>
        %dma_start3A_143 = arith.constant 0 : i32
        %dma_start3A_144 = arith.constant 0 : i32
        %dma_start3A_145 = tpu.memref_slice %arg15[%dma_start3A_143, %dma_start3A_144] : memref<10240x64xf32, #tpu.memory_space<vmem_shared>> -> memref<10240x64xf32, #tpu.memory_space<vmem_shared>>
        tpu.enqueue_indirect_dma source(%arg13 : memref<128x64xf32, #tpu.memory_space<vmem>>) target(%dma_start3A_145 : memref<10240x64xf32, #tpu.memory_space<vmem_shared>>) offsets(%dma_start3A_142 : memref<128xi32, #tpu.memory_space<vmem>>) semaphore(%arg22 : memref<!tpu.dma_semaphore, #tpu.memory_space<semaphore_mem>>) {add = true}
        %add3A_146 = arith.constant 3 : i32
        %add3A_147 = arith.addi %add3A_97, %add3A_146 : i32
        %dma_wait3A_148 = arith.constant 0 : i32
        %dma_wait3A_149 = tpu.memref_slice %arg9[%add3A_147, %dma_wait3A_148] : memref<124x128xi32, #tpu.memory_space<vmem>> -> memref<1x128xi32, #tpu.memory_space<vmem>>
        %dma_wait3A_150 = tpu.memref_squeeze %dma_wait3A_149 : memref<1x128xi32, #tpu.memory_space<vmem>> -> memref<128xi32, #tpu.memory_space<vmem>>
        %dma_wait3A_151 = arith.constant 0 : i32
        %dma_wait3A_152 = arith.constant 0 : i32
        %dma_wait3A_153 = tpu.memref_slice %arg3[%dma_wait3A_151, %dma_wait3A_152] : memref<10000x64xf32, #tpu.memory_space<hbm>> -> memref<10000x64xf32, #tpu.memory_space<hbm>>
        tpu.wait_indirect_dma semaphore(%arg19 : memref<!tpu.dma_semaphore, #tpu.memory_space<semaphore_mem>>) src(%dma_wait3A_153 : memref<10000x64xf32, #tpu.memory_space<hbm>>) dst(%arg14 : memref<128x64xf32, #tpu.memory_space<vmem>>)
        %add3A_154 = arith.constant 3 : i32
        %add3A_155 = arith.addi %add3A_97, %add3A_154 : i32
        %dma_start3A_156 = arith.constant 0 : i32
        %dma_start3A_157 = tpu.memref_slice %arg10[%add3A_155, %dma_start3A_156] : memref<124x128xi32, #tpu.memory_space<vmem>> -> memref<1x128xi32, #tpu.memory_space<vmem>>
        %dma_start3A_158 = tpu.memref_squeeze %dma_start3A_157 : memref<1x128xi32, #tpu.memory_space<vmem>> -> memref<128xi32, #tpu.memory_space<vmem>>
        %dma_start3A_159 = arith.constant 0 : i32
        %dma_start3A_160 = arith.constant 0 : i32
        %dma_start3A_161 = tpu.memref_slice %arg15[%dma_start3A_159, %dma_start3A_160] : memref<10240x64xf32, #tpu.memory_space<vmem_shared>> -> memref<10240x64xf32, #tpu.memory_space<vmem_shared>>
        tpu.enqueue_indirect_dma source(%arg14 : memref<128x64xf32, #tpu.memory_space<vmem>>) target(%dma_start3A_161 : memref<10240x64xf32, #tpu.memory_space<vmem_shared>>) offsets(%dma_start3A_158 : memref<128xi32, #tpu.memory_space<vmem>>) semaphore(%arg23 : memref<!tpu.dma_semaphore, #tpu.memory_space<semaphore_mem>>) {add = true}
        %lt3A = arith.constant 120 : i32
        %lt3A_162 = arith.cmpi slt, %add3A_97, %lt3A : i32
        %convert_element_type3A_163 = arith.extui %lt3A_162 : i1 to i32
        %cond3A_164 = arith.constant 0 : i32
        %cond3A_165 = arith.cmpi ne, %convert_element_type3A_163, %cond3A_164 : i32
        scf.if %cond3A_165 {
          %add3A_166 = arith.constant 0 : i32
          %add3A_167 = arith.addi %add3A_97, %add3A_166 : i32
          %dma_wait3A_168 = arith.constant 0 : i32
          %dma_wait3A_169 = tpu.memref_slice %arg10[%add3A_167, %dma_wait3A_168] : memref<124x128xi32, #tpu.memory_space<vmem>> -> memref<1x128xi32, #tpu.memory_space<vmem>>
          %dma_wait3A_170 = tpu.memref_squeeze %dma_wait3A_169 : memref<1x128xi32, #tpu.memory_space<vmem>> -> memref<128xi32, #tpu.memory_space<vmem>>
          %dma_wait3A_171 = arith.constant 0 : i32
          %dma_wait3A_172 = arith.constant 0 : i32
          %dma_wait3A_173 = tpu.memref_slice %arg15[%dma_wait3A_171, %dma_wait3A_172] : memref<10240x64xf32, #tpu.memory_space<vmem_shared>> -> memref<10240x64xf32, #tpu.memory_space<vmem_shared>>
          tpu.wait_indirect_dma semaphore(%arg20 : memref<!tpu.dma_semaphore, #tpu.memory_space<semaphore_mem>>) src(%arg11 : memref<128x64xf32, #tpu.memory_space<vmem>>) dst(%dma_wait3A_173 : memref<10240x64xf32, #tpu.memory_space<vmem_shared>>)
          %add3A_174 = arith.constant 4 : i32
          %add3A_175 = arith.addi %add3A_97, %add3A_174 : i32
          %add3A_176 = arith.constant 0 : i32
          %add3A_177 = arith.addi %add3A_175, %add3A_176 : i32
          %dma_start3A_178 = arith.constant 0 : i32
          %dma_start3A_179 = tpu.memref_slice %arg9[%add3A_177, %dma_start3A_178] : memref<124x128xi32, #tpu.memory_space<vmem>> -> memref<1x128xi32, #tpu.memory_space<vmem>>
          %dma_start3A_180 = tpu.memref_squeeze %dma_start3A_179 : memref<1x128xi32, #tpu.memory_space<vmem>> -> memref<128xi32, #tpu.memory_space<vmem>>
          %dma_start3A_181 = arith.constant 0 : i32
          %dma_start3A_182 = arith.constant 0 : i32
          %dma_start3A_183 = tpu.memref_slice %arg3[%dma_start3A_181, %dma_start3A_182] : memref<10000x64xf32, #tpu.memory_space<hbm>> -> memref<10000x64xf32, #tpu.memory_space<hbm>>
          tpu.enqueue_indirect_dma source(%dma_start3A_183 : memref<10000x64xf32, #tpu.memory_space<hbm>>) target(%arg11 : memref<128x64xf32, #tpu.memory_space<vmem>>) offsets(%dma_start3A_180 : memref<128xi32, #tpu.memory_space<vmem>>) semaphore(%arg16 : memref<!tpu.dma_semaphore, #tpu.memory_space<semaphore_mem>>)
          %add3A_184 = arith.constant 1 : i32
          %add3A_185 = arith.addi %add3A_97, %add3A_184 : i32
          %dma_wait3A_186 = arith.constant 0 : i32
          %dma_wait3A_187 = tpu.memref_slice %arg10[%add3A_185, %dma_wait3A_186] : memref<124x128xi32, #tpu.memory_space<vmem>> -> memref<1x128xi32, #tpu.memory_space<vmem>>
          %dma_wait3A_188 = tpu.memref_squeeze %dma_wait3A_187 : memref<1x128xi32, #tpu.memory_space<vmem>> -> memref<128xi32, #tpu.memory_space<vmem>>
          %dma_wait3A_189 = arith.constant 0 : i32
          %dma_wait3A_190 = arith.constant 0 : i32
          %dma_wait3A_191 = tpu.memref_slice %arg15[%dma_wait3A_189, %dma_wait3A_190] : memref<10240x64xf32, #tpu.memory_space<vmem_shared>> -> memref<10240x64xf32, #tpu.memory_space<vmem_shared>>
          tpu.wait_indirect_dma semaphore(%arg21 : memref<!tpu.dma_semaphore, #tpu.memory_space<semaphore_mem>>) src(%arg12 : memref<128x64xf32, #tpu.memory_space<vmem>>) dst(%dma_wait3A_191 : memref<10240x64xf32, #tpu.memory_space<vmem_shared>>)
          %add3A_192 = arith.constant 4 : i32
          %add3A_193 = arith.addi %add3A_97, %add3A_192 : i32
          %add3A_194 = arith.constant 1 : i32
          %add3A_195 = arith.addi %add3A_193, %add3A_194 : i32
          %dma_start3A_196 = arith.constant 0 : i32
          %dma_start3A_197 = tpu.memref_slice %arg9[%add3A_195, %dma_start3A_196] : memref<124x128xi32, #tpu.memory_space<vmem>> -> memref<1x128xi32, #tpu.memory_space<vmem>>
          %dma_start3A_198 = tpu.memref_squeeze %dma_start3A_197 : memref<1x128xi32, #tpu.memory_space<vmem>> -> memref<128xi32, #tpu.memory_space<vmem>>
          %dma_start3A_199 = arith.constant 0 : i32
          %dma_start3A_200 = arith.constant 0 : i32
          %dma_start3A_201 = tpu.memref_slice %arg3[%dma_start3A_199, %dma_start3A_200] : memref<10000x64xf32, #tpu.memory_space<hbm>> -> memref<10000x64xf32, #tpu.memory_space<hbm>>
          tpu.enqueue_indirect_dma source(%dma_start3A_201 : memref<10000x64xf32, #tpu.memory_space<hbm>>) target(%arg12 : memref<128x64xf32, #tpu.memory_space<vmem>>) offsets(%dma_start3A_198 : memref<128xi32, #tpu.memory_space<vmem>>) semaphore(%arg17 : memref<!tpu.dma_semaphore, #tpu.memory_space<semaphore_mem>>)
          %add3A_202 = arith.constant 2 : i32
          %add3A_203 = arith.addi %add3A_97, %add3A_202 : i32
          %dma_wait3A_204 = arith.constant 0 : i32
          %dma_wait3A_205 = tpu.memref_slice %arg10[%add3A_203, %dma_wait3A_204] : memref<124x128xi32, #tpu.memory_space<vmem>> -> memref<1x128xi32, #tpu.memory_space<vmem>>
          %dma_wait3A_206 = tpu.memref_squeeze %dma_wait3A_205 : memref<1x128xi32, #tpu.memory_space<vmem>> -> memref<128xi32, #tpu.memory_space<vmem>>
          %dma_wait3A_207 = arith.constant 0 : i32
          %dma_wait3A_208 = arith.constant 0 : i32
          %dma_wait3A_209 = tpu.memref_slice %arg15[%dma_wait3A_207, %dma_wait3A_208] : memref<10240x64xf32, #tpu.memory_space<vmem_shared>> -> memref<10240x64xf32, #tpu.memory_space<vmem_shared>>
          tpu.wait_indirect_dma semaphore(%arg22 : memref<!tpu.dma_semaphore, #tpu.memory_space<semaphore_mem>>) src(%arg13 : memref<128x64xf32, #tpu.memory_space<vmem>>) dst(%dma_wait3A_209 : memref<10240x64xf32, #tpu.memory_space<vmem_shared>>)
          %add3A_210 = arith.constant 4 : i32
          %add3A_211 = arith.addi %add3A_97, %add3A_210 : i32
          %add3A_212 = arith.constant 2 : i32
          %add3A_213 = arith.addi %add3A_211, %add3A_212 : i32
          %dma_start3A_214 = arith.constant 0 : i32
          %dma_start3A_215 = tpu.memref_slice %arg9[%add3A_213, %dma_start3A_214] : memref<124x128xi32, #tpu.memory_space<vmem>> -> memref<1x128xi32, #tpu.memory_space<vmem>>
          %dma_start3A_216 = tpu.memref_squeeze %dma_start3A_215 : memref<1x128xi32, #tpu.memory_space<vmem>> -> memref<128xi32, #tpu.memory_space<vmem>>
          %dma_start3A_217 = arith.constant 0 : i32
          %dma_start3A_218 = arith.constant 0 : i32
          %dma_start3A_219 = tpu.memref_slice %arg3[%dma_start3A_217, %dma_start3A_218] : memref<10000x64xf32, #tpu.memory_space<hbm>> -> memref<10000x64xf32, #tpu.memory_space<hbm>>
          tpu.enqueue_indirect_dma source(%dma_start3A_219 : memref<10000x64xf32, #tpu.memory_space<hbm>>) target(%arg13 : memref<128x64xf32, #tpu.memory_space<vmem>>) offsets(%dma_start3A_216 : memref<128xi32, #tpu.memory_space<vmem>>) semaphore(%arg18 : memref<!tpu.dma_semaphore, #tpu.memory_space<semaphore_mem>>)
          %add3A_220 = arith.constant 3 : i32
          %add3A_221 = arith.addi %add3A_97, %add3A_220 : i32
          %dma_wait3A_222 = arith.constant 0 : i32
          %dma_wait3A_223 = tpu.memref_slice %arg10[%add3A_221, %dma_wait3A_222] : memref<124x128xi32, #tpu.memory_space<vmem>> -> memref<1x128xi32, #tpu.memory_space<vmem>>
          %dma_wait3A_224 = tpu.memref_squeeze %dma_wait3A_223 : memref<1x128xi32, #tpu.memory_space<vmem>> -> memref<128xi32, #tpu.memory_space<vmem>>
          %dma_wait3A_225 = arith.constant 0 : i32
          %dma_wait3A_226 = arith.constant 0 : i32
          %dma_wait3A_227 = tpu.memref_slice %arg15[%dma_wait3A_225, %dma_wait3A_226] : memref<10240x64xf32, #tpu.memory_space<vmem_shared>> -> memref<10240x64xf32, #tpu.memory_space<vmem_shared>>
          tpu.wait_indirect_dma semaphore(%arg23 : memref<!tpu.dma_semaphore, #tpu.memory_space<semaphore_mem>>) src(%arg14 : memref<128x64xf32, #tpu.memory_space<vmem>>) dst(%dma_wait3A_227 : memref<10240x64xf32, #tpu.memory_space<vmem_shared>>)
          %add3A_228 = arith.constant 4 : i32
          %add3A_229 = arith.addi %add3A_97, %add3A_228 : i32
          %add3A_230 = arith.constant 3 : i32
          %add3A_231 = arith.addi %add3A_229, %add3A_230 : i32
          %dma_start3A_232 = arith.constant 0 : i32
          %dma_start3A_233 = tpu.memref_slice %arg9[%add3A_231, %dma_start3A_232] : memref<124x128xi32, #tpu.memory_space<vmem>> -> memref<1x128xi32, #tpu.memory_space<vmem>>
          %dma_start3A_234 = tpu.memref_squeeze %dma_start3A_233 : memref<1x128xi32, #tpu.memory_space<vmem>> -> memref<128xi32, #tpu.memory_space<vmem>>
          %dma_start3A_235 = arith.constant 0 : i32
          %dma_start3A_236 = arith.constant 0 : i32
          %dma_start3A_237 = tpu.memref_slice %arg3[%dma_start3A_235, %dma_start3A_236] : memref<10000x64xf32, #tpu.memory_space<hbm>> -> memref<10000x64xf32, #tpu.memory_space<hbm>>
          tpu.enqueue_indirect_dma source(%dma_start3A_237 : memref<10000x64xf32, #tpu.memory_space<hbm>>) target(%arg14 : memref<128x64xf32, #tpu.memory_space<vmem>>) offsets(%dma_start3A_234 : memref<128xi32, #tpu.memory_space<vmem>>) semaphore(%arg19 : memref<!tpu.dma_semaphore, #tpu.memory_space<semaphore_mem>>)
        } else {
        }
      }
      %scan3A_65 = arith.constant 31 : i32
      %dma_wait3A = arith.constant 120 : i32
      %dma_wait3A_66 = arith.constant 0 : i32
      %dma_wait3A_67 = tpu.memref_slice %arg10[%dma_wait3A, %dma_wait3A_66] : memref<124x128xi32, #tpu.memory_space<vmem>> -> memref<1x128xi32, #tpu.memory_space<vmem>>
      %dma_wait3A_68 = tpu.memref_squeeze %dma_wait3A_67 : memref<1x128xi32, #tpu.memory_space<vmem>> -> memref<128xi32, #tpu.memory_space<vmem>>
      %dma_wait3A_69 = arith.constant 0 : i32
      %dma_wait3A_70 = arith.constant 0 : i32
      %dma_wait3A_71 = tpu.memref_slice %arg15[%dma_wait3A_69, %dma_wait3A_70] : memref<10240x64xf32, #tpu.memory_space<vmem_shared>> -> memref<10240x64xf32, #tpu.memory_space<vmem_shared>>
      tpu.wait_indirect_dma semaphore(%arg20 : memref<!tpu.dma_semaphore, #tpu.memory_space<semaphore_mem>>) src(%arg11 : memref<128x64xf32, #tpu.memory_space<vmem>>) dst(%dma_wait3A_71 : memref<10240x64xf32, #tpu.memory_space<vmem_shared>>)
      %dma_wait3A_72 = arith.constant 121 : i32
      %dma_wait3A_73 = arith.constant 0 : i32
      %dma_wait3A_74 = tpu.memref_slice %arg10[%dma_wait3A_72, %dma_wait3A_73] : memref<124x128xi32, #tpu.memory_space<vmem>> -> memref<1x128xi32, #tpu.memory_space<vmem>>
      %dma_wait3A_75 = tpu.memref_squeeze %dma_wait3A_74 : memref<1x128xi32, #tpu.memory_space<vmem>> -> memref<128xi32, #tpu.memory_space<vmem>>
      %dma_wait3A_76 = arith.constant 0 : i32
      %dma_wait3A_77 = arith.constant 0 : i32
      %dma_wait3A_78 = tpu.memref_slice %arg15[%dma_wait3A_76, %dma_wait3A_77] : memref<10240x64xf32, #tpu.memory_space<vmem_shared>> -> memref<10240x64xf32, #tpu.memory_space<vmem_shared>>
      tpu.wait_indirect_dma semaphore(%arg21 : memref<!tpu.dma_semaphore, #tpu.memory_space<semaphore_mem>>) src(%arg12 : memref<128x64xf32, #tpu.memory_space<vmem>>) dst(%dma_wait3A_78 : memref<10240x64xf32, #tpu.memory_space<vmem_shared>>)
      %dma_wait3A_79 = arith.constant 122 : i32
      %dma_wait3A_80 = arith.constant 0 : i32
      %dma_wait3A_81 = tpu.memref_slice %arg10[%dma_wait3A_79, %dma_wait3A_80] : memref<124x128xi32, #tpu.memory_space<vmem>> -> memref<1x128xi32, #tpu.memory_space<vmem>>
      %dma_wait3A_82 = tpu.memref_squeeze %dma_wait3A_81 : memref<1x128xi32, #tpu.memory_space<vmem>> -> memref<128xi32, #tpu.memory_space<vmem>>
      %dma_wait3A_83 = arith.constant 0 : i32
      %dma_wait3A_84 = arith.constant 0 : i32
      %dma_wait3A_85 = tpu.memref_slice %arg15[%dma_wait3A_83, %dma_wait3A_84] : memref<10240x64xf32, #tpu.memory_space<vmem_shared>> -> memref<10240x64xf32, #tpu.memory_space<vmem_shared>>
      tpu.wait_indirect_dma semaphore(%arg22 : memref<!tpu.dma_semaphore, #tpu.memory_space<semaphore_mem>>) src(%arg13 : memref<128x64xf32, #tpu.memory_space<vmem>>) dst(%dma_wait3A_85 : memref<10240x64xf32, #tpu.memory_space<vmem_shared>>)
      %dma_wait3A_86 = arith.constant 123 : i32
      %dma_wait3A_87 = arith.constant 0 : i32
      %dma_wait3A_88 = tpu.memref_slice %arg10[%dma_wait3A_86, %dma_wait3A_87] : memref<124x128xi32, #tpu.memory_space<vmem>> -> memref<1x128xi32, #tpu.memory_space<vmem>>
      %dma_wait3A_89 = tpu.memref_squeeze %dma_wait3A_88 : memref<1x128xi32, #tpu.memory_space<vmem>> -> memref<128xi32, #tpu.memory_space<vmem>>
      %dma_wait3A_90 = arith.constant 0 : i32
      %dma_wait3A_91 = arith.constant 0 : i32
      %dma_wait3A_92 = tpu.memref_slice %arg15[%dma_wait3A_90, %dma_wait3A_91] : memref<10240x64xf32, #tpu.memory_space<vmem_shared>> -> memref<10240x64xf32, #tpu.memory_space<vmem_shared>>
      tpu.wait_indirect_dma semaphore(%arg23 : memref<!tpu.dma_semaphore, #tpu.memory_space<semaphore_mem>>) src(%arg14 : memref<128x64xf32, #tpu.memory_space<vmem>>) dst(%dma_wait3A_92 : memref<10240x64xf32, #tpu.memory_space<vmem_shared>>)
    } else {
    }
    %eq3A_25 = arith.constant 1 : i32
    %eq3A_26 = arith.cmpi eq, %arg0, %eq3A_25 : i32
    %convert_element_type3A_27 = arith.extui %eq3A_26 : i1 to i32
    %cond3A_28 = arith.constant 0 : i32
    %cond3A_29 = arith.cmpi ne, %convert_element_type3A_27, %cond3A_28 : i32
    scf.if %cond3A_29 {
      %dma_start3A = arith.constant 88 : i32
      %dma_start3A_35 = arith.constant 0 : i32
      %dma_start3A_36 = tpu.memref_slice %arg9[%dma_start3A, %dma_start3A_35] : memref<124x128xi32, #tpu.memory_space<vmem>> -> memref<1x128xi32, #tpu.memory_space<vmem>>
      %dma_start3A_37 = tpu.memref_squeeze %dma_start3A_36 : memref<1x128xi32, #tpu.memory_space<vmem>> -> memref<128xi32, #tpu.memory_space<vmem>>
      %dma_start3A_38 = arith.constant 0 : i32
      %dma_start3A_39 = arith.constant 0 : i32
      %dma_start3A_40 = tpu.memref_slice %arg3[%dma_start3A_38, %dma_start3A_39] : memref<10000x64xf32, #tpu.memory_space<hbm>> -> memref<10000x64xf32, #tpu.memory_space<hbm>>
      tpu.enqueue_indirect_dma source(%dma_start3A_40 : memref<10000x64xf32, #tpu.memory_space<hbm>>) target(%arg11 : memref<128x64xf32, #tpu.memory_space<vmem>>) offsets(%dma_start3A_37 : memref<128xi32, #tpu.memory_space<vmem>>) semaphore(%arg16 : memref<!tpu.dma_semaphore, #tpu.memory_space<semaphore_mem>>)
      %dma_start3A_41 = arith.constant 89 : i32
      %dma_start3A_42 = arith.constant 0 : i32
      %dma_start3A_43 = tpu.memref_slice %arg9[%dma_start3A_41, %dma_start3A_42] : memref<124x128xi32, #tpu.memory_space<vmem>> -> memref<1x128xi32, #tpu.memory_space<vmem>>
      %dma_start3A_44 = tpu.memref_squeeze %dma_start3A_43 : memref<1x128xi32, #tpu.memory_space<vmem>> -> memref<128xi32, #tpu.memory_space<vmem>>
      %dma_start3A_45 = arith.constant 0 : i32
      %dma_start3A_46 = arith.constant 0 : i32
      %dma_start3A_47 = tpu.memref_slice %arg3[%dma_start3A_45, %dma_start3A_46] : memref<10000x64xf32, #tpu.memory_space<hbm>> -> memref<10000x64xf32, #tpu.memory_space<hbm>>
      tpu.enqueue_indirect_dma source(%dma_start3A_47 : memref<10000x64xf32, #tpu.memory_space<hbm>>) target(%arg12 : memref<128x64xf32, #tpu.memory_space<vmem>>) offsets(%dma_start3A_44 : memref<128xi32, #tpu.memory_space<vmem>>) semaphore(%arg17 : memref<!tpu.dma_semaphore, #tpu.memory_space<semaphore_mem>>)
      %dma_start3A_48 = arith.constant 90 : i32
      %dma_start3A_49 = arith.constant 0 : i32
      %dma_start3A_50 = tpu.memref_slice %arg9[%dma_start3A_48, %dma_start3A_49] : memref<124x128xi32, #tpu.memory_space<vmem>> -> memref<1x128xi32, #tpu.memory_space<vmem>>
      %dma_start3A_51 = tpu.memref_squeeze %dma_start3A_50 : memref<1x128xi32, #tpu.memory_space<vmem>> -> memref<128xi32, #tpu.memory_space<vmem>>
      %dma_start3A_52 = arith.constant 0 : i32
      %dma_start3A_53 = arith.constant 0 : i32
      %dma_start3A_54 = tpu.memref_slice %arg3[%dma_start3A_52, %dma_start3A_53] : memref<10000x64xf32, #tpu.memory_space<hbm>> -> memref<10000x64xf32, #tpu.memory_space<hbm>>
      tpu.enqueue_indirect_dma source(%dma_start3A_54 : memref<10000x64xf32, #tpu.memory_space<hbm>>) target(%arg13 : memref<128x64xf32, #tpu.memory_space<vmem>>) offsets(%dma_start3A_51 : memref<128xi32, #tpu.memory_space<vmem>>) semaphore(%arg18 : memref<!tpu.dma_semaphore, #tpu.memory_space<semaphore_mem>>)
      %dma_start3A_55 = arith.constant 91 : i32
      %dma_start3A_56 = arith.constant 0 : i32
      %dma_start3A_57 = tpu.memref_slice %arg9[%dma_start3A_55, %dma_start3A_56] : memref<124x128xi32, #tpu.memory_space<vmem>> -> memref<1x128xi32, #tpu.memory_space<vmem>>
      %dma_start3A_58 = tpu.memref_squeeze %dma_start3A_57 : memref<1x128xi32, #tpu.memory_space<vmem>> -> memref<128xi32, #tpu.memory_space<vmem>>
      %dma_start3A_59 = arith.constant 0 : i32
      %dma_start3A_60 = arith.constant 0 : i32
      %dma_start3A_61 = tpu.memref_slice %arg3[%dma_start3A_59, %dma_start3A_60] : memref<10000x64xf32, #tpu.memory_space<hbm>> -> memref<10000x64xf32, #tpu.memory_space<hbm>>
      tpu.enqueue_indirect_dma source(%dma_start3A_61 : memref<10000x64xf32, #tpu.memory_space<hbm>>) target(%arg14 : memref<128x64xf32, #tpu.memory_space<vmem>>) offsets(%dma_start3A_58 : memref<128xi32, #tpu.memory_space<vmem>>) semaphore(%arg19 : memref<!tpu.dma_semaphore, #tpu.memory_space<semaphore_mem>>)
      %scan3A = arith.constant 0 : i32
      %scan3A_62 = arith.constant 9 : i32
      %scan3A_63 = arith.addi %scan3A, %scan3A_62 : i32
      %scan3A_64 = arith.constant 1 : i32
      scf.for %scan3A_93 = %scan3A to %scan3A_63 step %scan3A_64  : i32 {
        %mul3A_94 = arith.constant 4 : i32
        %mul3A_95 = arith.muli %scan3A_93, %mul3A_94 : i32
        %add3A_96 = arith.constant 88 : i32
        %add3A_97 = arith.addi %add3A_96, %mul3A_95 : i32
        %add3A_98 = arith.constant 0 : i32
        %add3A_99 = arith.addi %add3A_97, %add3A_98 : i32
        %dma_wait3A_100 = arith.constant 0 : i32
        %dma_wait3A_101 = tpu.memref_slice %arg9[%add3A_99, %dma_wait3A_100] : memref<124x128xi32, #tpu.memory_space<vmem>> -> memref<1x128xi32, #tpu.memory_space<vmem>>
        %dma_wait3A_102 = tpu.memref_squeeze %dma_wait3A_101 : memref<1x128xi32, #tpu.memory_space<vmem>> -> memref<128xi32, #tpu.memory_space<vmem>>
        %dma_wait3A_103 = arith.constant 0 : i32
        %dma_wait3A_104 = arith.constant 0 : i32
        %dma_wait3A_105 = tpu.memref_slice %arg3[%dma_wait3A_103, %dma_wait3A_104] : memref<10000x64xf32, #tpu.memory_space<hbm>> -> memref<10000x64xf32, #tpu.memory_space<hbm>>
        tpu.wait_indirect_dma semaphore(%arg16 : memref<!tpu.dma_semaphore, #tpu.memory_space<semaphore_mem>>) src(%dma_wait3A_105 : memref<10000x64xf32, #tpu.memory_space<hbm>>) dst(%arg11 : memref<128x64xf32, #tpu.memory_space<vmem>>)
        %add3A_106 = arith.constant 0 : i32
        %add3A_107 = arith.addi %add3A_97, %add3A_106 : i32
        %dma_start3A_108 = arith.constant 0 : i32
        %dma_start3A_109 = tpu.memref_slice %arg10[%add3A_107, %dma_start3A_108] : memref<124x128xi32, #tpu.memory_space<vmem>> -> memref<1x128xi32, #tpu.memory_space<vmem>>
        %dma_start3A_110 = tpu.memref_squeeze %dma_start3A_109 : memref<1x128xi32, #tpu.memory_space<vmem>> -> memref<128xi32, #tpu.memory_space<vmem>>
        %dma_start3A_111 = arith.constant 0 : i32
        %dma_start3A_112 = arith.constant 0 : i32
        %dma_start3A_113 = tpu.memref_slice %arg15[%dma_start3A_111, %dma_start3A_112] : memref<10240x64xf32, #tpu.memory_space<vmem_shared>> -> memref<10240x64xf32, #tpu.memory_space<vmem_shared>>
        tpu.enqueue_indirect_dma source(%arg11 : memref<128x64xf32, #tpu.memory_space<vmem>>) target(%dma_start3A_113 : memref<10240x64xf32, #tpu.memory_space<vmem_shared>>) offsets(%dma_start3A_110 : memref<128xi32, #tpu.memory_space<vmem>>) semaphore(%arg20 : memref<!tpu.dma_semaphore, #tpu.memory_space<semaphore_mem>>) {add = true}
        %add3A_114 = arith.constant 1 : i32
        %add3A_115 = arith.addi %add3A_97, %add3A_114 : i32
        %dma_wait3A_116 = arith.constant 0 : i32
        %dma_wait3A_117 = tpu.memref_slice %arg9[%add3A_115, %dma_wait3A_116] : memref<124x128xi32, #tpu.memory_space<vmem>> -> memref<1x128xi32, #tpu.memory_space<vmem>>
        %dma_wait3A_118 = tpu.memref_squeeze %dma_wait3A_117 : memref<1x128xi32, #tpu.memory_space<vmem>> -> memref<128xi32, #tpu.memory_space<vmem>>
        %dma_wait3A_119 = arith.constant 0 : i32
        %dma_wait3A_120 = arith.constant 0 : i32
        %dma_wait3A_121 = tpu.memref_slice %arg3[%dma_wait3A_119, %dma_wait3A_120] : memref<10000x64xf32, #tpu.memory_space<hbm>> -> memref<10000x64xf32, #tpu.memory_space<hbm>>
        tpu.wait_indirect_dma semaphore(%arg17 : memref<!tpu.dma_semaphore, #tpu.memory_space<semaphore_mem>>) src(%dma_wait3A_121 : memref<10000x64xf32, #tpu.memory_space<hbm>>) dst(%arg12 : memref<128x64xf32, #tpu.memory_space<vmem>>)
        %add3A_122 = arith.constant 1 : i32
        %add3A_123 = arith.addi %add3A_97, %add3A_122 : i32
        %dma_start3A_124 = arith.constant 0 : i32
        %dma_start3A_125 = tpu.memref_slice %arg10[%add3A_123, %dma_start3A_124] : memref<124x128xi32, #tpu.memory_space<vmem>> -> memref<1x128xi32, #tpu.memory_space<vmem>>
        %dma_start3A_126 = tpu.memref_squeeze %dma_start3A_125 : memref<1x128xi32, #tpu.memory_space<vmem>> -> memref<128xi32, #tpu.memory_space<vmem>>
        %dma_start3A_127 = arith.constant 0 : i32
        %dma_start3A_128 = arith.constant 0 : i32
        %dma_start3A_129 = tpu.memref_slice %arg15[%dma_start3A_127, %dma_start3A_128] : memref<10240x64xf32, #tpu.memory_space<vmem_shared>> -> memref<10240x64xf32, #tpu.memory_space<vmem_shared>>
        tpu.enqueue_indirect_dma source(%arg12 : memref<128x64xf32, #tpu.memory_space<vmem>>) target(%dma_start3A_129 : memref<10240x64xf32, #tpu.memory_space<vmem_shared>>) offsets(%dma_start3A_126 : memref<128xi32, #tpu.memory_space<vmem>>) semaphore(%arg21 : memref<!tpu.dma_semaphore, #tpu.memory_space<semaphore_mem>>) {add = true}
        %add3A_130 = arith.constant 2 : i32
        %add3A_131 = arith.addi %add3A_97, %add3A_130 : i32
        %dma_wait3A_132 = arith.constant 0 : i32
        %dma_wait3A_133 = tpu.memref_slice %arg9[%add3A_131, %dma_wait3A_132] : memref<124x128xi32, #tpu.memory_space<vmem>> -> memref<1x128xi32, #tpu.memory_space<vmem>>
        %dma_wait3A_134 = tpu.memref_squeeze %dma_wait3A_133 : memref<1x128xi32, #tpu.memory_space<vmem>> -> memref<128xi32, #tpu.memory_space<vmem>>
        %dma_wait3A_135 = arith.constant 0 : i32
        %dma_wait3A_136 = arith.constant 0 : i32
        %dma_wait3A_137 = tpu.memref_slice %arg3[%dma_wait3A_135, %dma_wait3A_136] : memref<10000x64xf32, #tpu.memory_space<hbm>> -> memref<10000x64xf32, #tpu.memory_space<hbm>>
        tpu.wait_indirect_dma semaphore(%arg18 : memref<!tpu.dma_semaphore, #tpu.memory_space<semaphore_mem>>) src(%dma_wait3A_137 : memref<10000x64xf32, #tpu.memory_space<hbm>>) dst(%arg13 : memref<128x64xf32, #tpu.memory_space<vmem>>)
        %add3A_138 = arith.constant 2 : i32
        %add3A_139 = arith.addi %add3A_97, %add3A_138 : i32
        %dma_start3A_140 = arith.constant 0 : i32
        %dma_start3A_141 = tpu.memref_slice %arg10[%add3A_139, %dma_start3A_140] : memref<124x128xi32, #tpu.memory_space<vmem>> -> memref<1x128xi32, #tpu.memory_space<vmem>>
        %dma_start3A_142 = tpu.memref_squeeze %dma_start3A_141 : memref<1x128xi32, #tpu.memory_space<vmem>> -> memref<128xi32, #tpu.memory_space<vmem>>
        %dma_start3A_143 = arith.constant 0 : i32
        %dma_start3A_144 = arith.constant 0 : i32
        %dma_start3A_145 = tpu.memref_slice %arg15[%dma_start3A_143, %dma_start3A_144] : memref<10240x64xf32, #tpu.memory_space<vmem_shared>> -> memref<10240x64xf32, #tpu.memory_space<vmem_shared>>
        tpu.enqueue_indirect_dma source(%arg13 : memref<128x64xf32, #tpu.memory_space<vmem>>) target(%dma_start3A_145 : memref<10240x64xf32, #tpu.memory_space<vmem_shared>>) offsets(%dma_start3A_142 : memref<128xi32, #tpu.memory_space<vmem>>) semaphore(%arg22 : memref<!tpu.dma_semaphore, #tpu.memory_space<semaphore_mem>>) {add = true}
        %add3A_146 = arith.constant 3 : i32
        %add3A_147 = arith.addi %add3A_97, %add3A_146 : i32
        %dma_wait3A_148 = arith.constant 0 : i32
        %dma_wait3A_149 = tpu.memref_slice %arg9[%add3A_147, %dma_wait3A_148] : memref<124x128xi32, #tpu.memory_space<vmem>> -> memref<1x128xi32, #tpu.memory_space<vmem>>
        %dma_wait3A_150 = tpu.memref_squeeze %dma_wait3A_149 : memref<1x128xi32, #tpu.memory_space<vmem>> -> memref<128xi32, #tpu.memory_space<vmem>>
        %dma_wait3A_151 = arith.constant 0 : i32
        %dma_wait3A_152 = arith.constant 0 : i32
        %dma_wait3A_153 = tpu.memref_slice %arg3[%dma_wait3A_151, %dma_wait3A_152] : memref<10000x64xf32, #tpu.memory_space<hbm>> -> memref<10000x64xf32, #tpu.memory_space<hbm>>
        tpu.wait_indirect_dma semaphore(%arg19 : memref<!tpu.dma_semaphore, #tpu.memory_space<semaphore_mem>>) src(%dma_wait3A_153 : memref<10000x64xf32, #tpu.memory_space<hbm>>) dst(%arg14 : memref<128x64xf32, #tpu.memory_space<vmem>>)
        %add3A_154 = arith.constant 3 : i32
        %add3A_155 = arith.addi %add3A_97, %add3A_154 : i32
        %dma_start3A_156 = arith.constant 0 : i32
        %dma_start3A_157 = tpu.memref_slice %arg10[%add3A_155, %dma_start3A_156] : memref<124x128xi32, #tpu.memory_space<vmem>> -> memref<1x128xi32, #tpu.memory_space<vmem>>
        %dma_start3A_158 = tpu.memref_squeeze %dma_start3A_157 : memref<1x128xi32, #tpu.memory_space<vmem>> -> memref<128xi32, #tpu.memory_space<vmem>>
        %dma_start3A_159 = arith.constant 0 : i32
        %dma_start3A_160 = arith.constant 0 : i32
        %dma_start3A_161 = tpu.memref_slice %arg15[%dma_start3A_159, %dma_start3A_160] : memref<10240x64xf32, #tpu.memory_space<vmem_shared>> -> memref<10240x64xf32, #tpu.memory_space<vmem_shared>>
        tpu.enqueue_indirect_dma source(%arg14 : memref<128x64xf32, #tpu.memory_space<vmem>>) target(%dma_start3A_161 : memref<10240x64xf32, #tpu.memory_space<vmem_shared>>) offsets(%dma_start3A_158 : memref<128xi32, #tpu.memory_space<vmem>>) semaphore(%arg23 : memref<!tpu.dma_semaphore, #tpu.memory_space<semaphore_mem>>) {add = true}
        %lt3A = arith.constant 120 : i32
        %lt3A_162 = arith.cmpi slt, %add3A_97, %lt3A : i32
        %convert_element_type3A_163 = arith.extui %lt3A_162 : i1 to i32
        %cond3A_164 = arith.constant 0 : i32
        %cond3A_165 = arith.cmpi ne, %convert_element_type3A_163, %cond3A_164 : i32
        scf.if %cond3A_165 {
          %add3A_166 = arith.constant 0 : i32
          %add3A_167 = arith.addi %add3A_97, %add3A_166 : i32
          %dma_wait3A_168 = arith.constant 0 : i32
          %dma_wait3A_169 = tpu.memref_slice %arg10[%add3A_167, %dma_wait3A_168] : memref<124x128xi32, #tpu.memory_space<vmem>> -> memref<1x128xi32, #tpu.memory_space<vmem>>
          %dma_wait3A_170 = tpu.memref_squeeze %dma_wait3A_169 : memref<1x128xi32, #tpu.memory_space<vmem>> -> memref<128xi32, #tpu.memory_space<vmem>>
          %dma_wait3A_171 = arith.constant 0 : i32
          %dma_wait3A_172 = arith.constant 0 : i32
          %dma_wait3A_173 = tpu.memref_slice %arg15[%dma_wait3A_171, %dma_wait3A_172] : memref<10240x64xf32, #tpu.memory_space<vmem_shared>> -> memref<10240x64xf32, #tpu.memory_space<vmem_shared>>
          tpu.wait_indirect_dma semaphore(%arg20 : memref<!tpu.dma_semaphore, #tpu.memory_space<semaphore_mem>>) src(%arg11 : memref<128x64xf32, #tpu.memory_space<vmem>>) dst(%dma_wait3A_173 : memref<10240x64xf32, #tpu.memory_space<vmem_shared>>)
          %add3A_174 = arith.constant 4 : i32
          %add3A_175 = arith.addi %add3A_97, %add3A_174 : i32
          %add3A_176 = arith.constant 0 : i32
          %add3A_177 = arith.addi %add3A_175, %add3A_176 : i32
          %dma_start3A_178 = arith.constant 0 : i32
          %dma_start3A_179 = tpu.memref_slice %arg9[%add3A_177, %dma_start3A_178] : memref<124x128xi32, #tpu.memory_space<vmem>> -> memref<1x128xi32, #tpu.memory_space<vmem>>
          %dma_start3A_180 = tpu.memref_squeeze %dma_start3A_179 : memref<1x128xi32, #tpu.memory_space<vmem>> -> memref<128xi32, #tpu.memory_space<vmem>>
          %dma_start3A_181 = arith.constant 0 : i32
          %dma_start3A_182 = arith.constant 0 : i32
          %dma_start3A_183 = tpu.memref_slice %arg3[%dma_start3A_181, %dma_start3A_182] : memref<10000x64xf32, #tpu.memory_space<hbm>> -> memref<10000x64xf32, #tpu.memory_space<hbm>>
          tpu.enqueue_indirect_dma source(%dma_start3A_183 : memref<10000x64xf32, #tpu.memory_space<hbm>>) target(%arg11 : memref<128x64xf32, #tpu.memory_space<vmem>>) offsets(%dma_start3A_180 : memref<128xi32, #tpu.memory_space<vmem>>) semaphore(%arg16 : memref<!tpu.dma_semaphore, #tpu.memory_space<semaphore_mem>>)
          %add3A_184 = arith.constant 1 : i32
          %add3A_185 = arith.addi %add3A_97, %add3A_184 : i32
          %dma_wait3A_186 = arith.constant 0 : i32
          %dma_wait3A_187 = tpu.memref_slice %arg10[%add3A_185, %dma_wait3A_186] : memref<124x128xi32, #tpu.memory_space<vmem>> -> memref<1x128xi32, #tpu.memory_space<vmem>>
          %dma_wait3A_188 = tpu.memref_squeeze %dma_wait3A_187 : memref<1x128xi32, #tpu.memory_space<vmem>> -> memref<128xi32, #tpu.memory_space<vmem>>
          %dma_wait3A_189 = arith.constant 0 : i32
          %dma_wait3A_190 = arith.constant 0 : i32
          %dma_wait3A_191 = tpu.memref_slice %arg15[%dma_wait3A_189, %dma_wait3A_190] : memref<10240x64xf32, #tpu.memory_space<vmem_shared>> -> memref<10240x64xf32, #tpu.memory_space<vmem_shared>>
          tpu.wait_indirect_dma semaphore(%arg21 : memref<!tpu.dma_semaphore, #tpu.memory_space<semaphore_mem>>) src(%arg12 : memref<128x64xf32, #tpu.memory_space<vmem>>) dst(%dma_wait3A_191 : memref<10240x64xf32, #tpu.memory_space<vmem_shared>>)
          %add3A_192 = arith.constant 4 : i32
          %add3A_193 = arith.addi %add3A_97, %add3A_192 : i32
          %add3A_194 = arith.constant 1 : i32
          %add3A_195 = arith.addi %add3A_193, %add3A_194 : i32
          %dma_start3A_196 = arith.constant 0 : i32
          %dma_start3A_197 = tpu.memref_slice %arg9[%add3A_195, %dma_start3A_196] : memref<124x128xi32, #tpu.memory_space<vmem>> -> memref<1x128xi32, #tpu.memory_space<vmem>>
          %dma_start3A_198 = tpu.memref_squeeze %dma_start3A_197 : memref<1x128xi32, #tpu.memory_space<vmem>> -> memref<128xi32, #tpu.memory_space<vmem>>
          %dma_start3A_199 = arith.constant 0 : i32
          %dma_start3A_200 = arith.constant 0 : i32
          %dma_start3A_201 = tpu.memref_slice %arg3[%dma_start3A_199, %dma_start3A_200] : memref<10000x64xf32, #tpu.memory_space<hbm>> -> memref<10000x64xf32, #tpu.memory_space<hbm>>
          tpu.enqueue_indirect_dma source(%dma_start3A_201 : memref<10000x64xf32, #tpu.memory_space<hbm>>) target(%arg12 : memref<128x64xf32, #tpu.memory_space<vmem>>) offsets(%dma_start3A_198 : memref<128xi32, #tpu.memory_space<vmem>>) semaphore(%arg17 : memref<!tpu.dma_semaphore, #tpu.memory_space<semaphore_mem>>)
          %add3A_202 = arith.constant 2 : i32
          %add3A_203 = arith.addi %add3A_97, %add3A_202 : i32
          %dma_wait3A_204 = arith.constant 0 : i32
          %dma_wait3A_205 = tpu.memref_slice %arg10[%add3A_203, %dma_wait3A_204] : memref<124x128xi32, #tpu.memory_space<vmem>> -> memref<1x128xi32, #tpu.memory_space<vmem>>
          %dma_wait3A_206 = tpu.memref_squeeze %dma_wait3A_205 : memref<1x128xi32, #tpu.memory_space<vmem>> -> memref<128xi32, #tpu.memory_space<vmem>>
          %dma_wait3A_207 = arith.constant 0 : i32
          %dma_wait3A_208 = arith.constant 0 : i32
          %dma_wait3A_209 = tpu.memref_slice %arg15[%dma_wait3A_207, %dma_wait3A_208] : memref<10240x64xf32, #tpu.memory_space<vmem_shared>> -> memref<10240x64xf32, #tpu.memory_space<vmem_shared>>
          tpu.wait_indirect_dma semaphore(%arg22 : memref<!tpu.dma_semaphore, #tpu.memory_space<semaphore_mem>>) src(%arg13 : memref<128x64xf32, #tpu.memory_space<vmem>>) dst(%dma_wait3A_209 : memref<10240x64xf32, #tpu.memory_space<vmem_shared>>)
          %add3A_210 = arith.constant 4 : i32
          %add3A_211 = arith.addi %add3A_97, %add3A_210 : i32
          %add3A_212 = arith.constant 2 : i32
          %add3A_213 = arith.addi %add3A_211, %add3A_212 : i32
          %dma_start3A_214 = arith.constant 0 : i32
          %dma_start3A_215 = tpu.memref_slice %arg9[%add3A_213, %dma_start3A_214] : memref<124x128xi32, #tpu.memory_space<vmem>> -> memref<1x128xi32, #tpu.memory_space<vmem>>
          %dma_start3A_216 = tpu.memref_squeeze %dma_start3A_215 : memref<1x128xi32, #tpu.memory_space<vmem>> -> memref<128xi32, #tpu.memory_space<vmem>>
          %dma_start3A_217 = arith.constant 0 : i32
          %dma_start3A_218 = arith.constant 0 : i32
          %dma_start3A_219 = tpu.memref_slice %arg3[%dma_start3A_217, %dma_start3A_218] : memref<10000x64xf32, #tpu.memory_space<hbm>> -> memref<10000x64xf32, #tpu.memory_space<hbm>>
          tpu.enqueue_indirect_dma source(%dma_start3A_219 : memref<10000x64xf32, #tpu.memory_space<hbm>>) target(%arg13 : memref<128x64xf32, #tpu.memory_space<vmem>>) offsets(%dma_start3A_216 : memref<128xi32, #tpu.memory_space<vmem>>) semaphore(%arg18 : memref<!tpu.dma_semaphore, #tpu.memory_space<semaphore_mem>>)
          %add3A_220 = arith.constant 3 : i32
          %add3A_221 = arith.addi %add3A_97, %add3A_220 : i32
          %dma_wait3A_222 = arith.constant 0 : i32
          %dma_wait3A_223 = tpu.memref_slice %arg10[%add3A_221, %dma_wait3A_222] : memref<124x128xi32, #tpu.memory_space<vmem>> -> memref<1x128xi32, #tpu.memory_space<vmem>>
          %dma_wait3A_224 = tpu.memref_squeeze %dma_wait3A_223 : memref<1x128xi32, #tpu.memory_space<vmem>> -> memref<128xi32, #tpu.memory_space<vmem>>
          %dma_wait3A_225 = arith.constant 0 : i32
          %dma_wait3A_226 = arith.constant 0 : i32
          %dma_wait3A_227 = tpu.memref_slice %arg15[%dma_wait3A_225, %dma_wait3A_226] : memref<10240x64xf32, #tpu.memory_space<vmem_shared>> -> memref<10240x64xf32, #tpu.memory_space<vmem_shared>>
          tpu.wait_indirect_dma semaphore(%arg23 : memref<!tpu.dma_semaphore, #tpu.memory_space<semaphore_mem>>) src(%arg14 : memref<128x64xf32, #tpu.memory_space<vmem>>) dst(%dma_wait3A_227 : memref<10240x64xf32, #tpu.memory_space<vmem_shared>>)
          %add3A_228 = arith.constant 4 : i32
          %add3A_229 = arith.addi %add3A_97, %add3A_228 : i32
          %add3A_230 = arith.constant 3 : i32
          %add3A_231 = arith.addi %add3A_229, %add3A_230 : i32
          %dma_start3A_232 = arith.constant 0 : i32
          %dma_start3A_233 = tpu.memref_slice %arg9[%add3A_231, %dma_start3A_232] : memref<124x128xi32, #tpu.memory_space<vmem>> -> memref<1x128xi32, #tpu.memory_space<vmem>>
          %dma_start3A_234 = tpu.memref_squeeze %dma_start3A_233 : memref<1x128xi32, #tpu.memory_space<vmem>> -> memref<128xi32, #tpu.memory_space<vmem>>
          %dma_start3A_235 = arith.constant 0 : i32
          %dma_start3A_236 = arith.constant 0 : i32
          %dma_start3A_237 = tpu.memref_slice %arg3[%dma_start3A_235, %dma_start3A_236] : memref<10000x64xf32, #tpu.memory_space<hbm>> -> memref<10000x64xf32, #tpu.memory_space<hbm>>
          tpu.enqueue_indirect_dma source(%dma_start3A_237 : memref<10000x64xf32, #tpu.memory_space<hbm>>) target(%arg14 : memref<128x64xf32, #tpu.memory_space<vmem>>) offsets(%dma_start3A_234 : memref<128xi32, #tpu.memory_space<vmem>>) semaphore(%arg19 : memref<!tpu.dma_semaphore, #tpu.memory_space<semaphore_mem>>)
        } else {
        }
      }
      %scan3A_65 = arith.constant 9 : i32
      %dma_wait3A = arith.constant 120 : i32
      %dma_wait3A_66 = arith.constant 0 : i32
      %dma_wait3A_67 = tpu.memref_slice %arg10[%dma_wait3A, %dma_wait3A_66] : memref<124x128xi32, #tpu.memory_space<vmem>> -> memref<1x128xi32, #tpu.memory_space<vmem>>
      %dma_wait3A_68 = tpu.memref_squeeze %dma_wait3A_67 : memref<1x128xi32, #tpu.memory_space<vmem>> -> memref<128xi32, #tpu.memory_space<vmem>>
      %dma_wait3A_69 = arith.constant 0 : i32
      %dma_wait3A_70 = arith.constant 0 : i32
      %dma_wait3A_71 = tpu.memref_slice %arg15[%dma_wait3A_69, %dma_wait3A_70] : memref<10240x64xf32, #tpu.memory_space<vmem_shared>> -> memref<10240x64xf32, #tpu.memory_space<vmem_shared>>
      tpu.wait_indirect_dma semaphore(%arg20 : memref<!tpu.dma_semaphore, #tpu.memory_space<semaphore_mem>>) src(%arg11 : memref<128x64xf32, #tpu.memory_space<vmem>>) dst(%dma_wait3A_71 : memref<10240x64xf32, #tpu.memory_space<vmem_shared>>)
      %dma_wait3A_72 = arith.constant 121 : i32
      %dma_wait3A_73 = arith.constant 0 : i32
      %dma_wait3A_74 = tpu.memref_slice %arg10[%dma_wait3A_72, %dma_wait3A_73] : memref<124x128xi32, #tpu.memory_space<vmem>> -> memref<1x128xi32, #tpu.memory_space<vmem>>
      %dma_wait3A_75 = tpu.memref_squeeze %dma_wait3A_74 : memref<1x128xi32, #tpu.memory_space<vmem>> -> memref<128xi32, #tpu.memory_space<vmem>>
      %dma_wait3A_76 = arith.constant 0 : i32
      %dma_wait3A_77 = arith.constant 0 : i32
      %dma_wait3A_78 = tpu.memref_slice %arg15[%dma_wait3A_76, %dma_wait3A_77] : memref<10240x64xf32, #tpu.memory_space<vmem_shared>> -> memref<10240x64xf32, #tpu.memory_space<vmem_shared>>
      tpu.wait_indirect_dma semaphore(%arg21 : memref<!tpu.dma_semaphore, #tpu.memory_space<semaphore_mem>>) src(%arg12 : memref<128x64xf32, #tpu.memory_space<vmem>>) dst(%dma_wait3A_78 : memref<10240x64xf32, #tpu.memory_space<vmem_shared>>)
      %dma_wait3A_79 = arith.constant 122 : i32
      %dma_wait3A_80 = arith.constant 0 : i32
      %dma_wait3A_81 = tpu.memref_slice %arg10[%dma_wait3A_79, %dma_wait3A_80] : memref<124x128xi32, #tpu.memory_space<vmem>> -> memref<1x128xi32, #tpu.memory_space<vmem>>
      %dma_wait3A_82 = tpu.memref_squeeze %dma_wait3A_81 : memref<1x128xi32, #tpu.memory_space<vmem>> -> memref<128xi32, #tpu.memory_space<vmem>>
      %dma_wait3A_83 = arith.constant 0 : i32
      %dma_wait3A_84 = arith.constant 0 : i32
      %dma_wait3A_85 = tpu.memref_slice %arg15[%dma_wait3A_83, %dma_wait3A_84] : memref<10240x64xf32, #tpu.memory_space<vmem_shared>> -> memref<10240x64xf32, #tpu.memory_space<vmem_shared>>
      tpu.wait_indirect_dma semaphore(%arg22 : memref<!tpu.dma_semaphore, #tpu.memory_space<semaphore_mem>>) src(%arg13 : memref<128x64xf32, #tpu.memory_space<vmem>>) dst(%dma_wait3A_85 : memref<10240x64xf32, #tpu.memory_space<vmem_shared>>)
      %dma_wait3A_86 = arith.constant 123 : i32
      %dma_wait3A_87 = arith.constant 0 : i32
      %dma_wait3A_88 = tpu.memref_slice %arg10[%dma_wait3A_86, %dma_wait3A_87] : memref<124x128xi32, #tpu.memory_space<vmem>> -> memref<1x128xi32, #tpu.memory_space<vmem>>
      %dma_wait3A_89 = tpu.memref_squeeze %dma_wait3A_88 : memref<1x128xi32, #tpu.memory_space<vmem>> -> memref<128xi32, #tpu.memory_space<vmem>>
      %dma_wait3A_90 = arith.constant 0 : i32
      %dma_wait3A_91 = arith.constant 0 : i32
      %dma_wait3A_92 = tpu.memref_slice %arg15[%dma_wait3A_90, %dma_wait3A_91] : memref<10240x64xf32, #tpu.memory_space<vmem_shared>> -> memref<10240x64xf32, #tpu.memory_space<vmem_shared>>
      tpu.wait_indirect_dma semaphore(%arg23 : memref<!tpu.dma_semaphore, #tpu.memory_space<semaphore_mem>>) src(%arg14 : memref<128x64xf32, #tpu.memory_space<vmem>>) dst(%dma_wait3A_92 : memref<10240x64xf32, #tpu.memory_space<vmem_shared>>)
    } else {
    }
    %barrier3A_30 = arith.constant 0 : index
    tpu.barrier barrier_id(%barrier3A_30)
    %mul3A_31 = arith.constant 640 : i32
    %mul3A_32 = arith.muli %arg1, %mul3A_31 : i32
    %mul3A_33 = arith.constant 640 : i32
    %mul3A_34 = arith.muli %arg1, %mul3A_33 : i32
    "tpu.region"() ({
      %run_scoped3A = tpu.sem_alloc : memref<!tpu.dma_semaphore, #tpu.memory_space<semaphore_mem>>
      %dma_start3A = arith.constant 0 : i32
      %dma_start3A_35 = tpu.memref_slice %arg8[%arg0, %mul3A_34, %dma_start3A] : memref<2x10240x64xf32, #tpu.memory_space<hbm>> -> memref<1x640x64xf32, #tpu.memory_space<hbm>>
      %dma_start3A_36 = tpu.memref_squeeze %dma_start3A_35 : memref<1x640x64xf32, #tpu.memory_space<hbm>> -> memref<640x64xf32, #tpu.memory_space<hbm>>
      %dma_start3A_37 = arith.constant 0 : i32
      %dma_start3A_38 = tpu.memref_slice %arg15[%mul3A_32, %dma_start3A_37] : memref<10240x64xf32, #tpu.memory_space<vmem_shared>> -> memref<640x64xf32, #tpu.memory_space<vmem_shared>>
      tpu.enqueue_dma source(%dma_start3A_38 : memref<640x64xf32, #tpu.memory_space<vmem_shared>>) target(%dma_start3A_36 : memref<640x64xf32, #tpu.memory_space<hbm>>) target_semaphore(%run_scoped3A : memref<!tpu.dma_semaphore, #tpu.memory_space<semaphore_mem>>)
      %dma_wait3A = arith.constant 0 : i32
      %dma_wait3A_39 = tpu.memref_slice %arg8[%arg0, %mul3A_34, %dma_wait3A] : memref<2x10240x64xf32, #tpu.memory_space<hbm>> -> memref<1x640x64xf32, #tpu.memory_space<hbm>>
      %dma_wait3A_40 = tpu.memref_squeeze %dma_wait3A_39 : memref<1x640x64xf32, #tpu.memory_space<hbm>> -> memref<640x64xf32, #tpu.memory_space<hbm>>
      %dma_wait3A_41 = arith.constant 0 : i32
      %dma_wait3A_42 = tpu.memref_slice %arg15[%mul3A_32, %dma_wait3A_41] : memref<10240x64xf32, #tpu.memory_space<vmem_shared>> -> memref<640x64xf32, #tpu.memory_space<vmem_shared>>
      tpu.wait_dma2 semaphore(%run_scoped3A : memref<!tpu.dma_semaphore, #tpu.memory_space<semaphore_mem>>) src(%dma_wait3A_42 : memref<640x64xf32, #tpu.memory_space<vmem_shared>>) dst(%dma_wait3A_40 : memref<640x64xf32, #tpu.memory_space<hbm>>)
      tpu.yield
    }) : () -> ()
    return
  }
}

module attributes {stable_mosaic.version = 14 : i64} {
  func.func @_mm_body(%arg0: i32, %arg1: memref<1000x128xf32, #tpu.memory_space<vmem>>, %arg2: memref<128x128xf32, #tpu.memory_space<vmem>>, %arg3: memref<2x1000x16xf32, #tpu.memory_space<vmem>>, %arg4: memref<1000x128xf32, #tpu.memory_space<vmem>>, %arg5: memref<1000x64xf32, #tpu.memory_space<vmem>>, %arg6: memref<1000x64xf32, #tpu.memory_space<vmem>>) attributes {dimension_semantics = [#tpu.dimension_semantics<arbitrary>], iteration_bounds = array<i64: 10>, scalar_prefetch = 0 : i64, scratch_operands = 0 : i64, tpu.core_type = #tpu.core_type<tc>, window_params = [{transform_indices = @transform_0, window_bounds = array<i64: 1000, 128>}, {pipeline_mode = #tpu.pipeline_mode<synchronous>, transform_indices = @transform_1, window_bounds = array<i64: 128, 128>}, {transform_indices = @transform_2, window_bounds = array<i64: 2, 1000, 16>}, {transform_indices = @transform_3, window_bounds = array<i64: 1000, 128>}, {transform_indices = @transform_4, window_bounds = array<i64: 1000, 64>}, {transform_indices = @transform_5, window_bounds = array<i64: 1000, 64>}]} {
    %get3A = arith.constant 0 : index
    %get3A_0 = arith.constant 0 : index
    %get3A_1 = vector.load %arg1[%get3A, %get3A_0] : memref<1000x128xf32, #tpu.memory_space<vmem>>, vector<1000x128xf32>
    %get3A_2 = arith.constant 0 : index
    %get3A_3 = arith.constant 0 : index
    %get3A_4 = vector.load %arg2[%get3A_2, %get3A_3] : memref<128x128xf32, #tpu.memory_space<vmem>>, vector<128x128xf32>
    %dot_general3A = arith.constant dense<0.000000e+00> : vector<1000x128xf32>
    %dot_general3A_5 = tpu.matmul %get3A_1, %get3A_4, %dot_general3A {dimension_numbers = #tpu.dot_dimension_numbers<[1], [0], [0], [1], [0, 0, 1, 1], [], []>, transpose_lhs_hint = false} : vector<1000x128xf32>, vector<128x128xf32>, vector<1000x128xf32> -> vector<1000x128xf32>
    %swap3A = arith.constant 0 : index
    %swap3A_6 = arith.constant 0 : index
    %swap3A_7 = vector.load %arg4[%swap3A, %swap3A_6] : memref<1000x128xf32, #tpu.memory_space<vmem>>, vector<1000x128xf32>
    tpu.vector_store %arg4[%swap3A, %swap3A_6], %dot_general3A_5 {strides = array<i32>} : memref<1000x128xf32, #tpu.memory_space<vmem>>, vector<1000x128xf32>,
    %get3A_8 = arith.constant 0 : index
    %get3A_9 = arith.constant 0 : index
    %get3A_10 = arith.constant 0 : index
    %get3A_11 = vector.load %arg3[%get3A_8, %get3A_9, %get3A_10] : memref<2x1000x16xf32, #tpu.memory_space<vmem>>, vector<2x1000x16xf32>
    %slice3A = vector.extract_strided_slice %get3A_11 {offsets = [0, 0, 0], sizes = [1, 1000, 1], strides = [1, 1, 1]} : vector<2x1000x16xf32> to vector<1x1000x1xf32>
    %squeeze3A = vector.shape_cast %slice3A : vector<1x1000x1xf32> to vector<1000x1xf32>
    %add3A = arith.constant 1.000000e+00 : f32
    %add3A_12 = vector.broadcast %add3A : f32 to vector<1000x1xf32>
    %add3A_13 = arith.addf %add3A_12, %squeeze3A : vector<1000x1xf32>
    %slice3A_14 = vector.extract_strided_slice %get3A_11 {offsets = [1, 0, 0], sizes = [1, 1000, 1], strides = [1, 1, 1]} : vector<2x1000x16xf32> to vector<1x1000x1xf32>
    %squeeze3A_15 = vector.shape_cast %slice3A_14 : vector<1x1000x1xf32> to vector<1000x1xf32>
    %add3A_16 = arith.addf %add3A_13, %squeeze3A_15 : vector<1000x1xf32>
    %rsqrt3A = math.rsqrt %add3A_16 : vector<1000x1xf32>
    %mul3A = vector.broadcast %rsqrt3A : vector<1000x1xf32> to vector<1000x128xf32>
    %mul3A_17 = arith.mulf %dot_general3A_5, %mul3A : vector<1000x128xf32>
    %slice3A_18 = vector.extract_strided_slice %mul3A_17 {offsets = [0, 0], sizes = [1000, 64], strides = [1, 1]} : vector<1000x128xf32> to vector<1000x64xf32>
    %swap3A_19 = arith.constant 0 : index
    %swap3A_20 = arith.constant 0 : index
    %swap3A_21 = vector.load %arg5[%swap3A_19, %swap3A_20] : memref<1000x64xf32, #tpu.memory_space<vmem>>, vector<1000x64xf32>
    tpu.vector_store %arg5[%swap3A_19, %swap3A_20], %slice3A_18 {strides = array<i32>} : memref<1000x64xf32, #tpu.memory_space<vmem>>, vector<1000x64xf32>,
    %slice3A_22 = vector.extract_strided_slice %mul3A_17 {offsets = [0, 64], sizes = [1000, 64], strides = [1, 1]} : vector<1000x128xf32> to vector<1000x64xf32>
    %swap3A_23 = arith.constant 0 : index
    %swap3A_24 = arith.constant 0 : index
    %swap3A_25 = vector.load %arg6[%swap3A_23, %swap3A_24] : memref<1000x64xf32, #tpu.memory_space<vmem>>, vector<1000x64xf32>
    tpu.vector_store %arg6[%swap3A_23, %swap3A_24], %slice3A_22 {strides = array<i32>} : memref<1000x64xf32, #tpu.memory_space<vmem>>, vector<1000x64xf32>,
    return
  }
  func.func @transform_0(%arg0: i32) -> (i32, i32) {
    %c0_i32 = arith.constant 0 : i32
    %c0_i32_0 = arith.constant 0 : i32
    return %arg0, %c0_i32 : i32, i32
  }
  func.func @transform_1(%arg0: i32) -> (i32, i32) {
    %c0_i32 = arith.constant 0 : i32
    %c0_i32_0 = arith.constant 0 : i32
    %c0_i32_1 = arith.constant 0 : i32
    return %c0_i32, %c0_i32_0 : i32, i32
  }
  func.func @transform_2(%arg0: i32) -> (i32, i32, i32) {
    %c0_i32 = arith.constant 0 : i32
    %c0_i32_0 = arith.constant 0 : i32
    %c0_i32_1 = arith.constant 0 : i32
    return %c0_i32, %arg0, %c0_i32_0 : i32, i32, i32
  }
  func.func @transform_3(%arg0: i32) -> (i32, i32) {
    %c0_i32 = arith.constant 0 : i32
    %c0_i32_0 = arith.constant 0 : i32
    return %arg0, %c0_i32 : i32, i32
  }
  func.func @transform_4(%arg0: i32) -> (i32, i32) {
    %c0_i32 = arith.constant 0 : i32
    %c0_i32_0 = arith.constant 0 : i32
    return %arg0, %c0_i32 : i32, i32
  }
  func.func @transform_5(%arg0: i32) -> (i32, i32) {
    %c0_i32 = arith.constant 0 : i32
    %c0_i32_0 = arith.constant 0 : i32
    return %arg0, %c0_i32 : i32, i32
  }
}

module attributes {stable_mosaic.version = 14 : i64} {
  func.func @_final_body(%arg0: i32, %arg1: memref<2x1000x64xf32, #tpu.memory_space<vmem>>, %arg2: memref<2x1000x64xf32, #tpu.memory_space<vmem>>, %arg3: memref<1000x128xf32, #tpu.memory_space<vmem>>, %arg4: memref<2x1000x16xf32, #tpu.memory_space<vmem>>, %arg5: memref<1x128xf32, #tpu.memory_space<vmem>>, %arg6: memref<1000x64xf32, #tpu.memory_space<vmem>>, %arg7: memref<1000x64xf32, #tpu.memory_space<vmem>>) attributes {dimension_semantics = [#tpu.dimension_semantics<arbitrary>], iteration_bounds = array<i64: 10>, scalar_prefetch = 0 : i64, scratch_operands = 0 : i64, tpu.core_type = #tpu.core_type<tc>, window_params = [{transform_indices = @transform_0, window_bounds = array<i64: 2, 1000, 64>}, {transform_indices = @transform_1, window_bounds = array<i64: 2, 1000, 64>}, {transform_indices = @transform_2, window_bounds = array<i64: 1000, 128>}, {transform_indices = @transform_3, window_bounds = array<i64: 2, 1000, 16>}, {pipeline_mode = #tpu.pipeline_mode<synchronous>, transform_indices = @transform_4, window_bounds = array<i64: 1, 128>}, {transform_indices = @transform_5, window_bounds = array<i64: 1000, 64>}, {transform_indices = @transform_6, window_bounds = array<i64: 1000, 64>}]} {
    %get3A = arith.constant 0 : index
    %get3A_0 = arith.constant 0 : index
    %get3A_1 = arith.constant 0 : index
    %get3A_2 = vector.load %arg4[%get3A, %get3A_0, %get3A_1] : memref<2x1000x16xf32, #tpu.memory_space<vmem>>, vector<2x1000x16xf32>
    %slice3A = vector.extract_strided_slice %get3A_2 {offsets = [0, 0, 0], sizes = [1, 1000, 1], strides = [1, 1, 1]} : vector<2x1000x16xf32> to vector<1x1000x1xf32>
    %squeeze3A = vector.shape_cast %slice3A : vector<1x1000x1xf32> to vector<1000x1xf32>
    %add3A = arith.constant 1.000000e+00 : f32
    %add3A_3 = vector.broadcast %add3A : f32 to vector<1000x1xf32>
    %add3A_4 = arith.addf %add3A_3, %squeeze3A : vector<1000x1xf32>
    %slice3A_5 = vector.extract_strided_slice %get3A_2 {offsets = [1, 0, 0], sizes = [1, 1000, 1], strides = [1, 1, 1]} : vector<2x1000x16xf32> to vector<1x1000x1xf32>
    %squeeze3A_6 = vector.shape_cast %slice3A_5 : vector<1x1000x1xf32> to vector<1000x1xf32>
    %add3A_7 = arith.addf %add3A_4, %squeeze3A_6 : vector<1000x1xf32>
    %rsqrt3A = math.rsqrt %add3A_7 : vector<1000x1xf32>
    %get3A_8 = arith.constant 0 : index
    %get3A_9 = arith.constant 0 : index
    %get3A_10 = arith.constant 0 : index
    %get3A_11 = vector.load %arg1[%get3A_8, %get3A_9, %get3A_10] : memref<2x1000x64xf32, #tpu.memory_space<vmem>>, vector<2x1000x64xf32>
    %get3A_12 = arith.constant 0 : index
    %get3A_13 = arith.constant 0 : index
    %get3A_14 = arith.constant 0 : index
    %get3A_15 = vector.load %arg2[%get3A_12, %get3A_13, %get3A_14] : memref<2x1000x64xf32, #tpu.memory_space<vmem>>, vector<2x1000x64xf32>
    %slice3A_16 = vector.extract_strided_slice %get3A_11 {offsets = [0, 0, 0], sizes = [1, 1000, 64], strides = [1, 1, 1]} : vector<2x1000x64xf32> to vector<1x1000x64xf32>
    %squeeze3A_17 = vector.shape_cast %slice3A_16 : vector<1x1000x64xf32> to vector<1000x64xf32>
    %slice3A_18 = vector.extract_strided_slice %get3A_11 {offsets = [1, 0, 0], sizes = [1, 1000, 64], strides = [1, 1, 1]} : vector<2x1000x64xf32> to vector<1x1000x64xf32>
    %squeeze3A_19 = vector.shape_cast %slice3A_18 : vector<1x1000x64xf32> to vector<1000x64xf32>
    %add3A_20 = arith.addf %squeeze3A_17, %squeeze3A_19 : vector<1000x64xf32>
    %slice3A_21 = vector.extract_strided_slice %get3A_15 {offsets = [0, 0, 0], sizes = [1, 1000, 64], strides = [1, 1, 1]} : vector<2x1000x64xf32> to vector<1x1000x64xf32>
    %squeeze3A_22 = vector.shape_cast %slice3A_21 : vector<1x1000x64xf32> to vector<1000x64xf32>
    %slice3A_23 = vector.extract_strided_slice %get3A_15 {offsets = [1, 0, 0], sizes = [1, 1000, 64], strides = [1, 1, 1]} : vector<2x1000x64xf32> to vector<1x1000x64xf32>
    %squeeze3A_24 = vector.shape_cast %slice3A_23 : vector<1x1000x64xf32> to vector<1000x64xf32>
    %add3A_25 = arith.addf %squeeze3A_22, %squeeze3A_24 : vector<1000x64xf32>
    %concatenate3A = tpu.concatenate %add3A_20, %add3A_25 in 1 : vector<1000x64xf32>, vector<1000x64xf32> -> vector<1000x128xf32>
    %mul3A = vector.broadcast %rsqrt3A : vector<1000x1xf32> to vector<1000x128xf32>
    %mul3A_26 = arith.mulf %mul3A, %concatenate3A : vector<1000x128xf32>
    %mul3A_27 = arith.mulf %rsqrt3A, %rsqrt3A : vector<1000x1xf32>
    %get3A_28 = arith.constant 0 : index
    %get3A_29 = arith.constant 0 : index
    %get3A_30 = vector.load %arg3[%get3A_28, %get3A_29] : memref<1000x128xf32, #tpu.memory_space<vmem>>, vector<1000x128xf32>
    %mul3A_31 = vector.broadcast %mul3A_27 : vector<1000x1xf32> to vector<1000x128xf32>
    %mul3A_32 = arith.mulf %mul3A_31, %get3A_30 : vector<1000x128xf32>
    %add3A_33 = arith.addf %mul3A_26, %mul3A_32 : vector<1000x128xf32>
    %get3A_34 = arith.constant 0 : index
    %get3A_35 = arith.constant 0 : index
    %get3A_36 = vector.load %arg5[%get3A_34, %get3A_35] : memref<1x128xf32, #tpu.memory_space<vmem>>, vector<1x128xf32>
    %add3A_37 = vector.broadcast %get3A_36 : vector<1x128xf32> to vector<1000x128xf32>
    %add3A_38 = arith.addf %add3A_33, %add3A_37 : vector<1000x128xf32>
    %slice3A_39 = vector.extract_strided_slice %add3A_38 {offsets = [0, 0], sizes = [1000, 64], strides = [1, 1]} : vector<1000x128xf32> to vector<1000x64xf32>
    %swap3A = arith.constant 0 : index
    %swap3A_40 = arith.constant 0 : index
    %swap3A_41 = vector.load %arg6[%swap3A, %swap3A_40] : memref<1000x64xf32, #tpu.memory_space<vmem>>, vector<1000x64xf32>
    tpu.vector_store %arg6[%swap3A, %swap3A_40], %slice3A_39 {strides = array<i32>} : memref<1000x64xf32, #tpu.memory_space<vmem>>, vector<1000x64xf32>,
    %slice3A_42 = vector.extract_strided_slice %add3A_38 {offsets = [0, 64], sizes = [1000, 64], strides = [1, 1]} : vector<1000x128xf32> to vector<1000x64xf32>
    %swap3A_43 = arith.constant 0 : index
    %swap3A_44 = arith.constant 0 : index
    %swap3A_45 = vector.load %arg7[%swap3A_43, %swap3A_44] : memref<1000x64xf32, #tpu.memory_space<vmem>>, vector<1000x64xf32>
    tpu.vector_store %arg7[%swap3A_43, %swap3A_44], %slice3A_42 {strides = array<i32>} : memref<1000x64xf32, #tpu.memory_space<vmem>>, vector<1000x64xf32>,
    return
  }
  func.func @transform_0(%arg0: i32) -> (i32, i32, i32) {
    %c0_i32 = arith.constant 0 : i32
    %c0_i32_0 = arith.constant 0 : i32
    %c0_i32_1 = arith.constant 0 : i32
    return %c0_i32, %arg0, %c0_i32_0 : i32, i32, i32
  }
  func.func @transform_1(%arg0: i32) -> (i32, i32, i32) {
    %c0_i32 = arith.constant 0 : i32
    %c0_i32_0 = arith.constant 0 : i32
    %c0_i32_1 = arith.constant 0 : i32
    return %c0_i32, %arg0, %c0_i32_0 : i32, i32, i32
  }
  func.func @transform_2(%arg0: i32) -> (i32, i32) {
    %c0_i32 = arith.constant 0 : i32
    %c0_i32_0 = arith.constant 0 : i32
    return %arg0, %c0_i32 : i32, i32
  }
  func.func @transform_3(%arg0: i32) -> (i32, i32, i32) {
    %c0_i32 = arith.constant 0 : i32
    %c0_i32_0 = arith.constant 0 : i32
    %c0_i32_1 = arith.constant 0 : i32
    return %c0_i32, %arg0, %c0_i32_0 : i32, i32, i32
  }
  func.func @transform_4(%arg0: i32) -> (i32, i32) {
    %c0_i32 = arith.constant 0 : i32
    %c0_i32_0 = arith.constant 0 : i32
    %c0_i32_1 = arith.constant 0 : i32
    return %c0_i32, %c0_i32_0 : i32, i32
  }
  func.func @transform_5(%arg0: i32) -> (i32, i32) {
    %c0_i32 = arith.constant 0 : i32
    %c0_i32_0 = arith.constant 0 : i32
    return %arg0, %c0_i32 : i32, i32
  }
  func.func @transform_6(%arg0: i32) -> (i32, i32) {
    %c0_i32 = arith.constant 0 : i32
    %c0_i32_0 = arith.constant 0 : i32
    return %arg0, %c0_i32 : i32, i32
  }
}

module attributes {stable_mosaic.version = 14 : i64} {
  func.func @_mid_body(%arg0: i32, %arg1: memref<2x1000x64xf32, #tpu.memory_space<vmem>>, %arg2: memref<2x1000x64xf32, #tpu.memory_space<vmem>>, %arg3: memref<1000x128xf32, #tpu.memory_space<vmem>>, %arg4: memref<2x1000x16xf32, #tpu.memory_space<vmem>>, %arg5: memref<128x128xf32, #tpu.memory_space<vmem>>, %arg6: memref<1x128xf32, #tpu.memory_space<vmem>>, %arg7: memref<1000x128xf32, #tpu.memory_space<vmem>>, %arg8: memref<1000x64xf32, #tpu.memory_space<vmem>>, %arg9: memref<1000x64xf32, #tpu.memory_space<vmem>>) attributes {dimension_semantics = [#tpu.dimension_semantics<arbitrary>], iteration_bounds = array<i64: 10>, scalar_prefetch = 0 : i64, scratch_operands = 0 : i64, tpu.core_type = #tpu.core_type<tc>, window_params = [{transform_indices = @transform_0, window_bounds = array<i64: 2, 1000, 64>}, {transform_indices = @transform_1, window_bounds = array<i64: 2, 1000, 64>}, {transform_indices = @transform_2, window_bounds = array<i64: 1000, 128>}, {transform_indices = @transform_3, window_bounds = array<i64: 2, 1000, 16>}, {pipeline_mode = #tpu.pipeline_mode<synchronous>, transform_indices = @transform_4, window_bounds = array<i64: 128, 128>}, {pipeline_mode = #tpu.pipeline_mode<synchronous>, transform_indices = @transform_5, window_bounds = array<i64: 1, 128>}, {transform_indices = @transform_6, window_bounds = array<i64: 1000, 128>}, {transform_indices = @transform_7, window_bounds = array<i64: 1000, 64>}, {transform_indices = @transform_8, window_bounds = array<i64: 1000, 64>}]} {
    %get3A = arith.constant 0 : index
    %get3A_0 = arith.constant 0 : index
    %get3A_1 = arith.constant 0 : index
    %get3A_2 = vector.load %arg4[%get3A, %get3A_0, %get3A_1] : memref<2x1000x16xf32, #tpu.memory_space<vmem>>, vector<2x1000x16xf32>
    %slice3A = vector.extract_strided_slice %get3A_2 {offsets = [0, 0, 0], sizes = [1, 1000, 1], strides = [1, 1, 1]} : vector<2x1000x16xf32> to vector<1x1000x1xf32>
    %squeeze3A = vector.shape_cast %slice3A : vector<1x1000x1xf32> to vector<1000x1xf32>
    %add3A = arith.constant 1.000000e+00 : f32
    %add3A_3 = vector.broadcast %add3A : f32 to vector<1000x1xf32>
    %add3A_4 = arith.addf %add3A_3, %squeeze3A : vector<1000x1xf32>
    %slice3A_5 = vector.extract_strided_slice %get3A_2 {offsets = [1, 0, 0], sizes = [1, 1000, 1], strides = [1, 1, 1]} : vector<2x1000x16xf32> to vector<1x1000x1xf32>
    %squeeze3A_6 = vector.shape_cast %slice3A_5 : vector<1x1000x1xf32> to vector<1000x1xf32>
    %add3A_7 = arith.addf %add3A_4, %squeeze3A_6 : vector<1000x1xf32>
    %rsqrt3A = math.rsqrt %add3A_7 : vector<1000x1xf32>
    %get3A_8 = arith.constant 0 : index
    %get3A_9 = arith.constant 0 : index
    %get3A_10 = arith.constant 0 : index
    %get3A_11 = vector.load %arg1[%get3A_8, %get3A_9, %get3A_10] : memref<2x1000x64xf32, #tpu.memory_space<vmem>>, vector<2x1000x64xf32>
    %get3A_12 = arith.constant 0 : index
    %get3A_13 = arith.constant 0 : index
    %get3A_14 = arith.constant 0 : index
    %get3A_15 = vector.load %arg2[%get3A_12, %get3A_13, %get3A_14] : memref<2x1000x64xf32, #tpu.memory_space<vmem>>, vector<2x1000x64xf32>
    %slice3A_16 = vector.extract_strided_slice %get3A_11 {offsets = [0, 0, 0], sizes = [1, 1000, 64], strides = [1, 1, 1]} : vector<2x1000x64xf32> to vector<1x1000x64xf32>
    %squeeze3A_17 = vector.shape_cast %slice3A_16 : vector<1x1000x64xf32> to vector<1000x64xf32>
    %slice3A_18 = vector.extract_strided_slice %get3A_11 {offsets = [1, 0, 0], sizes = [1, 1000, 64], strides = [1, 1, 1]} : vector<2x1000x64xf32> to vector<1x1000x64xf32>
    %squeeze3A_19 = vector.shape_cast %slice3A_18 : vector<1x1000x64xf32> to vector<1000x64xf32>
    %add3A_20 = arith.addf %squeeze3A_17, %squeeze3A_19 : vector<1000x64xf32>
    %slice3A_21 = vector.extract_strided_slice %get3A_15 {offsets = [0, 0, 0], sizes = [1, 1000, 64], strides = [1, 1, 1]} : vector<2x1000x64xf32> to vector<1x1000x64xf32>
    %squeeze3A_22 = vector.shape_cast %slice3A_21 : vector<1x1000x64xf32> to vector<1000x64xf32>
    %slice3A_23 = vector.extract_strided_slice %get3A_15 {offsets = [1, 0, 0], sizes = [1, 1000, 64], strides = [1, 1, 1]} : vector<2x1000x64xf32> to vector<1x1000x64xf32>
    %squeeze3A_24 = vector.shape_cast %slice3A_23 : vector<1x1000x64xf32> to vector<1000x64xf32>
    %add3A_25 = arith.addf %squeeze3A_22, %squeeze3A_24 : vector<1000x64xf32>
    %concatenate3A = tpu.concatenate %add3A_20, %add3A_25 in 1 : vector<1000x64xf32>, vector<1000x64xf32> -> vector<1000x128xf32>
    %mul3A = vector.broadcast %rsqrt3A : vector<1000x1xf32> to vector<1000x128xf32>
    %mul3A_26 = arith.mulf %mul3A, %concatenate3A : vector<1000x128xf32>
    %mul3A_27 = arith.mulf %rsqrt3A, %rsqrt3A : vector<1000x1xf32>
    %get3A_28 = arith.constant 0 : index
    %get3A_29 = arith.constant 0 : index
    %get3A_30 = vector.load %arg3[%get3A_28, %get3A_29] : memref<1000x128xf32, #tpu.memory_space<vmem>>, vector<1000x128xf32>
    %mul3A_31 = vector.broadcast %mul3A_27 : vector<1000x1xf32> to vector<1000x128xf32>
    %mul3A_32 = arith.mulf %mul3A_31, %get3A_30 : vector<1000x128xf32>
    %add3A_33 = arith.addf %mul3A_26, %mul3A_32 : vector<1000x128xf32>
    %get3A_34 = arith.constant 0 : index
    %get3A_35 = arith.constant 0 : index
    %get3A_36 = vector.load %arg6[%get3A_34, %get3A_35] : memref<1x128xf32, #tpu.memory_space<vmem>>, vector<1x128xf32>
    %add3A_37 = vector.broadcast %get3A_36 : vector<1x128xf32> to vector<1000x128xf32>
    %add3A_38 = arith.addf %add3A_33, %add3A_37 : vector<1000x128xf32>
    %max3A = arith.constant 0.000000e+00 : f32
    %max3A_39 = vector.broadcast %max3A : f32 to vector<1000x128xf32>
    %max3A_40 = arith.maximumf %add3A_38, %max3A_39 : vector<1000x128xf32>
    %get3A_41 = arith.constant 0 : index
    %get3A_42 = arith.constant 0 : index
    %get3A_43 = vector.load %arg5[%get3A_41, %get3A_42] : memref<128x128xf32, #tpu.memory_space<vmem>>, vector<128x128xf32>
    %dot_general3A = arith.constant dense<0.000000e+00> : vector<1000x128xf32>
    %dot_general3A_44 = tpu.matmul %max3A_40, %get3A_43, %dot_general3A {dimension_numbers = #tpu.dot_dimension_numbers<[1], [0], [0], [1], [0, 0, 1, 1], [], []>, transpose_lhs_hint = false} : vector<1000x128xf32>, vector<128x128xf32>, vector<1000x128xf32> -> vector<1000x128xf32>
    %swap3A = arith.constant 0 : index
    %swap3A_45 = arith.constant 0 : index
    %swap3A_46 = vector.load %arg7[%swap3A, %swap3A_45] : memref<1000x128xf32, #tpu.memory_space<vmem>>, vector<1000x128xf32>
    tpu.vector_store %arg7[%swap3A, %swap3A_45], %dot_general3A_44 {strides = array<i32>} : memref<1000x128xf32, #tpu.memory_space<vmem>>, vector<1000x128xf32>,
    %mul3A_47 = vector.broadcast %rsqrt3A : vector<1000x1xf32> to vector<1000x128xf32>
    %mul3A_48 = arith.mulf %dot_general3A_44, %mul3A_47 : vector<1000x128xf32>
    %slice3A_49 = vector.extract_strided_slice %mul3A_48 {offsets = [0, 0], sizes = [1000, 64], strides = [1, 1]} : vector<1000x128xf32> to vector<1000x64xf32>
    %swap3A_50 = arith.constant 0 : index
    %swap3A_51 = arith.constant 0 : index
    %swap3A_52 = vector.load %arg8[%swap3A_50, %swap3A_51] : memref<1000x64xf32, #tpu.memory_space<vmem>>, vector<1000x64xf32>
    tpu.vector_store %arg8[%swap3A_50, %swap3A_51], %slice3A_49 {strides = array<i32>} : memref<1000x64xf32, #tpu.memory_space<vmem>>, vector<1000x64xf32>,
    %slice3A_53 = vector.extract_strided_slice %mul3A_48 {offsets = [0, 64], sizes = [1000, 64], strides = [1, 1]} : vector<1000x128xf32> to vector<1000x64xf32>
    %swap3A_54 = arith.constant 0 : index
    %swap3A_55 = arith.constant 0 : index
    %swap3A_56 = vector.load %arg9[%swap3A_54, %swap3A_55] : memref<1000x64xf32, #tpu.memory_space<vmem>>, vector<1000x64xf32>
    tpu.vector_store %arg9[%swap3A_54, %swap3A_55], %slice3A_53 {strides = array<i32>} : memref<1000x64xf32, #tpu.memory_space<vmem>>, vector<1000x64xf32>,
    return
  }
  func.func @transform_0(%arg0: i32) -> (i32, i32, i32) {
    %c0_i32 = arith.constant 0 : i32
    %c0_i32_0 = arith.constant 0 : i32
    %c0_i32_1 = arith.constant 0 : i32
    return %c0_i32, %arg0, %c0_i32_0 : i32, i32, i32
  }
  func.func @transform_1(%arg0: i32) -> (i32, i32, i32) {
    %c0_i32 = arith.constant 0 : i32
    %c0_i32_0 = arith.constant 0 : i32
    %c0_i32_1 = arith.constant 0 : i32
    return %c0_i32, %arg0, %c0_i32_0 : i32, i32, i32
  }
  func.func @transform_2(%arg0: i32) -> (i32, i32) {
    %c0_i32 = arith.constant 0 : i32
    %c0_i32_0 = arith.constant 0 : i32
    return %arg0, %c0_i32 : i32, i32
  }
  func.func @transform_3(%arg0: i32) -> (i32, i32, i32) {
    %c0_i32 = arith.constant 0 : i32
    %c0_i32_0 = arith.constant 0 : i32
    %c0_i32_1 = arith.constant 0 : i32
    return %c0_i32, %arg0, %c0_i32_0 : i32, i32, i32
  }
  func.func @transform_4(%arg0: i32) -> (i32, i32) {
    %c0_i32 = arith.constant 0 : i32
    %c0_i32_0 = arith.constant 0 : i32
    %c0_i32_1 = arith.constant 0 : i32
    return %c0_i32, %c0_i32_0 : i32, i32
  }
  func.func @transform_5(%arg0: i32) -> (i32, i32) {
    %c0_i32 = arith.constant 0 : i32
    %c0_i32_0 = arith.constant 0 : i32
    %c0_i32_1 = arith.constant 0 : i32
    return %c0_i32, %c0_i32_0 : i32, i32
  }
  func.func @transform_6(%arg0: i32) -> (i32, i32) {
    %c0_i32 = arith.constant 0 : i32
    %c0_i32_0 = arith.constant 0 : i32
    return %arg0, %c0_i32 : i32, i32
  }
  func.func @transform_7(%arg0: i32) -> (i32, i32) {
    %c0_i32 = arith.constant 0 : i32
    %c0_i32_0 = arith.constant 0 : i32
    return %arg0, %c0_i32 : i32, i32
  }
  func.func @transform_8(%arg0: i32) -> (i32, i32) {
    %c0_i32 = arith.constant 0 : i32
    %c0_i32_0 = arith.constant 0 : i32
    return %arg0, %c0_i32 : i32, i32
  }
}

</mosaic_0001>

<sc_bundles>
// kernel: kernel.11.cloned.1.call-start
scs
__scs_entry_jumppad:
0x0: {  	(pc) =	sbr.rel $0x88, $3  }
0x1: {  	(tag) =	ssettag $0x0;
	lr =	simm.s32 $0x1  }
0x2: {  	[smem:$0x3F99] =	sst lr;
	_ =	strace $0xD0000000  }
0x3: {  	_ = 	snop  }
0x4: {  	_ = 	snop  }
0x5: {  	_ = 	snop  }
0x6: {  	_ = 	snop  }
0x7: {  	_ = 	snop  }
__scs_overlays_trampoline_lowered:
0x8: {  	[smem:$0x3FA8] =	sst s0  }
0x9: {  	[smem:$0x3FA9] =	sst s1  }
0xa: {  	[smem:$0x3FAA] =	sst s2  }
0xb: {  	[smem:$0x3FAB] =	sst s3  }
0xc: {  	[smem:$0x3FAC] =	sst s4  }
0xd: {  	[smem:$0x3FAD] =	sst s5  }
0xe: {  	[smem:$0x3FAE] =	sst s6  }
0xf: {  	[smem:$0x3FAF] =	sst s7  }
0x10: {  	[smem:$0x3FB0] =	sst s8  }
0x11: {  	[smem:$0x3FB1] =	sst s9;
	s0 =	simm.s32 @!p0 $0x0  }
0x12: {  	s1 =	sld [smem:$0x3F97];
	s0 =	simm.s32 @p0 $0x1  }
0x13: {  	[smem:$0x3FB2] =	sst s0;
	s0 =	simm.s32 @!p1 $0x0  }
0x14: {  	s2 =	sld [smem:$0x3F96];
	s0 =	simm.s32 @p1 $0x1  }
0x15: {  	[smem:$0x3FB3] =	sst s0;
	s0 =	simm.s32 @!p2 $0x0  }
0x16: {  	s3 =	sld [smem:$0x3FDB];
	s0 =	simm.s32 @p2 $0x1  }
0x17: {  	s4 =	simm.s32 $0x1BF5;
	[smem:$0x3FB5] =	sst s0  }
0x18: {  	s0 =	sld [smem:$0x3F98];
	_ =	swait.ge [sflag:s4], $0x0  }
0x19: {  	s7 =	sld [smem:$0x3F99]  }
0x1a: {  	s8 =	sadd.s32 $0xFFFFE003, lr  }
0x1b: {  	s9 =	sadd.s32 $0xFFFFFEF7, lr;
	s5 =	simm.s32 $0xFFFFFFFF;
	p2 =	slt.u32 s8, $0xFFFFF086  }
0x1c: {  	p1 =	slt.u32 s9, $0xF7A;
	s5 =	simm.s32 @!p2 $0x0  }
0x1d: {  	s5 =	simm.s32 @p1 $0x1;
	p0 =	seq.s32 s7, s2  }
0x1e: {  	s7 =	smul.u32 @!p0 $0xF7A, s2;
	p2 =	seq.s32 @!p0 s5, $0x0  }
0x1f: {  	s9 =	smul.u32 $0xF7A, s1;
	s8 =	simm.s32 @!p0 $0x1BF5;
	p2 =	por !p2, p0  }
0x20: {  	[sflag:s8] =	ssyncset.s32 @!p0 $0xFFFFF086;
	s6 =	sadd.s32 @!p0 s3, s7;
	s7 =	simm.s32 @!p0 $0x108  }
0x21: {  	s3 =	sadd.s32 s3, s9;
	s6 =	sadd.s32 @!p0 $0x88, s6;
	s7 =	simm.s32 @p2 $0x1082  }
0x22: {  	[simem:s7], [sflag:s8] =	dma.local @!p0 [hbm:s6], $0xF7A  }
0x23: {  	s9 =	sor.u32 $0xD0000000, s2;
	s6 =	simm.s32 $0x108;
	_ =	swait.ge @!p0 [sflag:s8], $0x0  }
0x24: {  	s3 =	sadd.s32 $0x88, s3;
	s6 =	simm.s32 @!p1 $0x1082;
	[sflag:s4] =	ssyncset.s32 $0xFFFFF086  }
0x25: {  	[simem:s6], [sflag:s4] =	dma.local [hbm:s3], $0xF7A  }
0x26: {  	[smem:$0x3F99] =	sst s1;
	(tag) =	ssettag s2;
	_ =	strace s9  }
0x27: {  	s1 =	sld [smem:$0x3FA9]  }
0x28: {  	s2 =	sld [smem:$0x3FAA]  }
0x29: {  	s4 =	sld [smem:$0x3FAC]  }
0x2a: {  	p0 =	seq.s32 s5, $0x0;
	s5 =	sld [smem:$0x3FAD]  }
0x2b: {  	s6 =	sld [smem:$0x3FAE]  }
0x2c: {  	s7 =	sld [smem:$0x3FAF]  }
0x2d: {  	s3 =	simm.s32 $0x108;
	s8 =	sld [smem:$0x3FB0]  }
0x2e: {  	s3 =	simm.s32 @!p0 $0x1082;
	s9 =	sld [smem:$0x3FB1]  }
0x2f: {  	lr =	sadd.s32 s0, s3;
	s0 =	sld [smem:$0x3FA8]  }
0x30: {  	s3 =	sld [smem:$0x3FAB]  }
0x31: {  	[smem:$0x3FB4] =	sst s10  }
0x32: {  	s10 =	sld [smem:$0x3FB2];
	_ =	sdelay $0x3  }
0x33: {  	p0 =	seq.s32 s10, $0x1;
	s10 =	sld [smem:$0x3FB4];
	_ =	sdelay $0x3  }
0x34: {  	[smem:$0x3FB4] =	sst s10  }
0x35: {  	s10 =	sld [smem:$0x3FB3];
	_ =	sdelay $0x3  }
0x36: {  	p1 =	seq.s32 s10, $0x1;
	s10 =	sld [smem:$0x3FB4];
	_ =	sdelay $0x3  }
0x37: {  	[smem:$0x3FB4] =	sst s10  }
0x38: {  	s10 =	sld [smem:$0x3FB5]  }
0x39: {  	_ = 	snop;
	(pc) =	sbr.ind lr, $3  }
0x3a: {  	_ = 	snop  }
0x3b: {  	_ = 	snop  }
0x3c: {  	p2 =	seq.s32 s10, $0x1;
	s10 =	sld [smem:$0x3FB4]  }
0x3d: {  	_ =	shalt  }
0x3e: {  	_ =	shalt  }
0x3f: {  	_ =	shalt  }
0x40: {  	_ =	shalt  }
0x41: {  	_ =	shalt  }
0x42: {  	_ =	shalt  }
0x43: {  	_ =	shalt  }
0x44: {  	_ =	shalt  }
0x45: {  	_ =	shalt  }
0x46: {  	_ =	shalt  }
0x47: {  	_ =	shalt  }
0x48: {  	_ =	shalt  }
0x49: {  	_ =	shalt  }
0x4a: {  	_ =	shalt  }
0x4b: {  	_ =	shalt  }
0x4c: {  	_ =	shalt  }
0x4d: {  	_ =	shalt  }
0x4e: {  	_ =	shalt  }
0x4f: {  	_ =	shalt  }
0x50: {  	_ =	shalt  }
0x51: {  	_ =	shalt  }
0x52: {  	_ =	shalt  }
0x53: {  	_ =	shalt  }
0x54: {  	_ =	shalt  }
0x55: {  	_ =	shalt  }
0x56: {  	_ =	shalt  }
0x57: {  	_ =	shalt  }
0x58: {  	_ =	shalt  }
0x59: {  	_ =	shalt  }
0x5a: {  	_ =	shalt  }
0x5b: {  	_ =	shalt  }
0x5c: {  	_ =	shalt  }
0x5d: {  	_ =	shalt  }
0x5e: {  	_ =	shalt  }
0x5f: {  	_ =	shalt  }
0x60: {  	_ =	shalt  }
0x61: {  	_ =	shalt  }
0x62: {  	_ =	shalt  }
0x63: {  	_ =	shalt  }
0x64: {  	_ =	shalt  }
0x65: {  	_ =	shalt  }
0x66: {  	_ =	shalt  }
0x67: {  	_ =	shalt  }
0x68: {  	_ =	shalt  }
0x69: {  	_ =	shalt  }
0x6a: {  	_ =	shalt  }
0x6b: {  	_ =	shalt  }
0x6c: {  	_ =	shalt  }
0x6d: {  	_ =	shalt  }
0x6e: {  	_ =	shalt  }
0x6f: {  	_ =	shalt  }
0x70: {  	_ =	shalt  }
0x71: {  	_ =	shalt  }
0x72: {  	_ =	shalt  }
0x73: {  	_ =	shalt  }
0x74: {  	_ =	shalt  }
0x75: {  	_ =	shalt  }
0x76: {  	_ =	shalt  }
0x77: {  	_ =	shalt  }
0x78: {  	_ =	shalt  }
0x79: {  	_ =	shalt  }
0x7a: {  	_ =	shalt  }
0x7b: {  	_ =	shalt  }
0x7c: {  	_ =	shalt  }
0x7d: {  	_ =	shalt  }
0x7e: {  	_ =	shalt  }
0x7f: {  	_ =	shalt  }
0x80: {  	_ =	shalt  }
0x81: {  	_ =	shalt  }
0x82: {  	_ =	shalt  }
0x83: {  	_ =	shalt  }
0x84: {  	_ =	shalt  }
0x85: {  	_ =	shalt  }
0x86: {  	_ =	shalt  }
0x87: {  	_ =	shalt  }
.Lfunc_end0:
.L_simem_size_0:
called_computation.1_lowered:
.L_overlay_start_0:
0x88: {  	s2 =	sld [smem:$0x3FD9]  }
0x89: {  	s3 =	sld [smem:$0x3FFE];
	_ =	sdelay $0x1  }
0x8a: {  	s1 =	srdreg.scid  }
0x8b: {  	s0 =	sand.u32 $0x1, s1  }
0x8c: {  	s14 =	sshll.u32 s0, $0xA;
	s2 =	sadd.s32 s3, s2  }
0x8d: {  	s2 =	sadd.s32 s2, s14  }
0x8e: {  	[smem:$0x3FC0] =	sst s2  }
0x8f: {  	_ = 	snop  }
0x90: {  	s2 =	sld [smem:$0x3FD0];
	_ =	sdelay $0x2  }
0x91: {  	s15 =	simm.s32 $0xA;
	s4 =	simm.s32 $0x10  }
0x92: {  	[smem:s4], [sflag:s15] =	dma.local [hbm:s2], $0x1  }
0x93: {  	_ =	swait.eq [sflag:s15], $0x1  }
0x94: {  	s16 =	sld [smem:$0x10];
	[sflag:s15] =	ssyncset.done $0x0  }
0x95: {  	s17 =	sld [smem:$0x11];
	[sflag:s15] =	ssyncadd.s32 $0xFFFFFFFF  }
0x96: {  	s18 =	sld [smem:$0x12];
	(tm) =	ssettm $0x1  }
0x97: {  	s5 =	sld [smem:$0x3FFB];
	_ =	sdelay $0x3  }
0x98: {  	_ =	strace s5  }
0x99: {  	s5 =	sld [smem:$0x3FFC];
	_ =	sdelay $0x3  }
0x9a: {  	_ =	strace s5  }
0x9b: {  	s5 =	sld [smem:$0x3FFD];
	_ =	sdelay $0x3  }
0x9c: {  	_ =	strace s5  }
0x9d: {  	_ =	strace $0x8FFFFFFF  }
0x9e: {  	s19 =	sld [smem:$0x3FDB];
	_ =	sdelay $0x1  }
0x9f: {  	s6 =	simm.s32 $_scs_section_size  }
0xa0: {  	s7 =	simm.s32 $_size__tile_overlayer_lowered;
	s8 =	simm.s32 $_tile_overlayer_lowered  }
0xa1: {  	s22 =	simm.s32 $0x1BFF;
	s21 =	sshll.u32 s8, $0x1;
	s5 =	sadd.s32 s6, s19  }
0xa2: {  	s9 =	simm.s32 $0x0;
	s20 =	sshll.u32 s7, $0x1;
	s7 =	sadd.s32 s21, s5  }
0xa3: {  	[timem:s9], [sflag:s22] =	dma.local [hbm:s7], s20  }
0xa4: {  	_ =	swait.ge [sflag:s22], s20  }
0xa5: {  	s6 =	ssub.s32 $0x0, s20;
	[sflag:s22] =	ssyncset.done $0x0  }
0xa6: {  	[sflag:s22] =	ssyncadd.s32 s6;
	_ =	sdelay $0x1  }
0xa7: {  	s23 =	simm.s32 $0x1B8B  }
0xa8: {  	_ =	swait.ge [sflag:s23], $0x1  }
0xa9: {  	[sflag:s23] =	ssyncset.done $0x0  }
0xaa: {  	s25 =	simm.s32 $0x1B8E;
	s24 =	sld [smem:$0x3FFE];
	[sflag:s23] =	ssyncadd.s32 $0xFFFFFFFF  }
0xab: {  	s26 =	simm.s32 $execute0_lowered;
	[smem:$0x3FD2] =	sst s25  }
0xac: {  	s7 =	sshll.u32 s26, $0x1;
	_ =	strace $0x80000049;
	[dreg:$0x1] =	wrdreg $0xFFFFFFFF  }
0xad: {  	s28 =	simm.s32 $_size_execute0_lowered;
	s5 =	sadd.s32 s5, s7;
	[dreg:$0x0] =	wrdreg $0x0  }
0xae: {  	s7 =	sshll.u32 s28, $0x1;
	[dreg:$0x2] =	wrdreg s5  }
0xaf: {  	[dreg:$0x3] =	wrdreg s7  }
0xb0: {  	[dreg:$0x4] =	wrdreg $0xC0  }
0xb1: {  	_ =	task [dreg:s9], $0x5FFFF  }
0xb2: {  	[dreg:$0x1] =	wrdreg $0xFFFFFFFF  }
0xb3: {  	[dreg:$0x0] =	wrdreg $0x60  }
0xb4: {  	[dreg:$0x2] =	wrdreg s18  }
0xb5: {  	[dreg:$0x3] =	wrdreg s17  }
0xb6: {  	[dreg:$0x4] =	wrdreg s24  }
0xb7: {  	[dreg:$0x5] =	wrdreg s16  }
0xb8: {  	[dreg:$0x6] =	wrdreg $0xFC000  }
0xb9: {  	[dreg:$0x7] =	wrdreg $0x9  }
0xba: {  	_ =	task.clear_ibuf [dreg:s9], $0x8FFFF;
	_ =	strace $0x90000049  }
0xbb: {  	s29 =	simm.s32 $0x9;
	_ =	strace $0x8000004B  }
0xbc: {  	_ =	swait.ge [sflag:s29], $0x1  }
0xbd: {  	[sflag:s29] =	ssyncadd.s32 $0xFFFFFFFF  }
0xbe: {  	_ =	strace $0x9000004B  }
0xbf: {  	_ =	sfence  }
0xc0: {  	s30 =	sld [smem:$0x0];
	_ =	sdelay $0x2  }
0xc1: {  	s31 =	sshll.u32 s1, $0xD;
	s1 =	sshrl.u32 s1, $0x2  }
0xc2: {  	s3 =	sand.u32 $0x4000, s31;
	s1 =	sadd.s32 s1, s30  }
0xc3: {  	s0 =	sor.u32 s3, s0;
	s1 =	sshll.u32 s1, $0x11  }
0xc4: {  	s0 =	sor.u32 s1, s0  }
0xc5: {  	s0 =	sadd.s32 $0x8F2B, s0  }
0xc6: {  	[sflag:s0] =	ssyncadd.remote.s32 $0x1  }
0xc7: {  	_ =	sfence.sel $0xFFFF  }
0xc8: {  	[dreg:$0x0] =	wrdreg $0xFFFFFFFF;
	(pc) =	sbr.abs _section_cstart, $3  }
0xc9: {  	[dreg:$0x1] =	wrdreg $0xFFFFFFFF  }
0xca: {  	_ =	task.clear_ibuf [dreg:s9], $0x2FFFF;
	_ =	strace $0x9FFFFFFF  }
0xcb: {  	(tm) =	ssettm $0x7FFFFFFF  }
tec
execute0_lowered:
.L_overlay_start_1:
0x0: {  	(tag) =	ssettag $0x1  }
0x1: {  	s1 =	rddreg [dreg:$0x0]  }
0x2: {  	s2 =	rddreg [dreg:$0x1]  }
0x3: {  	s0 =	rddreg [dreg:$0x2];
	s3 =	srdreg.scid  }
0x4: {  	s13 =	stileid.u32;
	s5 =	rddreg [dreg:$0x3]  }
0x5: {  	s4 =	rddreg [dreg:$0x4];
	s8 =	simm.s32 $0x0;
	s16 =	simm.s32 $0x80  }
0x6: {  	s17 =	simm.s32 $0x7C00;
	s18 =	simm.s32 $0x9C00;
	s28 =	simm.s32 $0x5  }
0x7: {  	s29 =	simm.s32 $0x6;
	s30 =	simm.s32 $0x7;
	s6 =	smul.u32 $0xA0, s13  }
0x8: {  	s31 =	simm.s32 $0x8;
	s3 =	sand.u32 $0x1, s3;
	s9 =	smul.u32 $0xA000, s13  }
0x9: {  	s19 =	simm.s32 $0x7B80;
	[smem:$0x7FF] =	sst s8;
	s7 =	smul.u32 $0x24, s3  }
0xa: {  	s26 =	sshll.u32 s13, $0x6;
	s13 =	simm.s32 $0x7B00;
	s20 =	smul.u32 $0xA0000, s3  }
0xb: {  	_ =	strace $0x8000004A;
	s22 =	ssub.s32 $0x2, s3;
	p0 =	sne.s32 s3, $0x0  }
0xc: {  	s14 =	sor.u32 $0x1C09, s26;
	s26 =	simm.s32 $0x4;
	s3 =	simm.s32 $0x7A00  }
0xd: {  	s12 =	sshrl.u32 s22, $0x1;
	s25 =	sadd.s32 s9, s4;
	s6 =	sadd.s32 s7, s6  }
0xe: {  	s21 =	sadd.s32 s9, s20;
	s23 =	ssub.s32 s22, s12;
	s12 =	simm.s32 $0x9  }
0xf: {  	s15 =	sshrl.u32 s25, $0x3;
	s20 =	simm.s32 $0xBC00;
	s22 =	simm.s32 $0xDC00  }
0x10: {  	s25 =	simm.s32 $0x3;
	s7 =	sshll.u32 s6, $0x4;
	s11 =	sshrl.u32 s21, $0x3  }
.Ltmp0:
0x11: {  	s6 =	sadd.s32 $0x5CE00, s0;
	s21 =	simm.s32 $0x0;
	(pc) =	sbr.rel .LBB2_1-.Ltmp0, $4  }
0x12: {  	s10 =	sadd.s32 s7, s0;
	s0 =	sadd.s32 s11, s0;
	s5 =	sadd.s32 s5, s7  }
0x13: {  	s11 =	smax.u32 s23, $0x1;
	s23 =	simm.s32 $0x1;
	s24 =	sadd.s32 $0x2E00, s10  }
0x14: {  	[dreg:$0x7] =	wrdreg s5;
	s9 =	sadd.s32 $0x86200, s0;
	s10 =	sadd.s32 $0x5E200, s0  }
0x15: {  	s0 =	simm.s32 $0x7A80;
	[dreg:$0x6] =	wrdreg s24;
	s24 =	simm.s32 $0x2  }
.LBB2_14:
0x16: {  	[tilespmem:s22], [sflag:$0x4] =	stream.indirect.gather [hbm4b:s2+s16], $0x40, s7, s16, $0xb8;
	[tilespmem:$0x19C00] =	vst v63  }
.LBB2_15:
0x17: {  	_ =	swait.ge [sflag:s23], $0x2000  }
0x18: {  	[sflag:s23] =	ssyncset.done $0x0  }
0x19: {  	[sflag:s23] =	ssyncadd.s32 $0xFFFFE000  }
0x1a: {  	[spmem:s4] =	stream.indirect.scatter.add.f32 [tilespmem:s17], [sflag:$0x5], $0x40, s3, s16, $0xb8;
	[tilespmem:$0x19C00] =	vst v63  }
0x1b: {  	_ =	swait.ge [sflag:s24], $0x2000  }
0x1c: {  	[sflag:s24] =	ssyncset.done $0x0  }
0x1d: {  	[sflag:s24] =	ssyncadd.s32 $0xFFFFE000  }
0x1e: {  	[spmem:s4] =	stream.indirect.scatter.add.f32 [tilespmem:s18], [sflag:$0x6], $0x40, s0, s16, $0xb8;
	[tilespmem:$0x19C00] =	vst v63  }
0x1f: {  	_ =	swait.ge [sflag:s25], $0x2000  }
0x20: {  	[sflag:s25] =	ssyncset.done $0x0  }
0x21: {  	[sflag:s25] =	ssyncadd.s32 $0xFFFFE000  }
0x22: {  	[spmem:s4] =	stream.indirect.scatter.add.f32 [tilespmem:s20], [sflag:$0x7], $0x40, s13, s16, $0xb8;
	[tilespmem:$0x19C00] =	vst v63  }
0x23: {  	_ =	swait.ge [sflag:s26], $0x2000  }
0x24: {  	[sflag:s26] =	ssyncset.done $0x0  }
0x25: {  	[sflag:s26] =	ssyncadd.s32 $0xFFFFE000  }
0x26: {  	[spmem:s4] =	stream.indirect.scatter.add.f32 [tilespmem:s22], [sflag:$0x8], $0x40, s19, s16, $0xb8;
	[tilespmem:$0x19C00] =	vst v63  }
0x27: {  	_ =	swait.ge [sflag:s28], $0x2000  }
0x28: {  	[sflag:s28] =	ssyncset.done $0x0  }
0x29: {  	[sflag:s28] =	ssyncadd.s32 $0xFFFFE000  }
0x2a: {  	_ =	swait.ge [sflag:s29], $0x2000  }
0x2b: {  	[sflag:s29] =	ssyncset.done $0x0  }
0x2c: {  	[sflag:s29] =	ssyncadd.s32 $0xFFFFE000  }
0x2d: {  	_ =	swait.ge [sflag:s30], $0x2000  }
0x2e: {  	[sflag:s30] =	ssyncset.done $0x0  }
0x2f: {  	[sflag:s30] =	ssyncadd.s32 $0xFFFFE000  }
0x30: {  	_ =	swait.ge [sflag:s31], $0x2000  }
0x31: {  	s21 =	sadd.s32 $0x1, s21;
	[sflag:s31] =	ssyncset.done $0x0  }
0x32: {  	p1 =	sne.s32 s21, s11;
	[sflag:s31] =	ssyncadd.s32 $0xFFFFE000  }
.Ltmp1:
0x33: {  	[bflag:$0x0] =	sbarrier.arrive $0xFFFF;
	(pc) =	sbr.rel @!p1 .LBB2_16-.Ltmp1, $4  }
0x34: {  	[hbm:s10], [sflag:s14] =	dma.local [spmem:s15], $0x1400  }
0x35: {  	_ =	swait.ge [sflag:s12], $0x1400  }
0x36: {  	[sflag:s12] =	ssyncset.done $0x0  }
0x37: {  	[sflag:s12] =	ssyncadd.s32 $0xFFFFEC00  }
.LBB2_1:
0x38: {  	s5 =	simm.s32 $0x0;
	s7 =	rddreg [dreg:$0x6]  }
0x39: {  	[tilespmem:s5], [sflag:$0x9] =	stream.linear.gather [hbm4b:s7+s5], $0x3E00, $0x38;
	[tilespmem:$0x19C00] =	vst v63  }
0x3a: {  	_ =	swait.ge [sflag:s12], $0x3E00  }
0x3b: {  	[sflag:s12] =	ssyncset.done $0x0  }
0x3c: {  	s8 =	simm.s32 $0x3E00;
	s7 =	rddreg [dreg:$0x7];
	[sflag:s12] =	ssyncadd.s32 $0xFFFFC200  }
0x3d: {  	[tilespmem:s8], [sflag:$0x9] =	stream.linear.gather [hbm4b:s7+s5], $0x3E00, $0x38;
	[tilespmem:$0x19C00] =	vst v63  }
0x3e: {  	_ =	swait.ge [sflag:s12], $0x3E00  }
0x3f: {  	[sflag:s12] =	ssyncset.done $0x0  }
0x40: {  	[sflag:s12] =	ssyncadd.s32 $0xFFFFC200  }
0x41: {  	[spmem:s15], [sflag:s14] =	dma.local [hbm:s6], $0x1400  }
.Ltmp2:
0x42: {  	_ =	swait.ge [sflag:s12], $0x1400;
	(pc) =	sbr.rel @p0 .LBB2_5-.Ltmp2, $3  }
0x43: {  	[sflag:s12] =	ssyncset.done $0x0  }
0x44: {  	[sflag:s12] =	ssyncadd.s32 $0xFFFFEC00  }
0x45: {  	[bflag:$0x0] =	sbarrier.arrive $0xFFFF;
	_ =	sdelay $0x1  }
0x46: {  	s5 =	simm.s32 $0x0  }
0x47: {  	[tilespmem:s17], [sflag:$0x1] =	stream.indirect.gather [hbm4b:s1+s16], $0x40, s5, s16, $0xb8;
	[tilespmem:$0x19C00] =	vst v63  }
0x48: {  	_ = 	snop  }
0x49: {  	[tilespmem:s18], [sflag:$0x2] =	stream.indirect.gather [hbm4b:s1+s16], $0x40, s16, s16, $0xb8;
	[tilespmem:$0x19C00] =	vst v63  }
0x4a: {  	s8 =	simm.s32 $0x100  }
0x4b: {  	[tilespmem:s20], [sflag:$0x3] =	stream.indirect.gather [hbm4b:s1+s16], $0x40, s8, s16, $0xb8;
	[tilespmem:$0x19C00] =	vst v63  }
0x4c: {  	s7 =	simm.s32 $0x180  }
0x4d: {  	[tilespmem:s22], [sflag:$0x4] =	stream.indirect.gather [hbm4b:s1+s16], $0x40, s7, s16, $0xb8;
	[tilespmem:$0x19C00] =	vst v63  }
0x4e: {  	_ =	swait.ge [sflag:s23], $0x2000  }
0x4f: {  	[sflag:s23] =	ssyncset.done $0x0  }
0x50: {  	s8 =	simm.s32 $0x3E00;
	[sflag:s23] =	ssyncadd.s32 $0xFFFFE000  }
0x51: {  	[spmem:s4] =	stream.indirect.scatter.add.f32 [tilespmem:s17], [sflag:$0x5], $0x40, s8, s16, $0xb8;
	[tilespmem:$0x19C00] =	vst v63  }
0x52: {  	_ =	swait.ge [sflag:s24], $0x2000  }
0x53: {  	[sflag:s24] =	ssyncset.done $0x0  }
0x54: {  	s7 =	simm.s32 $0x3E80;
	[sflag:s24] =	ssyncadd.s32 $0xFFFFE000  }
0x55: {  	[spmem:s4] =	stream.indirect.scatter.add.f32 [tilespmem:s18], [sflag:$0x6], $0x40, s7, s16, $0xb8;
	[tilespmem:$0x19C00] =	vst v63  }
0x56: {  	_ =	swait.ge [sflag:s25], $0x2000  }
0x57: {  	[sflag:s25] =	ssyncset.done $0x0  }
0x58: {  	s8 =	simm.s32 $0x3F00;
	[sflag:s25] =	ssyncadd.s32 $0xFFFFE000  }
0x59: {  	[spmem:s4] =	stream.indirect.scatter.add.f32 [tilespmem:s20], [sflag:$0x7], $0x40, s8, s16, $0xb8;
	[tilespmem:$0x19C00] =	vst v63  }
0x5a: {  	_ =	swait.ge [sflag:s26], $0x2000  }
0x5b: {  	[sflag:s26] =	ssyncset.done $0x0  }
0x5c: {  	s7 =	simm.s32 $0x3F80;
	[sflag:s26] =	ssyncadd.s32 $0xFFFFE000  }
0x5d: {  	[spmem:s4] =	stream.indirect.scatter.add.f32 [tilespmem:s22], [sflag:$0x8], $0x40, s7, s16, $0xb8;
	[tilespmem:$0x19C00] =	vst v63  }
0x5e: {  	_ =	swait.ge [sflag:s28], $0x2000  }
0x5f: {  	[sflag:s28] =	ssyncset.done $0x0  }
0x60: {  	s8 =	simm.s32 $0x200;
	[sflag:s28] =	ssyncadd.s32 $0xFFFFE000  }
0x61: {  	[tilespmem:s17], [sflag:$0x1] =	stream.indirect.gather [hbm4b:s1+s16], $0x40, s8, s16, $0xb8;
	[tilespmem:$0x19C00] =	vst v63  }
0x62: {  	_ =	swait.ge [sflag:s29], $0x2000  }
0x63: {  	[sflag:s29] =	ssyncset.done $0x0  }
0x64: {  	s7 =	simm.s32 $0x280;
	[sflag:s29] =	ssyncadd.s32 $0xFFFFE000  }
0x65: {  	[tilespmem:s18], [sflag:$0x2] =	stream.indirect.gather [hbm4b:s1+s16], $0x40, s7, s16, $0xb8;
	[tilespmem:$0x19C00] =	vst v63  }
0x66: {  	_ =	swait.ge [sflag:s30], $0x2000  }
0x67: {  	[sflag:s30] =	ssyncset.done $0x0  }
0x68: {  	s8 =	simm.s32 $0x300;
	[sflag:s30] =	ssyncadd.s32 $0xFFFFE000  }
0x69: {  	[tilespmem:s20], [sflag:$0x3] =	stream.indirect.gather [hbm4b:s1+s16], $0x40, s8, s16, $0xb8;
	[tilespmem:$0x19C00] =	vst v63  }
0x6a: {  	_ =	swait.ge [sflag:s31], $0x2000  }
0x6b: {  	[sflag:s31] =	ssyncset.done $0x0  }
0x6c: {  	s5 =	simm.s32 $0x800;
	s7 =	simm.s32 $0x380;
	[sflag:s31] =	ssyncadd.s32 $0xFFFFE000  }
.LBB2_3:
0x6d: {  	[tilespmem:s22], [sflag:$0x4] =	stream.indirect.gather [hbm4b:s1+s16], $0x40, s7, s16, $0xb8;
	[tilespmem:$0x19C00] =	vst v63  }
0x6e: {  	s7 =	smov.u32 s5  }
0x6f: {  	p1 =	seq.s32 s5, $0xE800;
	s5 =	sadd.s32 $0x800, s5;
	_ =	swait.ge [sflag:s23], $0x2000  }
0x70: {  	s7 =	sshra.s32 s7, $0x2;
	[sflag:s23] =	ssyncset.done $0x0  }
0x71: {  	s8 =	sadd.s32 $0x3E00, s7;
	[sflag:s23] =	ssyncadd.s32 $0xFFFFE000  }
0x72: {  	[spmem:s4] =	stream.indirect.scatter.add.f32 [tilespmem:s17], [sflag:$0x5], $0x40, s8, s16, $0xb8;
	[tilespmem:$0x19C00] =	vst v63  }
0x73: {  	_ =	swait.ge [sflag:s24], $0x2000  }
0x74: {  	[sflag:s24] =	ssyncset.done $0x0  }
0x75: {  	s8 =	sadd.s32 $0x3E80, s7;
	[sflag:s24] =	ssyncadd.s32 $0xFFFFE000  }
0x76: {  	[spmem:s4] =	stream.indirect.scatter.add.f32 [tilespmem:s18], [sflag:$0x6], $0x40, s8, s16, $0xb8;
	[tilespmem:$0x19C00] =	vst v63  }
0x77: {  	_ =	swait.ge [sflag:s25], $0x2000  }
0x78: {  	[sflag:s25] =	ssyncset.done $0x0  }
0x79: {  	s8 =	sadd.s32 $0x3F00, s7;
	[sflag:s25] =	ssyncadd.s32 $0xFFFFE000  }
0x7a: {  	[spmem:s4] =	stream.indirect.scatter.add.f32 [tilespmem:s20], [sflag:$0x7], $0x40, s8, s16, $0xb8;
	[tilespmem:$0x19C00] =	vst v63  }
0x7b: {  	_ =	swait.ge [sflag:s26], $0x2000  }
0x7c: {  	[sflag:s26] =	ssyncset.done $0x0  }
0x7d: {  	s8 =	sadd.s32 $0x3F80, s7;
	[sflag:s26] =	ssyncadd.s32 $0xFFFFE000  }
0x7e: {  	[spmem:s4] =	stream.indirect.scatter.add.f32 [tilespmem:s22], [sflag:$0x8], $0x40, s8, s16, $0xb8;
	[tilespmem:$0x19C00] =	vst v63  }
0x7f: {  	_ =	swait.ge [sflag:s28], $0x2000  }
0x80: {  	[sflag:s28] =	ssyncset.done $0x0  }
0x81: {  	s8 =	sadd.s32 $0x200, s7;
	[sflag:s28] =	ssyncadd.s32 $0xFFFFE000  }
0x82: {  	[tilespmem:s17], [sflag:$0x1] =	stream.indirect.gather [hbm4b:s1+s16], $0x40, s8, s16, $0xb8;
	[tilespmem:$0x19C00] =	vst v63  }
0x83: {  	_ =	swait.ge [sflag:s29], $0x2000  }
0x84: {  	[sflag:s29] =	ssyncset.done $0x0  }
0x85: {  	s8 =	sadd.s32 $0x280, s7;
	[sflag:s29] =	ssyncadd.s32 $0xFFFFE000  }
0x86: {  	[tilespmem:s18], [sflag:$0x2] =	stream.indirect.gather [hbm4b:s1+s16], $0x40, s8, s16, $0xb8;
	[tilespmem:$0x19C00] =	vst v63  }
0x87: {  	_ =	swait.ge [sflag:s30], $0x2000  }
0x88: {  	[sflag:s30] =	ssyncset.done $0x0  }
.Ltmp3:
0x89: {  	s8 =	sadd.s32 $0x300, s7;
	[sflag:s30] =	ssyncadd.s32 $0xFFFFE000;
	(pc) =	sbr.rel @!p1 .LBB2_3-.Ltmp3, $4  }
0x8a: {  	[tilespmem:s20], [sflag:$0x3] =	stream.indirect.gather [hbm4b:s1+s16], $0x40, s8, s16, $0xb8;
	[tilespmem:$0x19C00] =	vst v63  }
0x8b: {  	_ =	swait.ge [sflag:s31], $0x2000  }
0x8c: {  	[sflag:s31] =	ssyncset.done $0x0  }
0x8d: {  	s7 =	sadd.s32 $0x380, s7;
	[sflag:s31] =	ssyncadd.s32 $0xFFFFE000  }
.Ltmp4:
0x8e: {  	(pc) =	sbr.rel .LBB2_8-.Ltmp4, $2  }
0x8f: {  	_ =	sdelay $0x2  }
0x90: {  	[tilespmem:s22], [sflag:$0x4] =	stream.indirect.gather [hbm4b:s1+s16], $0x40, s7, s16, $0xb8;
	[tilespmem:$0x19C00] =	vst v63  }
.LBB2_5:
0x91: {  	s5 =	simm.s32 $0x2C00  }
0x92: {  	[tilespmem:s17], [sflag:$0x1] =	stream.indirect.gather [hbm4b:s1+s16], $0x40, s5, s16, $0xb8;
	[tilespmem:$0x19C00] =	vst v63  }
0x93: {  	s7 =	simm.s32 $0x2C80  }
0x94: {  	[tilespmem:s18], [sflag:$0x2] =	stream.indirect.gather [hbm4b:s1+s16], $0x40, s7, s16, $0xb8;
	[tilespmem:$0x19C00] =	vst v63  }
0x95: {  	s8 =	simm.s32 $0x2D00  }
0x96: {  	[tilespmem:s20], [sflag:$0x3] =	stream.indirect.gather [hbm4b:s1+s16], $0x40, s8, s16, $0xb8;
	[tilespmem:$0x19C00] =	vst v63  }
0x97: {  	s7 =	simm.s32 $0x2D80  }
0x98: {  	[tilespmem:s22], [sflag:$0x4] =	stream.indirect.gather [hbm4b:s1+s16], $0x40, s7, s16, $0xb8;
	[tilespmem:$0x19C00] =	vst v63  }
0x99: {  	_ =	swait.ge [sflag:s23], $0x2000  }
0x9a: {  	[sflag:s23] =	ssyncset.done $0x0  }
0x9b: {  	s8 =	simm.s32 $0x6A00;
	[sflag:s23] =	ssyncadd.s32 $0xFFFFE000  }
0x9c: {  	[spmem:s4] =	stream.indirect.scatter.add.f32 [tilespmem:s17], [sflag:$0x5], $0x40, s8, s16, $0xb8;
	[tilespmem:$0x19C00] =	vst v63  }
0x9d: {  	_ =	swait.ge [sflag:s24], $0x2000  }
0x9e: {  	[sflag:s24] =	ssyncset.done $0x0  }
0x9f: {  	s7 =	simm.s32 $0x6A80;
	[sflag:s24] =	ssyncadd.s32 $0xFFFFE000  }
0xa0: {  	[spmem:s4] =	stream.indirect.scatter.add.f32 [tilespmem:s18], [sflag:$0x6], $0x40, s7, s16, $0xb8;
	[tilespmem:$0x19C00] =	vst v63  }
0xa1: {  	_ =	swait.ge [sflag:s25], $0x2000  }
0xa2: {  	[sflag:s25] =	ssyncset.done $0x0  }
0xa3: {  	s8 =	simm.s32 $0x6B00;
	[sflag:s25] =	ssyncadd.s32 $0xFFFFE000  }
0xa4: {  	[spmem:s4] =	stream.indirect.scatter.add.f32 [tilespmem:s20], [sflag:$0x7], $0x40, s8, s16, $0xb8;
	[tilespmem:$0x19C00] =	vst v63  }
0xa5: {  	_ =	swait.ge [sflag:s26], $0x2000  }
0xa6: {  	[sflag:s26] =	ssyncset.done $0x0  }
0xa7: {  	s7 =	simm.s32 $0x6B80;
	[sflag:s26] =	ssyncadd.s32 $0xFFFFE000  }
0xa8: {  	[spmem:s4] =	stream.indirect.scatter.add.f32 [tilespmem:s22], [sflag:$0x8], $0x40, s7, s16, $0xb8;
	[tilespmem:$0x19C00] =	vst v63  }
0xa9: {  	_ =	swait.ge [sflag:s28], $0x2000  }
0xaa: {  	[sflag:s28] =	ssyncset.done $0x0  }
0xab: {  	s8 =	simm.s32 $0x2E00;
	[sflag:s28] =	ssyncadd.s32 $0xFFFFE000  }
0xac: {  	[tilespmem:s17], [sflag:$0x1] =	stream.indirect.gather [hbm4b:s1+s16], $0x40, s8, s16, $0xb8;
	[tilespmem:$0x19C00] =	vst v63  }
0xad: {  	_ =	swait.ge [sflag:s29], $0x2000  }
0xae: {  	[sflag:s29] =	ssyncset.done $0x0  }
0xaf: {  	s7 =	simm.s32 $0x2E80;
	[sflag:s29] =	ssyncadd.s32 $0xFFFFE000  }
0xb0: {  	[tilespmem:s18], [sflag:$0x2] =	stream.indirect.gather [hbm4b:s1+s16], $0x40, s7, s16, $0xb8;
	[tilespmem:$0x19C00] =	vst v63  }
0xb1: {  	_ =	swait.ge [sflag:s30], $0x2000  }
0xb2: {  	[sflag:s30] =	ssyncset.done $0x0  }
0xb3: {  	s8 =	simm.s32 $0x2F00;
	[sflag:s30] =	ssyncadd.s32 $0xFFFFE000  }
0xb4: {  	[tilespmem:s20], [sflag:$0x3] =	stream.indirect.gather [hbm4b:s1+s16], $0x40, s8, s16, $0xb8;
	[tilespmem:$0x19C00] =	vst v63  }
0xb5: {  	_ =	swait.ge [sflag:s31], $0x2000  }
0xb6: {  	[sflag:s31] =	ssyncset.done $0x0  }
0xb7: {  	s5 =	simm.s32 $0x800;
	s7 =	simm.s32 $0x2F80;
	[sflag:s31] =	ssyncadd.s32 $0xFFFFE000  }
.LBB2_6:
0xb8: {  	[tilespmem:s22], [sflag:$0x4] =	stream.indirect.gather [hbm4b:s1+s16], $0x40, s7, s16, $0xb8;
	[tilespmem:$0x19C00] =	vst v63  }
0xb9: {  	s7 =	smov.u32 s5  }
0xba: {  	p1 =	sne.s32 s5, $0x3800;
	s5 =	sadd.s32 $0x800, s5;
	_ =	swait.ge [sflag:s23], $0x2000  }
0xbb: {  	s7 =	sshra.s32 s7, $0x2;
	[sflag:s23] =	ssyncset.done $0x0  }
0xbc: {  	s8 =	sadd.s32 $0x6A00, s7;
	[sflag:s23] =	ssyncadd.s32 $0xFFFFE000  }
0xbd: {  	[spmem:s4] =	stream.indirect.scatter.add.f32 [tilespmem:s17], [sflag:$0x5], $0x40, s8, s16, $0xb8;
	[tilespmem:$0x19C00] =	vst v63  }
0xbe: {  	_ =	swait.ge [sflag:s24], $0x2000  }
0xbf: {  	[sflag:s24] =	ssyncset.done $0x0  }
0xc0: {  	s8 =	sadd.s32 $0x6A80, s7;
	[sflag:s24] =	ssyncadd.s32 $0xFFFFE000  }
0xc1: {  	[spmem:s4] =	stream.indirect.scatter.add.f32 [tilespmem:s18], [sflag:$0x6], $0x40, s8, s16, $0xb8;
	[tilespmem:$0x19C00] =	vst v63  }
0xc2: {  	_ =	swait.ge [sflag:s25], $0x2000  }
0xc3: {  	[sflag:s25] =	ssyncset.done $0x0  }
0xc4: {  	s8 =	sadd.s32 $0x6B00, s7;
	[sflag:s25] =	ssyncadd.s32 $0xFFFFE000  }
0xc5: {  	[spmem:s4] =	stream.indirect.scatter.add.f32 [tilespmem:s20], [sflag:$0x7], $0x40, s8, s16, $0xb8;
	[tilespmem:$0x19C00] =	vst v63  }
0xc6: {  	_ =	swait.ge [sflag:s26], $0x2000  }
0xc7: {  	[sflag:s26] =	ssyncset.done $0x0  }
0xc8: {  	s8 =	sadd.s32 $0x6B80, s7;
	[sflag:s26] =	ssyncadd.s32 $0xFFFFE000  }
0xc9: {  	[spmem:s4] =	stream.indirect.scatter.add.f32 [tilespmem:s22], [sflag:$0x8], $0x40, s8, s16, $0xb8;
	[tilespmem:$0x19C00] =	vst v63  }
0xca: {  	_ =	swait.ge [sflag:s28], $0x2000  }
0xcb: {  	[sflag:s28] =	ssyncset.done $0x0  }
0xcc: {  	s8 =	sadd.s32 $0x2E00, s7;
	[sflag:s28] =	ssyncadd.s32 $0xFFFFE000  }
0xcd: {  	[tilespmem:s17], [sflag:$0x1] =	stream.indirect.gather [hbm4b:s1+s16], $0x40, s8, s16, $0xb8;
	[tilespmem:$0x19C00] =	vst v63  }
0xce: {  	_ =	swait.ge [sflag:s29], $0x2000  }
0xcf: {  	[sflag:s29] =	ssyncset.done $0x0  }
0xd0: {  	s8 =	sadd.s32 $0x2E80, s7;
	[sflag:s29] =	ssyncadd.s32 $0xFFFFE000  }
0xd1: {  	[tilespmem:s18], [sflag:$0x2] =	stream.indirect.gather [hbm4b:s1+s16], $0x40, s8, s16, $0xb8;
	[tilespmem:$0x19C00] =	vst v63  }
0xd2: {  	_ =	swait.ge [sflag:s30], $0x2000  }
0xd3: {  	[sflag:s30] =	ssyncset.done $0x0  }
.Ltmp5:
0xd4: {  	s8 =	sadd.s32 $0x2F00, s7;
	[sflag:s30] =	ssyncadd.s32 $0xFFFFE000;
	(pc) =	sbr.rel @p1 .LBB2_6-.Ltmp5, $4  }
0xd5: {  	[tilespmem:s20], [sflag:$0x3] =	stream.indirect.gather [hbm4b:s1+s16], $0x40, s8, s16, $0xb8;
	[tilespmem:$0x19C00] =	vst v63  }
0xd6: {  	_ =	swait.ge [sflag:s31], $0x2000  }
0xd7: {  	[sflag:s31] =	ssyncset.done $0x0  }
0xd8: {  	s7 =	sadd.s32 $0x2F80, s7;
	[sflag:s31] =	ssyncadd.s32 $0xFFFFE000  }
0xd9: {  	[tilespmem:s22], [sflag:$0x4] =	stream.indirect.gather [hbm4b:s1+s16], $0x40, s7, s16, $0xb8;
	[tilespmem:$0x19C00] =	vst v63  }
.LBB2_8:
0xda: {  	_ =	swait.ge [sflag:s23], $0x2000  }
0xdb: {  	[sflag:s23] =	ssyncset.done $0x0  }
0xdc: {  	[sflag:s23] =	ssyncadd.s32 $0xFFFFE000  }
0xdd: {  	[spmem:s4] =	stream.indirect.scatter.add.f32 [tilespmem:s17], [sflag:$0x5], $0x40, s3, s16, $0xb8;
	[tilespmem:$0x19C00] =	vst v63  }
0xde: {  	_ =	swait.ge [sflag:s24], $0x2000  }
0xdf: {  	[sflag:s24] =	ssyncset.done $0x0  }
0xe0: {  	[sflag:s24] =	ssyncadd.s32 $0xFFFFE000  }
0xe1: {  	[spmem:s4] =	stream.indirect.scatter.add.f32 [tilespmem:s18], [sflag:$0x6], $0x40, s0, s16, $0xb8;
	[tilespmem:$0x19C00] =	vst v63  }
0xe2: {  	_ =	swait.ge [sflag:s25], $0x2000  }
0xe3: {  	[sflag:s25] =	ssyncset.done $0x0  }
0xe4: {  	[sflag:s25] =	ssyncadd.s32 $0xFFFFE000  }
0xe5: {  	[spmem:s4] =	stream.indirect.scatter.add.f32 [tilespmem:s20], [sflag:$0x7], $0x40, s13, s16, $0xb8;
	[tilespmem:$0x19C00] =	vst v63  }
0xe6: {  	_ =	swait.ge [sflag:s26], $0x2000  }
0xe7: {  	[sflag:s26] =	ssyncset.done $0x0  }
0xe8: {  	[sflag:s26] =	ssyncadd.s32 $0xFFFFE000  }
0xe9: {  	[spmem:s4] =	stream.indirect.scatter.add.f32 [tilespmem:s22], [sflag:$0x8], $0x40, s19, s16, $0xb8;
	[tilespmem:$0x19C00] =	vst v63  }
0xea: {  	_ =	swait.ge [sflag:s28], $0x2000  }
0xeb: {  	[sflag:s28] =	ssyncset.done $0x0  }
0xec: {  	[sflag:s28] =	ssyncadd.s32 $0xFFFFE000  }
0xed: {  	_ =	swait.ge [sflag:s29], $0x2000  }
0xee: {  	[sflag:s29] =	ssyncset.done $0x0  }
0xef: {  	[sflag:s29] =	ssyncadd.s32 $0xFFFFE000  }
0xf0: {  	_ =	swait.ge [sflag:s30], $0x2000  }
0xf1: {  	[sflag:s30] =	ssyncset.done $0x0  }
0xf2: {  	[sflag:s30] =	ssyncadd.s32 $0xFFFFE000  }
0xf3: {  	_ =	swait.ge [sflag:s31], $0x2000  }
0xf4: {  	[sflag:s31] =	ssyncset.done $0x0  }
0xf5: {  	[sflag:s31] =	ssyncadd.s32 $0xFFFFE000  }
0xf6: {  	[bflag:$0x0] =	sbarrier.arrive $0xFFFF  }
0xf7: {  	[hbm:s9], [sflag:s14] =	dma.local [spmem:s15], $0x1400  }
0xf8: {  	_ =	swait.ge [sflag:s12], $0x1400  }
0xf9: {  	[sflag:s12] =	ssyncset.done $0x0  }
0xfa: {  	[sflag:s12] =	ssyncadd.s32 $0xFFFFEC00  }
0xfb: {  	[spmem:s15], [sflag:s14] =	dma.local [hbm:s6], $0x1400  }
.Ltmp6:
0xfc: {  	_ =	swait.ge [sflag:s12], $0x1400;
	(pc) =	sbr.rel @p0 .LBB2_12-.Ltmp6, $3  }
0xfd: {  	[sflag:s12] =	ssyncset.done $0x0  }
0xfe: {  	[sflag:s12] =	ssyncadd.s32 $0xFFFFEC00  }
0xff: {  	[bflag:$0x0] =	sbarrier.arrive $0xFFFF;
	_ =	sdelay $0x1  }
0x100: {  	s5 =	simm.s32 $0x0  }
0x101: {  	[tilespmem:s17], [sflag:$0x1] =	stream.indirect.gather [hbm4b:s2+s16], $0x40, s5, s16, $0xb8;
	[tilespmem:$0x19C00] =	vst v63  }
0x102: {  	_ = 	snop  }
0x103: {  	[tilespmem:s18], [sflag:$0x2] =	stream.indirect.gather [hbm4b:s2+s16], $0x40, s16, s16, $0xb8;
	[tilespmem:$0x19C00] =	vst v63  }
0x104: {  	s8 =	simm.s32 $0x100  }
0x105: {  	[tilespmem:s20], [sflag:$0x3] =	stream.indirect.gather [hbm4b:s2+s16], $0x40, s8, s16, $0xb8;
	[tilespmem:$0x19C00] =	vst v63  }
0x106: {  	s7 =	simm.s32 $0x180  }
0x107: {  	[tilespmem:s22], [sflag:$0x4] =	stream.indirect.gather [hbm4b:s2+s16], $0x40, s7, s16, $0xb8;
	[tilespmem:$0x19C00] =	vst v63  }
0x108: {  	_ =	swait.ge [sflag:s23], $0x2000  }
0x109: {  	[sflag:s23] =	ssyncset.done $0x0  }
0x10a: {  	s8 =	simm.s32 $0x3E00;
	[sflag:s23] =	ssyncadd.s32 $0xFFFFE000  }
0x10b: {  	[spmem:s4] =	stream.indirect.scatter.add.f32 [tilespmem:s17], [sflag:$0x5], $0x40, s8, s16, $0xb8;
	[tilespmem:$0x19C00] =	vst v63  }
0x10c: {  	_ =	swait.ge [sflag:s24], $0x2000  }
0x10d: {  	[sflag:s24] =	ssyncset.done $0x0  }
0x10e: {  	s7 =	simm.s32 $0x3E80;
	[sflag:s24] =	ssyncadd.s32 $0xFFFFE000  }
0x10f: {  	[spmem:s4] =	stream.indirect.scatter.add.f32 [tilespmem:s18], [sflag:$0x6], $0x40, s7, s16, $0xb8;
	[tilespmem:$0x19C00] =	vst v63  }
0x110: {  	_ =	swait.ge [sflag:s25], $0x2000  }
0x111: {  	[sflag:s25] =	ssyncset.done $0x0  }
0x112: {  	s8 =	simm.s32 $0x3F00;
	[sflag:s25] =	ssyncadd.s32 $0xFFFFE000  }
0x113: {  	[spmem:s4] =	stream.indirect.scatter.add.f32 [tilespmem:s20], [sflag:$0x7], $0x40, s8, s16, $0xb8;
	[tilespmem:$0x19C00] =	vst v63  }
0x114: {  	_ =	swait.ge [sflag:s26], $0x2000  }
0x115: {  	[sflag:s26] =	ssyncset.done $0x0  }
0x116: {  	s7 =	simm.s32 $0x3F80;
	[sflag:s26] =	ssyncadd.s32 $0xFFFFE000  }
0x117: {  	[spmem:s4] =	stream.indirect.scatter.add.f32 [tilespmem:s22], [sflag:$0x8], $0x40, s7, s16, $0xb8;
	[tilespmem:$0x19C00] =	vst v63  }
0x118: {  	_ =	swait.ge [sflag:s28], $0x2000  }
0x119: {  	[sflag:s28] =	ssyncset.done $0x0  }
0x11a: {  	s8 =	simm.s32 $0x200;
	[sflag:s28] =	ssyncadd.s32 $0xFFFFE000  }
0x11b: {  	[tilespmem:s17], [sflag:$0x1] =	stream.indirect.gather [hbm4b:s2+s16], $0x40, s8, s16, $0xb8;
	[tilespmem:$0x19C00] =	vst v63  }
0x11c: {  	_ =	swait.ge [sflag:s29], $0x2000  }
0x11d: {  	[sflag:s29] =	ssyncset.done $0x0  }
0x11e: {  	s7 =	simm.s32 $0x280;
	[sflag:s29] =	ssyncadd.s32 $0xFFFFE000  }
0x11f: {  	[tilespmem:s18], [sflag:$0x2] =	stream.indirect.gather [hbm4b:s2+s16], $0x40, s7, s16, $0xb8;
	[tilespmem:$0x19C00] =	vst v63  }
0x120: {  	_ =	swait.ge [sflag:s30], $0x2000  }
0x121: {  	[sflag:s30] =	ssyncset.done $0x0  }
0x122: {  	s8 =	simm.s32 $0x300;
	[sflag:s30] =	ssyncadd.s32 $0xFFFFE000  }
0x123: {  	[tilespmem:s20], [sflag:$0x3] =	stream.indirect.gather [hbm4b:s2+s16], $0x40, s8, s16, $0xb8;
	[tilespmem:$0x19C00] =	vst v63  }
0x124: {  	_ =	swait.ge [sflag:s31], $0x2000  }
0x125: {  	[sflag:s31] =	ssyncset.done $0x0  }
0x126: {  	s5 =	simm.s32 $0x800;
	s7 =	simm.s32 $0x380;
	[sflag:s31] =	ssyncadd.s32 $0xFFFFE000  }
.LBB2_10:
0x127: {  	[tilespmem:s22], [sflag:$0x4] =	stream.indirect.gather [hbm4b:s2+s16], $0x40, s7, s16, $0xb8;
	[tilespmem:$0x19C00] =	vst v63  }
0x128: {  	s7 =	smov.u32 s5  }
0x129: {  	p1 =	seq.s32 s5, $0xE800;
	s5 =	sadd.s32 $0x800, s5;
	_ =	swait.ge [sflag:s23], $0x2000  }
0x12a: {  	s7 =	sshra.s32 s7, $0x2;
	[sflag:s23] =	ssyncset.done $0x0  }
0x12b: {  	s8 =	sadd.s32 $0x3E00, s7;
	[sflag:s23] =	ssyncadd.s32 $0xFFFFE000  }
0x12c: {  	[spmem:s4] =	stream.indirect.scatter.add.f32 [tilespmem:s17], [sflag:$0x5], $0x40, s8, s16, $0xb8;
	[tilespmem:$0x19C00] =	vst v63  }
0x12d: {  	_ =	swait.ge [sflag:s24], $0x2000  }
0x12e: {  	[sflag:s24] =	ssyncset.done $0x0  }
0x12f: {  	s8 =	sadd.s32 $0x3E80, s7;
	[sflag:s24] =	ssyncadd.s32 $0xFFFFE000  }
0x130: {  	[spmem:s4] =	stream.indirect.scatter.add.f32 [tilespmem:s18], [sflag:$0x6], $0x40, s8, s16, $0xb8;
	[tilespmem:$0x19C00] =	vst v63  }
0x131: {  	_ =	swait.ge [sflag:s25], $0x2000  }
0x132: {  	[sflag:s25] =	ssyncset.done $0x0  }
0x133: {  	s8 =	sadd.s32 $0x3F00, s7;
	[sflag:s25] =	ssyncadd.s32 $0xFFFFE000  }
0x134: {  	[spmem:s4] =	stream.indirect.scatter.add.f32 [tilespmem:s20], [sflag:$0x7], $0x40, s8, s16, $0xb8;
	[tilespmem:$0x19C00] =	vst v63  }
0x135: {  	_ =	swait.ge [sflag:s26], $0x2000  }
0x136: {  	[sflag:s26] =	ssyncset.done $0x0  }
0x137: {  	s8 =	sadd.s32 $0x3F80, s7;
	[sflag:s26] =	ssyncadd.s32 $0xFFFFE000  }
0x138: {  	[spmem:s4] =	stream.indirect.scatter.add.f32 [tilespmem:s22], [sflag:$0x8], $0x40, s8, s16, $0xb8;
	[tilespmem:$0x19C00] =	vst v63  }
0x139: {  	_ =	swait.ge [sflag:s28], $0x2000  }
0x13a: {  	[sflag:s28] =	ssyncset.done $0x0  }
0x13b: {  	s8 =	sadd.s32 $0x200, s7;
	[sflag:s28] =	ssyncadd.s32 $0xFFFFE000  }
0x13c: {  	[tilespmem:s17], [sflag:$0x1] =	stream.indirect.gather [hbm4b:s2+s16], $0x40, s8, s16, $0xb8;
	[tilespmem:$0x19C00] =	vst v63  }
0x13d: {  	_ =	swait.ge [sflag:s29], $0x2000  }
0x13e: {  	[sflag:s29] =	ssyncset.done $0x0  }
0x13f: {  	s8 =	sadd.s32 $0x280, s7;
	[sflag:s29] =	ssyncadd.s32 $0xFFFFE000  }
0x140: {  	[tilespmem:s18], [sflag:$0x2] =	stream.indirect.gather [hbm4b:s2+s16], $0x40, s8, s16, $0xb8;
	[tilespmem:$0x19C00] =	vst v63  }
0x141: {  	_ =	swait.ge [sflag:s30], $0x2000  }
0x142: {  	[sflag:s30] =	ssyncset.done $0x0  }
.Ltmp7:
0x143: {  	s8 =	sadd.s32 $0x300, s7;
	[sflag:s30] =	ssyncadd.s32 $0xFFFFE000;
	(pc) =	sbr.rel @!p1 .LBB2_10-.Ltmp7, $4  }
0x144: {  	[tilespmem:s20], [sflag:$0x3] =	stream.indirect.gather [hbm4b:s2+s16], $0x40, s8, s16, $0xb8;
	[tilespmem:$0x19C00] =	vst v63  }
0x145: {  	_ =	swait.ge [sflag:s31], $0x2000  }
0x146: {  	[sflag:s31] =	ssyncset.done $0x0  }
0x147: {  	s7 =	sadd.s32 $0x380, s7;
	[sflag:s31] =	ssyncadd.s32 $0xFFFFE000  }
.Ltmp8:
0x148: {  	(pc) =	sbr.rel .LBB2_15-.Ltmp8, $2  }
0x149: {  	_ =	sdelay $0x2  }
0x14a: {  	[tilespmem:s22], [sflag:$0x4] =	stream.indirect.gather [hbm4b:s2+s16], $0x40, s7, s16, $0xb8;
	[tilespmem:$0x19C00] =	vst v63  }
.LBB2_12:
0x14b: {  	s5 =	simm.s32 $0x2C00  }
0x14c: {  	[tilespmem:s17], [sflag:$0x1] =	stream.indirect.gather [hbm4b:s2+s16], $0x40, s5, s16, $0xb8;
	[tilespmem:$0x19C00] =	vst v63  }
0x14d: {  	s7 =	simm.s32 $0x2C80  }
0x14e: {  	[tilespmem:s18], [sflag:$0x2] =	stream.indirect.gather [hbm4b:s2+s16], $0x40, s7, s16, $0xb8;
	[tilespmem:$0x19C00] =	vst v63  }
0x14f: {  	s8 =	simm.s32 $0x2D00  }
0x150: {  	[tilespmem:s20], [sflag:$0x3] =	stream.indirect.gather [hbm4b:s2+s16], $0x40, s8, s16, $0xb8;
	[tilespmem:$0x19C00] =	vst v63  }
0x151: {  	s7 =	simm.s32 $0x2D80  }
0x152: {  	[tilespmem:s22], [sflag:$0x4] =	stream.indirect.gather [hbm4b:s2+s16], $0x40, s7, s16, $0xb8;
	[tilespmem:$0x19C00] =	vst v63  }
0x153: {  	_ =	swait.ge [sflag:s23], $0x2000  }
0x154: {  	[sflag:s23] =	ssyncset.done $0x0  }
0x155: {  	s8 =	simm.s32 $0x6A00;
	[sflag:s23] =	ssyncadd.s32 $0xFFFFE000  }
0x156: {  	[spmem:s4] =	stream.indirect.scatter.add.f32 [tilespmem:s17], [sflag:$0x5], $0x40, s8, s16, $0xb8;
	[tilespmem:$0x19C00] =	vst v63  }
0x157: {  	_ =	swait.ge [sflag:s24], $0x2000  }
0x158: {  	[sflag:s24] =	ssyncset.done $0x0  }
0x159: {  	s7 =	simm.s32 $0x6A80;
	[sflag:s24] =	ssyncadd.s32 $0xFFFFE000  }
0x15a: {  	[spmem:s4] =	stream.indirect.scatter.add.f32 [tilespmem:s18], [sflag:$0x6], $0x40, s7, s16, $0xb8;
	[tilespmem:$0x19C00] =	vst v63  }
0x15b: {  	_ =	swait.ge [sflag:s25], $0x2000  }
0x15c: {  	[sflag:s25] =	ssyncset.done $0x0  }
0x15d: {  	s8 =	simm.s32 $0x6B00;
	[sflag:s25] =	ssyncadd.s32 $0xFFFFE000  }
0x15e: {  	[spmem:s4] =	stream.indirect.scatter.add.f32 [tilespmem:s20], [sflag:$0x7], $0x40, s8, s16, $0xb8;
	[tilespmem:$0x19C00] =	vst v63  }
0x15f: {  	_ =	swait.ge [sflag:s26], $0x2000  }
0x160: {  	[sflag:s26] =	ssyncset.done $0x0  }
0x161: {  	s7 =	simm.s32 $0x6B80;
	[sflag:s26] =	ssyncadd.s32 $0xFFFFE000  }
0x162: {  	[spmem:s4] =	stream.indirect.scatter.add.f32 [tilespmem:s22], [sflag:$0x8], $0x40, s7, s16, $0xb8;
	[tilespmem:$0x19C00] =	vst v63  }
0x163: {  	_ =	swait.ge [sflag:s28], $0x2000  }
0x164: {  	[sflag:s28] =	ssyncset.done $0x0  }
0x165: {  	s8 =	simm.s32 $0x2E00;
	[sflag:s28] =	ssyncadd.s32 $0xFFFFE000  }
0x166: {  	[tilespmem:s17], [sflag:$0x1] =	stream.indirect.gather [hbm4b:s2+s16], $0x40, s8, s16, $0xb8;
	[tilespmem:$0x19C00] =	vst v63  }
0x167: {  	_ =	swait.ge [sflag:s29], $0x2000  }
0x168: {  	[sflag:s29] =	ssyncset.done $0x0  }
0x169: {  	s7 =	simm.s32 $0x2E80;
	[sflag:s29] =	ssyncadd.s32 $0xFFFFE000  }
0x16a: {  	[tilespmem:s18], [sflag:$0x2] =	stream.indirect.gather [hbm4b:s2+s16], $0x40, s7, s16, $0xb8;
	[tilespmem:$0x19C00] =	vst v63  }
0x16b: {  	_ =	swait.ge [sflag:s30], $0x2000  }
0x16c: {  	[sflag:s30] =	ssyncset.done $0x0  }
0x16d: {  	s8 =	simm.s32 $0x2F00;
	[sflag:s30] =	ssyncadd.s32 $0xFFFFE000  }
0x16e: {  	[tilespmem:s20], [sflag:$0x3] =	stream.indirect.gather [hbm4b:s2+s16], $0x40, s8, s16, $0xb8;
	[tilespmem:$0x19C00] =	vst v63  }
0x16f: {  	_ =	swait.ge [sflag:s31], $0x2000  }
0x170: {  	[sflag:s31] =	ssyncset.done $0x0  }
0x171: {  	s5 =	simm.s32 $0x800;
	s7 =	simm.s32 $0x2F80;
	[sflag:s31] =	ssyncadd.s32 $0xFFFFE000  }
.LBB2_13:
0x172: {  	[tilespmem:s22], [sflag:$0x4] =	stream.indirect.gather [hbm4b:s2+s16], $0x40, s7, s16, $0xb8;
	[tilespmem:$0x19C00] =	vst v63  }
0x173: {  	s7 =	smov.u32 s5  }
0x174: {  	p1 =	sne.s32 s5, $0x3800;
	s5 =	sadd.s32 $0x800, s5;
	_ =	swait.ge [sflag:s23], $0x2000  }
0x175: {  	s7 =	sshra.s32 s7, $0x2;
	[sflag:s23] =	ssyncset.done $0x0  }
0x176: {  	s8 =	sadd.s32 $0x6A00, s7;
	[sflag:s23] =	ssyncadd.s32 $0xFFFFE000  }
0x177: {  	[spmem:s4] =	stream.indirect.scatter.add.f32 [tilespmem:s17], [sflag:$0x5], $0x40, s8, s16, $0xb8;
	[tilespmem:$0x19C00] =	vst v63  }
0x178: {  	_ =	swait.ge [sflag:s24], $0x2000  }
0x179: {  	[sflag:s24] =	ssyncset.done $0x0  }
0x17a: {  	s8 =	sadd.s32 $0x6A80, s7;
	[sflag:s24] =	ssyncadd.s32 $0xFFFFE000  }
0x17b: {  	[spmem:s4] =	stream.indirect.scatter.add.f32 [tilespmem:s18], [sflag:$0x6], $0x40, s8, s16, $0xb8;
	[tilespmem:$0x19C00] =	vst v63  }
0x17c: {  	_ =	swait.ge [sflag:s25], $0x2000  }
0x17d: {  	[sflag:s25] =	ssyncset.done $0x0  }
0x17e: {  	s8 =	sadd.s32 $0x6B00, s7;
	[sflag:s25] =	ssyncadd.s32 $0xFFFFE000  }
0x17f: {  	[spmem:s4] =	stream.indirect.scatter.add.f32 [tilespmem:s20], [sflag:$0x7], $0x40, s8, s16, $0xb8;
	[tilespmem:$0x19C00] =	vst v63  }
0x180: {  	_ =	swait.ge [sflag:s26], $0x2000  }
0x181: {  	[sflag:s26] =	ssyncset.done $0x0  }
0x182: {  	s8 =	sadd.s32 $0x6B80, s7;
	[sflag:s26] =	ssyncadd.s32 $0xFFFFE000  }
0x183: {  	[spmem:s4] =	stream.indirect.scatter.add.f32 [tilespmem:s22], [sflag:$0x8], $0x40, s8, s16, $0xb8;
	[tilespmem:$0x19C00] =	vst v63  }
0x184: {  	_ =	swait.ge [sflag:s28], $0x2000  }
0x185: {  	[sflag:s28] =	ssyncset.done $0x0  }
0x186: {  	s8 =	sadd.s32 $0x2E00, s7;
	[sflag:s28] =	ssyncadd.s32 $0xFFFFE000  }
0x187: {  	[tilespmem:s17], [sflag:$0x1] =	stream.indirect.gather [hbm4b:s2+s16], $0x40, s8, s16, $0xb8;
	[tilespmem:$0x19C00] =	vst v63  }
0x188: {  	_ =	swait.ge [sflag:s29], $0x2000  }
0x189: {  	[sflag:s29] =	ssyncset.done $0x0  }
0x18a: {  	s8 =	sadd.s32 $0x2E80, s7;
	[sflag:s29] =	ssyncadd.s32 $0xFFFFE000  }
0x18b: {  	[tilespmem:s18], [sflag:$0x2] =	stream.indirect.gather [hbm4b:s2+s16], $0x40, s8, s16, $0xb8;
	[tilespmem:$0x19C00] =	vst v63  }
0x18c: {  	_ =	swait.ge [sflag:s30], $0x2000  }
0x18d: {  	[sflag:s30] =	ssyncset.done $0x0  }
.Ltmp9:
0x18e: {  	s8 =	sadd.s32 $0x2F00, s7;
	[sflag:s30] =	ssyncadd.s32 $0xFFFFE000;
	(pc) =	sbr.rel @p1 .LBB2_13-.Ltmp9, $4  }
0x18f: {  	[tilespmem:s20], [sflag:$0x3] =	stream.indirect.gather [hbm4b:s2+s16], $0x40, s8, s16, $0xb8;
	[tilespmem:$0x19C00] =	vst v63  }
0x190: {  	_ =	swait.ge [sflag:s31], $0x2000  }
0x191: {  	[sflag:s31] =	ssyncset.done $0x0  }
0x192: {  	s7 =	sadd.s32 $0x2F80, s7;
	[sflag:s31] =	ssyncadd.s32 $0xFFFFE000  }
.Ltmp10:
0x193: {  	_ = 	snop;
	(pc) =	sbr.rel .LBB2_14-.Ltmp10, $1  }
0x194: {  	_ =	sdelay $0x3  }
.LBB2_16:
0x195: {  	_ =	sfence.sel $0x180000  }
0x196: {  	[bflag:$0x0] =	sbarrier.arrive $0xFFFF  }
0x197: {  	_ =	strace $0x9000004A  }
0x198: {  	s0 =	stileid.u32;
	[bflag:$0x2] =	sbarrier.arrive $0xFFFF  }
0x199: {  	p0 =	sne.s32 s0, $0x0;
	s0 =	rddreg [dreg:$0x5]  }
0x19a: {  	s0 =	sadd.s32 @!p0 $0x100000, s0  }
0x19b: {  	[sflag:s0] =	ssyncadd.tile.s32 @!p0 $0x1;
	_ =	shalt  }
.Lfunc_end2:
_tile_overlayer_lowered:
.L_overlay_start_2:
0x19c: {  	(tag) =	ssettag $0x2  }
0x19d: {  	s0 =	rddreg [dreg:$0x0];
	s2 =	stileid.u32  }
0x19e: {  	s1 =	rddreg [dreg:$0x1];
	p0 =	sne.s32 s2, $0x0  }
0x19f: {  	s3 =	rddreg [dreg:$0x2];
	[bflag:$0x3] =	sbarrier.arrive $0xFFFF;
	s2 =	simm.s32 @!p0 $0x1C09  }
0x1a0: {  	[timem:s3], [sflag:s2] =	dma.local @!p0 [hbm:s0], s1  }
0x1a1: {  	s0 =	simm.s32 @!p0 $0x9  }
0x1a2: {  	_ =	swait.ge @!p0 [sflag:s0], s1  }
0x1a3: {  	s1 =	ssub.s32 @!p0 $0x0, s1;
	[sflag:s0] =	ssyncset.done @!p0 $0x0  }
0x1a4: {  	[sflag:s0] =	ssyncadd.s32 @!p0 s1  }
0x1a5: {  	[bflag:$0x3] =	sbarrier.arrive $0xFFFF  }
0x1a6: {  	_ =	shalt  }

// kernel: kernel.14.cloned.1.call-start
scs
__scs_entry_jumppad:
0x0: {  	(pc) =	sbr.rel $0x88, $3  }
0x1: {  	(tag) =	ssettag $0x0;
	lr =	simm.s32 $0x1  }
0x2: {  	[smem:$0x3F99] =	sst lr;
	_ =	strace $0xD0000000  }
0x3: {  	_ = 	snop  }
0x4: {  	_ = 	snop  }
0x5: {  	_ = 	snop  }
0x6: {  	_ = 	snop  }
0x7: {  	_ = 	snop  }
__scs_overlays_trampoline_lowered:
0x8: {  	[smem:$0x3FA8] =	sst s0  }
0x9: {  	[smem:$0x3FA9] =	sst s1  }
0xa: {  	[smem:$0x3FAA] =	sst s2  }
0xb: {  	[smem:$0x3FAB] =	sst s3  }
0xc: {  	[smem:$0x3FAC] =	sst s4  }
0xd: {  	[smem:$0x3FAD] =	sst s5  }
0xe: {  	[smem:$0x3FAE] =	sst s6  }
0xf: {  	[smem:$0x3FAF] =	sst s7  }
0x10: {  	[smem:$0x3FB0] =	sst s8  }
0x11: {  	[smem:$0x3FB1] =	sst s9;
	s0 =	simm.s32 @!p0 $0x0  }
0x12: {  	s1 =	sld [smem:$0x3F97];
	s0 =	simm.s32 @p0 $0x1  }
0x13: {  	[smem:$0x3FB2] =	sst s0;
	s0 =	simm.s32 @!p1 $0x0  }
0x14: {  	s2 =	sld [smem:$0x3F96];
	s0 =	simm.s32 @p1 $0x1  }
0x15: {  	[smem:$0x3FB3] =	sst s0;
	s0 =	simm.s32 @!p2 $0x0  }
0x16: {  	s3 =	sld [smem:$0x3FDB];
	s0 =	simm.s32 @p2 $0x1  }
0x17: {  	s4 =	simm.s32 $0x1BF5;
	[smem:$0x3FB5] =	sst s0  }
0x18: {  	s0 =	sld [smem:$0x3F98];
	_ =	swait.ge [sflag:s4], $0x0  }
0x19: {  	s7 =	sld [smem:$0x3F99]  }
0x1a: {  	s8 =	sadd.s32 $0xFFFFE003, lr  }
0x1b: {  	s9 =	sadd.s32 $0xFFFFFEF7, lr;
	s5 =	simm.s32 $0xFFFFFFFF;
	p2 =	slt.u32 s8, $0xFFFFF086  }
0x1c: {  	p1 =	slt.u32 s9, $0xF7A;
	s5 =	simm.s32 @!p2 $0x0  }
0x1d: {  	s5 =	simm.s32 @p1 $0x1;
	p0 =	seq.s32 s7, s2  }
0x1e: {  	s7 =	smul.u32 @!p0 $0xF7A, s2;
	p2 =	seq.s32 @!p0 s5, $0x0  }
0x1f: {  	s9 =	smul.u32 $0xF7A, s1;
	s8 =	simm.s32 @!p0 $0x1BF5;
	p2 =	por !p2, p0  }
0x20: {  	[sflag:s8] =	ssyncset.s32 @!p0 $0xFFFFF086;
	s6 =	sadd.s32 @!p0 s3, s7;
	s7 =	simm.s32 @!p0 $0x108  }
0x21: {  	s3 =	sadd.s32 s3, s9;
	s6 =	sadd.s32 @!p0 $0x88, s6;
	s7 =	simm.s32 @p2 $0x1082  }
0x22: {  	[simem:s7], [sflag:s8] =	dma.local @!p0 [hbm:s6], $0xF7A  }
0x23: {  	s9 =	sor.u32 $0xD0000000, s2;
	s6 =	simm.s32 $0x108;
	_ =	swait.ge @!p0 [sflag:s8], $0x0  }
0x24: {  	s3 =	sadd.s32 $0x88, s3;
	s6 =	simm.s32 @!p1 $0x1082;
	[sflag:s4] =	ssyncset.s32 $0xFFFFF086  }
0x25: {  	[simem:s6], [sflag:s4] =	dma.local [hbm:s3], $0xF7A  }
0x26: {  	[smem:$0x3F99] =	sst s1;
	(tag) =	ssettag s2;
	_ =	strace s9  }
0x27: {  	s1 =	sld [smem:$0x3FA9]  }
0x28: {  	s2 =	sld [smem:$0x3FAA]  }
0x29: {  	s4 =	sld [smem:$0x3FAC]  }
0x2a: {  	p0 =	seq.s32 s5, $0x0;
	s5 =	sld [smem:$0x3FAD]  }
0x2b: {  	s6 =	sld [smem:$0x3FAE]  }
0x2c: {  	s7 =	sld [smem:$0x3FAF]  }
0x2d: {  	s3 =	simm.s32 $0x108;
	s8 =	sld [smem:$0x3FB0]  }
0x2e: {  	s3 =	simm.s32 @!p0 $0x1082;
	s9 =	sld [smem:$0x3FB1]  }
0x2f: {  	lr =	sadd.s32 s0, s3;
	s0 =	sld [smem:$0x3FA8]  }
0x30: {  	s3 =	sld [smem:$0x3FAB]  }
0x31: {  	[smem:$0x3FB4] =	sst s10  }
0x32: {  	s10 =	sld [smem:$0x3FB2];
	_ =	sdelay $0x3  }
0x33: {  	p0 =	seq.s32 s10, $0x1;
	s10 =	sld [smem:$0x3FB4];
	_ =	sdelay $0x3  }
0x34: {  	[smem:$0x3FB4] =	sst s10  }
0x35: {  	s10 =	sld [smem:$0x3FB3];
	_ =	sdelay $0x3  }
0x36: {  	p1 =	seq.s32 s10, $0x1;
	s10 =	sld [smem:$0x3FB4];
	_ =	sdelay $0x3  }
0x37: {  	[smem:$0x3FB4] =	sst s10  }
0x38: {  	s10 =	sld [smem:$0x3FB5]  }
0x39: {  	_ = 	snop;
	(pc) =	sbr.ind lr, $3  }
0x3a: {  	_ = 	snop  }
0x3b: {  	_ = 	snop  }
0x3c: {  	p2 =	seq.s32 s10, $0x1;
	s10 =	sld [smem:$0x3FB4]  }
0x3d: {  	_ =	shalt  }
0x3e: {  	_ =	shalt  }
0x3f: {  	_ =	shalt  }
0x40: {  	_ =	shalt  }
0x41: {  	_ =	shalt  }
0x42: {  	_ =	shalt  }
0x43: {  	_ =	shalt  }
0x44: {  	_ =	shalt  }
0x45: {  	_ =	shalt  }
0x46: {  	_ =	shalt  }
0x47: {  	_ =	shalt  }
0x48: {  	_ =	shalt  }
0x49: {  	_ =	shalt  }
0x4a: {  	_ =	shalt  }
0x4b: {  	_ =	shalt  }
0x4c: {  	_ =	shalt  }
0x4d: {  	_ =	shalt  }
0x4e: {  	_ =	shalt  }
0x4f: {  	_ =	shalt  }
0x50: {  	_ =	shalt  }
0x51: {  	_ =	shalt  }
0x52: {  	_ =	shalt  }
0x53: {  	_ =	shalt  }
0x54: {  	_ =	shalt  }
0x55: {  	_ =	shalt  }
0x56: {  	_ =	shalt  }
0x57: {  	_ =	shalt  }
0x58: {  	_ =	shalt  }
0x59: {  	_ =	shalt  }
0x5a: {  	_ =	shalt  }
0x5b: {  	_ =	shalt  }
0x5c: {  	_ =	shalt  }
0x5d: {  	_ =	shalt  }
0x5e: {  	_ =	shalt  }
0x5f: {  	_ =	shalt  }
0x60: {  	_ =	shalt  }
0x61: {  	_ =	shalt  }
0x62: {  	_ =	shalt  }
0x63: {  	_ =	shalt  }
0x64: {  	_ =	shalt  }
0x65: {  	_ =	shalt  }
0x66: {  	_ =	shalt  }
0x67: {  	_ =	shalt  }
0x68: {  	_ =	shalt  }
0x69: {  	_ =	shalt  }
0x6a: {  	_ =	shalt  }
0x6b: {  	_ =	shalt  }
0x6c: {  	_ =	shalt  }
0x6d: {  	_ =	shalt  }
0x6e: {  	_ =	shalt  }
0x6f: {  	_ =	shalt  }
0x70: {  	_ =	shalt  }
0x71: {  	_ =	shalt  }
0x72: {  	_ =	shalt  }
0x73: {  	_ =	shalt  }
0x74: {  	_ =	shalt  }
0x75: {  	_ =	shalt  }
0x76: {  	_ =	shalt  }
0x77: {  	_ =	shalt  }
0x78: {  	_ =	shalt  }
0x79: {  	_ =	shalt  }
0x7a: {  	_ =	shalt  }
0x7b: {  	_ =	shalt  }
0x7c: {  	_ =	shalt  }
0x7d: {  	_ =	shalt  }
0x7e: {  	_ =	shalt  }
0x7f: {  	_ =	shalt  }
0x80: {  	_ =	shalt  }
0x81: {  	_ =	shalt  }
0x82: {  	_ =	shalt  }
0x83: {  	_ =	shalt  }
0x84: {  	_ =	shalt  }
0x85: {  	_ =	shalt  }
0x86: {  	_ =	shalt  }
0x87: {  	_ =	shalt  }
.Lfunc_end0:
.L_simem_size_0:
called_computation.2_lowered:
.L_overlay_start_0:
0x88: {  	s2 =	sld [smem:$0x3FD9]  }
0x89: {  	s3 =	sld [smem:$0x3FFE];
	_ =	sdelay $0x1  }
0x8a: {  	s1 =	srdreg.scid  }
0x8b: {  	s0 =	sand.u32 $0x1, s1  }
0x8c: {  	s14 =	sshll.u32 s0, $0xA;
	s2 =	sadd.s32 s3, s2  }
0x8d: {  	s2 =	sadd.s32 s2, s14  }
0x8e: {  	[smem:$0x3FC0] =	sst s2  }
0x8f: {  	_ = 	snop  }
0x90: {  	s2 =	sld [smem:$0x3FD0];
	_ =	sdelay $0x2  }
0x91: {  	s15 =	simm.s32 $0xA;
	s4 =	simm.s32 $0x10  }
0x92: {  	[smem:s4], [sflag:s15] =	dma.local [hbm:s2], $0x1  }
0x93: {  	_ =	swait.eq [sflag:s15], $0x1  }
0x94: {  	s16 =	sld [smem:$0x10];
	[sflag:s15] =	ssyncset.done $0x0  }
0x95: {  	s17 =	sld [smem:$0x11];
	[sflag:s15] =	ssyncadd.s32 $0xFFFFFFFF  }
0x96: {  	s18 =	sld [smem:$0x12];
	(tm) =	ssettm $0x1  }
0x97: {  	s5 =	sld [smem:$0x3FFB];
	_ =	sdelay $0x3  }
0x98: {  	_ =	strace s5  }
0x99: {  	s5 =	sld [smem:$0x3FFC];
	_ =	sdelay $0x3  }
0x9a: {  	_ =	strace s5  }
0x9b: {  	s5 =	sld [smem:$0x3FFD];
	_ =	sdelay $0x3  }
0x9c: {  	_ =	strace s5  }
0x9d: {  	_ =	strace $0x8FFFFFFF  }
0x9e: {  	s19 =	sld [smem:$0x3FDB];
	_ =	sdelay $0x1  }
0x9f: {  	s6 =	simm.s32 $_scs_section_size  }
0xa0: {  	s7 =	simm.s32 $_size__tile_overlayer_lowered;
	s8 =	simm.s32 $_tile_overlayer_lowered  }
0xa1: {  	s22 =	simm.s32 $0x1BFF;
	s21 =	sshll.u32 s8, $0x1;
	s5 =	sadd.s32 s6, s19  }
0xa2: {  	s9 =	simm.s32 $0x0;
	s20 =	sshll.u32 s7, $0x1;
	s7 =	sadd.s32 s21, s5  }
0xa3: {  	[timem:s9], [sflag:s22] =	dma.local [hbm:s7], s20  }
0xa4: {  	_ =	swait.ge [sflag:s22], s20  }
0xa5: {  	s6 =	ssub.s32 $0x0, s20;
	[sflag:s22] =	ssyncset.done $0x0  }
0xa6: {  	[sflag:s22] =	ssyncadd.s32 s6;
	_ =	sdelay $0x1  }
0xa7: {  	s23 =	simm.s32 $0x1B8B  }
0xa8: {  	_ =	swait.ge [sflag:s23], $0x1  }
0xa9: {  	[sflag:s23] =	ssyncset.done $0x0  }
0xaa: {  	s25 =	simm.s32 $0x1B8E;
	s24 =	sld [smem:$0x3FFE];
	[sflag:s23] =	ssyncadd.s32 $0xFFFFFFFF  }
0xab: {  	s26 =	simm.s32 $execute0_lowered;
	[smem:$0x3FD2] =	sst s25  }
0xac: {  	s7 =	sshll.u32 s26, $0x1;
	_ =	strace $0x8000004C;
	[dreg:$0x1] =	wrdreg $0xFFFFFFFF  }
0xad: {  	s28 =	simm.s32 $_size_execute0_lowered;
	s5 =	sadd.s32 s5, s7;
	[dreg:$0x0] =	wrdreg $0x0  }
0xae: {  	s7 =	sshll.u32 s28, $0x1;
	[dreg:$0x2] =	wrdreg s5  }
0xaf: {  	[dreg:$0x3] =	wrdreg s7  }
0xb0: {  	[dreg:$0x4] =	wrdreg $0xC0  }
0xb1: {  	_ =	task [dreg:s9], $0x5FFFF  }
0xb2: {  	[dreg:$0x1] =	wrdreg $0xFFFFFFFF  }
0xb3: {  	[dreg:$0x0] =	wrdreg $0x60  }
0xb4: {  	[dreg:$0x2] =	wrdreg s18  }
0xb5: {  	[dreg:$0x3] =	wrdreg s17  }
0xb6: {  	[dreg:$0x4] =	wrdreg s24  }
0xb7: {  	[dreg:$0x5] =	wrdreg s16  }
0xb8: {  	[dreg:$0x6] =	wrdreg $0xFC000  }
0xb9: {  	[dreg:$0x7] =	wrdreg $0x9  }
0xba: {  	_ =	task.clear_ibuf [dreg:s9], $0x8FFFF;
	_ =	strace $0x9000004C  }
0xbb: {  	s29 =	simm.s32 $0x9;
	_ =	strace $0x8000004E  }
0xbc: {  	_ =	swait.ge [sflag:s29], $0x1  }
0xbd: {  	[sflag:s29] =	ssyncadd.s32 $0xFFFFFFFF  }
0xbe: {  	_ =	strace $0x9000004E  }
0xbf: {  	_ =	sfence  }
0xc0: {  	s30 =	sld [smem:$0x0];
	_ =	sdelay $0x2  }
0xc1: {  	s31 =	sshll.u32 s1, $0xD;
	s1 =	sshrl.u32 s1, $0x2  }
0xc2: {  	s3 =	sand.u32 $0x4000, s31;
	s1 =	sadd.s32 s1, s30  }
0xc3: {  	s0 =	sor.u32 s3, s0;
	s1 =	sshll.u32 s1, $0x11  }
0xc4: {  	s0 =	sor.u32 s1, s0  }
0xc5: {  	s0 =	sadd.s32 $0x8F2B, s0  }
0xc6: {  	[sflag:s0] =	ssyncadd.remote.s32 $0x1  }
0xc7: {  	_ =	sfence.sel $0xFFFF  }
0xc8: {  	[dreg:$0x0] =	wrdreg $0xFFFFFFFF;
	(pc) =	sbr.abs _section_cstart, $3  }
0xc9: {  	[dreg:$0x1] =	wrdreg $0xFFFFFFFF  }
0xca: {  	_ =	task.clear_ibuf [dreg:s9], $0x2FFFF;
	_ =	strace $0x9FFFFFFF  }
0xcb: {  	(tm) =	ssettm $0x7FFFFFFF  }
tec
execute0_lowered:
.L_overlay_start_1:
0x0: {  	(tag) =	ssettag $0x1  }
0x1: {  	s1 =	rddreg [dreg:$0x0]  }
0x2: {  	s2 =	rddreg [dreg:$0x1]  }
0x3: {  	s0 =	rddreg [dreg:$0x2];
	s3 =	srdreg.scid  }
0x4: {  	s13 =	stileid.u32;
	s5 =	rddreg [dreg:$0x3]  }
0x5: {  	s4 =	rddreg [dreg:$0x4];
	s8 =	simm.s32 $0x0;
	s16 =	simm.s32 $0x80  }
0x6: {  	s17 =	simm.s32 $0x7C00;
	s18 =	simm.s32 $0x9C00;
	s28 =	simm.s32 $0x5  }
0x7: {  	s29 =	simm.s32 $0x6;
	s30 =	simm.s32 $0x7;
	s6 =	smul.u32 $0xA0, s13  }
0x8: {  	s31 =	simm.s32 $0x8;
	s3 =	sand.u32 $0x1, s3;
	s9 =	smul.u32 $0xA000, s13  }
0x9: {  	s19 =	simm.s32 $0x7B80;
	[smem:$0x7FF] =	sst s8;
	s7 =	smul.u32 $0x24, s3  }
0xa: {  	s26 =	sshll.u32 s13, $0x6;
	s13 =	simm.s32 $0x7B00;
	s20 =	smul.u32 $0xA0000, s3  }
0xb: {  	_ =	strace $0x8000004D;
	s22 =	ssub.s32 $0x2, s3;
	p0 =	sne.s32 s3, $0x0  }
0xc: {  	s14 =	sor.u32 $0x1C09, s26;
	s26 =	simm.s32 $0x4;
	s3 =	simm.s32 $0x7A00  }
0xd: {  	s12 =	sshrl.u32 s22, $0x1;
	s25 =	sadd.s32 s9, s4;
	s6 =	sadd.s32 s7, s6  }
0xe: {  	s21 =	sadd.s32 s9, s20;
	s23 =	ssub.s32 s22, s12;
	s12 =	simm.s32 $0x9  }
0xf: {  	s15 =	sshrl.u32 s25, $0x3;
	s20 =	simm.s32 $0xBC00;
	s22 =	simm.s32 $0xDC00  }
0x10: {  	s25 =	simm.s32 $0x3;
	s7 =	sshll.u32 s6, $0x4;
	s11 =	sshrl.u32 s21, $0x3  }
.Ltmp0:
0x11: {  	s6 =	sadd.s32 $0x5CE00, s0;
	s21 =	simm.s32 $0x0;
	(pc) =	sbr.rel .LBB2_1-.Ltmp0, $4  }
0x12: {  	s10 =	sadd.s32 s7, s0;
	s0 =	sadd.s32 s11, s0;
	s5 =	sadd.s32 s5, s7  }
0x13: {  	s11 =	smax.u32 s23, $0x1;
	s23 =	simm.s32 $0x1;
	s24 =	sadd.s32 $0x2E00, s10  }
0x14: {  	[dreg:$0x7] =	wrdreg s5;
	s9 =	sadd.s32 $0x86200, s0;
	s10 =	sadd.s32 $0x5E200, s0  }
0x15: {  	s0 =	simm.s32 $0x7A80;
	[dreg:$0x6] =	wrdreg s24;
	s24 =	simm.s32 $0x2  }
.LBB2_14:
0x16: {  	[tilespmem:s22], [sflag:$0x4] =	stream.indirect.gather [hbm4b:s2+s16], $0x40, s7, s16, $0xb8;
	[tilespmem:$0x19C00] =	vst v63  }
.LBB2_15:
0x17: {  	_ =	swait.ge [sflag:s23], $0x2000  }
0x18: {  	[sflag:s23] =	ssyncset.done $0x0  }
0x19: {  	[sflag:s23] =	ssyncadd.s32 $0xFFFFE000  }
0x1a: {  	[spmem:s4] =	stream.indirect.scatter.add.f32 [tilespmem:s17], [sflag:$0x5], $0x40, s3, s16, $0xb8;
	[tilespmem:$0x19C00] =	vst v63  }
0x1b: {  	_ =	swait.ge [sflag:s24], $0x2000  }
0x1c: {  	[sflag:s24] =	ssyncset.done $0x0  }
0x1d: {  	[sflag:s24] =	ssyncadd.s32 $0xFFFFE000  }
0x1e: {  	[spmem:s4] =	stream.indirect.scatter.add.f32 [tilespmem:s18], [sflag:$0x6], $0x40, s0, s16, $0xb8;
	[tilespmem:$0x19C00] =	vst v63  }
0x1f: {  	_ =	swait.ge [sflag:s25], $0x2000  }
0x20: {  	[sflag:s25] =	ssyncset.done $0x0  }
0x21: {  	[sflag:s25] =	ssyncadd.s32 $0xFFFFE000  }
0x22: {  	[spmem:s4] =	stream.indirect.scatter.add.f32 [tilespmem:s20], [sflag:$0x7], $0x40, s13, s16, $0xb8;
	[tilespmem:$0x19C00] =	vst v63  }
0x23: {  	_ =	swait.ge [sflag:s26], $0x2000  }
0x24: {  	[sflag:s26] =	ssyncset.done $0x0  }
0x25: {  	[sflag:s26] =	ssyncadd.s32 $0xFFFFE000  }
0x26: {  	[spmem:s4] =	stream.indirect.scatter.add.f32 [tilespmem:s22], [sflag:$0x8], $0x40, s19, s16, $0xb8;
	[tilespmem:$0x19C00] =	vst v63  }
0x27: {  	_ =	swait.ge [sflag:s28], $0x2000  }
0x28: {  	[sflag:s28] =	ssyncset.done $0x0  }
0x29: {  	[sflag:s28] =	ssyncadd.s32 $0xFFFFE000  }
0x2a: {  	_ =	swait.ge [sflag:s29], $0x2000  }
0x2b: {  	[sflag:s29] =	ssyncset.done $0x0  }
0x2c: {  	[sflag:s29] =	ssyncadd.s32 $0xFFFFE000  }
0x2d: {  	_ =	swait.ge [sflag:s30], $0x2000  }
0x2e: {  	[sflag:s30] =	ssyncset.done $0x0  }
0x2f: {  	[sflag:s30] =	ssyncadd.s32 $0xFFFFE000  }
0x30: {  	_ =	swait.ge [sflag:s31], $0x2000  }
0x31: {  	s21 =	sadd.s32 $0x1, s21;
	[sflag:s31] =	ssyncset.done $0x0  }
0x32: {  	p1 =	sne.s32 s21, s11;
	[sflag:s31] =	ssyncadd.s32 $0xFFFFE000  }
.Ltmp1:
0x33: {  	[bflag:$0x0] =	sbarrier.arrive $0xFFFF;
	(pc) =	sbr.rel @!p1 .LBB2_16-.Ltmp1, $4  }
0x34: {  	[hbm:s10], [sflag:s14] =	dma.local [spmem:s15], $0x1400  }
0x35: {  	_ =	swait.ge [sflag:s12], $0x1400  }
0x36: {  	[sflag:s12] =	ssyncset.done $0x0  }
0x37: {  	[sflag:s12] =	ssyncadd.s32 $0xFFFFEC00  }
.LBB2_1:
0x38: {  	s5 =	simm.s32 $0x0;
	s7 =	rddreg [dreg:$0x6]  }
0x39: {  	[tilespmem:s5], [sflag:$0x9] =	stream.linear.gather [hbm4b:s7+s5], $0x3E00, $0x38;
	[tilespmem:$0x19C00] =	vst v63  }
0x3a: {  	_ =	swait.ge [sflag:s12], $0x3E00  }
0x3b: {  	[sflag:s12] =	ssyncset.done $0x0  }
0x3c: {  	s8 =	simm.s32 $0x3E00;
	s7 =	rddreg [dreg:$0x7];
	[sflag:s12] =	ssyncadd.s32 $0xFFFFC200  }
0x3d: {  	[tilespmem:s8], [sflag:$0x9] =	stream.linear.gather [hbm4b:s7+s5], $0x3E00, $0x38;
	[tilespmem:$0x19C00] =	vst v63  }
0x3e: {  	_ =	swait.ge [sflag:s12], $0x3E00  }
0x3f: {  	[sflag:s12] =	ssyncset.done $0x0  }
0x40: {  	[sflag:s12] =	ssyncadd.s32 $0xFFFFC200  }
0x41: {  	[spmem:s15], [sflag:s14] =	dma.local [hbm:s6], $0x1400  }
.Ltmp2:
0x42: {  	_ =	swait.ge [sflag:s12], $0x1400;
	(pc) =	sbr.rel @p0 .LBB2_5-.Ltmp2, $3  }
0x43: {  	[sflag:s12] =	ssyncset.done $0x0  }
0x44: {  	[sflag:s12] =	ssyncadd.s32 $0xFFFFEC00  }
0x45: {  	[bflag:$0x0] =	sbarrier.arrive $0xFFFF;
	_ =	sdelay $0x1  }
0x46: {  	s5 =	simm.s32 $0x0  }
0x47: {  	[tilespmem:s17], [sflag:$0x1] =	stream.indirect.gather [hbm4b:s1+s16], $0x40, s5, s16, $0xb8;
	[tilespmem:$0x19C00] =	vst v63  }
0x48: {  	_ = 	snop  }
0x49: {  	[tilespmem:s18], [sflag:$0x2] =	stream.indirect.gather [hbm4b:s1+s16], $0x40, s16, s16, $0xb8;
	[tilespmem:$0x19C00] =	vst v63  }
0x4a: {  	s8 =	simm.s32 $0x100  }
0x4b: {  	[tilespmem:s20], [sflag:$0x3] =	stream.indirect.gather [hbm4b:s1+s16], $0x40, s8, s16, $0xb8;
	[tilespmem:$0x19C00] =	vst v63  }
0x4c: {  	s7 =	simm.s32 $0x180  }
0x4d: {  	[tilespmem:s22], [sflag:$0x4] =	stream.indirect.gather [hbm4b:s1+s16], $0x40, s7, s16, $0xb8;
	[tilespmem:$0x19C00] =	vst v63  }
0x4e: {  	_ =	swait.ge [sflag:s23], $0x2000  }
0x4f: {  	[sflag:s23] =	ssyncset.done $0x0  }
0x50: {  	s8 =	simm.s32 $0x3E00;
	[sflag:s23] =	ssyncadd.s32 $0xFFFFE000  }
0x51: {  	[spmem:s4] =	stream.indirect.scatter.add.f32 [tilespmem:s17], [sflag:$0x5], $0x40, s8, s16, $0xb8;
	[tilespmem:$0x19C00] =	vst v63  }
0x52: {  	_ =	swait.ge [sflag:s24], $0x2000  }
0x53: {  	[sflag:s24] =	ssyncset.done $0x0  }
0x54: {  	s7 =	simm.s32 $0x3E80;
	[sflag:s24] =	ssyncadd.s32 $0xFFFFE000  }
0x55: {  	[spmem:s4] =	stream.indirect.scatter.add.f32 [tilespmem:s18], [sflag:$0x6], $0x40, s7, s16, $0xb8;
	[tilespmem:$0x19C00] =	vst v63  }
0x56: {  	_ =	swait.ge [sflag:s25], $0x2000  }
0x57: {  	[sflag:s25] =	ssyncset.done $0x0  }
0x58: {  	s8 =	simm.s32 $0x3F00;
	[sflag:s25] =	ssyncadd.s32 $0xFFFFE000  }
0x59: {  	[spmem:s4] =	stream.indirect.scatter.add.f32 [tilespmem:s20], [sflag:$0x7], $0x40, s8, s16, $0xb8;
	[tilespmem:$0x19C00] =	vst v63  }
0x5a: {  	_ =	swait.ge [sflag:s26], $0x2000  }
0x5b: {  	[sflag:s26] =	ssyncset.done $0x0  }
0x5c: {  	s7 =	simm.s32 $0x3F80;
	[sflag:s26] =	ssyncadd.s32 $0xFFFFE000  }
0x5d: {  	[spmem:s4] =	stream.indirect.scatter.add.f32 [tilespmem:s22], [sflag:$0x8], $0x40, s7, s16, $0xb8;
	[tilespmem:$0x19C00] =	vst v63  }
0x5e: {  	_ =	swait.ge [sflag:s28], $0x2000  }
0x5f: {  	[sflag:s28] =	ssyncset.done $0x0  }
0x60: {  	s8 =	simm.s32 $0x200;
	[sflag:s28] =	ssyncadd.s32 $0xFFFFE000  }
0x61: {  	[tilespmem:s17], [sflag:$0x1] =	stream.indirect.gather [hbm4b:s1+s16], $0x40, s8, s16, $0xb8;
	[tilespmem:$0x19C00] =	vst v63  }
0x62: {  	_ =	swait.ge [sflag:s29], $0x2000  }
0x63: {  	[sflag:s29] =	ssyncset.done $0x0  }
0x64: {  	s7 =	simm.s32 $0x280;
	[sflag:s29] =	ssyncadd.s32 $0xFFFFE000  }
0x65: {  	[tilespmem:s18], [sflag:$0x2] =	stream.indirect.gather [hbm4b:s1+s16], $0x40, s7, s16, $0xb8;
	[tilespmem:$0x19C00] =	vst v63  }
0x66: {  	_ =	swait.ge [sflag:s30], $0x2000  }
0x67: {  	[sflag:s30] =	ssyncset.done $0x0  }
0x68: {  	s8 =	simm.s32 $0x300;
	[sflag:s30] =	ssyncadd.s32 $0xFFFFE000  }
0x69: {  	[tilespmem:s20], [sflag:$0x3] =	stream.indirect.gather [hbm4b:s1+s16], $0x40, s8, s16, $0xb8;
	[tilespmem:$0x19C00] =	vst v63  }
0x6a: {  	_ =	swait.ge [sflag:s31], $0x2000  }
0x6b: {  	[sflag:s31] =	ssyncset.done $0x0  }
0x6c: {  	s5 =	simm.s32 $0x800;
	s7 =	simm.s32 $0x380;
	[sflag:s31] =	ssyncadd.s32 $0xFFFFE000  }
.LBB2_3:
0x6d: {  	[tilespmem:s22], [sflag:$0x4] =	stream.indirect.gather [hbm4b:s1+s16], $0x40, s7, s16, $0xb8;
	[tilespmem:$0x19C00] =	vst v63  }
0x6e: {  	s7 =	smov.u32 s5  }
0x6f: {  	p1 =	seq.s32 s5, $0xE800;
	s5 =	sadd.s32 $0x800, s5;
	_ =	swait.ge [sflag:s23], $0x2000  }
0x70: {  	s7 =	sshra.s32 s7, $0x2;
	[sflag:s23] =	ssyncset.done $0x0  }
0x71: {  	s8 =	sadd.s32 $0x3E00, s7;
	[sflag:s23] =	ssyncadd.s32 $0xFFFFE000  }
0x72: {  	[spmem:s4] =	stream.indirect.scatter.add.f32 [tilespmem:s17], [sflag:$0x5], $0x40, s8, s16, $0xb8;
	[tilespmem:$0x19C00] =	vst v63  }
0x73: {  	_ =	swait.ge [sflag:s24], $0x2000  }
0x74: {  	[sflag:s24] =	ssyncset.done $0x0  }
0x75: {  	s8 =	sadd.s32 $0x3E80, s7;
	[sflag:s24] =	ssyncadd.s32 $0xFFFFE000  }
0x76: {  	[spmem:s4] =	stream.indirect.scatter.add.f32 [tilespmem:s18], [sflag:$0x6], $0x40, s8, s16, $0xb8;
	[tilespmem:$0x19C00] =	vst v63  }
0x77: {  	_ =	swait.ge [sflag:s25], $0x2000  }
0x78: {  	[sflag:s25] =	ssyncset.done $0x0  }
0x79: {  	s8 =	sadd.s32 $0x3F00, s7;
	[sflag:s25] =	ssyncadd.s32 $0xFFFFE000  }
0x7a: {  	[spmem:s4] =	stream.indirect.scatter.add.f32 [tilespmem:s20], [sflag:$0x7], $0x40, s8, s16, $0xb8;
	[tilespmem:$0x19C00] =	vst v63  }
0x7b: {  	_ =	swait.ge [sflag:s26], $0x2000  }
0x7c: {  	[sflag:s26] =	ssyncset.done $0x0  }
0x7d: {  	s8 =	sadd.s32 $0x3F80, s7;
	[sflag:s26] =	ssyncadd.s32 $0xFFFFE000  }
0x7e: {  	[spmem:s4] =	stream.indirect.scatter.add.f32 [tilespmem:s22], [sflag:$0x8], $0x40, s8, s16, $0xb8;
	[tilespmem:$0x19C00] =	vst v63  }
0x7f: {  	_ =	swait.ge [sflag:s28], $0x2000  }
0x80: {  	[sflag:s28] =	ssyncset.done $0x0  }
0x81: {  	s8 =	sadd.s32 $0x200, s7;
	[sflag:s28] =	ssyncadd.s32 $0xFFFFE000  }
0x82: {  	[tilespmem:s17], [sflag:$0x1] =	stream.indirect.gather [hbm4b:s1+s16], $0x40, s8, s16, $0xb8;
	[tilespmem:$0x19C00] =	vst v63  }
0x83: {  	_ =	swait.ge [sflag:s29], $0x2000  }
0x84: {  	[sflag:s29] =	ssyncset.done $0x0  }
0x85: {  	s8 =	sadd.s32 $0x280, s7;
	[sflag:s29] =	ssyncadd.s32 $0xFFFFE000  }
0x86: {  	[tilespmem:s18], [sflag:$0x2] =	stream.indirect.gather [hbm4b:s1+s16], $0x40, s8, s16, $0xb8;
	[tilespmem:$0x19C00] =	vst v63  }
0x87: {  	_ =	swait.ge [sflag:s30], $0x2000  }
0x88: {  	[sflag:s30] =	ssyncset.done $0x0  }
.Ltmp3:
0x89: {  	s8 =	sadd.s32 $0x300, s7;
	[sflag:s30] =	ssyncadd.s32 $0xFFFFE000;
	(pc) =	sbr.rel @!p1 .LBB2_3-.Ltmp3, $4  }
0x8a: {  	[tilespmem:s20], [sflag:$0x3] =	stream.indirect.gather [hbm4b:s1+s16], $0x40, s8, s16, $0xb8;
	[tilespmem:$0x19C00] =	vst v63  }
0x8b: {  	_ =	swait.ge [sflag:s31], $0x2000  }
0x8c: {  	[sflag:s31] =	ssyncset.done $0x0  }
0x8d: {  	s7 =	sadd.s32 $0x380, s7;
	[sflag:s31] =	ssyncadd.s32 $0xFFFFE000  }
.Ltmp4:
0x8e: {  	(pc) =	sbr.rel .LBB2_8-.Ltmp4, $2  }
0x8f: {  	_ =	sdelay $0x2  }
0x90: {  	[tilespmem:s22], [sflag:$0x4] =	stream.indirect.gather [hbm4b:s1+s16], $0x40, s7, s16, $0xb8;
	[tilespmem:$0x19C00] =	vst v63  }
.LBB2_5:
0x91: {  	s5 =	simm.s32 $0x2C00  }
0x92: {  	[tilespmem:s17], [sflag:$0x1] =	stream.indirect.gather [hbm4b:s1+s16], $0x40, s5, s16, $0xb8;
	[tilespmem:$0x19C00] =	vst v63  }
0x93: {  	s7 =	simm.s32 $0x2C80  }
0x94: {  	[tilespmem:s18], [sflag:$0x2] =	stream.indirect.gather [hbm4b:s1+s16], $0x40, s7, s16, $0xb8;
	[tilespmem:$0x19C00] =	vst v63  }
0x95: {  	s8 =	simm.s32 $0x2D00  }
0x96: {  	[tilespmem:s20], [sflag:$0x3] =	stream.indirect.gather [hbm4b:s1+s16], $0x40, s8, s16, $0xb8;
	[tilespmem:$0x19C00] =	vst v63  }
0x97: {  	s7 =	simm.s32 $0x2D80  }
0x98: {  	[tilespmem:s22], [sflag:$0x4] =	stream.indirect.gather [hbm4b:s1+s16], $0x40, s7, s16, $0xb8;
	[tilespmem:$0x19C00] =	vst v63  }
0x99: {  	_ =	swait.ge [sflag:s23], $0x2000  }
0x9a: {  	[sflag:s23] =	ssyncset.done $0x0  }
0x9b: {  	s8 =	simm.s32 $0x6A00;
	[sflag:s23] =	ssyncadd.s32 $0xFFFFE000  }
0x9c: {  	[spmem:s4] =	stream.indirect.scatter.add.f32 [tilespmem:s17], [sflag:$0x5], $0x40, s8, s16, $0xb8;
	[tilespmem:$0x19C00] =	vst v63  }
0x9d: {  	_ =	swait.ge [sflag:s24], $0x2000  }
0x9e: {  	[sflag:s24] =	ssyncset.done $0x0  }
0x9f: {  	s7 =	simm.s32 $0x6A80;
	[sflag:s24] =	ssyncadd.s32 $0xFFFFE000  }
0xa0: {  	[spmem:s4] =	stream.indirect.scatter.add.f32 [tilespmem:s18], [sflag:$0x6], $0x40, s7, s16, $0xb8;
	[tilespmem:$0x19C00] =	vst v63  }
0xa1: {  	_ =	swait.ge [sflag:s25], $0x2000  }
0xa2: {  	[sflag:s25] =	ssyncset.done $0x0  }
0xa3: {  	s8 =	simm.s32 $0x6B00;
	[sflag:s25] =	ssyncadd.s32 $0xFFFFE000  }
0xa4: {  	[spmem:s4] =	stream.indirect.scatter.add.f32 [tilespmem:s20], [sflag:$0x7], $0x40, s8, s16, $0xb8;
	[tilespmem:$0x19C00] =	vst v63  }
0xa5: {  	_ =	swait.ge [sflag:s26], $0x2000  }
0xa6: {  	[sflag:s26] =	ssyncset.done $0x0  }
0xa7: {  	s7 =	simm.s32 $0x6B80;
	[sflag:s26] =	ssyncadd.s32 $0xFFFFE000  }
0xa8: {  	[spmem:s4] =	stream.indirect.scatter.add.f32 [tilespmem:s22], [sflag:$0x8], $0x40, s7, s16, $0xb8;
	[tilespmem:$0x19C00] =	vst v63  }
0xa9: {  	_ =	swait.ge [sflag:s28], $0x2000  }
0xaa: {  	[sflag:s28] =	ssyncset.done $0x0  }
0xab: {  	s8 =	simm.s32 $0x2E00;
	[sflag:s28] =	ssyncadd.s32 $0xFFFFE000  }
0xac: {  	[tilespmem:s17], [sflag:$0x1] =	stream.indirect.gather [hbm4b:s1+s16], $0x40, s8, s16, $0xb8;
	[tilespmem:$0x19C00] =	vst v63  }
0xad: {  	_ =	swait.ge [sflag:s29], $0x2000  }
0xae: {  	[sflag:s29] =	ssyncset.done $0x0  }
0xaf: {  	s7 =	simm.s32 $0x2E80;
	[sflag:s29] =	ssyncadd.s32 $0xFFFFE000  }
0xb0: {  	[tilespmem:s18], [sflag:$0x2] =	stream.indirect.gather [hbm4b:s1+s16], $0x40, s7, s16, $0xb8;
	[tilespmem:$0x19C00] =	vst v63  }
0xb1: {  	_ =	swait.ge [sflag:s30], $0x2000  }
0xb2: {  	[sflag:s30] =	ssyncset.done $0x0  }
0xb3: {  	s8 =	simm.s32 $0x2F00;
	[sflag:s30] =	ssyncadd.s32 $0xFFFFE000  }
0xb4: {  	[tilespmem:s20], [sflag:$0x3] =	stream.indirect.gather [hbm4b:s1+s16], $0x40, s8, s16, $0xb8;
	[tilespmem:$0x19C00] =	vst v63  }
0xb5: {  	_ =	swait.ge [sflag:s31], $0x2000  }
0xb6: {  	[sflag:s31] =	ssyncset.done $0x0  }
0xb7: {  	s5 =	simm.s32 $0x800;
	s7 =	simm.s32 $0x2F80;
	[sflag:s31] =	ssyncadd.s32 $0xFFFFE000  }
.LBB2_6:
0xb8: {  	[tilespmem:s22], [sflag:$0x4] =	stream.indirect.gather [hbm4b:s1+s16], $0x40, s7, s16, $0xb8;
	[tilespmem:$0x19C00] =	vst v63  }
0xb9: {  	s7 =	smov.u32 s5  }
0xba: {  	p1 =	sne.s32 s5, $0x3800;
	s5 =	sadd.s32 $0x800, s5;
	_ =	swait.ge [sflag:s23], $0x2000  }
0xbb: {  	s7 =	sshra.s32 s7, $0x2;
	[sflag:s23] =	ssyncset.done $0x0  }
0xbc: {  	s8 =	sadd.s32 $0x6A00, s7;
	[sflag:s23] =	ssyncadd.s32 $0xFFFFE000  }
0xbd: {  	[spmem:s4] =	stream.indirect.scatter.add.f32 [tilespmem:s17], [sflag:$0x5], $0x40, s8, s16, $0xb8;
	[tilespmem:$0x19C00] =	vst v63  }
0xbe: {  	_ =	swait.ge [sflag:s24], $0x2000  }
0xbf: {  	[sflag:s24] =	ssyncset.done $0x0  }
0xc0: {  	s8 =	sadd.s32 $0x6A80, s7;
	[sflag:s24] =	ssyncadd.s32 $0xFFFFE000  }
0xc1: {  	[spmem:s4] =	stream.indirect.scatter.add.f32 [tilespmem:s18], [sflag:$0x6], $0x40, s8, s16, $0xb8;
	[tilespmem:$0x19C00] =	vst v63  }
0xc2: {  	_ =	swait.ge [sflag:s25], $0x2000  }
0xc3: {  	[sflag:s25] =	ssyncset.done $0x0  }
0xc4: {  	s8 =	sadd.s32 $0x6B00, s7;
	[sflag:s25] =	ssyncadd.s32 $0xFFFFE000  }
0xc5: {  	[spmem:s4] =	stream.indirect.scatter.add.f32 [tilespmem:s20], [sflag:$0x7], $0x40, s8, s16, $0xb8;
	[tilespmem:$0x19C00] =	vst v63  }
0xc6: {  	_ =	swait.ge [sflag:s26], $0x2000  }
0xc7: {  	[sflag:s26] =	ssyncset.done $0x0  }
0xc8: {  	s8 =	sadd.s32 $0x6B80, s7;
	[sflag:s26] =	ssyncadd.s32 $0xFFFFE000  }
0xc9: {  	[spmem:s4] =	stream.indirect.scatter.add.f32 [tilespmem:s22], [sflag:$0x8], $0x40, s8, s16, $0xb8;
	[tilespmem:$0x19C00] =	vst v63  }
0xca: {  	_ =	swait.ge [sflag:s28], $0x2000  }
0xcb: {  	[sflag:s28] =	ssyncset.done $0x0  }
0xcc: {  	s8 =	sadd.s32 $0x2E00, s7;
	[sflag:s28] =	ssyncadd.s32 $0xFFFFE000  }
0xcd: {  	[tilespmem:s17], [sflag:$0x1] =	stream.indirect.gather [hbm4b:s1+s16], $0x40, s8, s16, $0xb8;
	[tilespmem:$0x19C00] =	vst v63  }
0xce: {  	_ =	swait.ge [sflag:s29], $0x2000  }
0xcf: {  	[sflag:s29] =	ssyncset.done $0x0  }
0xd0: {  	s8 =	sadd.s32 $0x2E80, s7;
	[sflag:s29] =	ssyncadd.s32 $0xFFFFE000  }
0xd1: {  	[tilespmem:s18], [sflag:$0x2] =	stream.indirect.gather [hbm4b:s1+s16], $0x40, s8, s16, $0xb8;
	[tilespmem:$0x19C00] =	vst v63  }
0xd2: {  	_ =	swait.ge [sflag:s30], $0x2000  }
0xd3: {  	[sflag:s30] =	ssyncset.done $0x0  }
.Ltmp5:
0xd4: {  	s8 =	sadd.s32 $0x2F00, s7;
	[sflag:s30] =	ssyncadd.s32 $0xFFFFE000;
	(pc) =	sbr.rel @p1 .LBB2_6-.Ltmp5, $4  }
0xd5: {  	[tilespmem:s20], [sflag:$0x3] =	stream.indirect.gather [hbm4b:s1+s16], $0x40, s8, s16, $0xb8;
	[tilespmem:$0x19C00] =	vst v63  }
0xd6: {  	_ =	swait.ge [sflag:s31], $0x2000  }
0xd7: {  	[sflag:s31] =	ssyncset.done $0x0  }
0xd8: {  	s7 =	sadd.s32 $0x2F80, s7;
	[sflag:s31] =	ssyncadd.s32 $0xFFFFE000  }
0xd9: {  	[tilespmem:s22], [sflag:$0x4] =	stream.indirect.gather [hbm4b:s1+s16], $0x40, s7, s16, $0xb8;
	[tilespmem:$0x19C00] =	vst v63  }
.LBB2_8:
0xda: {  	_ =	swait.ge [sflag:s23], $0x2000  }
0xdb: {  	[sflag:s23] =	ssyncset.done $0x0  }
0xdc: {  	[sflag:s23] =	ssyncadd.s32 $0xFFFFE000  }
0xdd: {  	[spmem:s4] =	stream.indirect.scatter.add.f32 [tilespmem:s17], [sflag:$0x5], $0x40, s3, s16, $0xb8;
	[tilespmem:$0x19C00] =	vst v63  }
0xde: {  	_ =	swait.ge [sflag:s24], $0x2000  }
0xdf: {  	[sflag:s24] =	ssyncset.done $0x0  }
0xe0: {  	[sflag:s24] =	ssyncadd.s32 $0xFFFFE000  }
0xe1: {  	[spmem:s4] =	stream.indirect.scatter.add.f32 [tilespmem:s18], [sflag:$0x6], $0x40, s0, s16, $0xb8;
	[tilespmem:$0x19C00] =	vst v63  }
0xe2: {  	_ =	swait.ge [sflag:s25], $0x2000  }
0xe3: {  	[sflag:s25] =	ssyncset.done $0x0  }
0xe4: {  	[sflag:s25] =	ssyncadd.s32 $0xFFFFE000  }
0xe5: {  	[spmem:s4] =	stream.indirect.scatter.add.f32 [tilespmem:s20], [sflag:$0x7], $0x40, s13, s16, $0xb8;
	[tilespmem:$0x19C00] =	vst v63  }
0xe6: {  	_ =	swait.ge [sflag:s26], $0x2000  }
0xe7: {  	[sflag:s26] =	ssyncset.done $0x0  }
0xe8: {  	[sflag:s26] =	ssyncadd.s32 $0xFFFFE000  }
0xe9: {  	[spmem:s4] =	stream.indirect.scatter.add.f32 [tilespmem:s22], [sflag:$0x8], $0x40, s19, s16, $0xb8;
	[tilespmem:$0x19C00] =	vst v63  }
0xea: {  	_ =	swait.ge [sflag:s28], $0x2000  }
0xeb: {  	[sflag:s28] =	ssyncset.done $0x0  }
0xec: {  	[sflag:s28] =	ssyncadd.s32 $0xFFFFE000  }
0xed: {  	_ =	swait.ge [sflag:s29], $0x2000  }
0xee: {  	[sflag:s29] =	ssyncset.done $0x0  }
0xef: {  	[sflag:s29] =	ssyncadd.s32 $0xFFFFE000  }
0xf0: {  	_ =	swait.ge [sflag:s30], $0x2000  }
0xf1: {  	[sflag:s30] =	ssyncset.done $0x0  }
0xf2: {  	[sflag:s30] =	ssyncadd.s32 $0xFFFFE000  }
0xf3: {  	_ =	swait.ge [sflag:s31], $0x2000  }
0xf4: {  	[sflag:s31] =	ssyncset.done $0x0  }
0xf5: {  	[sflag:s31] =	ssyncadd.s32 $0xFFFFE000  }
0xf6: {  	[bflag:$0x0] =	sbarrier.arrive $0xFFFF  }
0xf7: {  	[hbm:s9], [sflag:s14] =	dma.local [spmem:s15], $0x1400  }
0xf8: {  	_ =	swait.ge [sflag:s12], $0x1400  }
0xf9: {  	[sflag:s12] =	ssyncset.done $0x0  }
0xfa: {  	[sflag:s12] =	ssyncadd.s32 $0xFFFFEC00  }
0xfb: {  	[spmem:s15], [sflag:s14] =	dma.local [hbm:s6], $0x1400  }
.Ltmp6:
0xfc: {  	_ =	swait.ge [sflag:s12], $0x1400;
	(pc) =	sbr.rel @p0 .LBB2_12-.Ltmp6, $3  }
0xfd: {  	[sflag:s12] =	ssyncset.done $0x0  }
0xfe: {  	[sflag:s12] =	ssyncadd.s32 $0xFFFFEC00  }
0xff: {  	[bflag:$0x0] =	sbarrier.arrive $0xFFFF;
	_ =	sdelay $0x1  }
0x100: {  	s5 =	simm.s32 $0x0  }
0x101: {  	[tilespmem:s17], [sflag:$0x1] =	stream.indirect.gather [hbm4b:s2+s16], $0x40, s5, s16, $0xb8;
	[tilespmem:$0x19C00] =	vst v63  }
0x102: {  	_ = 	snop  }
0x103: {  	[tilespmem:s18], [sflag:$0x2] =	stream.indirect.gather [hbm4b:s2+s16], $0x40, s16, s16, $0xb8;
	[tilespmem:$0x19C00] =	vst v63  }
0x104: {  	s8 =	simm.s32 $0x100  }
0x105: {  	[tilespmem:s20], [sflag:$0x3] =	stream.indirect.gather [hbm4b:s2+s16], $0x40, s8, s16, $0xb8;
	[tilespmem:$0x19C00] =	vst v63  }
0x106: {  	s7 =	simm.s32 $0x180  }
0x107: {  	[tilespmem:s22], [sflag:$0x4] =	stream.indirect.gather [hbm4b:s2+s16], $0x40, s7, s16, $0xb8;
	[tilespmem:$0x19C00] =	vst v63  }
0x108: {  	_ =	swait.ge [sflag:s23], $0x2000  }
0x109: {  	[sflag:s23] =	ssyncset.done $0x0  }
0x10a: {  	s8 =	simm.s32 $0x3E00;
	[sflag:s23] =	ssyncadd.s32 $0xFFFFE000  }
0x10b: {  	[spmem:s4] =	stream.indirect.scatter.add.f32 [tilespmem:s17], [sflag:$0x5], $0x40, s8, s16, $0xb8;
	[tilespmem:$0x19C00] =	vst v63  }
0x10c: {  	_ =	swait.ge [sflag:s24], $0x2000  }
0x10d: {  	[sflag:s24] =	ssyncset.done $0x0  }
0x10e: {  	s7 =	simm.s32 $0x3E80;
	[sflag:s24] =	ssyncadd.s32 $0xFFFFE000  }
0x10f: {  	[spmem:s4] =	stream.indirect.scatter.add.f32 [tilespmem:s18], [sflag:$0x6], $0x40, s7, s16, $0xb8;
	[tilespmem:$0x19C00] =	vst v63  }
0x110: {  	_ =	swait.ge [sflag:s25], $0x2000  }
0x111: {  	[sflag:s25] =	ssyncset.done $0x0  }
0x112: {  	s8 =	simm.s32 $0x3F00;
	[sflag:s25] =	ssyncadd.s32 $0xFFFFE000  }
0x113: {  	[spmem:s4] =	stream.indirect.scatter.add.f32 [tilespmem:s20], [sflag:$0x7], $0x40, s8, s16, $0xb8;
	[tilespmem:$0x19C00] =	vst v63  }
0x114: {  	_ =	swait.ge [sflag:s26], $0x2000  }
0x115: {  	[sflag:s26] =	ssyncset.done $0x0  }
0x116: {  	s7 =	simm.s32 $0x3F80;
	[sflag:s26] =	ssyncadd.s32 $0xFFFFE000  }
0x117: {  	[spmem:s4] =	stream.indirect.scatter.add.f32 [tilespmem:s22], [sflag:$0x8], $0x40, s7, s16, $0xb8;
	[tilespmem:$0x19C00] =	vst v63  }
0x118: {  	_ =	swait.ge [sflag:s28], $0x2000  }
0x119: {  	[sflag:s28] =	ssyncset.done $0x0  }
0x11a: {  	s8 =	simm.s32 $0x200;
	[sflag:s28] =	ssyncadd.s32 $0xFFFFE000  }
0x11b: {  	[tilespmem:s17], [sflag:$0x1] =	stream.indirect.gather [hbm4b:s2+s16], $0x40, s8, s16, $0xb8;
	[tilespmem:$0x19C00] =	vst v63  }
0x11c: {  	_ =	swait.ge [sflag:s29], $0x2000  }
0x11d: {  	[sflag:s29] =	ssyncset.done $0x0  }
0x11e: {  	s7 =	simm.s32 $0x280;
	[sflag:s29] =	ssyncadd.s32 $0xFFFFE000  }
0x11f: {  	[tilespmem:s18], [sflag:$0x2] =	stream.indirect.gather [hbm4b:s2+s16], $0x40, s7, s16, $0xb8;
	[tilespmem:$0x19C00] =	vst v63  }
0x120: {  	_ =	swait.ge [sflag:s30], $0x2000  }
0x121: {  	[sflag:s30] =	ssyncset.done $0x0  }
0x122: {  	s8 =	simm.s32 $0x300;
	[sflag:s30] =	ssyncadd.s32 $0xFFFFE000  }
0x123: {  	[tilespmem:s20], [sflag:$0x3] =	stream.indirect.gather [hbm4b:s2+s16], $0x40, s8, s16, $0xb8;
	[tilespmem:$0x19C00] =	vst v63  }
0x124: {  	_ =	swait.ge [sflag:s31], $0x2000  }
0x125: {  	[sflag:s31] =	ssyncset.done $0x0  }
0x126: {  	s5 =	simm.s32 $0x800;
	s7 =	simm.s32 $0x380;
	[sflag:s31] =	ssyncadd.s32 $0xFFFFE000  }
.LBB2_10:
0x127: {  	[tilespmem:s22], [sflag:$0x4] =	stream.indirect.gather [hbm4b:s2+s16], $0x40, s7, s16, $0xb8;
	[tilespmem:$0x19C00] =	vst v63  }
0x128: {  	s7 =	smov.u32 s5  }
0x129: {  	p1 =	seq.s32 s5, $0xE800;
	s5 =	sadd.s32 $0x800, s5;
	_ =	swait.ge [sflag:s23], $0x2000  }
0x12a: {  	s7 =	sshra.s32 s7, $0x2;
	[sflag:s23] =	ssyncset.done $0x0  }
0x12b: {  	s8 =	sadd.s32 $0x3E00, s7;
	[sflag:s23] =	ssyncadd.s32 $0xFFFFE000  }
0x12c: {  	[spmem:s4] =	stream.indirect.scatter.add.f32 [tilespmem:s17], [sflag:$0x5], $0x40, s8, s16, $0xb8;
	[tilespmem:$0x19C00] =	vst v63  }
0x12d: {  	_ =	swait.ge [sflag:s24], $0x2000  }
0x12e: {  	[sflag:s24] =	ssyncset.done $0x0  }
0x12f: {  	s8 =	sadd.s32 $0x3E80, s7;
	[sflag:s24] =	ssyncadd.s32 $0xFFFFE000  }
0x130: {  	[spmem:s4] =	stream.indirect.scatter.add.f32 [tilespmem:s18], [sflag:$0x6], $0x40, s8, s16, $0xb8;
	[tilespmem:$0x19C00] =	vst v63  }
0x131: {  	_ =	swait.ge [sflag:s25], $0x2000  }
0x132: {  	[sflag:s25] =	ssyncset.done $0x0  }
0x133: {  	s8 =	sadd.s32 $0x3F00, s7;
	[sflag:s25] =	ssyncadd.s32 $0xFFFFE000  }
0x134: {  	[spmem:s4] =	stream.indirect.scatter.add.f32 [tilespmem:s20], [sflag:$0x7], $0x40, s8, s16, $0xb8;
	[tilespmem:$0x19C00] =	vst v63  }
0x135: {  	_ =	swait.ge [sflag:s26], $0x2000  }
0x136: {  	[sflag:s26] =	ssyncset.done $0x0  }
0x137: {  	s8 =	sadd.s32 $0x3F80, s7;
	[sflag:s26] =	ssyncadd.s32 $0xFFFFE000  }
0x138: {  	[spmem:s4] =	stream.indirect.scatter.add.f32 [tilespmem:s22], [sflag:$0x8], $0x40, s8, s16, $0xb8;
	[tilespmem:$0x19C00] =	vst v63  }
0x139: {  	_ =	swait.ge [sflag:s28], $0x2000  }
0x13a: {  	[sflag:s28] =	ssyncset.done $0x0  }
0x13b: {  	s8 =	sadd.s32 $0x200, s7;
	[sflag:s28] =	ssyncadd.s32 $0xFFFFE000  }
0x13c: {  	[tilespmem:s17], [sflag:$0x1] =	stream.indirect.gather [hbm4b:s2+s16], $0x40, s8, s16, $0xb8;
	[tilespmem:$0x19C00] =	vst v63  }
0x13d: {  	_ =	swait.ge [sflag:s29], $0x2000  }
0x13e: {  	[sflag:s29] =	ssyncset.done $0x0  }
0x13f: {  	s8 =	sadd.s32 $0x280, s7;
	[sflag:s29] =	ssyncadd.s32 $0xFFFFE000  }
0x140: {  	[tilespmem:s18], [sflag:$0x2] =	stream.indirect.gather [hbm4b:s2+s16], $0x40, s8, s16, $0xb8;
	[tilespmem:$0x19C00] =	vst v63  }
0x141: {  	_ =	swait.ge [sflag:s30], $0x2000  }
0x142: {  	[sflag:s30] =	ssyncset.done $0x0  }
.Ltmp7:
0x143: {  	s8 =	sadd.s32 $0x300, s7;
	[sflag:s30] =	ssyncadd.s32 $0xFFFFE000;
	(pc) =	sbr.rel @!p1 .LBB2_10-.Ltmp7, $4  }
0x144: {  	[tilespmem:s20], [sflag:$0x3] =	stream.indirect.gather [hbm4b:s2+s16], $0x40, s8, s16, $0xb8;
	[tilespmem:$0x19C00] =	vst v63  }
0x145: {  	_ =	swait.ge [sflag:s31], $0x2000  }
0x146: {  	[sflag:s31] =	ssyncset.done $0x0  }
0x147: {  	s7 =	sadd.s32 $0x380, s7;
	[sflag:s31] =	ssyncadd.s32 $0xFFFFE000  }
.Ltmp8:
0x148: {  	(pc) =	sbr.rel .LBB2_15-.Ltmp8, $2  }
0x149: {  	_ =	sdelay $0x2  }
0x14a: {  	[tilespmem:s22], [sflag:$0x4] =	stream.indirect.gather [hbm4b:s2+s16], $0x40, s7, s16, $0xb8;
	[tilespmem:$0x19C00] =	vst v63  }
.LBB2_12:
0x14b: {  	s5 =	simm.s32 $0x2C00  }
0x14c: {  	[tilespmem:s17], [sflag:$0x1] =	stream.indirect.gather [hbm4b:s2+s16], $0x40, s5, s16, $0xb8;
	[tilespmem:$0x19C00] =	vst v63  }
0x14d: {  	s7 =	simm.s32 $0x2C80  }
0x14e: {  	[tilespmem:s18], [sflag:$0x2] =	stream.indirect.gather [hbm4b:s2+s16], $0x40, s7, s16, $0xb8;
	[tilespmem:$0x19C00] =	vst v63  }
0x14f: {  	s8 =	simm.s32 $0x2D00  }
0x150: {  	[tilespmem:s20], [sflag:$0x3] =	stream.indirect.gather [hbm4b:s2+s16], $0x40, s8, s16, $0xb8;
	[tilespmem:$0x19C00] =	vst v63  }
0x151: {  	s7 =	simm.s32 $0x2D80  }
0x152: {  	[tilespmem:s22], [sflag:$0x4] =	stream.indirect.gather [hbm4b:s2+s16], $0x40, s7, s16, $0xb8;
	[tilespmem:$0x19C00] =	vst v63  }
0x153: {  	_ =	swait.ge [sflag:s23], $0x2000  }
0x154: {  	[sflag:s23] =	ssyncset.done $0x0  }
0x155: {  	s8 =	simm.s32 $0x6A00;
	[sflag:s23] =	ssyncadd.s32 $0xFFFFE000  }
0x156: {  	[spmem:s4] =	stream.indirect.scatter.add.f32 [tilespmem:s17], [sflag:$0x5], $0x40, s8, s16, $0xb8;
	[tilespmem:$0x19C00] =	vst v63  }
0x157: {  	_ =	swait.ge [sflag:s24], $0x2000  }
0x158: {  	[sflag:s24] =	ssyncset.done $0x0  }
0x159: {  	s7 =	simm.s32 $0x6A80;
	[sflag:s24] =	ssyncadd.s32 $0xFFFFE000  }
0x15a: {  	[spmem:s4] =	stream.indirect.scatter.add.f32 [tilespmem:s18], [sflag:$0x6], $0x40, s7, s16, $0xb8;
	[tilespmem:$0x19C00] =	vst v63  }
0x15b: {  	_ =	swait.ge [sflag:s25], $0x2000  }
0x15c: {  	[sflag:s25] =	ssyncset.done $0x0  }
0x15d: {  	s8 =	simm.s32 $0x6B00;
	[sflag:s25] =	ssyncadd.s32 $0xFFFFE000  }
0x15e: {  	[spmem:s4] =	stream.indirect.scatter.add.f32 [tilespmem:s20], [sflag:$0x7], $0x40, s8, s16, $0xb8;
	[tilespmem:$0x19C00] =	vst v63  }
0x15f: {  	_ =	swait.ge [sflag:s26], $0x2000  }
0x160: {  	[sflag:s26] =	ssyncset.done $0x0  }
0x161: {  	s7 =	simm.s32 $0x6B80;
	[sflag:s26] =	ssyncadd.s32 $0xFFFFE000  }
0x162: {  	[spmem:s4] =	stream.indirect.scatter.add.f32 [tilespmem:s22], [sflag:$0x8], $0x40, s7, s16, $0xb8;
	[tilespmem:$0x19C00] =	vst v63  }
0x163: {  	_ =	swait.ge [sflag:s28], $0x2000  }
0x164: {  	[sflag:s28] =	ssyncset.done $0x0  }
0x165: {  	s8 =	simm.s32 $0x2E00;
	[sflag:s28] =	ssyncadd.s32 $0xFFFFE000  }
0x166: {  	[tilespmem:s17], [sflag:$0x1] =	stream.indirect.gather [hbm4b:s2+s16], $0x40, s8, s16, $0xb8;
	[tilespmem:$0x19C00] =	vst v63  }
0x167: {  	_ =	swait.ge [sflag:s29], $0x2000  }
0x168: {  	[sflag:s29] =	ssyncset.done $0x0  }
0x169: {  	s7 =	simm.s32 $0x2E80;
	[sflag:s29] =	ssyncadd.s32 $0xFFFFE000  }
0x16a: {  	[tilespmem:s18], [sflag:$0x2] =	stream.indirect.gather [hbm4b:s2+s16], $0x40, s7, s16, $0xb8;
	[tilespmem:$0x19C00] =	vst v63  }
0x16b: {  	_ =	swait.ge [sflag:s30], $0x2000  }
0x16c: {  	[sflag:s30] =	ssyncset.done $0x0  }
0x16d: {  	s8 =	simm.s32 $0x2F00;
	[sflag:s30] =	ssyncadd.s32 $0xFFFFE000  }
0x16e: {  	[tilespmem:s20], [sflag:$0x3] =	stream.indirect.gather [hbm4b:s2+s16], $0x40, s8, s16, $0xb8;
	[tilespmem:$0x19C00] =	vst v63  }
0x16f: {  	_ =	swait.ge [sflag:s31], $0x2000  }
0x170: {  	[sflag:s31] =	ssyncset.done $0x0  }
0x171: {  	s5 =	simm.s32 $0x800;
	s7 =	simm.s32 $0x2F80;
	[sflag:s31] =	ssyncadd.s32 $0xFFFFE000  }
.LBB2_13:
0x172: {  	[tilespmem:s22], [sflag:$0x4] =	stream.indirect.gather [hbm4b:s2+s16], $0x40, s7, s16, $0xb8;
	[tilespmem:$0x19C00] =	vst v63  }
0x173: {  	s7 =	smov.u32 s5  }
0x174: {  	p1 =	sne.s32 s5, $0x3800;
	s5 =	sadd.s32 $0x800, s5;
	_ =	swait.ge [sflag:s23], $0x2000  }
0x175: {  	s7 =	sshra.s32 s7, $0x2;
	[sflag:s23] =	ssyncset.done $0x0  }
0x176: {  	s8 =	sadd.s32 $0x6A00, s7;
	[sflag:s23] =	ssyncadd.s32 $0xFFFFE000  }
0x177: {  	[spmem:s4] =	stream.indirect.scatter.add.f32 [tilespmem:s17], [sflag:$0x5], $0x40, s8, s16, $0xb8;
	[tilespmem:$0x19C00] =	vst v63  }
0x178: {  	_ =	swait.ge [sflag:s24], $0x2000  }
0x179: {  	[sflag:s24] =	ssyncset.done $0x0  }
0x17a: {  	s8 =	sadd.s32 $0x6A80, s7;
	[sflag:s24] =	ssyncadd.s32 $0xFFFFE000  }
0x17b: {  	[spmem:s4] =	stream.indirect.scatter.add.f32 [tilespmem:s18], [sflag:$0x6], $0x40, s8, s16, $0xb8;
	[tilespmem:$0x19C00] =	vst v63  }
0x17c: {  	_ =	swait.ge [sflag:s25], $0x2000  }
0x17d: {  	[sflag:s25] =	ssyncset.done $0x0  }
0x17e: {  	s8 =	sadd.s32 $0x6B00, s7;
	[sflag:s25] =	ssyncadd.s32 $0xFFFFE000  }
0x17f: {  	[spmem:s4] =	stream.indirect.scatter.add.f32 [tilespmem:s20], [sflag:$0x7], $0x40, s8, s16, $0xb8;
	[tilespmem:$0x19C00] =	vst v63  }
0x180: {  	_ =	swait.ge [sflag:s26], $0x2000  }
0x181: {  	[sflag:s26] =	ssyncset.done $0x0  }
0x182: {  	s8 =	sadd.s32 $0x6B80, s7;
	[sflag:s26] =	ssyncadd.s32 $0xFFFFE000  }
0x183: {  	[spmem:s4] =	stream.indirect.scatter.add.f32 [tilespmem:s22], [sflag:$0x8], $0x40, s8, s16, $0xb8;
	[tilespmem:$0x19C00] =	vst v63  }
0x184: {  	_ =	swait.ge [sflag:s28], $0x2000  }
0x185: {  	[sflag:s28] =	ssyncset.done $0x0  }
0x186: {  	s8 =	sadd.s32 $0x2E00, s7;
	[sflag:s28] =	ssyncadd.s32 $0xFFFFE000  }
0x187: {  	[tilespmem:s17], [sflag:$0x1] =	stream.indirect.gather [hbm4b:s2+s16], $0x40, s8, s16, $0xb8;
	[tilespmem:$0x19C00] =	vst v63  }
0x188: {  	_ =	swait.ge [sflag:s29], $0x2000  }
0x189: {  	[sflag:s29] =	ssyncset.done $0x0  }
0x18a: {  	s8 =	sadd.s32 $0x2E80, s7;
	[sflag:s29] =	ssyncadd.s32 $0xFFFFE000  }
0x18b: {  	[tilespmem:s18], [sflag:$0x2] =	stream.indirect.gather [hbm4b:s2+s16], $0x40, s8, s16, $0xb8;
	[tilespmem:$0x19C00] =	vst v63  }
0x18c: {  	_ =	swait.ge [sflag:s30], $0x2000  }
0x18d: {  	[sflag:s30] =	ssyncset.done $0x0  }
.Ltmp9:
0x18e: {  	s8 =	sadd.s32 $0x2F00, s7;
	[sflag:s30] =	ssyncadd.s32 $0xFFFFE000;
	(pc) =	sbr.rel @p1 .LBB2_13-.Ltmp9, $4  }
0x18f: {  	[tilespmem:s20], [sflag:$0x3] =	stream.indirect.gather [hbm4b:s2+s16], $0x40, s8, s16, $0xb8;
	[tilespmem:$0x19C00] =	vst v63  }
0x190: {  	_ =	swait.ge [sflag:s31], $0x2000  }
0x191: {  	[sflag:s31] =	ssyncset.done $0x0  }
0x192: {  	s7 =	sadd.s32 $0x2F80, s7;
	[sflag:s31] =	ssyncadd.s32 $0xFFFFE000  }
.Ltmp10:
0x193: {  	_ = 	snop;
	(pc) =	sbr.rel .LBB2_14-.Ltmp10, $1  }
0x194: {  	_ =	sdelay $0x3  }
.LBB2_16:
0x195: {  	_ =	sfence.sel $0x180000  }
0x196: {  	[bflag:$0x0] =	sbarrier.arrive $0xFFFF  }
0x197: {  	_ =	strace $0x9000004D  }
0x198: {  	s0 =	stileid.u32;
	[bflag:$0x2] =	sbarrier.arrive $0xFFFF  }
0x199: {  	p0 =	sne.s32 s0, $0x0;
	s0 =	rddreg [dreg:$0x5]  }
0x19a: {  	s0 =	sadd.s32 @!p0 $0x100000, s0  }
0x19b: {  	[sflag:s0] =	ssyncadd.tile.s32 @!p0 $0x1;
	_ =	shalt  }
.Lfunc_end2:
_tile_overlayer_lowered:
.L_overlay_start_2:
0x19c: {  	(tag) =	ssettag $0x2  }
0x19d: {  	s0 =	rddreg [dreg:$0x0];
	s2 =	stileid.u32  }
0x19e: {  	s1 =	rddreg [dreg:$0x1];
	p0 =	sne.s32 s2, $0x0  }
0x19f: {  	s3 =	rddreg [dreg:$0x2];
	[bflag:$0x3] =	sbarrier.arrive $0xFFFF;
	s2 =	simm.s32 @!p0 $0x1C09  }
0x1a0: {  	[timem:s3], [sflag:s2] =	dma.local @!p0 [hbm:s0], s1  }
0x1a1: {  	s0 =	simm.s32 @!p0 $0x9  }
0x1a2: {  	_ =	swait.ge @!p0 [sflag:s0], s1  }
0x1a3: {  	s1 =	ssub.s32 @!p0 $0x0, s1;
	[sflag:s0] =	ssyncset.done @!p0 $0x0  }
0x1a4: {  	[sflag:s0] =	ssyncadd.s32 @!p0 s1  }
0x1a5: {  	[bflag:$0x3] =	sbarrier.arrive $0xFFFF  }
0x1a6: {  	_ =	shalt  }

// kernel: kernel.8.cloned.1.call-start
scs
__scs_entry_jumppad:
0x0: {  	(pc) =	sbr.rel $0x88, $3  }
0x1: {  	(tag) =	ssettag $0x0;
	lr =	simm.s32 $0x1  }
0x2: {  	[smem:$0x3F99] =	sst lr;
	_ =	strace $0xD0000000  }
0x3: {  	_ = 	snop  }
0x4: {  	_ = 	snop  }
0x5: {  	_ = 	snop  }
0x6: {  	_ = 	snop  }
0x7: {  	_ = 	snop  }
__scs_overlays_trampoline_lowered:
0x8: {  	[smem:$0x3FA8] =	sst s0  }
0x9: {  	[smem:$0x3FA9] =	sst s1  }
0xa: {  	[smem:$0x3FAA] =	sst s2  }
0xb: {  	[smem:$0x3FAB] =	sst s3  }
0xc: {  	[smem:$0x3FAC] =	sst s4  }
0xd: {  	[smem:$0x3FAD] =	sst s5  }
0xe: {  	[smem:$0x3FAE] =	sst s6  }
0xf: {  	[smem:$0x3FAF] =	sst s7  }
0x10: {  	[smem:$0x3FB0] =	sst s8  }
0x11: {  	[smem:$0x3FB1] =	sst s9;
	s0 =	simm.s32 @!p0 $0x0  }
0x12: {  	s1 =	sld [smem:$0x3F97];
	s0 =	simm.s32 @p0 $0x1  }
0x13: {  	[smem:$0x3FB2] =	sst s0;
	s0 =	simm.s32 @!p1 $0x0  }
0x14: {  	s2 =	sld [smem:$0x3F96];
	s0 =	simm.s32 @p1 $0x1  }
0x15: {  	[smem:$0x3FB3] =	sst s0;
	s0 =	simm.s32 @!p2 $0x0  }
0x16: {  	s3 =	sld [smem:$0x3FDB];
	s0 =	simm.s32 @p2 $0x1  }
0x17: {  	s4 =	simm.s32 $0x1BF5;
	[smem:$0x3FB5] =	sst s0  }
0x18: {  	s0 =	sld [smem:$0x3F98];
	_ =	swait.ge [sflag:s4], $0x0  }
0x19: {  	s7 =	sld [smem:$0x3F99]  }
0x1a: {  	s8 =	sadd.s32 $0xFFFFE003, lr  }
0x1b: {  	s9 =	sadd.s32 $0xFFFFFEF7, lr;
	s5 =	simm.s32 $0xFFFFFFFF;
	p2 =	slt.u32 s8, $0xFFFFF086  }
0x1c: {  	p1 =	slt.u32 s9, $0xF7A;
	s5 =	simm.s32 @!p2 $0x0  }
0x1d: {  	s5 =	simm.s32 @p1 $0x1;
	p0 =	seq.s32 s7, s2  }
0x1e: {  	s7 =	smul.u32 @!p0 $0xF7A, s2;
	p2 =	seq.s32 @!p0 s5, $0x0  }
0x1f: {  	s9 =	smul.u32 $0xF7A, s1;
	s8 =	simm.s32 @!p0 $0x1BF5;
	p2 =	por !p2, p0  }
0x20: {  	[sflag:s8] =	ssyncset.s32 @!p0 $0xFFFFF086;
	s6 =	sadd.s32 @!p0 s3, s7;
	s7 =	simm.s32 @!p0 $0x108  }
0x21: {  	s3 =	sadd.s32 s3, s9;
	s6 =	sadd.s32 @!p0 $0x88, s6;
	s7 =	simm.s32 @p2 $0x1082  }
0x22: {  	[simem:s7], [sflag:s8] =	dma.local @!p0 [hbm:s6], $0xF7A  }
0x23: {  	s9 =	sor.u32 $0xD0000000, s2;
	s6 =	simm.s32 $0x108;
	_ =	swait.ge @!p0 [sflag:s8], $0x0  }
0x24: {  	s3 =	sadd.s32 $0x88, s3;
	s6 =	simm.s32 @!p1 $0x1082;
	[sflag:s4] =	ssyncset.s32 $0xFFFFF086  }
0x25: {  	[simem:s6], [sflag:s4] =	dma.local [hbm:s3], $0xF7A  }
0x26: {  	[smem:$0x3F99] =	sst s1;
	(tag) =	ssettag s2;
	_ =	strace s9  }
0x27: {  	s1 =	sld [smem:$0x3FA9]  }
0x28: {  	s2 =	sld [smem:$0x3FAA]  }
0x29: {  	s4 =	sld [smem:$0x3FAC]  }
0x2a: {  	p0 =	seq.s32 s5, $0x0;
	s5 =	sld [smem:$0x3FAD]  }
0x2b: {  	s6 =	sld [smem:$0x3FAE]  }
0x2c: {  	s7 =	sld [smem:$0x3FAF]  }
0x2d: {  	s3 =	simm.s32 $0x108;
	s8 =	sld [smem:$0x3FB0]  }
0x2e: {  	s3 =	simm.s32 @!p0 $0x1082;
	s9 =	sld [smem:$0x3FB1]  }
0x2f: {  	lr =	sadd.s32 s0, s3;
	s0 =	sld [smem:$0x3FA8]  }
0x30: {  	s3 =	sld [smem:$0x3FAB]  }
0x31: {  	[smem:$0x3FB4] =	sst s10  }
0x32: {  	s10 =	sld [smem:$0x3FB2];
	_ =	sdelay $0x3  }
0x33: {  	p0 =	seq.s32 s10, $0x1;
	s10 =	sld [smem:$0x3FB4];
	_ =	sdelay $0x3  }
0x34: {  	[smem:$0x3FB4] =	sst s10  }
0x35: {  	s10 =	sld [smem:$0x3FB3];
	_ =	sdelay $0x3  }
0x36: {  	p1 =	seq.s32 s10, $0x1;
	s10 =	sld [smem:$0x3FB4];
	_ =	sdelay $0x3  }
0x37: {  	[smem:$0x3FB4] =	sst s10  }
0x38: {  	s10 =	sld [smem:$0x3FB5]  }
0x39: {  	_ = 	snop;
	(pc) =	sbr.ind lr, $3  }
0x3a: {  	_ = 	snop  }
0x3b: {  	_ = 	snop  }
0x3c: {  	p2 =	seq.s32 s10, $0x1;
	s10 =	sld [smem:$0x3FB4]  }
0x3d: {  	_ =	shalt  }
0x3e: {  	_ =	shalt  }
0x3f: {  	_ =	shalt  }
0x40: {  	_ =	shalt  }
0x41: {  	_ =	shalt  }
0x42: {  	_ =	shalt  }
0x43: {  	_ =	shalt  }
0x44: {  	_ =	shalt  }
0x45: {  	_ =	shalt  }
0x46: {  	_ =	shalt  }
0x47: {  	_ =	shalt  }
0x48: {  	_ =	shalt  }
0x49: {  	_ =	shalt  }
0x4a: {  	_ =	shalt  }
0x4b: {  	_ =	shalt  }
0x4c: {  	_ =	shalt  }
0x4d: {  	_ =	shalt  }
0x4e: {  	_ =	shalt  }
0x4f: {  	_ =	shalt  }
0x50: {  	_ =	shalt  }
0x51: {  	_ =	shalt  }
0x52: {  	_ =	shalt  }
0x53: {  	_ =	shalt  }
0x54: {  	_ =	shalt  }
0x55: {  	_ =	shalt  }
0x56: {  	_ =	shalt  }
0x57: {  	_ =	shalt  }
0x58: {  	_ =	shalt  }
0x59: {  	_ =	shalt  }
0x5a: {  	_ =	shalt  }
0x5b: {  	_ =	shalt  }
0x5c: {  	_ =	shalt  }
0x5d: {  	_ =	shalt  }
0x5e: {  	_ =	shalt  }
0x5f: {  	_ =	shalt  }
0x60: {  	_ =	shalt  }
0x61: {  	_ =	shalt  }
0x62: {  	_ =	shalt  }
0x63: {  	_ =	shalt  }
0x64: {  	_ =	shalt  }
0x65: {  	_ =	shalt  }
0x66: {  	_ =	shalt  }
0x67: {  	_ =	shalt  }
0x68: {  	_ =	shalt  }
0x69: {  	_ =	shalt  }
0x6a: {  	_ =	shalt  }
0x6b: {  	_ =	shalt  }
0x6c: {  	_ =	shalt  }
0x6d: {  	_ =	shalt  }
0x6e: {  	_ =	shalt  }
0x6f: {  	_ =	shalt  }
0x70: {  	_ =	shalt  }
0x71: {  	_ =	shalt  }
0x72: {  	_ =	shalt  }
0x73: {  	_ =	shalt  }
0x74: {  	_ =	shalt  }
0x75: {  	_ =	shalt  }
0x76: {  	_ =	shalt  }
0x77: {  	_ =	shalt  }
0x78: {  	_ =	shalt  }
0x79: {  	_ =	shalt  }
0x7a: {  	_ =	shalt  }
0x7b: {  	_ =	shalt  }
0x7c: {  	_ =	shalt  }
0x7d: {  	_ =	shalt  }
0x7e: {  	_ =	shalt  }
0x7f: {  	_ =	shalt  }
0x80: {  	_ =	shalt  }
0x81: {  	_ =	shalt  }
0x82: {  	_ =	shalt  }
0x83: {  	_ =	shalt  }
0x84: {  	_ =	shalt  }
0x85: {  	_ =	shalt  }
0x86: {  	_ =	shalt  }
0x87: {  	_ =	shalt  }
.Lfunc_end0:
.L_simem_size_0:
called_computation_lowered:
.L_overlay_start_0:
0x88: {  	s2 =	sld [smem:$0x3FD9]  }
0x89: {  	s3 =	sld [smem:$0x3FFE];
	_ =	sdelay $0x1  }
0x8a: {  	s1 =	srdreg.scid  }
0x8b: {  	s0 =	sand.u32 $0x1, s1  }
0x8c: {  	s14 =	sshll.u32 s0, $0xA;
	s2 =	sadd.s32 s3, s2  }
0x8d: {  	s2 =	sadd.s32 s2, s14  }
0x8e: {  	[smem:$0x3FC0] =	sst s2  }
0x8f: {  	_ = 	snop  }
0x90: {  	s2 =	sld [smem:$0x3FD0];
	_ =	sdelay $0x2  }
0x91: {  	s15 =	simm.s32 $0xA;
	s4 =	simm.s32 $0x10  }
0x92: {  	[smem:s4], [sflag:s15] =	dma.local [hbm:s2], $0x1  }
0x93: {  	_ =	swait.eq [sflag:s15], $0x1  }
0x94: {  	s16 =	sld [smem:$0x10];
	[sflag:s15] =	ssyncset.done $0x0  }
0x95: {  	s17 =	sld [smem:$0x11];
	[sflag:s15] =	ssyncadd.s32 $0xFFFFFFFF  }
0x96: {  	s18 =	sld [smem:$0x12];
	(tm) =	ssettm $0x1  }
0x97: {  	s5 =	sld [smem:$0x3FFB];
	_ =	sdelay $0x3  }
0x98: {  	_ =	strace s5  }
0x99: {  	s5 =	sld [smem:$0x3FFC];
	_ =	sdelay $0x3  }
0x9a: {  	_ =	strace s5  }
0x9b: {  	s5 =	sld [smem:$0x3FFD];
	_ =	sdelay $0x3  }
0x9c: {  	_ =	strace s5  }
0x9d: {  	_ =	strace $0x8FFFFFFF  }
0x9e: {  	s19 =	sld [smem:$0x3FDB];
	_ =	sdelay $0x1  }
0x9f: {  	s6 =	simm.s32 $_scs_section_size  }
0xa0: {  	s7 =	simm.s32 $_size__tile_overlayer_lowered;
	s8 =	simm.s32 $_tile_overlayer_lowered  }
0xa1: {  	s22 =	simm.s32 $0x1BFF;
	s21 =	sshll.u32 s8, $0x1;
	s5 =	sadd.s32 s6, s19  }
0xa2: {  	s9 =	simm.s32 $0x0;
	s20 =	sshll.u32 s7, $0x1;
	s7 =	sadd.s32 s21, s5  }
0xa3: {  	[timem:s9], [sflag:s22] =	dma.local [hbm:s7], s20  }
0xa4: {  	_ =	swait.ge [sflag:s22], s20  }
0xa5: {  	s6 =	ssub.s32 $0x0, s20;
	[sflag:s22] =	ssyncset.done $0x0  }
0xa6: {  	[sflag:s22] =	ssyncadd.s32 s6;
	_ =	sdelay $0x1  }
0xa7: {  	s23 =	simm.s32 $0x1B8B  }
0xa8: {  	_ =	swait.ge [sflag:s23], $0x1  }
0xa9: {  	[sflag:s23] =	ssyncset.done $0x0  }
0xaa: {  	s25 =	simm.s32 $0x1B8E;
	s24 =	sld [smem:$0x3FFE];
	[sflag:s23] =	ssyncadd.s32 $0xFFFFFFFF  }
0xab: {  	s26 =	simm.s32 $execute0_lowered;
	[smem:$0x3FD2] =	sst s25  }
0xac: {  	s7 =	sshll.u32 s26, $0x1;
	_ =	strace $0x80000046;
	[dreg:$0x1] =	wrdreg $0xFFFFFFFF  }
0xad: {  	s28 =	simm.s32 $_size_execute0_lowered;
	s5 =	sadd.s32 s5, s7;
	[dreg:$0x0] =	wrdreg $0x0  }
0xae: {  	s7 =	sshll.u32 s28, $0x1;
	[dreg:$0x2] =	wrdreg s5  }
0xaf: {  	[dreg:$0x3] =	wrdreg s7  }
0xb0: {  	[dreg:$0x4] =	wrdreg $0xC0  }
0xb1: {  	_ =	task [dreg:s9], $0x5FFFF  }
0xb2: {  	[dreg:$0x1] =	wrdreg $0xFFFFFFFF  }
0xb3: {  	[dreg:$0x0] =	wrdreg $0x60  }
0xb4: {  	[dreg:$0x2] =	wrdreg s16  }
0xb5: {  	[dreg:$0x3] =	wrdreg s24  }
0xb6: {  	[dreg:$0x4] =	wrdreg s17  }
0xb7: {  	[dreg:$0x5] =	wrdreg s18  }
0xb8: {  	[dreg:$0x6] =	wrdreg $0x30000  }
0xb9: {  	[dreg:$0x7] =	wrdreg $0x9  }
0xba: {  	_ =	task.clear_ibuf [dreg:s9], $0x8FFFF;
	_ =	strace $0x90000046  }
0xbb: {  	s29 =	simm.s32 $0x9;
	_ =	strace $0x80000048  }
0xbc: {  	_ =	swait.ge [sflag:s29], $0x1  }
0xbd: {  	[sflag:s29] =	ssyncadd.s32 $0xFFFFFFFF  }
0xbe: {  	_ =	strace $0x90000048  }
0xbf: {  	_ =	sfence  }
0xc0: {  	s30 =	sld [smem:$0x0];
	_ =	sdelay $0x2  }
0xc1: {  	s31 =	sshll.u32 s1, $0xD;
	s1 =	sshrl.u32 s1, $0x2  }
0xc2: {  	s3 =	sand.u32 $0x4000, s31;
	s1 =	sadd.s32 s1, s30  }
0xc3: {  	s0 =	sor.u32 s3, s0;
	s1 =	sshll.u32 s1, $0x11  }
0xc4: {  	s0 =	sor.u32 s1, s0  }
0xc5: {  	s0 =	sadd.s32 $0x8F2B, s0  }
0xc6: {  	[sflag:s0] =	ssyncadd.remote.s32 $0x1  }
0xc7: {  	_ =	sfence.sel $0xFFFF  }
0xc8: {  	[dreg:$0x0] =	wrdreg $0xFFFFFFFF;
	(pc) =	sbr.abs _section_cstart, $3  }
0xc9: {  	[dreg:$0x1] =	wrdreg $0xFFFFFFFF  }
0xca: {  	_ =	task.clear_ibuf [dreg:s9], $0x2FFFF;
	_ =	strace $0x9FFFFFFF  }
0xcb: {  	(tm) =	ssettm $0x7FFFFFFF  }
tec
execute0_lowered:
.L_overlay_start_1:
0x0: {  	(tag) =	ssettag $0x1  }
0x1: {  	s6 =	rddreg [dreg:$0x0]  }
0x2: {  	s5 =	rddreg [dreg:$0x1]  }
0x3: {  	s1 =	rddreg [dreg:$0x2]  }
0x4: {  	s7 =	rddreg [dreg:$0x3]  }
0x5: {  	s2 =	rddreg [dreg:$0x4]  }
0x6: {  	s0 =	rddreg [dreg:$0x5];
	s4 =	simm.s32 $0x0  }
0x7: {  	s8 =	srdreg.scid;
	s3 =	stileid.u32;
	s13 =	simm.s32 $0x80  }
0x8: {  	s14 =	simm.s32 $0x0;
	[smem:$0x7FF] =	sst s4;
	s8 =	sand.u32 $0x1, s8  }
0x9: {  	s9 =	sshll.u32 s3, $0x1;
	s10 =	smul.u32 $0x2800, s3;
	s5 =	sadd.s32 $0x2C00, s5  }
0xa: {  	s31 =	sshll.u32 s3, $0x6;
	s11 =	ssub.s32 $0x2, s8;
	s9 =	sor.u32 s8, s9  }
0xb: {  	s8 =	smul.u32 $0x28000, s8;
	_ =	strace $0x80000047;
	s12 =	sshrl.u32 s11, $0x1  }
0xc: {  	s9 =	smul.u32 $0x500, s9;
	s30 =	sadd.s32 s10, s2;
	s11 =	ssub.s32 s11, s12  }
0xd: {  	s8 =	sadd.s32 s10, s8;
	s10 =	simm.s32 $0x2800;
	s12 =	sshrl.u32 s30, $0x3  }
0xe: {  	s6 =	sadd.s32 s6, s9;
	s8 =	sshrl.u32 s8, $0x3;
	s9 =	simm.s32 $0x1  }
0xf: {  	s7 =	sadd.s32 s7, s8;
	s8 =	smax.u32 s11, $0x1;
	s11 =	sor.u32 $0x1C01, s31  }
.LBB2_1:
0x10: {  	[tilespmem:s4], [sflag:$0x1] =	stream.linear.gather [hbm4b:s6+s4], $0x2800, $0x38;
	[tilespmem:$0x5800] =	vst v63  }
0x11: {  	_ =	swait.ge [sflag:s9], $0x2800  }
0x12: {  	[sflag:s9] =	ssyncset.done $0x0  }
0x13: {  	[sflag:s9] =	ssyncadd.s32 $0xFFFFD800  }
0x14: {  	[tilespmem:s10], [sflag:$0x1] =	stream.linear.gather [hbm4b:s5+s4], $0x800, $0x38;
	[tilespmem:$0x5800] =	vst v63  }
0x15: {  	_ =	swait.ge [sflag:s9], $0x800  }
0x16: {  	[sflag:s9] =	ssyncset.done $0x0  }
0x17: {  	[sflag:s9] =	ssyncadd.s32 $0xFFFFF800  }
0x18: {  	[spmem:s12], [sflag:s11] =	dma.local [hbm:s1], $0x500  }
0x19: {  	_ =	swait.ge [sflag:s9], $0x500  }
0x1a: {  	[sflag:s9] =	ssyncset.done $0x0  }
0x1b: {  	[sflag:s9] =	ssyncadd.s32 $0xFFFFFB00  }
0x1c: {  	s15 =	simm.s32 $0x0;
	[bflag:$0x0] =	sbarrier.arrive $0xFFFF  }
0x1d: {  	[spmem:s2] =	stream.indirect.scatter.add.f32 [tilespmem:s10], [sflag:$0x1], $0x10, s15, s13, $0xb8;
	[tilespmem:$0x5800] =	vst v63  }
0x1e: {  	_ =	swait.ge [sflag:s9], $0x800  }
0x1f: {  	s15 =	simm.s32 $0x200;
	[sflag:s9] =	ssyncset.done $0x0  }
.LBB2_2:
0x20: {  	s16 =	sshra.s32 s15, $0x2;
	[sflag:s9] =	ssyncadd.s32 $0xFFFFF800;
	p0 =	sne.s32 s15, $0x9E00  }
0x21: {  	[spmem:s2] =	stream.indirect.scatter.add.f32 [tilespmem:s10], [sflag:$0x1], $0x10, s16, s13, $0xb8;
	[tilespmem:$0x5800] =	vst v63  }
.Ltmp0:
0x22: {  	_ = 	snop;
	(pc) =	sbr.rel @p0 .LBB2_2-.Ltmp0, $4  }
0x23: {  	_ = 	snop  }
0x24: {  	s15 =	sadd.s32 $0x200, s15  }
0x25: {  	_ =	swait.ge [sflag:s9], $0x800  }
0x26: {  	[sflag:s9] =	ssyncset.done $0x0  }
0x27: {  	s14 =	sadd.s32 $0x1, s14  }
0x28: {  	[sflag:s9] =	ssyncadd.s32 $0xFFFFF800;
	p0 =	sne.s32 s14, s8  }
.Ltmp1:
0x29: {  	[bflag:$0x0] =	sbarrier.arrive $0xFFFF;
	(pc) =	sbr.rel @p0 .LBB2_1-.Ltmp1, $4  }
0x2a: {  	[hbm:s7], [sflag:s11] =	dma.local [spmem:s12], $0x500  }
0x2b: {  	_ =	swait.ge [sflag:s9], $0x500  }
0x2c: {  	[sflag:s9] =	ssyncset.done $0x0  }
0x2d: {  	[sflag:s9] =	ssyncadd.s32 $0xFFFFFB00  }
0x2e: {  	_ =	sfence.sel $0x180000  }
0x2f: {  	[bflag:$0x0] =	sbarrier.arrive $0xFFFF  }
0x30: {  	p0 =	sne.s32 s3, $0x0;
	_ =	strace $0x90000047  }
0x31: {  	s0 =	sadd.s32 @!p0 $0x100000, s0;
	[bflag:$0x2] =	sbarrier.arrive $0xFFFF  }
0x32: {  	[sflag:s0] =	ssyncadd.tile.s32 @!p0 $0x1;
	_ =	shalt  }
.Lfunc_end2:
_tile_overlayer_lowered:
.L_overlay_start_2:
0x33: {  	(tag) =	ssettag $0x2  }
0x34: {  	s0 =	rddreg [dreg:$0x0];
	s2 =	stileid.u32  }
0x35: {  	s1 =	rddreg [dreg:$0x1];
	p0 =	sne.s32 s2, $0x0  }
0x36: {  	s3 =	rddreg [dreg:$0x2];
	[bflag:$0x3] =	sbarrier.arrive $0xFFFF;
	s2 =	simm.s32 @!p0 $0x1C01  }
0x37: {  	[timem:s3], [sflag:s2] =	dma.local @!p0 [hbm:s0], s1  }
0x38: {  	s0 =	simm.s32 @!p0 $0x1  }
0x39: {  	_ =	swait.ge @!p0 [sflag:s0], s1  }
0x3a: {  	s1 =	ssub.s32 @!p0 $0x0, s1;
	[sflag:s0] =	ssyncset.done @!p0 $0x0  }
0x3b: {  	[sflag:s0] =	ssyncadd.s32 @!p0 s1  }
0x3c: {  	[bflag:$0x3] =	sbarrier.arrive $0xFFFF  }
0x3d: {  	_ =	shalt  }

</sc_bundles>
